<compile_context>
chip_gen: v7x
topology: tpu7x:2x2x1
jax: 0.10.2.dev20260603
libtpu: 0.0.44.dev20260713+nightly
codegen_flags: <defaults>
</compile_context>

<pallas_src>
import functools

import jax
import jax.numpy as jnp
from jax import lax
from jax.experimental import pallas as pl
from jax.experimental.pallas import tpu as pltpu
from jax.experimental.pallas import tpu_sc as plsc

T = 2048
D = 2048
F = 768
E = 8
K = 2

BM = 256
N = K * T
NPAD = N + E * BM
NB = NPAD // BM
NV = N // 16

NC, NS, L = 2, 16, 16
NW = NC * NS

_mesh = plsc.VectorSubcoreMesh(core_axis_name="c", subcore_axis_name="s")


def _worker_id():
    return lax.axis_index("s") * NC + lax.axis_index("c")


def _router_body(x_ref, wg_ref, ids_ref, w_ref, xpack_ref):
    xb = x_ref[...].astype(jnp.bfloat16)
    lo = jax.lax.bitcast_convert_type(xb[:, : D // 2], jnp.uint16)
    hi = jax.lax.bitcast_convert_type(xb[:, D // 2:], jnp.uint16)
    packed = lo.astype(jnp.uint32) | (hi.astype(jnp.uint32) << 16)
    xpack_ref[...] = jax.lax.bitcast_convert_type(packed, jnp.int32)

    logits = jnp.dot(x_ref[...], wg_ref[...], preferred_element_type=jnp.float32)
    m = jnp.max(logits, axis=-1, keepdims=True)
    p = jnp.exp(logits - m)
    p = p / jnp.sum(p, axis=-1, keepdims=True)
    lane = lax.broadcasted_iota(jnp.int32, p.shape, 1)
    p1 = jnp.max(p, axis=-1, keepdims=True)
    i1 = jnp.min(jnp.where(p == p1, lane, E), axis=-1, keepdims=True)
    p2m = jnp.where(lane == i1, -1.0, p)
    p2 = jnp.max(p2m, axis=-1, keepdims=True)
    i2 = jnp.min(jnp.where(p2m == p2, lane, E), axis=-1, keepdims=True)
    s = p1 + p2
    ids_ref[...] = jnp.concatenate([i1, i2], axis=1)
    w_ref[...] = jnp.concatenate([p1 / s, p2 / s], axis=1)


_G_ROWS_W = NPAD // NW
_G_CH = 16
_G_NCH = _G_ROWS_W // _G_CH
_G_H = _G_CH // 2


def _dispatch_body(ids_hbm, w_hbm, xpack_hbm,
                   pos_hbm, ws_hbm, binfo_hbm, xs_hbm,
                   idsv, wv, rankv, posv, tokv, wsv, binfov, tok_sh,
                   idx_v, b0, b1, b2,
                   sl0, sl1, sl2, sh0, sh1, sh2, sw0, sw1, sw2):
    cid = lax.axis_index("c")
    sid = lax.axis_index("s")

    @pl.when(sid == 0)
    def _():
        pltpu.sync_copy(ids_hbm, idsv)
        pltpu.sync_copy(w_hbm, wv)

        def body1(i, cnts):
            sl = pl.ds(i * L, L)
            e = idsv[sl]
            rank = jnp.zeros((L,), jnp.int32)
            new = []
            for b in range(E):
                mask = e == b
                mi = mask.astype(jnp.int32)
                c = plsc.cumsum(mi)
                rank = jnp.where(mask, c - 1 + cnts[b], rank)
                new.append(cnts[b] + jnp.sum(mi))
            rankv[sl] = rank
            return tuple(new)

        cnts = lax.fori_loop(0, NV, body1, (jnp.int32(0),) * E)

        off = [jnp.int32(0)]
        for b in range(E):
            padded = lax.shift_left(
                lax.shift_right_logical(cnts[b] + (BM - 1), 8), 8)
            off.append(off[-1] + padded)
        num_used = lax.shift_right_logical(off[E], 8)

        def bodyz(i, c):
            sl = pl.ds(i * L, L)
            j = lax.iota(jnp.int32, L) + i * L
            tokv[sl] = jnp.bitwise_and(j, T - 1)
            wsv[sl] = jnp.zeros((L,), jnp.float32)
            return c

        lax.fori_loop(0, NPAD // L, bodyz, jnp.int32(0))

        def body2(i, c):
            sl = pl.ds(i * L, L)
            e = idsv[sl]
            rank = rankv[sl]
            pos = jnp.zeros((L,), jnp.int32)
            for b in range(E):
                pos = jnp.where(e == b, rank + off[b], pos)
            j = lax.iota(jnp.int32, L) + i * L
            tok = lax.shift_right_logical(j, 1)
            kmaj = lax.shift_left(jnp.bitwise_and(j, 1), 11) + tok
            plsc.store_scatter(posv, [kmaj], pos)
            plsc.store_scatter(tokv, [pos], tok)
            plsc.store_scatter(wsv, [pos], wv[sl])
            return c

        lax.fori_loop(0, NV, body2, jnp.int32(0))

        for chunk in range(2):
            idx = lax.iota(jnp.int32, L) + chunk * L
            bs = idx * BM
            be = jnp.zeros((L,), jnp.int32)
            for b in range(E - 1):
                be = be + (bs >= off[b + 1]).astype(jnp.int32)
            be = jnp.where(idx == 24, num_used, be)
            binfov[pl.ds(chunk * L, L)] = be

        pltpu.sync_copy(tokv, tok_sh)

        @pl.when(cid == 0)
        def _publish():
            pltpu.sync_copy(posv, pos_hbm)
            pltpu.sync_copy(wsv, ws_hbm)
            pltpu.sync_copy(binfov, binfo_hbm)

    plsc.subcore_barrier()

    base = cid * (NPAD // NC) + sid * _G_ROWS_W
    pltpu.sync_copy(tok_sh.at[pl.ds(base, _G_ROWS_W)], idx_v)
    xb_hbm = xpack_hbm
    bufs = (b0, b1, b2)
    sgl = (sl0, sl1, sl2)
    sgh = (sh0, sh1, sh2)
    sw = (sw0, sw1, sw2)
    glo = {}
    ghi = {}
    writes = {}
    for ci in range(_G_NCH + 2):
        if ci < _G_NCH:
            b = ci % 3
            if ci >= 3:
                writes[ci - 3].wait()
            glo[ci] = pltpu.async_copy(
                xb_hbm.at[idx_v.at[pl.ds(ci * _G_CH, _G_H)]],
                bufs[b].at[pl.ds(0, _G_H)], sgl[b])
            ghi[ci] = pltpu.async_copy(
                xb_hbm.at[idx_v.at[pl.ds(ci * _G_CH + _G_H, _G_H)]],
                bufs[b].at[pl.ds(_G_H, _G_H)], sgh[b])
        j = ci - 2
        if 0 <= j < _G_NCH:
            glo[j].wait()
            ghi[j].wait()
            writes[j] = pltpu.async_copy(
                bufs[j % 3], xs_hbm.at[pl.ds(base + j * _G_CH, _G_CH)],
                sw[j % 3])
    for j in range(_G_NCH - 3, _G_NCH):
        writes[j].wait()


def _ffn_body(binfo_ref, x_ref, ws_ref, wg_ref, wu_ref, wd_ref, out_ref):
    i = pl.program_id(0)

    @pl.when(i < binfo_ref[24])
    def _():
        xp = jax.lax.bitcast_convert_type(x_ref[...], jnp.uint32)
        lo = jax.lax.bitcast_convert_type(
            (xp & 0xFFFF).astype(jnp.uint16), jnp.bfloat16)
        hi = jax.lax.bitcast_convert_type(
            (xp >> 16).astype(jnp.uint16), jnp.bfloat16)
        x = jnp.concatenate([lo, hi], axis=1)
        g = jnp.dot(x, wg_ref[0], preferred_element_type=jnp.float32)
        u = jnp.dot(x, wu_ref[0], preferred_element_type=jnp.float32)
        h = (g * jax.nn.sigmoid(g) * u).astype(jnp.bfloat16)
        y = jnp.dot(h, wd_ref[0], preferred_element_type=jnp.float32)
        out_ref[...] = y * ws_ref[...]


_C_TOK_W = T // NW
_C_CH = 8
_C_NCH = _C_TOK_W // _C_CH


def _combine_body(y_hbm, pos_hbm, out_hbm, p0_v, p1_v,
                  r0a, r0b, r1a, r1b, sa0, sa1, sb0, sb1, sw0, sw1):
    wid = _worker_id()
    t0 = wid * _C_TOK_W
    pltpu.sync_copy(pos_hbm.at[pl.ds(t0, _C_TOK_W)], p0_v)
    pltpu.sync_copy(pos_hbm.at[pl.ds(T + t0, _C_TOK_W)], p1_v)
    r0 = (r0a, r0b)
    r1 = (r1a, r1b)
    s0 = (sa0, sa1)
    s1 = (sb0, sb1)
    sw = (sw0, sw1)
    g0 = {}
    g1 = {}
    writes = {}
    for ci in range(_C_NCH + 1):
        if ci < _C_NCH:
            b = ci % 2
            if ci >= 2:
                writes[ci - 2].wait()
            g0[ci] = pltpu.async_copy(
                y_hbm.at[p0_v.at[pl.ds(ci * _C_CH, _C_CH)]], r0[b], s0[b])
            g1[ci] = pltpu.async_copy(
                y_hbm.at[p1_v.at[pl.ds(ci * _C_CH, _C_CH)]], r1[b], s1[b])
        j = ci - 1
        if 0 <= j < _C_NCH:
            g0[j].wait()
            g1[j].wait()
            b = j % 2
            for r in range(_C_CH):
                def addb(l, cc, r=r, b=b):
                    sl = pl.ds(l * L, L)
                    r0[b][r, sl] = r0[b][r, sl] + r1[b][r, sl]
                    return cc
                lax.fori_loop(0, D // L, addb, jnp.int32(0))
            writes[j] = pltpu.async_copy(
                r0[b], out_hbm.at[pl.ds(t0 + j * _C_CH, _C_CH)], sw[b])
    writes[_C_NCH - 2].wait()
    writes[_C_NCH - 1].wait()


@jax.jit
def _moe(hidden_states, Wg_router, W_gate, W_up, W_down):
    f32 = jnp.float32
    i32 = jnp.int32

    ids_tk, w_tk, x_pack = pl.pallas_call(
        _router_body,
        out_shape=(jax.ShapeDtypeStruct((T, K), i32),
                   jax.ShapeDtypeStruct((T, K), f32),
                   jax.ShapeDtypeStruct((T, D // 2), i32)),
    )(hidden_states, Wg_router)
    ids_flat = ids_tk.reshape(N)
    w_flat = w_tk.reshape(N)

    dispatch = functools.partial(
        pl.kernel,
        out_type=(jax.ShapeDtypeStruct((N,), i32),
                  jax.ShapeDtypeStruct((NPAD,), f32),
                  jax.ShapeDtypeStruct((2 * L,), i32),
                  jax.ShapeDtypeStruct((NPAD, D // 2), i32)),
        mesh=_mesh,
        scratch_types=[
            pltpu.VMEM((N,), i32),
            pltpu.VMEM((N,), f32),
            pltpu.VMEM((N,), i32),
            pltpu.VMEM((N,), i32),
            pltpu.VMEM((NPAD,), i32),
            pltpu.VMEM((NPAD,), f32),
            pltpu.VMEM((2 * L,), i32),
            pltpu.VMEM_SHARED((NPAD,), i32),
            pltpu.VMEM((_G_ROWS_W,), i32),
            pltpu.VMEM((_G_CH, D // 2), i32),
            pltpu.VMEM((_G_CH, D // 2), i32),
            pltpu.VMEM((_G_CH, D // 2), i32),
            pltpu.SemaphoreType.DMA,
            pltpu.SemaphoreType.DMA,
            pltpu.SemaphoreType.DMA,
            pltpu.SemaphoreType.DMA,
            pltpu.SemaphoreType.DMA,
            pltpu.SemaphoreType.DMA,
            pltpu.SemaphoreType.DMA,
            pltpu.SemaphoreType.DMA,
            pltpu.SemaphoreType.DMA,
        ],
        compiler_params=pltpu.CompilerParams(needs_layout_passes=False),
    )(_dispatch_body)
    pos, w_sorted, block_info, x_sorted = dispatch(ids_flat, w_flat, x_pack)

    y = pl.pallas_call(
        _ffn_body,
        grid_spec=pltpu.PrefetchScalarGridSpec(
            num_scalar_prefetch=1,
            grid=(NB,),
            in_specs=[
                pl.BlockSpec((BM, D // 2), lambda i, s: (i, 0)),
                pl.BlockSpec((BM, 1), lambda i, s: (i, 0)),
                pl.BlockSpec((1, D, F), lambda i, s: (s[i], 0, 0)),
                pl.BlockSpec((1, D, F), lambda i, s: (s[i], 0, 0)),
                pl.BlockSpec((1, F, D), lambda i, s: (s[i], 0, 0)),
            ],
            out_specs=pl.BlockSpec((BM, D), lambda i, s: (i, 0)),
        ),
        out_shape=jax.ShapeDtypeStruct((NPAD, D), f32),
        compiler_params=pltpu.CompilerParams(
            dimension_semantics=("arbitrary",),
        ),
    )(block_info, x_sorted, w_sorted.reshape(NPAD, 1),
      W_gate.astype(jnp.bfloat16), W_up.astype(jnp.bfloat16),
      W_down.astype(jnp.bfloat16))

    combine = functools.partial(
        pl.kernel,
        out_type=jax.ShapeDtypeStruct((T, D), f32),
        mesh=_mesh,
        scratch_types=[
            pltpu.VMEM((_C_TOK_W,), i32),
            pltpu.VMEM((_C_TOK_W,), i32),
            pltpu.VMEM((_C_CH, D), f32),
            pltpu.VMEM((_C_CH, D), f32),
            pltpu.VMEM((_C_CH, D), f32),
            pltpu.VMEM((_C_CH, D), f32),
            pltpu.SemaphoreType.DMA,
            pltpu.SemaphoreType.DMA,
            pltpu.SemaphoreType.DMA,
            pltpu.SemaphoreType.DMA,
            pltpu.SemaphoreType.DMA,
            pltpu.SemaphoreType.DMA,
        ],
    )(_combine_body)
    return combine(y, pos)


def kernel(hidden_states, Wg_router, W_gate, W_up, W_down):
    return _moe(hidden_states, Wg_router, W_gate, W_up, W_down)

# --- scband reference (transcript-rebuilt; emitter-appended) ---
"""Pipeline reference for scband-qwen3-moe-sparse-moe-block-61607010894656 (READ-ONLY COPY).

The authoritative reference and input builder live on the scoring server;
editing this copy changes nothing except your own understanding.
"""

import jax, jax.numpy as jnp
import numpy as np

T = 2048      # tokens = batch(1) * seq_len(2048)
D = 2048      # hidden_size
F = 768       # moe_intermediate_size
E = 8         # num_experts
K = 2         # num_experts_per_tok


def setup_inputs(seed: int = 0) -> dict:
    key = jax.random.key(seed)
    k0, k1, k2, k3, k4 = jax.random.split(key, 5)
    hidden_states = jax.random.normal(k0, (T, D), dtype=jnp.float32)
    # router gate: ReplicatedLinear(hidden_size, num_experts, bias=False)
    Wg_router = jax.random.normal(k1, (D, E), dtype=jnp.float32) * 0.02
    # fused experts: per-expert gate_proj / up_proj / down_proj (SwiGLU FFN)
    W_gate = jax.random.normal(k2, (E, D, F), dtype=jnp.float32) * 0.02
    W_up = jax.random.normal(k3, (E, D, F), dtype=jnp.float32) * 0.02
    W_down = jax.random.normal(k4, (E, F, D), dtype=jnp.float32) * 0.02
    return {
        "hidden_states": hidden_states,
        "Wg_router": Wg_router,
        "W_gate": W_gate,
        "W_up": W_up,
        "W_down": W_down,
    }


def reference(hidden_states, Wg_router, W_gate, W_up, W_down):
    # 1) router logits
    router_logits = hidden_states @ Wg_router                      # [T, E]
    # 2) select_experts: softmax scoring, top-k, renormalize=True
    probs = jax.nn.softmax(router_logits.astype(jnp.float32), axis=-1)
    topk_w, topk_ids = jax.lax.top_k(probs, K)                     # [T, K]
    topk_w = topk_w / jnp.sum(topk_w, axis=-1, keepdims=True)      # renormalize
    # dense routing-weight matrix [T, E] (zero for unselected experts)
    routing = jnp.zeros((hidden_states.shape[0], E), dtype=hidden_states.dtype)
    routing = routing.at[jnp.arange(hidden_states.shape[0])[:, None], topk_ids].add(
        topk_w.astype(hidden_states.dtype))
    # 3) FusedMoE: SwiGLU expert FFNs, weighted sum over selected experts
    g = jnp.einsum('td,edf->tef', hidden_states, W_gate)           # [T, E, F]
    u = jnp.einsum('td,edf->tef', hidden_states, W_up)             # [T, E, F]
    h = jax.nn.silu(g) * u                                         # [T, E, F]
    y = jnp.einsum('tef,efd->ted', h, W_down)                      # [T, E, D]
    final_hidden_states = jnp.einsum('te,ted->td', routing, y)     # [T, D]
    return final_hidden_states

if __name__ == "__main__":
    import jax
    _d = setup_inputs()
    print(jax.jit(kernel)(*tuple(_d.values())))

</pallas_src>

<mosaic_0001>
#map = affine_map<(d0, d1) -> (0)>
#map1 = affine_map<(d0, d1) -> (0, 0)>
module attributes {stable_mosaic.version = 14 : i64} {
  func.func @_dispatch_body(%arg0: i32, %arg1: i32, %arg2: memref<4096xi32, #tpu.memory_space<hbm>>, %arg3: memref<4096xf32, #tpu.memory_space<hbm>>, %arg4: memref<2048x1024xi32, #tpu.memory_space<hbm>>, %arg5: memref<4096xi32, #tpu.memory_space<hbm>>, %arg6: memref<6144xf32, #tpu.memory_space<hbm>>, %arg7: memref<32xi32, #tpu.memory_space<hbm>>, %arg8: memref<6144x1024xi32, #tpu.memory_space<hbm>>, %arg9: memref<4096xi32, #tpu.memory_space<vmem>>, %arg10: memref<4096xf32, #tpu.memory_space<vmem>>, %arg11: memref<4096xi32, #tpu.memory_space<vmem>>, %arg12: memref<4096xi32, #tpu.memory_space<vmem>>, %arg13: memref<6144xi32, #tpu.memory_space<vmem>>, %arg14: memref<6144xf32, #tpu.memory_space<vmem>>, %arg15: memref<32xi32, #tpu.memory_space<vmem>>, %arg16: memref<6144xi32, #tpu.memory_space<vmem_shared>>, %arg17: memref<192xi32, #tpu.memory_space<vmem>>, %arg18: memref<16x1024xi32, #tpu.memory_space<vmem>>, %arg19: memref<16x1024xi32, #tpu.memory_space<vmem>>, %arg20: memref<16x1024xi32, #tpu.memory_space<vmem>>, %arg21: memref<!tpu.dma_semaphore, #tpu.memory_space<semaphore_mem>>, %arg22: memref<!tpu.dma_semaphore, #tpu.memory_space<semaphore_mem>>, %arg23: memref<!tpu.dma_semaphore, #tpu.memory_space<semaphore_mem>>, %arg24: memref<!tpu.dma_semaphore, #tpu.memory_space<semaphore_mem>>, %arg25: memref<!tpu.dma_semaphore, #tpu.memory_space<semaphore_mem>>, %arg26: memref<!tpu.dma_semaphore, #tpu.memory_space<semaphore_mem>>, %arg27: memref<!tpu.dma_semaphore, #tpu.memory_space<semaphore_mem>>, %arg28: memref<!tpu.dma_semaphore, #tpu.memory_space<semaphore_mem>>, %arg29: memref<!tpu.dma_semaphore, #tpu.memory_space<semaphore_mem>>) attributes {dimension_semantics = [#tpu.dimension_semantics<core_parallel>, #tpu.dimension_semantics<subcore_parallel>], iteration_bounds = array<i64: 2, 16>, scalar_prefetch = 0 : i64, scratch_operands = 21 : i64, tpu.core_type = #tpu.core_type<sc_vector_subcore>, window_params = [{transform_indices = #map}, {transform_indices = #map}, {transform_indices = #map1}, {transform_indices = #map}, {transform_indices = #map}, {transform_indices = #map}, {transform_indices = #map1}]} {
    %eq3A = arith.constant 0 : i32
    %eq3A_0 = arith.cmpi eq, %arg1, %eq3A : i32
    %convert_element_type3A = arith.extui %eq3A_0 : i1 to i32
    %cond3A = arith.constant 0 : i32
    %cond3A_1 = arith.cmpi ne, %convert_element_type3A, %cond3A : i32
    scf.if %cond3A_1 {
      "tpu.region"() ({
        %run_scoped3A = tpu.sem_alloc : memref<!tpu.dma_semaphore, #tpu.memory_space<semaphore_mem>>
        tpu.enqueue_dma source(%arg2 : memref<4096xi32, #tpu.memory_space<hbm>>) target(%arg9 : memref<4096xi32, #tpu.memory_space<vmem>>) target_semaphore(%run_scoped3A : memref<!tpu.dma_semaphore, #tpu.memory_space<semaphore_mem>>)
        tpu.wait_dma2 semaphore(%run_scoped3A : memref<!tpu.dma_semaphore, #tpu.memory_space<semaphore_mem>>) src(%arg2 : memref<4096xi32, #tpu.memory_space<hbm>>) dst(%arg9 : memref<4096xi32, #tpu.memory_space<vmem>>)
        tpu.yield
      }) : () -> ()
      "tpu.region"() ({
        %run_scoped3A = tpu.sem_alloc : memref<!tpu.dma_semaphore, #tpu.memory_space<semaphore_mem>>
        tpu.enqueue_dma source(%arg3 : memref<4096xf32, #tpu.memory_space<hbm>>) target(%arg10 : memref<4096xf32, #tpu.memory_space<vmem>>) target_semaphore(%run_scoped3A : memref<!tpu.dma_semaphore, #tpu.memory_space<semaphore_mem>>)
        tpu.wait_dma2 semaphore(%run_scoped3A : memref<!tpu.dma_semaphore, #tpu.memory_space<semaphore_mem>>) src(%arg3 : memref<4096xf32, #tpu.memory_space<hbm>>) dst(%arg10 : memref<4096xf32, #tpu.memory_space<vmem>>)
        tpu.yield
      }) : () -> ()
      %scan3A = arith.constant 0 : i32
      %scan3A_507 = arith.constant 0 : i32
      %scan3A_508 = arith.constant 0 : i32
      %scan3A_509 = arith.constant 0 : i32
      %scan3A_510 = arith.constant 0 : i32
      %scan3A_511 = arith.constant 0 : i32
      %scan3A_512 = arith.constant 0 : i32
      %scan3A_513 = arith.constant 0 : i32
      %scan3A_514 = arith.constant 0 : i32
      %scan3A_515 = arith.constant 256 : i32
      %scan3A_516 = arith.addi %scan3A_514, %scan3A_515 : i32
      %scan3A_517 = arith.constant 1 : i32
      %scan3A_518:8 = scf.for %scan3A_678 = %scan3A_514 to %scan3A_516 step %scan3A_517 iter_args(%scan3A_679 = %scan3A, %scan3A_680 = %scan3A_507, %scan3A_681 = %scan3A_508, %scan3A_682 = %scan3A_509, %scan3A_683 = %scan3A_510, %scan3A_684 = %scan3A_511, %scan3A_685 = %scan3A_512, %scan3A_686 = %scan3A_513) -> (i32, i32, i32, i32, i32, i32, i32, i32)  : i32 {
        %mul3A_687 = arith.constant 16 : i32
        %mul3A_688 = arith.muli %scan3A_678, %mul3A_687 : i32
        %get3A = arith.index_cast %mul3A_688 : i32 to index
        %get3A_689 = tpu.vector_load %arg9[%get3A] {strides = array<i32>} : memref<4096xi32, #tpu.memory_space<vmem>>, vector<16xi32>,
        %broadcast_in_dim3A_690 = arith.constant 0 : i32
        %broadcast_in_dim3A_691 = vector.broadcast %broadcast_in_dim3A_690 : i32 to vector<16xi32>
        %eq3A_692 = arith.constant 0 : i32
        %eq3A_693 = vector.broadcast %eq3A_692 : i32 to vector<16xi32>
        %eq3A_694 = arith.cmpi eq, %get3A_689, %eq3A_693 : vector<16xi32>
        %convert_element_type3A_695 = arith.extui %eq3A_694 : vector<16xi1> to vector<16xi32>
        %broadcast_in_dim3A_696 = arith.constant true
        %broadcast_in_dim3A_697 = vector.broadcast %broadcast_in_dim3A_696 : i1 to vector<16xi1>
        %masked_cumsum3A = tpu.scan <sum>, %convert_element_type3A_695 masked %broadcast_in_dim3A_697 : vector<16xi32>, vector<16xi1> -> vector<16xi32>
        %sub3A = arith.constant 1 : i32
        %sub3A_698 = vector.broadcast %sub3A : i32 to vector<16xi32>
        %sub3A_699 = arith.subi %masked_cumsum3A, %sub3A_698 : vector<16xi32>
        %add3A_700 = vector.broadcast %scan3A_679 : i32 to vector<16xi32>
        %add3A_701 = arith.addi %sub3A_699, %add3A_700 : vector<16xi32>
        %select_n3A_702 = arith.select %eq3A_694, %add3A_701, %broadcast_in_dim3A_691 : vector<16xi1>, vector<16xi32>
        %reduce_sum3A = arith.constant true
        %reduce_sum3A_703 = vector.broadcast %reduce_sum3A : i1 to vector<16xi1>
        %reduce_sum3A_704 = tpu.scan <sum>, %convert_element_type3A_695 masked %reduce_sum3A_703 : vector<16xi32>, vector<16xi1> -> vector<16xi32>
        %reduce_sum3A_705 = vector.extract %reduce_sum3A_704[15] : i32 from vector<16xi32>
        %add3A_706 = arith.addi %scan3A_679, %reduce_sum3A_705 : i32
        %eq3A_707 = arith.constant 1 : i32
        %eq3A_708 = vector.broadcast %eq3A_707 : i32 to vector<16xi32>
        %eq3A_709 = arith.cmpi eq, %get3A_689, %eq3A_708 : vector<16xi32>
        %convert_element_type3A_710 = arith.extui %eq3A_709 : vector<16xi1> to vector<16xi32>
        %broadcast_in_dim3A_711 = arith.constant true
        %broadcast_in_dim3A_712 = vector.broadcast %broadcast_in_dim3A_711 : i1 to vector<16xi1>
        %masked_cumsum3A_713 = tpu.scan <sum>, %convert_element_type3A_710 masked %broadcast_in_dim3A_712 : vector<16xi32>, vector<16xi1> -> vector<16xi32>
        %sub3A_714 = arith.constant 1 : i32
        %sub3A_715 = vector.broadcast %sub3A_714 : i32 to vector<16xi32>
        %sub3A_716 = arith.subi %masked_cumsum3A_713, %sub3A_715 : vector<16xi32>
        %add3A_717 = vector.broadcast %scan3A_680 : i32 to vector<16xi32>
        %add3A_718 = arith.addi %sub3A_716, %add3A_717 : vector<16xi32>
        %select_n3A_719 = arith.select %eq3A_709, %add3A_718, %select_n3A_702 : vector<16xi1>, vector<16xi32>
        %reduce_sum3A_720 = arith.constant true
        %reduce_sum3A_721 = vector.broadcast %reduce_sum3A_720 : i1 to vector<16xi1>
        %reduce_sum3A_722 = tpu.scan <sum>, %convert_element_type3A_710 masked %reduce_sum3A_721 : vector<16xi32>, vector<16xi1> -> vector<16xi32>
        %reduce_sum3A_723 = vector.extract %reduce_sum3A_722[15] : i32 from vector<16xi32>
        %add3A_724 = arith.addi %scan3A_680, %reduce_sum3A_723 : i32
        %eq3A_725 = arith.constant 2 : i32
        %eq3A_726 = vector.broadcast %eq3A_725 : i32 to vector<16xi32>
        %eq3A_727 = arith.cmpi eq, %get3A_689, %eq3A_726 : vector<16xi32>
        %convert_element_type3A_728 = arith.extui %eq3A_727 : vector<16xi1> to vector<16xi32>
        %broadcast_in_dim3A_729 = arith.constant true
        %broadcast_in_dim3A_730 = vector.broadcast %broadcast_in_dim3A_729 : i1 to vector<16xi1>
        %masked_cumsum3A_731 = tpu.scan <sum>, %convert_element_type3A_728 masked %broadcast_in_dim3A_730 : vector<16xi32>, vector<16xi1> -> vector<16xi32>
        %sub3A_732 = arith.constant 1 : i32
        %sub3A_733 = vector.broadcast %sub3A_732 : i32 to vector<16xi32>
        %sub3A_734 = arith.subi %masked_cumsum3A_731, %sub3A_733 : vector<16xi32>
        %add3A_735 = vector.broadcast %scan3A_681 : i32 to vector<16xi32>
        %add3A_736 = arith.addi %sub3A_734, %add3A_735 : vector<16xi32>
        %select_n3A_737 = arith.select %eq3A_727, %add3A_736, %select_n3A_719 : vector<16xi1>, vector<16xi32>
        %reduce_sum3A_738 = arith.constant true
        %reduce_sum3A_739 = vector.broadcast %reduce_sum3A_738 : i1 to vector<16xi1>
        %reduce_sum3A_740 = tpu.scan <sum>, %convert_element_type3A_728 masked %reduce_sum3A_739 : vector<16xi32>, vector<16xi1> -> vector<16xi32>
        %reduce_sum3A_741 = vector.extract %reduce_sum3A_740[15] : i32 from vector<16xi32>
        %add3A_742 = arith.addi %scan3A_681, %reduce_sum3A_741 : i32
        %eq3A_743 = arith.constant 3 : i32
        %eq3A_744 = vector.broadcast %eq3A_743 : i32 to vector<16xi32>
        %eq3A_745 = arith.cmpi eq, %get3A_689, %eq3A_744 : vector<16xi32>
        %convert_element_type3A_746 = arith.extui %eq3A_745 : vector<16xi1> to vector<16xi32>
        %broadcast_in_dim3A_747 = arith.constant true
        %broadcast_in_dim3A_748 = vector.broadcast %broadcast_in_dim3A_747 : i1 to vector<16xi1>
        %masked_cumsum3A_749 = tpu.scan <sum>, %convert_element_type3A_746 masked %broadcast_in_dim3A_748 : vector<16xi32>, vector<16xi1> -> vector<16xi32>
        %sub3A_750 = arith.constant 1 : i32
        %sub3A_751 = vector.broadcast %sub3A_750 : i32 to vector<16xi32>
        %sub3A_752 = arith.subi %masked_cumsum3A_749, %sub3A_751 : vector<16xi32>
        %add3A_753 = vector.broadcast %scan3A_682 : i32 to vector<16xi32>
        %add3A_754 = arith.addi %sub3A_752, %add3A_753 : vector<16xi32>
        %select_n3A_755 = arith.select %eq3A_745, %add3A_754, %select_n3A_737 : vector<16xi1>, vector<16xi32>
        %reduce_sum3A_756 = arith.constant true
        %reduce_sum3A_757 = vector.broadcast %reduce_sum3A_756 : i1 to vector<16xi1>
        %reduce_sum3A_758 = tpu.scan <sum>, %convert_element_type3A_746 masked %reduce_sum3A_757 : vector<16xi32>, vector<16xi1> -> vector<16xi32>
        %reduce_sum3A_759 = vector.extract %reduce_sum3A_758[15] : i32 from vector<16xi32>
        %add3A_760 = arith.addi %scan3A_682, %reduce_sum3A_759 : i32
        %eq3A_761 = arith.constant 4 : i32
        %eq3A_762 = vector.broadcast %eq3A_761 : i32 to vector<16xi32>
        %eq3A_763 = arith.cmpi eq, %get3A_689, %eq3A_762 : vector<16xi32>
        %convert_element_type3A_764 = arith.extui %eq3A_763 : vector<16xi1> to vector<16xi32>
        %broadcast_in_dim3A_765 = arith.constant true
        %broadcast_in_dim3A_766 = vector.broadcast %broadcast_in_dim3A_765 : i1 to vector<16xi1>
        %masked_cumsum3A_767 = tpu.scan <sum>, %convert_element_type3A_764 masked %broadcast_in_dim3A_766 : vector<16xi32>, vector<16xi1> -> vector<16xi32>
        %sub3A_768 = arith.constant 1 : i32
        %sub3A_769 = vector.broadcast %sub3A_768 : i32 to vector<16xi32>
        %sub3A_770 = arith.subi %masked_cumsum3A_767, %sub3A_769 : vector<16xi32>
        %add3A_771 = vector.broadcast %scan3A_683 : i32 to vector<16xi32>
        %add3A_772 = arith.addi %sub3A_770, %add3A_771 : vector<16xi32>
        %select_n3A_773 = arith.select %eq3A_763, %add3A_772, %select_n3A_755 : vector<16xi1>, vector<16xi32>
        %reduce_sum3A_774 = arith.constant true
        %reduce_sum3A_775 = vector.broadcast %reduce_sum3A_774 : i1 to vector<16xi1>
        %reduce_sum3A_776 = tpu.scan <sum>, %convert_element_type3A_764 masked %reduce_sum3A_775 : vector<16xi32>, vector<16xi1> -> vector<16xi32>
        %reduce_sum3A_777 = vector.extract %reduce_sum3A_776[15] : i32 from vector<16xi32>
        %add3A_778 = arith.addi %scan3A_683, %reduce_sum3A_777 : i32
        %eq3A_779 = arith.constant 5 : i32
        %eq3A_780 = vector.broadcast %eq3A_779 : i32 to vector<16xi32>
        %eq3A_781 = arith.cmpi eq, %get3A_689, %eq3A_780 : vector<16xi32>
        %convert_element_type3A_782 = arith.extui %eq3A_781 : vector<16xi1> to vector<16xi32>
        %broadcast_in_dim3A_783 = arith.constant true
        %broadcast_in_dim3A_784 = vector.broadcast %broadcast_in_dim3A_783 : i1 to vector<16xi1>
        %masked_cumsum3A_785 = tpu.scan <sum>, %convert_element_type3A_782 masked %broadcast_in_dim3A_784 : vector<16xi32>, vector<16xi1> -> vector<16xi32>
        %sub3A_786 = arith.constant 1 : i32
        %sub3A_787 = vector.broadcast %sub3A_786 : i32 to vector<16xi32>
        %sub3A_788 = arith.subi %masked_cumsum3A_785, %sub3A_787 : vector<16xi32>
        %add3A_789 = vector.broadcast %scan3A_684 : i32 to vector<16xi32>
        %add3A_790 = arith.addi %sub3A_788, %add3A_789 : vector<16xi32>
        %select_n3A_791 = arith.select %eq3A_781, %add3A_790, %select_n3A_773 : vector<16xi1>, vector<16xi32>
        %reduce_sum3A_792 = arith.constant true
        %reduce_sum3A_793 = vector.broadcast %reduce_sum3A_792 : i1 to vector<16xi1>
        %reduce_sum3A_794 = tpu.scan <sum>, %convert_element_type3A_782 masked %reduce_sum3A_793 : vector<16xi32>, vector<16xi1> -> vector<16xi32>
        %reduce_sum3A_795 = vector.extract %reduce_sum3A_794[15] : i32 from vector<16xi32>
        %add3A_796 = arith.addi %scan3A_684, %reduce_sum3A_795 : i32
        %eq3A_797 = arith.constant 6 : i32
        %eq3A_798 = vector.broadcast %eq3A_797 : i32 to vector<16xi32>
        %eq3A_799 = arith.cmpi eq, %get3A_689, %eq3A_798 : vector<16xi32>
        %convert_element_type3A_800 = arith.extui %eq3A_799 : vector<16xi1> to vector<16xi32>
        %broadcast_in_dim3A_801 = arith.constant true
        %broadcast_in_dim3A_802 = vector.broadcast %broadcast_in_dim3A_801 : i1 to vector<16xi1>
        %masked_cumsum3A_803 = tpu.scan <sum>, %convert_element_type3A_800 masked %broadcast_in_dim3A_802 : vector<16xi32>, vector<16xi1> -> vector<16xi32>
        %sub3A_804 = arith.constant 1 : i32
        %sub3A_805 = vector.broadcast %sub3A_804 : i32 to vector<16xi32>
        %sub3A_806 = arith.subi %masked_cumsum3A_803, %sub3A_805 : vector<16xi32>
        %add3A_807 = vector.broadcast %scan3A_685 : i32 to vector<16xi32>
        %add3A_808 = arith.addi %sub3A_806, %add3A_807 : vector<16xi32>
        %select_n3A_809 = arith.select %eq3A_799, %add3A_808, %select_n3A_791 : vector<16xi1>, vector<16xi32>
        %reduce_sum3A_810 = arith.constant true
        %reduce_sum3A_811 = vector.broadcast %reduce_sum3A_810 : i1 to vector<16xi1>
        %reduce_sum3A_812 = tpu.scan <sum>, %convert_element_type3A_800 masked %reduce_sum3A_811 : vector<16xi32>, vector<16xi1> -> vector<16xi32>
        %reduce_sum3A_813 = vector.extract %reduce_sum3A_812[15] : i32 from vector<16xi32>
        %add3A_814 = arith.addi %scan3A_685, %reduce_sum3A_813 : i32
        %eq3A_815 = arith.constant 7 : i32
        %eq3A_816 = vector.broadcast %eq3A_815 : i32 to vector<16xi32>
        %eq3A_817 = arith.cmpi eq, %get3A_689, %eq3A_816 : vector<16xi32>
        %convert_element_type3A_818 = arith.extui %eq3A_817 : vector<16xi1> to vector<16xi32>
        %broadcast_in_dim3A_819 = arith.constant true
        %broadcast_in_dim3A_820 = vector.broadcast %broadcast_in_dim3A_819 : i1 to vector<16xi1>
        %masked_cumsum3A_821 = tpu.scan <sum>, %convert_element_type3A_818 masked %broadcast_in_dim3A_820 : vector<16xi32>, vector<16xi1> -> vector<16xi32>
        %sub3A_822 = arith.constant 1 : i32
        %sub3A_823 = vector.broadcast %sub3A_822 : i32 to vector<16xi32>
        %sub3A_824 = arith.subi %masked_cumsum3A_821, %sub3A_823 : vector<16xi32>
        %add3A_825 = vector.broadcast %scan3A_686 : i32 to vector<16xi32>
        %add3A_826 = arith.addi %sub3A_824, %add3A_825 : vector<16xi32>
        %select_n3A_827 = arith.select %eq3A_817, %add3A_826, %select_n3A_809 : vector<16xi1>, vector<16xi32>
        %reduce_sum3A_828 = arith.constant true
        %reduce_sum3A_829 = vector.broadcast %reduce_sum3A_828 : i1 to vector<16xi1>
        %reduce_sum3A_830 = tpu.scan <sum>, %convert_element_type3A_818 masked %reduce_sum3A_829 : vector<16xi32>, vector<16xi1> -> vector<16xi32>
        %reduce_sum3A_831 = vector.extract %reduce_sum3A_830[15] : i32 from vector<16xi32>
        %add3A_832 = arith.addi %scan3A_686, %reduce_sum3A_831 : i32
        %swap3A_833 = arith.index_cast %mul3A_688 : i32 to index
        %swap3A_834 = tpu.vector_load %arg11[%swap3A_833] {strides = array<i32>} : memref<4096xi32, #tpu.memory_space<vmem>>, vector<16xi32>,
        tpu.vector_store %arg11[%swap3A_833], %select_n3A_827 {strides = array<i32>} : memref<4096xi32, #tpu.memory_space<vmem>>, vector<16xi32>,
        scf.yield %add3A_706, %add3A_724, %add3A_742, %add3A_760, %add3A_778, %add3A_796, %add3A_814, %add3A_832 : i32, i32, i32, i32, i32, i32, i32, i32
      }
      %scan3A_519 = arith.constant 256 : i32
      %add3A_520 = arith.constant 255 : i32
      %add3A_521 = arith.addi %scan3A_518#0, %add3A_520 : i32
      %shift_right_logical3A = arith.constant 8 : i32
      %shift_right_logical3A_522 = arith.shrui %add3A_521, %shift_right_logical3A : i32
      %shift_left3A = arith.constant 8 : i32
      %shift_left3A_523 = arith.shli %shift_right_logical3A_522, %shift_left3A : i32
      %add3A_524 = arith.constant 0 : i32
      %add3A_525 = arith.addi %add3A_524, %shift_left3A_523 : i32
      %add3A_526 = arith.constant 255 : i32
      %add3A_527 = arith.addi %scan3A_518#1, %add3A_526 : i32
      %shift_right_logical3A_528 = arith.constant 8 : i32
      %shift_right_logical3A_529 = arith.shrui %add3A_527, %shift_right_logical3A_528 : i32
      %shift_left3A_530 = arith.constant 8 : i32
      %shift_left3A_531 = arith.shli %shift_right_logical3A_529, %shift_left3A_530 : i32
      %add3A_532 = arith.addi %add3A_525, %shift_left3A_531 : i32
      %add3A_533 = arith.constant 255 : i32
      %add3A_534 = arith.addi %scan3A_518#2, %add3A_533 : i32
      %shift_right_logical3A_535 = arith.constant 8 : i32
      %shift_right_logical3A_536 = arith.shrui %add3A_534, %shift_right_logical3A_535 : i32
      %shift_left3A_537 = arith.constant 8 : i32
      %shift_left3A_538 = arith.shli %shift_right_logical3A_536, %shift_left3A_537 : i32
      %add3A_539 = arith.addi %add3A_532, %shift_left3A_538 : i32
      %add3A_540 = arith.constant 255 : i32
      %add3A_541 = arith.addi %scan3A_518#3, %add3A_540 : i32
      %shift_right_logical3A_542 = arith.constant 8 : i32
      %shift_right_logical3A_543 = arith.shrui %add3A_541, %shift_right_logical3A_542 : i32
      %shift_left3A_544 = arith.constant 8 : i32
      %shift_left3A_545 = arith.shli %shift_right_logical3A_543, %shift_left3A_544 : i32
      %add3A_546 = arith.addi %add3A_539, %shift_left3A_545 : i32
      %add3A_547 = arith.constant 255 : i32
      %add3A_548 = arith.addi %scan3A_518#4, %add3A_547 : i32
      %shift_right_logical3A_549 = arith.constant 8 : i32
      %shift_right_logical3A_550 = arith.shrui %add3A_548, %shift_right_logical3A_549 : i32
      %shift_left3A_551 = arith.constant 8 : i32
      %shift_left3A_552 = arith.shli %shift_right_logical3A_550, %shift_left3A_551 : i32
      %add3A_553 = arith.addi %add3A_546, %shift_left3A_552 : i32
      %add3A_554 = arith.constant 255 : i32
      %add3A_555 = arith.addi %scan3A_518#5, %add3A_554 : i32
      %shift_right_logical3A_556 = arith.constant 8 : i32
      %shift_right_logical3A_557 = arith.shrui %add3A_555, %shift_right_logical3A_556 : i32
      %shift_left3A_558 = arith.constant 8 : i32
      %shift_left3A_559 = arith.shli %shift_right_logical3A_557, %shift_left3A_558 : i32
      %add3A_560 = arith.addi %add3A_553, %shift_left3A_559 : i32
      %add3A_561 = arith.constant 255 : i32
      %add3A_562 = arith.addi %scan3A_518#6, %add3A_561 : i32
      %shift_right_logical3A_563 = arith.constant 8 : i32
      %shift_right_logical3A_564 = arith.shrui %add3A_562, %shift_right_logical3A_563 : i32
      %shift_left3A_565 = arith.constant 8 : i32
      %shift_left3A_566 = arith.shli %shift_right_logical3A_564, %shift_left3A_565 : i32
      %add3A_567 = arith.addi %add3A_560, %shift_left3A_566 : i32
      %add3A_568 = arith.constant 255 : i32
      %add3A_569 = arith.addi %scan3A_518#7, %add3A_568 : i32
      %shift_right_logical3A_570 = arith.constant 8 : i32
      %shift_right_logical3A_571 = arith.shrui %add3A_569, %shift_right_logical3A_570 : i32
      %shift_left3A_572 = arith.constant 8 : i32
      %shift_left3A_573 = arith.shli %shift_right_logical3A_571, %shift_left3A_572 : i32
      %add3A_574 = arith.addi %add3A_567, %shift_left3A_573 : i32
      %shift_right_logical3A_575 = arith.constant 8 : i32
      %shift_right_logical3A_576 = arith.shrui %add3A_574, %shift_right_logical3A_575 : i32
      %scan3A_577 = arith.constant 0 : i32
      %scan3A_578 = arith.constant 0 : i32
      %scan3A_579 = arith.constant 384 : i32
      %scan3A_580 = arith.addi %scan3A_578, %scan3A_579 : i32
      %scan3A_581 = arith.constant 1 : i32
      scf.for %scan3A_678 = %scan3A_578 to %scan3A_580 step %scan3A_581  : i32 {
        %mul3A_679 = arith.constant 16 : i32
        %mul3A_680 = arith.muli %scan3A_678, %mul3A_679 : i32
        %iota3A_681 = tpu.iota {dimensions = array<i32: 0>} : vector<16xi32>
        %mul3A_682 = arith.constant 16 : i32
        %mul3A_683 = arith.muli %scan3A_678, %mul3A_682 : i32
        %add3A_684 = vector.broadcast %mul3A_683 : i32 to vector<16xi32>
        %add3A_685 = arith.addi %iota3A_681, %add3A_684 : vector<16xi32>
        %and3A = arith.constant 2047 : i32
        %and3A_686 = vector.broadcast %and3A : i32 to vector<16xi32>
        %and3A_687 = arith.andi %add3A_685, %and3A_686 : vector<16xi32>
        %swap3A_688 = arith.index_cast %mul3A_680 : i32 to index
        %swap3A_689 = tpu.vector_load %arg13[%swap3A_688] {strides = array<i32>} : memref<6144xi32, #tpu.memory_space<vmem>>, vector<16xi32>,
        tpu.vector_store %arg13[%swap3A_688], %and3A_687 {strides = array<i32>} : memref<6144xi32, #tpu.memory_space<vmem>>, vector<16xi32>,
        %broadcast_in_dim3A_690 = arith.constant 0.000000e+00 : f32
        %broadcast_in_dim3A_691 = vector.broadcast %broadcast_in_dim3A_690 : f32 to vector<16xf32>
        %swap3A_692 = arith.index_cast %mul3A_680 : i32 to index
        %swap3A_693 = tpu.vector_load %arg14[%swap3A_692] {strides = array<i32>} : memref<6144xf32, #tpu.memory_space<vmem>>, vector<16xf32>,
        tpu.vector_store %arg14[%swap3A_692], %broadcast_in_dim3A_691 {strides = array<i32>} : memref<6144xf32, #tpu.memory_space<vmem>>, vector<16xf32>,
      }
      %scan3A_582 = arith.constant 384 : i32
      %scan3A_583 = arith.constant 0 : i32
      %scan3A_584 = arith.constant 0 : i32
      %scan3A_585 = arith.constant 0 : i32
      %scan3A_586 = arith.constant 256 : i32
      %scan3A_587 = arith.addi %scan3A_585, %scan3A_586 : i32
      %scan3A_588 = arith.constant 1 : i32
      scf.for %scan3A_678 = %scan3A_585 to %scan3A_587 step %scan3A_588  : i32 {
        %mul3A_679 = arith.constant 16 : i32
        %mul3A_680 = arith.muli %scan3A_678, %mul3A_679 : i32
        %get3A = arith.index_cast %mul3A_680 : i32 to index
        %get3A_681 = tpu.vector_load %arg9[%get3A] {strides = array<i32>} : memref<4096xi32, #tpu.memory_space<vmem>>, vector<16xi32>,
        %get3A_682 = arith.index_cast %mul3A_680 : i32 to index
        %get3A_683 = tpu.vector_load %arg11[%get3A_682] {strides = array<i32>} : memref<4096xi32, #tpu.memory_space<vmem>>, vector<16xi32>,
        %broadcast_in_dim3A_684 = arith.constant 0 : i32
        %broadcast_in_dim3A_685 = vector.broadcast %broadcast_in_dim3A_684 : i32 to vector<16xi32>
        %eq3A_686 = arith.constant 0 : i32
        %eq3A_687 = vector.broadcast %eq3A_686 : i32 to vector<16xi32>
        %eq3A_688 = arith.cmpi eq, %get3A_681, %eq3A_687 : vector<16xi32>
        %add3A_689 = vector.broadcast %scan3A_584 : i32 to vector<16xi32>
        %add3A_690 = arith.addi %get3A_683, %add3A_689 : vector<16xi32>
        %select_n3A_691 = arith.select %eq3A_688, %add3A_690, %broadcast_in_dim3A_685 : vector<16xi1>, vector<16xi32>
        %eq3A_692 = arith.constant 1 : i32
        %eq3A_693 = vector.broadcast %eq3A_692 : i32 to vector<16xi32>
        %eq3A_694 = arith.cmpi eq, %get3A_681, %eq3A_693 : vector<16xi32>
        %add3A_695 = vector.broadcast %add3A_525 : i32 to vector<16xi32>
        %add3A_696 = arith.addi %get3A_683, %add3A_695 : vector<16xi32>
        %select_n3A_697 = arith.select %eq3A_694, %add3A_696, %select_n3A_691 : vector<16xi1>, vector<16xi32>
        %eq3A_698 = arith.constant 2 : i32
        %eq3A_699 = vector.broadcast %eq3A_698 : i32 to vector<16xi32>
        %eq3A_700 = arith.cmpi eq, %get3A_681, %eq3A_699 : vector<16xi32>
        %add3A_701 = vector.broadcast %add3A_532 : i32 to vector<16xi32>
        %add3A_702 = arith.addi %get3A_683, %add3A_701 : vector<16xi32>
        %select_n3A_703 = arith.select %eq3A_700, %add3A_702, %select_n3A_697 : vector<16xi1>, vector<16xi32>
        %eq3A_704 = arith.constant 3 : i32
        %eq3A_705 = vector.broadcast %eq3A_704 : i32 to vector<16xi32>
        %eq3A_706 = arith.cmpi eq, %get3A_681, %eq3A_705 : vector<16xi32>
        %add3A_707 = vector.broadcast %add3A_539 : i32 to vector<16xi32>
        %add3A_708 = arith.addi %get3A_683, %add3A_707 : vector<16xi32>
        %select_n3A_709 = arith.select %eq3A_706, %add3A_708, %select_n3A_703 : vector<16xi1>, vector<16xi32>
        %eq3A_710 = arith.constant 4 : i32
        %eq3A_711 = vector.broadcast %eq3A_710 : i32 to vector<16xi32>
        %eq3A_712 = arith.cmpi eq, %get3A_681, %eq3A_711 : vector<16xi32>
        %add3A_713 = vector.broadcast %add3A_546 : i32 to vector<16xi32>
        %add3A_714 = arith.addi %get3A_683, %add3A_713 : vector<16xi32>
        %select_n3A_715 = arith.select %eq3A_712, %add3A_714, %select_n3A_709 : vector<16xi1>, vector<16xi32>
        %eq3A_716 = arith.constant 5 : i32
        %eq3A_717 = vector.broadcast %eq3A_716 : i32 to vector<16xi32>
        %eq3A_718 = arith.cmpi eq, %get3A_681, %eq3A_717 : vector<16xi32>
        %add3A_719 = vector.broadcast %add3A_553 : i32 to vector<16xi32>
        %add3A_720 = arith.addi %get3A_683, %add3A_719 : vector<16xi32>
        %select_n3A_721 = arith.select %eq3A_718, %add3A_720, %select_n3A_715 : vector<16xi1>, vector<16xi32>
        %eq3A_722 = arith.constant 6 : i32
        %eq3A_723 = vector.broadcast %eq3A_722 : i32 to vector<16xi32>
        %eq3A_724 = arith.cmpi eq, %get3A_681, %eq3A_723 : vector<16xi32>
        %add3A_725 = vector.broadcast %add3A_560 : i32 to vector<16xi32>
        %add3A_726 = arith.addi %get3A_683, %add3A_725 : vector<16xi32>
        %select_n3A_727 = arith.select %eq3A_724, %add3A_726, %select_n3A_721 : vector<16xi1>, vector<16xi32>
        %eq3A_728 = arith.constant 7 : i32
        %eq3A_729 = vector.broadcast %eq3A_728 : i32 to vector<16xi32>
        %eq3A_730 = arith.cmpi eq, %get3A_681, %eq3A_729 : vector<16xi32>
        %add3A_731 = vector.broadcast %add3A_567 : i32 to vector<16xi32>
        %add3A_732 = arith.addi %get3A_683, %add3A_731 : vector<16xi32>
        %select_n3A_733 = arith.select %eq3A_730, %add3A_732, %select_n3A_727 : vector<16xi1>, vector<16xi32>
        %iota3A_734 = tpu.iota {dimensions = array<i32: 0>} : vector<16xi32>
        %mul3A_735 = arith.constant 16 : i32
        %mul3A_736 = arith.muli %scan3A_678, %mul3A_735 : i32
        %add3A_737 = vector.broadcast %mul3A_736 : i32 to vector<16xi32>
        %add3A_738 = arith.addi %iota3A_734, %add3A_737 : vector<16xi32>
        %shift_right_logical3A_739 = arith.constant 1 : i32
        %shift_right_logical3A_740 = vector.broadcast %shift_right_logical3A_739 : i32 to vector<16xi32>
        %shift_right_logical3A_741 = arith.shrui %add3A_738, %shift_right_logical3A_740 : vector<16xi32>
        %and3A = arith.constant 1 : i32
        %and3A_742 = vector.broadcast %and3A : i32 to vector<16xi32>
        %and3A_743 = arith.andi %add3A_738, %and3A_742 : vector<16xi32>
        %shift_left3A_744 = arith.constant 11 : i32
        %shift_left3A_745 = vector.broadcast %shift_left3A_744 : i32 to vector<16xi32>
        %shift_left3A_746 = arith.shli %and3A_743, %shift_left3A_745 : vector<16xi32>
        %add3A_747 = arith.addi %shift_left3A_746, %shift_right_logical3A_741 : vector<16xi32>
        tpu.vector_store_idx %arg12[%add3A_747], %select_n3A_733 : memref<4096xi32, #tpu.memory_space<vmem>>[vector<16xi32>], vector<16xi32>,
        tpu.vector_store_idx %arg13[%select_n3A_733], %shift_right_logical3A_741 : memref<6144xi32, #tpu.memory_space<vmem>>[vector<16xi32>], vector<16xi32>,
        %get3A_748 = arith.index_cast %mul3A_680 : i32 to index
        %get3A_749 = tpu.vector_load %arg10[%get3A_748] {strides = array<i32>} : memref<4096xf32, #tpu.memory_space<vmem>>, vector<16xf32>,
        tpu.vector_store_idx %arg14[%select_n3A_733], %get3A_749 : memref<6144xf32, #tpu.memory_space<vmem>>[vector<16xi32>], vector<16xf32>,
      }
      %scan3A_589 = arith.constant 256 : i32
      %iota3A = tpu.iota {dimensions = array<i32: 0>} : vector<16xi32>
      %add3A_590 = arith.constant 0 : i32
      %add3A_591 = vector.broadcast %add3A_590 : i32 to vector<16xi32>
      %add3A_592 = arith.addi %iota3A, %add3A_591 : vector<16xi32>
      %mul3A_593 = arith.constant 256 : i32
      %mul3A_594 = vector.broadcast %mul3A_593 : i32 to vector<16xi32>
      %mul3A_595 = arith.muli %add3A_592, %mul3A_594 : vector<16xi32>
      %broadcast_in_dim3A = arith.constant 0 : i32
      %broadcast_in_dim3A_596 = vector.broadcast %broadcast_in_dim3A : i32 to vector<16xi32>
      %ge3A = vector.broadcast %add3A_525 : i32 to vector<16xi32>
      %ge3A_597 = arith.cmpi sge, %mul3A_595, %ge3A : vector<16xi32>
      %convert_element_type3A_598 = arith.extui %ge3A_597 : vector<16xi1> to vector<16xi32>
      %add3A_599 = arith.addi %broadcast_in_dim3A_596, %convert_element_type3A_598 : vector<16xi32>
      %ge3A_600 = vector.broadcast %add3A_532 : i32 to vector<16xi32>
      %ge3A_601 = arith.cmpi sge, %mul3A_595, %ge3A_600 : vector<16xi32>
      %convert_element_type3A_602 = arith.extui %ge3A_601 : vector<16xi1> to vector<16xi32>
      %add3A_603 = arith.addi %add3A_599, %convert_element_type3A_602 : vector<16xi32>
      %ge3A_604 = vector.broadcast %add3A_539 : i32 to vector<16xi32>
      %ge3A_605 = arith.cmpi sge, %mul3A_595, %ge3A_604 : vector<16xi32>
      %convert_element_type3A_606 = arith.extui %ge3A_605 : vector<16xi1> to vector<16xi32>
      %add3A_607 = arith.addi %add3A_603, %convert_element_type3A_606 : vector<16xi32>
      %ge3A_608 = vector.broadcast %add3A_546 : i32 to vector<16xi32>
      %ge3A_609 = arith.cmpi sge, %mul3A_595, %ge3A_608 : vector<16xi32>
      %convert_element_type3A_610 = arith.extui %ge3A_609 : vector<16xi1> to vector<16xi32>
      %add3A_611 = arith.addi %add3A_607, %convert_element_type3A_610 : vector<16xi32>
      %ge3A_612 = vector.broadcast %add3A_553 : i32 to vector<16xi32>
      %ge3A_613 = arith.cmpi sge, %mul3A_595, %ge3A_612 : vector<16xi32>
      %convert_element_type3A_614 = arith.extui %ge3A_613 : vector<16xi1> to vector<16xi32>
      %add3A_615 = arith.addi %add3A_611, %convert_element_type3A_614 : vector<16xi32>
      %ge3A_616 = vector.broadcast %add3A_560 : i32 to vector<16xi32>
      %ge3A_617 = arith.cmpi sge, %mul3A_595, %ge3A_616 : vector<16xi32>
      %convert_element_type3A_618 = arith.extui %ge3A_617 : vector<16xi1> to vector<16xi32>
      %add3A_619 = arith.addi %add3A_615, %convert_element_type3A_618 : vector<16xi32>
      %ge3A_620 = vector.broadcast %add3A_567 : i32 to vector<16xi32>
      %ge3A_621 = arith.cmpi sge, %mul3A_595, %ge3A_620 : vector<16xi32>
      %convert_element_type3A_622 = arith.extui %ge3A_621 : vector<16xi1> to vector<16xi32>
      %add3A_623 = arith.addi %add3A_619, %convert_element_type3A_622 : vector<16xi32>
      %eq3A_624 = arith.constant 24 : i32
      %eq3A_625 = vector.broadcast %eq3A_624 : i32 to vector<16xi32>
      %eq3A_626 = arith.cmpi eq, %add3A_592, %eq3A_625 : vector<16xi32>
      %broadcast_in_dim3A_627 = vector.broadcast %shift_right_logical3A_576 : i32 to vector<16xi32>
      %select_n3A = arith.select %eq3A_626, %broadcast_in_dim3A_627, %add3A_623 : vector<16xi1>, vector<16xi32>
      %swap3A = arith.constant 0 : index
      %swap3A_628 = tpu.vector_load %arg15[%swap3A] {strides = array<i32>} : memref<32xi32, #tpu.memory_space<vmem>>, vector<16xi32>,
      tpu.vector_store %arg15[%swap3A], %select_n3A {strides = array<i32>} : memref<32xi32, #tpu.memory_space<vmem>>, vector<16xi32>,
      %iota3A_629 = tpu.iota {dimensions = array<i32: 0>} : vector<16xi32>
      %add3A_630 = arith.constant 16 : i32
      %add3A_631 = vector.broadcast %add3A_630 : i32 to vector<16xi32>
      %add3A_632 = arith.addi %iota3A_629, %add3A_631 : vector<16xi32>
      %mul3A_633 = arith.constant 256 : i32
      %mul3A_634 = vector.broadcast %mul3A_633 : i32 to vector<16xi32>
      %mul3A_635 = arith.muli %add3A_632, %mul3A_634 : vector<16xi32>
      %broadcast_in_dim3A_636 = arith.constant 0 : i32
      %broadcast_in_dim3A_637 = vector.broadcast %broadcast_in_dim3A_636 : i32 to vector<16xi32>
      %ge3A_638 = vector.broadcast %add3A_525 : i32 to vector<16xi32>
      %ge3A_639 = arith.cmpi sge, %mul3A_635, %ge3A_638 : vector<16xi32>
      %convert_element_type3A_640 = arith.extui %ge3A_639 : vector<16xi1> to vector<16xi32>
      %add3A_641 = arith.addi %broadcast_in_dim3A_637, %convert_element_type3A_640 : vector<16xi32>
      %ge3A_642 = vector.broadcast %add3A_532 : i32 to vector<16xi32>
      %ge3A_643 = arith.cmpi sge, %mul3A_635, %ge3A_642 : vector<16xi32>
      %convert_element_type3A_644 = arith.extui %ge3A_643 : vector<16xi1> to vector<16xi32>
      %add3A_645 = arith.addi %add3A_641, %convert_element_type3A_644 : vector<16xi32>
      %ge3A_646 = vector.broadcast %add3A_539 : i32 to vector<16xi32>
      %ge3A_647 = arith.cmpi sge, %mul3A_635, %ge3A_646 : vector<16xi32>
      %convert_element_type3A_648 = arith.extui %ge3A_647 : vector<16xi1> to vector<16xi32>
      %add3A_649 = arith.addi %add3A_645, %convert_element_type3A_648 : vector<16xi32>
      %ge3A_650 = vector.broadcast %add3A_546 : i32 to vector<16xi32>
      %ge3A_651 = arith.cmpi sge, %mul3A_635, %ge3A_650 : vector<16xi32>
      %convert_element_type3A_652 = arith.extui %ge3A_651 : vector<16xi1> to vector<16xi32>
      %add3A_653 = arith.addi %add3A_649, %convert_element_type3A_652 : vector<16xi32>
      %ge3A_654 = vector.broadcast %add3A_553 : i32 to vector<16xi32>
      %ge3A_655 = arith.cmpi sge, %mul3A_635, %ge3A_654 : vector<16xi32>
      %convert_element_type3A_656 = arith.extui %ge3A_655 : vector<16xi1> to vector<16xi32>
      %add3A_657 = arith.addi %add3A_653, %convert_element_type3A_656 : vector<16xi32>
      %ge3A_658 = vector.broadcast %add3A_560 : i32 to vector<16xi32>
      %ge3A_659 = arith.cmpi sge, %mul3A_635, %ge3A_658 : vector<16xi32>
      %convert_element_type3A_660 = arith.extui %ge3A_659 : vector<16xi1> to vector<16xi32>
      %add3A_661 = arith.addi %add3A_657, %convert_element_type3A_660 : vector<16xi32>
      %ge3A_662 = vector.broadcast %add3A_567 : i32 to vector<16xi32>
      %ge3A_663 = arith.cmpi sge, %mul3A_635, %ge3A_662 : vector<16xi32>
      %convert_element_type3A_664 = arith.extui %ge3A_663 : vector<16xi1> to vector<16xi32>
      %add3A_665 = arith.addi %add3A_661, %convert_element_type3A_664 : vector<16xi32>
      %eq3A_666 = arith.constant 24 : i32
      %eq3A_667 = vector.broadcast %eq3A_666 : i32 to vector<16xi32>
      %eq3A_668 = arith.cmpi eq, %add3A_632, %eq3A_667 : vector<16xi32>
      %broadcast_in_dim3A_669 = vector.broadcast %shift_right_logical3A_576 : i32 to vector<16xi32>
      %select_n3A_670 = arith.select %eq3A_668, %broadcast_in_dim3A_669, %add3A_665 : vector<16xi1>, vector<16xi32>
      %swap3A_671 = arith.constant 16 : index
      %swap3A_672 = tpu.vector_load %arg15[%swap3A_671] {strides = array<i32>} : memref<32xi32, #tpu.memory_space<vmem>>, vector<16xi32>,
      tpu.vector_store %arg15[%swap3A_671], %select_n3A_670 {strides = array<i32>} : memref<32xi32, #tpu.memory_space<vmem>>, vector<16xi32>,
      "tpu.region"() ({
        %run_scoped3A = tpu.sem_alloc : memref<!tpu.dma_semaphore, #tpu.memory_space<semaphore_mem>>
        tpu.enqueue_dma source(%arg13 : memref<6144xi32, #tpu.memory_space<vmem>>) target(%arg16 : memref<6144xi32, #tpu.memory_space<vmem_shared>>) target_semaphore(%run_scoped3A : memref<!tpu.dma_semaphore, #tpu.memory_space<semaphore_mem>>)
        tpu.wait_dma2 semaphore(%run_scoped3A : memref<!tpu.dma_semaphore, #tpu.memory_space<semaphore_mem>>) src(%arg13 : memref<6144xi32, #tpu.memory_space<vmem>>) dst(%arg16 : memref<6144xi32, #tpu.memory_space<vmem_shared>>)
        tpu.yield
      }) : () -> ()
      %eq3A_673 = arith.constant 0 : i32
      %eq3A_674 = arith.cmpi eq, %arg0, %eq3A_673 : i32
      %convert_element_type3A_675 = arith.extui %eq3A_674 : i1 to i32
      %cond3A_676 = arith.constant 0 : i32
      %cond3A_677 = arith.cmpi ne, %convert_element_type3A_675, %cond3A_676 : i32
      scf.if %cond3A_677 {
        "tpu.region"() ({
          %run_scoped3A = tpu.sem_alloc : memref<!tpu.dma_semaphore, #tpu.memory_space<semaphore_mem>>
          tpu.enqueue_dma source(%arg12 : memref<4096xi32, #tpu.memory_space<vmem>>) target(%arg5 : memref<4096xi32, #tpu.memory_space<hbm>>) target_semaphore(%run_scoped3A : memref<!tpu.dma_semaphore, #tpu.memory_space<semaphore_mem>>)
          tpu.wait_dma2 semaphore(%run_scoped3A : memref<!tpu.dma_semaphore, #tpu.memory_space<semaphore_mem>>) src(%arg12 : memref<4096xi32, #tpu.memory_space<vmem>>) dst(%arg5 : memref<4096xi32, #tpu.memory_space<hbm>>)
          tpu.yield
        }) : () -> ()
        "tpu.region"() ({
          %run_scoped3A = tpu.sem_alloc : memref<!tpu.dma_semaphore, #tpu.memory_space<semaphore_mem>>
          tpu.enqueue_dma source(%arg14 : memref<6144xf32, #tpu.memory_space<vmem>>) target(%arg6 : memref<6144xf32, #tpu.memory_space<hbm>>) target_semaphore(%run_scoped3A : memref<!tpu.dma_semaphore, #tpu.memory_space<semaphore_mem>>)
          tpu.wait_dma2 semaphore(%run_scoped3A : memref<!tpu.dma_semaphore, #tpu.memory_space<semaphore_mem>>) src(%arg14 : memref<6144xf32, #tpu.memory_space<vmem>>) dst(%arg6 : memref<6144xf32, #tpu.memory_space<hbm>>)
          tpu.yield
        }) : () -> ()
        "tpu.region"() ({
          %run_scoped3A = tpu.sem_alloc : memref<!tpu.dma_semaphore, #tpu.memory_space<semaphore_mem>>
          tpu.enqueue_dma source(%arg15 : memref<32xi32, #tpu.memory_space<vmem>>) target(%arg7 : memref<32xi32, #tpu.memory_space<hbm>>) target_semaphore(%run_scoped3A : memref<!tpu.dma_semaphore, #tpu.memory_space<semaphore_mem>>)
          tpu.wait_dma2 semaphore(%run_scoped3A : memref<!tpu.dma_semaphore, #tpu.memory_space<semaphore_mem>>) src(%arg15 : memref<32xi32, #tpu.memory_space<vmem>>) dst(%arg7 : memref<32xi32, #tpu.memory_space<hbm>>)
          tpu.yield
        }) : () -> ()
      } else {
      }
    } else {
    }
    %barrier3A = arith.constant 0 : index
    tpu.barrier barrier_id(%barrier3A)
    %mul3A = arith.constant 3072 : i32
    %mul3A_2 = arith.muli %arg0, %mul3A : i32
    %mul3A_3 = arith.constant 192 : i32
    %mul3A_4 = arith.muli %arg1, %mul3A_3 : i32
    %add3A = arith.addi %mul3A_2, %mul3A_4 : i32
    "tpu.region"() ({
      %run_scoped3A = tpu.sem_alloc : memref<!tpu.dma_semaphore, #tpu.memory_space<semaphore_mem>>
      %dma_start3A_507 = tpu.memref_slice %arg16[%add3A] : memref<6144xi32, #tpu.memory_space<vmem_shared>> -> memref<192xi32, #tpu.memory_space<vmem_shared>>
      %dma_start3A_508 = tpu.memref_slice %arg16[%add3A] : memref<6144xi32, #tpu.memory_space<vmem_shared>> -> memref<192xi32, #tpu.memory_space<vmem_shared>>
      tpu.enqueue_dma source(%dma_start3A_508 : memref<192xi32, #tpu.memory_space<vmem_shared>>) target(%arg17 : memref<192xi32, #tpu.memory_space<vmem>>) target_semaphore(%run_scoped3A : memref<!tpu.dma_semaphore, #tpu.memory_space<semaphore_mem>>)
      %dma_wait3A_509 = tpu.memref_slice %arg16[%add3A] : memref<6144xi32, #tpu.memory_space<vmem_shared>> -> memref<192xi32, #tpu.memory_space<vmem_shared>>
      %dma_wait3A_510 = tpu.memref_slice %arg16[%add3A] : memref<6144xi32, #tpu.memory_space<vmem_shared>> -> memref<192xi32, #tpu.memory_space<vmem_shared>>
      tpu.wait_dma2 semaphore(%run_scoped3A : memref<!tpu.dma_semaphore, #tpu.memory_space<semaphore_mem>>) src(%dma_wait3A_510 : memref<192xi32, #tpu.memory_space<vmem_shared>>) dst(%arg17 : memref<192xi32, #tpu.memory_space<vmem>>)
      tpu.yield
    }) : () -> ()
    %dma_start3A = arith.constant 0 : i32
    %dma_start3A_5 = arith.constant 0 : i32
    %dma_start3A_6 = tpu.memref_slice %arg18[%dma_start3A, %dma_start3A_5] : memref<16x1024xi32, #tpu.memory_space<vmem>> -> memref<8x1024xi32, #tpu.memory_space<vmem>>
    %dma_start3A_7 = arith.constant 0 : i32
    %dma_start3A_8 = tpu.memref_slice %arg17[%dma_start3A_7] : memref<192xi32, #tpu.memory_space<vmem>> -> memref<8xi32, #tpu.memory_space<vmem>>
    %dma_start3A_9 = arith.constant 0 : i32
    %dma_start3A_10 = arith.constant 0 : i32
    %dma_start3A_11 = tpu.memref_slice %arg4[%dma_start3A_9, %dma_start3A_10] : memref<2048x1024xi32, #tpu.memory_space<hbm>> -> memref<2048x1024xi32, #tpu.memory_space<hbm>>
    tpu.enqueue_indirect_dma source(%dma_start3A_11 : memref<2048x1024xi32, #tpu.memory_space<hbm>>) target(%dma_start3A_6 : memref<8x1024xi32, #tpu.memory_space<vmem>>) offsets(%dma_start3A_8 : memref<8xi32, #tpu.memory_space<vmem>>) semaphore(%arg21 : memref<!tpu.dma_semaphore, #tpu.memory_space<semaphore_mem>>)
    %dma_start3A_12 = arith.constant 8 : i32
    %dma_start3A_13 = arith.constant 0 : i32
    %dma_start3A_14 = tpu.memref_slice %arg18[%dma_start3A_12, %dma_start3A_13] : memref<16x1024xi32, #tpu.memory_space<vmem>> -> memref<8x1024xi32, #tpu.memory_space<vmem>>
    %dma_start3A_15 = arith.constant 8 : i32
    %dma_start3A_16 = tpu.memref_slice %arg17[%dma_start3A_15] : memref<192xi32, #tpu.memory_space<vmem>> -> memref<8xi32, #tpu.memory_space<vmem>>
    %dma_start3A_17 = arith.constant 0 : i32
    %dma_start3A_18 = arith.constant 0 : i32
    %dma_start3A_19 = tpu.memref_slice %arg4[%dma_start3A_17, %dma_start3A_18] : memref<2048x1024xi32, #tpu.memory_space<hbm>> -> memref<2048x1024xi32, #tpu.memory_space<hbm>>
    tpu.enqueue_indirect_dma source(%dma_start3A_19 : memref<2048x1024xi32, #tpu.memory_space<hbm>>) target(%dma_start3A_14 : memref<8x1024xi32, #tpu.memory_space<vmem>>) offsets(%dma_start3A_16 : memref<8xi32, #tpu.memory_space<vmem>>) semaphore(%arg24 : memref<!tpu.dma_semaphore, #tpu.memory_space<semaphore_mem>>)
    %dma_start3A_20 = arith.constant 0 : i32
    %dma_start3A_21 = arith.constant 0 : i32
    %dma_start3A_22 = tpu.memref_slice %arg19[%dma_start3A_20, %dma_start3A_21] : memref<16x1024xi32, #tpu.memory_space<vmem>> -> memref<8x1024xi32, #tpu.memory_space<vmem>>
    %dma_start3A_23 = arith.constant 16 : i32
    %dma_start3A_24 = tpu.memref_slice %arg17[%dma_start3A_23] : memref<192xi32, #tpu.memory_space<vmem>> -> memref<8xi32, #tpu.memory_space<vmem>>
    %dma_start3A_25 = arith.constant 0 : i32
    %dma_start3A_26 = arith.constant 0 : i32
    %dma_start3A_27 = tpu.memref_slice %arg4[%dma_start3A_25, %dma_start3A_26] : memref<2048x1024xi32, #tpu.memory_space<hbm>> -> memref<2048x1024xi32, #tpu.memory_space<hbm>>
    tpu.enqueue_indirect_dma source(%dma_start3A_27 : memref<2048x1024xi32, #tpu.memory_space<hbm>>) target(%dma_start3A_22 : memref<8x1024xi32, #tpu.memory_space<vmem>>) offsets(%dma_start3A_24 : memref<8xi32, #tpu.memory_space<vmem>>) semaphore(%arg22 : memref<!tpu.dma_semaphore, #tpu.memory_space<semaphore_mem>>)
    %dma_start3A_28 = arith.constant 8 : i32
    %dma_start3A_29 = arith.constant 0 : i32
    %dma_start3A_30 = tpu.memref_slice %arg19[%dma_start3A_28, %dma_start3A_29] : memref<16x1024xi32, #tpu.memory_space<vmem>> -> memref<8x1024xi32, #tpu.memory_space<vmem>>
    %dma_start3A_31 = arith.constant 24 : i32
    %dma_start3A_32 = tpu.memref_slice %arg17[%dma_start3A_31] : memref<192xi32, #tpu.memory_space<vmem>> -> memref<8xi32, #tpu.memory_space<vmem>>
    %dma_start3A_33 = arith.constant 0 : i32
    %dma_start3A_34 = arith.constant 0 : i32
    %dma_start3A_35 = tpu.memref_slice %arg4[%dma_start3A_33, %dma_start3A_34] : memref<2048x1024xi32, #tpu.memory_space<hbm>> -> memref<2048x1024xi32, #tpu.memory_space<hbm>>
    tpu.enqueue_indirect_dma source(%dma_start3A_35 : memref<2048x1024xi32, #tpu.memory_space<hbm>>) target(%dma_start3A_30 : memref<8x1024xi32, #tpu.memory_space<vmem>>) offsets(%dma_start3A_32 : memref<8xi32, #tpu.memory_space<vmem>>) semaphore(%arg25 : memref<!tpu.dma_semaphore, #tpu.memory_space<semaphore_mem>>)
    %dma_start3A_36 = arith.constant 0 : i32
    %dma_start3A_37 = arith.constant 0 : i32
    %dma_start3A_38 = tpu.memref_slice %arg20[%dma_start3A_36, %dma_start3A_37] : memref<16x1024xi32, #tpu.memory_space<vmem>> -> memref<8x1024xi32, #tpu.memory_space<vmem>>
    %dma_start3A_39 = arith.constant 32 : i32
    %dma_start3A_40 = tpu.memref_slice %arg17[%dma_start3A_39] : memref<192xi32, #tpu.memory_space<vmem>> -> memref<8xi32, #tpu.memory_space<vmem>>
    %dma_start3A_41 = arith.constant 0 : i32
    %dma_start3A_42 = arith.constant 0 : i32
    %dma_start3A_43 = tpu.memref_slice %arg4[%dma_start3A_41, %dma_start3A_42] : memref<2048x1024xi32, #tpu.memory_space<hbm>> -> memref<2048x1024xi32, #tpu.memory_space<hbm>>
    tpu.enqueue_indirect_dma source(%dma_start3A_43 : memref<2048x1024xi32, #tpu.memory_space<hbm>>) target(%dma_start3A_38 : memref<8x1024xi32, #tpu.memory_space<vmem>>) offsets(%dma_start3A_40 : memref<8xi32, #tpu.memory_space<vmem>>) semaphore(%arg23 : memref<!tpu.dma_semaphore, #tpu.memory_space<semaphore_mem>>)
    %dma_start3A_44 = arith.constant 8 : i32
    %dma_start3A_45 = arith.constant 0 : i32
    %dma_start3A_46 = tpu.memref_slice %arg20[%dma_start3A_44, %dma_start3A_45] : memref<16x1024xi32, #tpu.memory_space<vmem>> -> memref<8x1024xi32, #tpu.memory_space<vmem>>
    %dma_start3A_47 = arith.constant 40 : i32
    %dma_start3A_48 = tpu.memref_slice %arg17[%dma_start3A_47] : memref<192xi32, #tpu.memory_space<vmem>> -> memref<8xi32, #tpu.memory_space<vmem>>
    %dma_start3A_49 = arith.constant 0 : i32
    %dma_start3A_50 = arith.constant 0 : i32
    %dma_start3A_51 = tpu.memref_slice %arg4[%dma_start3A_49, %dma_start3A_50] : memref<2048x1024xi32, #tpu.memory_space<hbm>> -> memref<2048x1024xi32, #tpu.memory_space<hbm>>
    tpu.enqueue_indirect_dma source(%dma_start3A_51 : memref<2048x1024xi32, #tpu.memory_space<hbm>>) target(%dma_start3A_46 : memref<8x1024xi32, #tpu.memory_space<vmem>>) offsets(%dma_start3A_48 : memref<8xi32, #tpu.memory_space<vmem>>) semaphore(%arg26 : memref<!tpu.dma_semaphore, #tpu.memory_space<semaphore_mem>>)
    %dma_wait3A = arith.constant 0 : i32
    %dma_wait3A_52 = arith.constant 0 : i32
    %dma_wait3A_53 = tpu.memref_slice %arg18[%dma_wait3A, %dma_wait3A_52] : memref<16x1024xi32, #tpu.memory_space<vmem>> -> memref<8x1024xi32, #tpu.memory_space<vmem>>
    %dma_wait3A_54 = arith.constant 0 : i32
    %dma_wait3A_55 = tpu.memref_slice %arg17[%dma_wait3A_54] : memref<192xi32, #tpu.memory_space<vmem>> -> memref<8xi32, #tpu.memory_space<vmem>>
    %dma_wait3A_56 = arith.constant 0 : i32
    %dma_wait3A_57 = arith.constant 0 : i32
    %dma_wait3A_58 = tpu.memref_slice %arg4[%dma_wait3A_56, %dma_wait3A_57] : memref<2048x1024xi32, #tpu.memory_space<hbm>> -> memref<2048x1024xi32, #tpu.memory_space<hbm>>
    tpu.wait_indirect_dma semaphore(%arg21 : memref<!tpu.dma_semaphore, #tpu.memory_space<semaphore_mem>>) src(%dma_wait3A_58 : memref<2048x1024xi32, #tpu.memory_space<hbm>>) dst(%dma_wait3A_53 : memref<8x1024xi32, #tpu.memory_space<vmem>>)
    %dma_wait3A_59 = arith.constant 8 : i32
    %dma_wait3A_60 = arith.constant 0 : i32
    %dma_wait3A_61 = tpu.memref_slice %arg18[%dma_wait3A_59, %dma_wait3A_60] : memref<16x1024xi32, #tpu.memory_space<vmem>> -> memref<8x1024xi32, #tpu.memory_space<vmem>>
    %dma_wait3A_62 = arith.constant 8 : i32
    %dma_wait3A_63 = tpu.memref_slice %arg17[%dma_wait3A_62] : memref<192xi32, #tpu.memory_space<vmem>> -> memref<8xi32, #tpu.memory_space<vmem>>
    %dma_wait3A_64 = arith.constant 0 : i32
    %dma_wait3A_65 = arith.constant 0 : i32
    %dma_wait3A_66 = tpu.memref_slice %arg4[%dma_wait3A_64, %dma_wait3A_65] : memref<2048x1024xi32, #tpu.memory_space<hbm>> -> memref<2048x1024xi32, #tpu.memory_space<hbm>>
    tpu.wait_indirect_dma semaphore(%arg24 : memref<!tpu.dma_semaphore, #tpu.memory_space<semaphore_mem>>) src(%dma_wait3A_66 : memref<2048x1024xi32, #tpu.memory_space<hbm>>) dst(%dma_wait3A_61 : memref<8x1024xi32, #tpu.memory_space<vmem>>)
    %add3A_67 = arith.constant 0 : i32
    %add3A_68 = arith.addi %add3A, %add3A_67 : i32
    %dma_start3A_69 = arith.constant 0 : i32
    %dma_start3A_70 = tpu.memref_slice %arg8[%add3A_68, %dma_start3A_69] : memref<6144x1024xi32, #tpu.memory_space<hbm>> -> memref<16x1024xi32, #tpu.memory_space<hbm>>
    %dma_start3A_71 = arith.constant 0 : i32
    %dma_start3A_72 = tpu.memref_slice %arg8[%add3A_68, %dma_start3A_71] : memref<6144x1024xi32, #tpu.memory_space<hbm>> -> memref<16x1024xi32, #tpu.memory_space<hbm>>
    tpu.enqueue_dma source(%arg18 : memref<16x1024xi32, #tpu.memory_space<vmem>>) target(%dma_start3A_72 : memref<16x1024xi32, #tpu.memory_space<hbm>>) target_semaphore(%arg27 : memref<!tpu.dma_semaphore, #tpu.memory_space<semaphore_mem>>)
    %dma_wait3A_73 = arith.constant 0 : i32
    %dma_wait3A_74 = tpu.memref_slice %arg8[%add3A_68, %dma_wait3A_73] : memref<6144x1024xi32, #tpu.memory_space<hbm>> -> memref<16x1024xi32, #tpu.memory_space<hbm>>
    %dma_wait3A_75 = arith.constant 0 : i32
    %dma_wait3A_76 = tpu.memref_slice %arg8[%add3A_68, %dma_wait3A_75] : memref<6144x1024xi32, #tpu.memory_space<hbm>> -> memref<16x1024xi32, #tpu.memory_space<hbm>>
    tpu.wait_dma2 semaphore(%arg27 : memref<!tpu.dma_semaphore, #tpu.memory_space<semaphore_mem>>) src(%arg18 : memref<16x1024xi32, #tpu.memory_space<vmem>>) dst(%dma_wait3A_76 : memref<16x1024xi32, #tpu.memory_space<hbm>>)
    %dma_start3A_77 = arith.constant 0 : i32
    %dma_start3A_78 = arith.constant 0 : i32
    %dma_start3A_79 = tpu.memref_slice %arg18[%dma_start3A_77, %dma_start3A_78] : memref<16x1024xi32, #tpu.memory_space<vmem>> -> memref<8x1024xi32, #tpu.memory_space<vmem>>
    %dma_start3A_80 = arith.constant 48 : i32
    %dma_start3A_81 = tpu.memref_slice %arg17[%dma_start3A_80] : memref<192xi32, #tpu.memory_space<vmem>> -> memref<8xi32, #tpu.memory_space<vmem>>
    %dma_start3A_82 = arith.constant 0 : i32
    %dma_start3A_83 = arith.constant 0 : i32
    %dma_start3A_84 = tpu.memref_slice %arg4[%dma_start3A_82, %dma_start3A_83] : memref<2048x1024xi32, #tpu.memory_space<hbm>> -> memref<2048x1024xi32, #tpu.memory_space<hbm>>
    tpu.enqueue_indirect_dma source(%dma_start3A_84 : memref<2048x1024xi32, #tpu.memory_space<hbm>>) target(%dma_start3A_79 : memref<8x1024xi32, #tpu.memory_space<vmem>>) offsets(%dma_start3A_81 : memref<8xi32, #tpu.memory_space<vmem>>) semaphore(%arg21 : memref<!tpu.dma_semaphore, #tpu.memory_space<semaphore_mem>>)
    %dma_start3A_85 = arith.constant 8 : i32
    %dma_start3A_86 = arith.constant 0 : i32
    %dma_start3A_87 = tpu.memref_slice %arg18[%dma_start3A_85, %dma_start3A_86] : memref<16x1024xi32, #tpu.memory_space<vmem>> -> memref<8x1024xi32, #tpu.memory_space<vmem>>
    %dma_start3A_88 = arith.constant 56 : i32
    %dma_start3A_89 = tpu.memref_slice %arg17[%dma_start3A_88] : memref<192xi32, #tpu.memory_space<vmem>> -> memref<8xi32, #tpu.memory_space<vmem>>
    %dma_start3A_90 = arith.constant 0 : i32
    %dma_start3A_91 = arith.constant 0 : i32
    %dma_start3A_92 = tpu.memref_slice %arg4[%dma_start3A_90, %dma_start3A_91] : memref<2048x1024xi32, #tpu.memory_space<hbm>> -> memref<2048x1024xi32, #tpu.memory_space<hbm>>
    tpu.enqueue_indirect_dma source(%dma_start3A_92 : memref<2048x1024xi32, #tpu.memory_space<hbm>>) target(%dma_start3A_87 : memref<8x1024xi32, #tpu.memory_space<vmem>>) offsets(%dma_start3A_89 : memref<8xi32, #tpu.memory_space<vmem>>) semaphore(%arg24 : memref<!tpu.dma_semaphore, #tpu.memory_space<semaphore_mem>>)
    %dma_wait3A_93 = arith.constant 0 : i32
    %dma_wait3A_94 = arith.constant 0 : i32
    %dma_wait3A_95 = tpu.memref_slice %arg19[%dma_wait3A_93, %dma_wait3A_94] : memref<16x1024xi32, #tpu.memory_space<vmem>> -> memref<8x1024xi32, #tpu.memory_space<vmem>>
    %dma_wait3A_96 = arith.constant 16 : i32
    %dma_wait3A_97 = tpu.memref_slice %arg17[%dma_wait3A_96] : memref<192xi32, #tpu.memory_space<vmem>> -> memref<8xi32, #tpu.memory_space<vmem>>
    %dma_wait3A_98 = arith.constant 0 : i32
    %dma_wait3A_99 = arith.constant 0 : i32
    %dma_wait3A_100 = tpu.memref_slice %arg4[%dma_wait3A_98, %dma_wait3A_99] : memref<2048x1024xi32, #tpu.memory_space<hbm>> -> memref<2048x1024xi32, #tpu.memory_space<hbm>>
    tpu.wait_indirect_dma semaphore(%arg22 : memref<!tpu.dma_semaphore, #tpu.memory_space<semaphore_mem>>) src(%dma_wait3A_100 : memref<2048x1024xi32, #tpu.memory_space<hbm>>) dst(%dma_wait3A_95 : memref<8x1024xi32, #tpu.memory_space<vmem>>)
    %dma_wait3A_101 = arith.constant 8 : i32
    %dma_wait3A_102 = arith.constant 0 : i32
    %dma_wait3A_103 = tpu.memref_slice %arg19[%dma_wait3A_101, %dma_wait3A_102] : memref<16x1024xi32, #tpu.memory_space<vmem>> -> memref<8x1024xi32, #tpu.memory_space<vmem>>
    %dma_wait3A_104 = arith.constant 24 : i32
    %dma_wait3A_105 = tpu.memref_slice %arg17[%dma_wait3A_104] : memref<192xi32, #tpu.memory_space<vmem>> -> memref<8xi32, #tpu.memory_space<vmem>>
    %dma_wait3A_106 = arith.constant 0 : i32
    %dma_wait3A_107 = arith.constant 0 : i32
    %dma_wait3A_108 = tpu.memref_slice %arg4[%dma_wait3A_106, %dma_wait3A_107] : memref<2048x1024xi32, #tpu.memory_space<hbm>> -> memref<2048x1024xi32, #tpu.memory_space<hbm>>
    tpu.wait_indirect_dma semaphore(%arg25 : memref<!tpu.dma_semaphore, #tpu.memory_space<semaphore_mem>>) src(%dma_wait3A_108 : memref<2048x1024xi32, #tpu.memory_space<hbm>>) dst(%dma_wait3A_103 : memref<8x1024xi32, #tpu.memory_space<vmem>>)
    %add3A_109 = arith.constant 16 : i32
    %add3A_110 = arith.addi %add3A, %add3A_109 : i32
    %dma_start3A_111 = arith.constant 0 : i32
    %dma_start3A_112 = tpu.memref_slice %arg8[%add3A_110, %dma_start3A_111] : memref<6144x1024xi32, #tpu.memory_space<hbm>> -> memref<16x1024xi32, #tpu.memory_space<hbm>>
    %dma_start3A_113 = arith.constant 0 : i32
    %dma_start3A_114 = tpu.memref_slice %arg8[%add3A_110, %dma_start3A_113] : memref<6144x1024xi32, #tpu.memory_space<hbm>> -> memref<16x1024xi32, #tpu.memory_space<hbm>>
    tpu.enqueue_dma source(%arg19 : memref<16x1024xi32, #tpu.memory_space<vmem>>) target(%dma_start3A_114 : memref<16x1024xi32, #tpu.memory_space<hbm>>) target_semaphore(%arg28 : memref<!tpu.dma_semaphore, #tpu.memory_space<semaphore_mem>>)
    %dma_wait3A_115 = arith.constant 0 : i32
    %dma_wait3A_116 = tpu.memref_slice %arg8[%add3A_110, %dma_wait3A_115] : memref<6144x1024xi32, #tpu.memory_space<hbm>> -> memref<16x1024xi32, #tpu.memory_space<hbm>>
    %dma_wait3A_117 = arith.constant 0 : i32
    %dma_wait3A_118 = tpu.memref_slice %arg8[%add3A_110, %dma_wait3A_117] : memref<6144x1024xi32, #tpu.memory_space<hbm>> -> memref<16x1024xi32, #tpu.memory_space<hbm>>
    tpu.wait_dma2 semaphore(%arg28 : memref<!tpu.dma_semaphore, #tpu.memory_space<semaphore_mem>>) src(%arg19 : memref<16x1024xi32, #tpu.memory_space<vmem>>) dst(%dma_wait3A_118 : memref<16x1024xi32, #tpu.memory_space<hbm>>)
    %dma_start3A_119 = arith.constant 0 : i32
    %dma_start3A_120 = arith.constant 0 : i32
    %dma_start3A_121 = tpu.memref_slice %arg19[%dma_start3A_119, %dma_start3A_120] : memref<16x1024xi32, #tpu.memory_space<vmem>> -> memref<8x1024xi32, #tpu.memory_space<vmem>>
    %dma_start3A_122 = arith.constant 64 : i32
    %dma_start3A_123 = tpu.memref_slice %arg17[%dma_start3A_122] : memref<192xi32, #tpu.memory_space<vmem>> -> memref<8xi32, #tpu.memory_space<vmem>>
    %dma_start3A_124 = arith.constant 0 : i32
    %dma_start3A_125 = arith.constant 0 : i32
    %dma_start3A_126 = tpu.memref_slice %arg4[%dma_start3A_124, %dma_start3A_125] : memref<2048x1024xi32, #tpu.memory_space<hbm>> -> memref<2048x1024xi32, #tpu.memory_space<hbm>>
    tpu.enqueue_indirect_dma source(%dma_start3A_126 : memref<2048x1024xi32, #tpu.memory_space<hbm>>) target(%dma_start3A_121 : memref<8x1024xi32, #tpu.memory_space<vmem>>) offsets(%dma_start3A_123 : memref<8xi32, #tpu.memory_space<vmem>>) semaphore(%arg22 : memref<!tpu.dma_semaphore, #tpu.memory_space<semaphore_mem>>)
    %dma_start3A_127 = arith.constant 8 : i32
    %dma_start3A_128 = arith.constant 0 : i32
    %dma_start3A_129 = tpu.memref_slice %arg19[%dma_start3A_127, %dma_start3A_128] : memref<16x1024xi32, #tpu.memory_space<vmem>> -> memref<8x1024xi32, #tpu.memory_space<vmem>>
    %dma_start3A_130 = arith.constant 72 : i32
    %dma_start3A_131 = tpu.memref_slice %arg17[%dma_start3A_130] : memref<192xi32, #tpu.memory_space<vmem>> -> memref<8xi32, #tpu.memory_space<vmem>>
    %dma_start3A_132 = arith.constant 0 : i32
    %dma_start3A_133 = arith.constant 0 : i32
    %dma_start3A_134 = tpu.memref_slice %arg4[%dma_start3A_132, %dma_start3A_133] : memref<2048x1024xi32, #tpu.memory_space<hbm>> -> memref<2048x1024xi32, #tpu.memory_space<hbm>>
    tpu.enqueue_indirect_dma source(%dma_start3A_134 : memref<2048x1024xi32, #tpu.memory_space<hbm>>) target(%dma_start3A_129 : memref<8x1024xi32, #tpu.memory_space<vmem>>) offsets(%dma_start3A_131 : memref<8xi32, #tpu.memory_space<vmem>>) semaphore(%arg25 : memref<!tpu.dma_semaphore, #tpu.memory_space<semaphore_mem>>)
    %dma_wait3A_135 = arith.constant 0 : i32
    %dma_wait3A_136 = arith.constant 0 : i32
    %dma_wait3A_137 = tpu.memref_slice %arg20[%dma_wait3A_135, %dma_wait3A_136] : memref<16x1024xi32, #tpu.memory_space<vmem>> -> memref<8x1024xi32, #tpu.memory_space<vmem>>
    %dma_wait3A_138 = arith.constant 32 : i32
    %dma_wait3A_139 = tpu.memref_slice %arg17[%dma_wait3A_138] : memref<192xi32, #tpu.memory_space<vmem>> -> memref<8xi32, #tpu.memory_space<vmem>>
    %dma_wait3A_140 = arith.constant 0 : i32
    %dma_wait3A_141 = arith.constant 0 : i32
    %dma_wait3A_142 = tpu.memref_slice %arg4[%dma_wait3A_140, %dma_wait3A_141] : memref<2048x1024xi32, #tpu.memory_space<hbm>> -> memref<2048x1024xi32, #tpu.memory_space<hbm>>
    tpu.wait_indirect_dma semaphore(%arg23 : memref<!tpu.dma_semaphore, #tpu.memory_space<semaphore_mem>>) src(%dma_wait3A_142 : memref<2048x1024xi32, #tpu.memory_space<hbm>>) dst(%dma_wait3A_137 : memref<8x1024xi32, #tpu.memory_space<vmem>>)
    %dma_wait3A_143 = arith.constant 8 : i32
    %dma_wait3A_144 = arith.constant 0 : i32
    %dma_wait3A_145 = tpu.memref_slice %arg20[%dma_wait3A_143, %dma_wait3A_144] : memref<16x1024xi32, #tpu.memory_space<vmem>> -> memref<8x1024xi32, #tpu.memory_space<vmem>>
    %dma_wait3A_146 = arith.constant 40 : i32
    %dma_wait3A_147 = tpu.memref_slice %arg17[%dma_wait3A_146] : memref<192xi32, #tpu.memory_space<vmem>> -> memref<8xi32, #tpu.memory_space<vmem>>
    %dma_wait3A_148 = arith.constant 0 : i32
    %dma_wait3A_149 = arith.constant 0 : i32
    %dma_wait3A_150 = tpu.memref_slice %arg4[%dma_wait3A_148, %dma_wait3A_149] : memref<2048x1024xi32, #tpu.memory_space<hbm>> -> memref<2048x1024xi32, #tpu.memory_space<hbm>>
    tpu.wait_indirect_dma semaphore(%arg26 : memref<!tpu.dma_semaphore, #tpu.memory_space<semaphore_mem>>) src(%dma_wait3A_150 : memref<2048x1024xi32, #tpu.memory_space<hbm>>) dst(%dma_wait3A_145 : memref<8x1024xi32, #tpu.memory_space<vmem>>)
    %add3A_151 = arith.constant 32 : i32
    %add3A_152 = arith.addi %add3A, %add3A_151 : i32
    %dma_start3A_153 = arith.constant 0 : i32
    %dma_start3A_154 = tpu.memref_slice %arg8[%add3A_152, %dma_start3A_153] : memref<6144x1024xi32, #tpu.memory_space<hbm>> -> memref<16x1024xi32, #tpu.memory_space<hbm>>
    %dma_start3A_155 = arith.constant 0 : i32
    %dma_start3A_156 = tpu.memref_slice %arg8[%add3A_152, %dma_start3A_155] : memref<6144x1024xi32, #tpu.memory_space<hbm>> -> memref<16x1024xi32, #tpu.memory_space<hbm>>
    tpu.enqueue_dma source(%arg20 : memref<16x1024xi32, #tpu.memory_space<vmem>>) target(%dma_start3A_156 : memref<16x1024xi32, #tpu.memory_space<hbm>>) target_semaphore(%arg29 : memref<!tpu.dma_semaphore, #tpu.memory_space<semaphore_mem>>)
    %dma_wait3A_157 = arith.constant 0 : i32
    %dma_wait3A_158 = tpu.memref_slice %arg8[%add3A_152, %dma_wait3A_157] : memref<6144x1024xi32, #tpu.memory_space<hbm>> -> memref<16x1024xi32, #tpu.memory_space<hbm>>
    %dma_wait3A_159 = arith.constant 0 : i32
    %dma_wait3A_160 = tpu.memref_slice %arg8[%add3A_152, %dma_wait3A_159] : memref<6144x1024xi32, #tpu.memory_space<hbm>> -> memref<16x1024xi32, #tpu.memory_space<hbm>>
    tpu.wait_dma2 semaphore(%arg29 : memref<!tpu.dma_semaphore, #tpu.memory_space<semaphore_mem>>) src(%arg20 : memref<16x1024xi32, #tpu.memory_space<vmem>>) dst(%dma_wait3A_160 : memref<16x1024xi32, #tpu.memory_space<hbm>>)
    %dma_start3A_161 = arith.constant 0 : i32
    %dma_start3A_162 = arith.constant 0 : i32
    %dma_start3A_163 = tpu.memref_slice %arg20[%dma_start3A_161, %dma_start3A_162] : memref<16x1024xi32, #tpu.memory_space<vmem>> -> memref<8x1024xi32, #tpu.memory_space<vmem>>
    %dma_start3A_164 = arith.constant 80 : i32
    %dma_start3A_165 = tpu.memref_slice %arg17[%dma_start3A_164] : memref<192xi32, #tpu.memory_space<vmem>> -> memref<8xi32, #tpu.memory_space<vmem>>
    %dma_start3A_166 = arith.constant 0 : i32
    %dma_start3A_167 = arith.constant 0 : i32
    %dma_start3A_168 = tpu.memref_slice %arg4[%dma_start3A_166, %dma_start3A_167] : memref<2048x1024xi32, #tpu.memory_space<hbm>> -> memref<2048x1024xi32, #tpu.memory_space<hbm>>
    tpu.enqueue_indirect_dma source(%dma_start3A_168 : memref<2048x1024xi32, #tpu.memory_space<hbm>>) target(%dma_start3A_163 : memref<8x1024xi32, #tpu.memory_space<vmem>>) offsets(%dma_start3A_165 : memref<8xi32, #tpu.memory_space<vmem>>) semaphore(%arg23 : memref<!tpu.dma_semaphore, #tpu.memory_space<semaphore_mem>>)
    %dma_start3A_169 = arith.constant 8 : i32
    %dma_start3A_170 = arith.constant 0 : i32
    %dma_start3A_171 = tpu.memref_slice %arg20[%dma_start3A_169, %dma_start3A_170] : memref<16x1024xi32, #tpu.memory_space<vmem>> -> memref<8x1024xi32, #tpu.memory_space<vmem>>
    %dma_start3A_172 = arith.constant 88 : i32
    %dma_start3A_173 = tpu.memref_slice %arg17[%dma_start3A_172] : memref<192xi32, #tpu.memory_space<vmem>> -> memref<8xi32, #tpu.memory_space<vmem>>
    %dma_start3A_174 = arith.constant 0 : i32
    %dma_start3A_175 = arith.constant 0 : i32
    %dma_start3A_176 = tpu.memref_slice %arg4[%dma_start3A_174, %dma_start3A_175] : memref<2048x1024xi32, #tpu.memory_space<hbm>> -> memref<2048x1024xi32, #tpu.memory_space<hbm>>
    tpu.enqueue_indirect_dma source(%dma_start3A_176 : memref<2048x1024xi32, #tpu.memory_space<hbm>>) target(%dma_start3A_171 : memref<8x1024xi32, #tpu.memory_space<vmem>>) offsets(%dma_start3A_173 : memref<8xi32, #tpu.memory_space<vmem>>) semaphore(%arg26 : memref<!tpu.dma_semaphore, #tpu.memory_space<semaphore_mem>>)
    %dma_wait3A_177 = arith.constant 0 : i32
    %dma_wait3A_178 = arith.constant 0 : i32
    %dma_wait3A_179 = tpu.memref_slice %arg18[%dma_wait3A_177, %dma_wait3A_178] : memref<16x1024xi32, #tpu.memory_space<vmem>> -> memref<8x1024xi32, #tpu.memory_space<vmem>>
    %dma_wait3A_180 = arith.constant 48 : i32
    %dma_wait3A_181 = tpu.memref_slice %arg17[%dma_wait3A_180] : memref<192xi32, #tpu.memory_space<vmem>> -> memref<8xi32, #tpu.memory_space<vmem>>
    %dma_wait3A_182 = arith.constant 0 : i32
    %dma_wait3A_183 = arith.constant 0 : i32
    %dma_wait3A_184 = tpu.memref_slice %arg4[%dma_wait3A_182, %dma_wait3A_183] : memref<2048x1024xi32, #tpu.memory_space<hbm>> -> memref<2048x1024xi32, #tpu.memory_space<hbm>>
    tpu.wait_indirect_dma semaphore(%arg21 : memref<!tpu.dma_semaphore, #tpu.memory_space<semaphore_mem>>) src(%dma_wait3A_184 : memref<2048x1024xi32, #tpu.memory_space<hbm>>) dst(%dma_wait3A_179 : memref<8x1024xi32, #tpu.memory_space<vmem>>)
    %dma_wait3A_185 = arith.constant 8 : i32
    %dma_wait3A_186 = arith.constant 0 : i32
    %dma_wait3A_187 = tpu.memref_slice %arg18[%dma_wait3A_185, %dma_wait3A_186] : memref<16x1024xi32, #tpu.memory_space<vmem>> -> memref<8x1024xi32, #tpu.memory_space<vmem>>
    %dma_wait3A_188 = arith.constant 56 : i32
    %dma_wait3A_189 = tpu.memref_slice %arg17[%dma_wait3A_188] : memref<192xi32, #tpu.memory_space<vmem>> -> memref<8xi32, #tpu.memory_space<vmem>>
    %dma_wait3A_190 = arith.constant 0 : i32
    %dma_wait3A_191 = arith.constant 0 : i32
    %dma_wait3A_192 = tpu.memref_slice %arg4[%dma_wait3A_190, %dma_wait3A_191] : memref<2048x1024xi32, #tpu.memory_space<hbm>> -> memref<2048x1024xi32, #tpu.memory_space<hbm>>
    tpu.wait_indirect_dma semaphore(%arg24 : memref<!tpu.dma_semaphore, #tpu.memory_space<semaphore_mem>>) src(%dma_wait3A_192 : memref<2048x1024xi32, #tpu.memory_space<hbm>>) dst(%dma_wait3A_187 : memref<8x1024xi32, #tpu.memory_space<vmem>>)
    %add3A_193 = arith.constant 48 : i32
    %add3A_194 = arith.addi %add3A, %add3A_193 : i32
    %dma_start3A_195 = arith.constant 0 : i32
    %dma_start3A_196 = tpu.memref_slice %arg8[%add3A_194, %dma_start3A_195] : memref<6144x1024xi32, #tpu.memory_space<hbm>> -> memref<16x1024xi32, #tpu.memory_space<hbm>>
    %dma_start3A_197 = arith.constant 0 : i32
    %dma_start3A_198 = tpu.memref_slice %arg8[%add3A_194, %dma_start3A_197] : memref<6144x1024xi32, #tpu.memory_space<hbm>> -> memref<16x1024xi32, #tpu.memory_space<hbm>>
    tpu.enqueue_dma source(%arg18 : memref<16x1024xi32, #tpu.memory_space<vmem>>) target(%dma_start3A_198 : memref<16x1024xi32, #tpu.memory_space<hbm>>) target_semaphore(%arg27 : memref<!tpu.dma_semaphore, #tpu.memory_space<semaphore_mem>>)
    %dma_wait3A_199 = arith.constant 0 : i32
    %dma_wait3A_200 = tpu.memref_slice %arg8[%add3A_194, %dma_wait3A_199] : memref<6144x1024xi32, #tpu.memory_space<hbm>> -> memref<16x1024xi32, #tpu.memory_space<hbm>>
    %dma_wait3A_201 = arith.constant 0 : i32
    %dma_wait3A_202 = tpu.memref_slice %arg8[%add3A_194, %dma_wait3A_201] : memref<6144x1024xi32, #tpu.memory_space<hbm>> -> memref<16x1024xi32, #tpu.memory_space<hbm>>
    tpu.wait_dma2 semaphore(%arg27 : memref<!tpu.dma_semaphore, #tpu.memory_space<semaphore_mem>>) src(%arg18 : memref<16x1024xi32, #tpu.memory_space<vmem>>) dst(%dma_wait3A_202 : memref<16x1024xi32, #tpu.memory_space<hbm>>)
    %dma_start3A_203 = arith.constant 0 : i32
    %dma_start3A_204 = arith.constant 0 : i32
    %dma_start3A_205 = tpu.memref_slice %arg18[%dma_start3A_203, %dma_start3A_204] : memref<16x1024xi32, #tpu.memory_space<vmem>> -> memref<8x1024xi32, #tpu.memory_space<vmem>>
    %dma_start3A_206 = arith.constant 96 : i32
    %dma_start3A_207 = tpu.memref_slice %arg17[%dma_start3A_206] : memref<192xi32, #tpu.memory_space<vmem>> -> memref<8xi32, #tpu.memory_space<vmem>>
    %dma_start3A_208 = arith.constant 0 : i32
    %dma_start3A_209 = arith.constant 0 : i32
    %dma_start3A_210 = tpu.memref_slice %arg4[%dma_start3A_208, %dma_start3A_209] : memref<2048x1024xi32, #tpu.memory_space<hbm>> -> memref<2048x1024xi32, #tpu.memory_space<hbm>>
    tpu.enqueue_indirect_dma source(%dma_start3A_210 : memref<2048x1024xi32, #tpu.memory_space<hbm>>) target(%dma_start3A_205 : memref<8x1024xi32, #tpu.memory_space<vmem>>) offsets(%dma_start3A_207 : memref<8xi32, #tpu.memory_space<vmem>>) semaphore(%arg21 : memref<!tpu.dma_semaphore, #tpu.memory_space<semaphore_mem>>)
    %dma_start3A_211 = arith.constant 8 : i32
    %dma_start3A_212 = arith.constant 0 : i32
    %dma_start3A_213 = tpu.memref_slice %arg18[%dma_start3A_211, %dma_start3A_212] : memref<16x1024xi32, #tpu.memory_space<vmem>> -> memref<8x1024xi32, #tpu.memory_space<vmem>>
    %dma_start3A_214 = arith.constant 104 : i32
    %dma_start3A_215 = tpu.memref_slice %arg17[%dma_start3A_214] : memref<192xi32, #tpu.memory_space<vmem>> -> memref<8xi32, #tpu.memory_space<vmem>>
    %dma_start3A_216 = arith.constant 0 : i32
    %dma_start3A_217 = arith.constant 0 : i32
    %dma_start3A_218 = tpu.memref_slice %arg4[%dma_start3A_216, %dma_start3A_217] : memref<2048x1024xi32, #tpu.memory_space<hbm>> -> memref<2048x1024xi32, #tpu.memory_space<hbm>>
    tpu.enqueue_indirect_dma source(%dma_start3A_218 : memref<2048x1024xi32, #tpu.memory_space<hbm>>) target(%dma_start3A_213 : memref<8x1024xi32, #tpu.memory_space<vmem>>) offsets(%dma_start3A_215 : memref<8xi32, #tpu.memory_space<vmem>>) semaphore(%arg24 : memref<!tpu.dma_semaphore, #tpu.memory_space<semaphore_mem>>)
    %dma_wait3A_219 = arith.constant 0 : i32
    %dma_wait3A_220 = arith.constant 0 : i32
    %dma_wait3A_221 = tpu.memref_slice %arg19[%dma_wait3A_219, %dma_wait3A_220] : memref<16x1024xi32, #tpu.memory_space<vmem>> -> memref<8x1024xi32, #tpu.memory_space<vmem>>
    %dma_wait3A_222 = arith.constant 64 : i32
    %dma_wait3A_223 = tpu.memref_slice %arg17[%dma_wait3A_222] : memref<192xi32, #tpu.memory_space<vmem>> -> memref<8xi32, #tpu.memory_space<vmem>>
    %dma_wait3A_224 = arith.constant 0 : i32
    %dma_wait3A_225 = arith.constant 0 : i32
    %dma_wait3A_226 = tpu.memref_slice %arg4[%dma_wait3A_224, %dma_wait3A_225] : memref<2048x1024xi32, #tpu.memory_space<hbm>> -> memref<2048x1024xi32, #tpu.memory_space<hbm>>
    tpu.wait_indirect_dma semaphore(%arg22 : memref<!tpu.dma_semaphore, #tpu.memory_space<semaphore_mem>>) src(%dma_wait3A_226 : memref<2048x1024xi32, #tpu.memory_space<hbm>>) dst(%dma_wait3A_221 : memref<8x1024xi32, #tpu.memory_space<vmem>>)
    %dma_wait3A_227 = arith.constant 8 : i32
    %dma_wait3A_228 = arith.constant 0 : i32
    %dma_wait3A_229 = tpu.memref_slice %arg19[%dma_wait3A_227, %dma_wait3A_228] : memref<16x1024xi32, #tpu.memory_space<vmem>> -> memref<8x1024xi32, #tpu.memory_space<vmem>>
    %dma_wait3A_230 = arith.constant 72 : i32
    %dma_wait3A_231 = tpu.memref_slice %arg17[%dma_wait3A_230] : memref<192xi32, #tpu.memory_space<vmem>> -> memref<8xi32, #tpu.memory_space<vmem>>
    %dma_wait3A_232 = arith.constant 0 : i32
    %dma_wait3A_233 = arith.constant 0 : i32
    %dma_wait3A_234 = tpu.memref_slice %arg4[%dma_wait3A_232, %dma_wait3A_233] : memref<2048x1024xi32, #tpu.memory_space<hbm>> -> memref<2048x1024xi32, #tpu.memory_space<hbm>>
    tpu.wait_indirect_dma semaphore(%arg25 : memref<!tpu.dma_semaphore, #tpu.memory_space<semaphore_mem>>) src(%dma_wait3A_234 : memref<2048x1024xi32, #tpu.memory_space<hbm>>) dst(%dma_wait3A_229 : memref<8x1024xi32, #tpu.memory_space<vmem>>)
    %add3A_235 = arith.constant 64 : i32
    %add3A_236 = arith.addi %add3A, %add3A_235 : i32
    %dma_start3A_237 = arith.constant 0 : i32
    %dma_start3A_238 = tpu.memref_slice %arg8[%add3A_236, %dma_start3A_237] : memref<6144x1024xi32, #tpu.memory_space<hbm>> -> memref<16x1024xi32, #tpu.memory_space<hbm>>
    %dma_start3A_239 = arith.constant 0 : i32
    %dma_start3A_240 = tpu.memref_slice %arg8[%add3A_236, %dma_start3A_239] : memref<6144x1024xi32, #tpu.memory_space<hbm>> -> memref<16x1024xi32, #tpu.memory_space<hbm>>
    tpu.enqueue_dma source(%arg19 : memref<16x1024xi32, #tpu.memory_space<vmem>>) target(%dma_start3A_240 : memref<16x1024xi32, #tpu.memory_space<hbm>>) target_semaphore(%arg28 : memref<!tpu.dma_semaphore, #tpu.memory_space<semaphore_mem>>)
    %dma_wait3A_241 = arith.constant 0 : i32
    %dma_wait3A_242 = tpu.memref_slice %arg8[%add3A_236, %dma_wait3A_241] : memref<6144x1024xi32, #tpu.memory_space<hbm>> -> memref<16x1024xi32, #tpu.memory_space<hbm>>
    %dma_wait3A_243 = arith.constant 0 : i32
    %dma_wait3A_244 = tpu.memref_slice %arg8[%add3A_236, %dma_wait3A_243] : memref<6144x1024xi32, #tpu.memory_space<hbm>> -> memref<16x1024xi32, #tpu.memory_space<hbm>>
    tpu.wait_dma2 semaphore(%arg28 : memref<!tpu.dma_semaphore, #tpu.memory_space<semaphore_mem>>) src(%arg19 : memref<16x1024xi32, #tpu.memory_space<vmem>>) dst(%dma_wait3A_244 : memref<16x1024xi32, #tpu.memory_space<hbm>>)
    %dma_start3A_245 = arith.constant 0 : i32
    %dma_start3A_246 = arith.constant 0 : i32
    %dma_start3A_247 = tpu.memref_slice %arg19[%dma_start3A_245, %dma_start3A_246] : memref<16x1024xi32, #tpu.memory_space<vmem>> -> memref<8x1024xi32, #tpu.memory_space<vmem>>
    %dma_start3A_248 = arith.constant 112 : i32
    %dma_start3A_249 = tpu.memref_slice %arg17[%dma_start3A_248] : memref<192xi32, #tpu.memory_space<vmem>> -> memref<8xi32, #tpu.memory_space<vmem>>
    %dma_start3A_250 = arith.constant 0 : i32
    %dma_start3A_251 = arith.constant 0 : i32
    %dma_start3A_252 = tpu.memref_slice %arg4[%dma_start3A_250, %dma_start3A_251] : memref<2048x1024xi32, #tpu.memory_space<hbm>> -> memref<2048x1024xi32, #tpu.memory_space<hbm>>
    tpu.enqueue_indirect_dma source(%dma_start3A_252 : memref<2048x1024xi32, #tpu.memory_space<hbm>>) target(%dma_start3A_247 : memref<8x1024xi32, #tpu.memory_space<vmem>>) offsets(%dma_start3A_249 : memref<8xi32, #tpu.memory_space<vmem>>) semaphore(%arg22 : memref<!tpu.dma_semaphore, #tpu.memory_space<semaphore_mem>>)
    %dma_start3A_253 = arith.constant 8 : i32
    %dma_start3A_254 = arith.constant 0 : i32
    %dma_start3A_255 = tpu.memref_slice %arg19[%dma_start3A_253, %dma_start3A_254] : memref<16x1024xi32, #tpu.memory_space<vmem>> -> memref<8x1024xi32, #tpu.memory_space<vmem>>
    %dma_start3A_256 = arith.constant 120 : i32
    %dma_start3A_257 = tpu.memref_slice %arg17[%dma_start3A_256] : memref<192xi32, #tpu.memory_space<vmem>> -> memref<8xi32, #tpu.memory_space<vmem>>
    %dma_start3A_258 = arith.constant 0 : i32
    %dma_start3A_259 = arith.constant 0 : i32
    %dma_start3A_260 = tpu.memref_slice %arg4[%dma_start3A_258, %dma_start3A_259] : memref<2048x1024xi32, #tpu.memory_space<hbm>> -> memref<2048x1024xi32, #tpu.memory_space<hbm>>
    tpu.enqueue_indirect_dma source(%dma_start3A_260 : memref<2048x1024xi32, #tpu.memory_space<hbm>>) target(%dma_start3A_255 : memref<8x1024xi32, #tpu.memory_space<vmem>>) offsets(%dma_start3A_257 : memref<8xi32, #tpu.memory_space<vmem>>) semaphore(%arg25 : memref<!tpu.dma_semaphore, #tpu.memory_space<semaphore_mem>>)
    %dma_wait3A_261 = arith.constant 0 : i32
    %dma_wait3A_262 = arith.constant 0 : i32
    %dma_wait3A_263 = tpu.memref_slice %arg20[%dma_wait3A_261, %dma_wait3A_262] : memref<16x1024xi32, #tpu.memory_space<vmem>> -> memref<8x1024xi32, #tpu.memory_space<vmem>>
    %dma_wait3A_264 = arith.constant 80 : i32
    %dma_wait3A_265 = tpu.memref_slice %arg17[%dma_wait3A_264] : memref<192xi32, #tpu.memory_space<vmem>> -> memref<8xi32, #tpu.memory_space<vmem>>
    %dma_wait3A_266 = arith.constant 0 : i32
    %dma_wait3A_267 = arith.constant 0 : i32
    %dma_wait3A_268 = tpu.memref_slice %arg4[%dma_wait3A_266, %dma_wait3A_267] : memref<2048x1024xi32, #tpu.memory_space<hbm>> -> memref<2048x1024xi32, #tpu.memory_space<hbm>>
    tpu.wait_indirect_dma semaphore(%arg23 : memref<!tpu.dma_semaphore, #tpu.memory_space<semaphore_mem>>) src(%dma_wait3A_268 : memref<2048x1024xi32, #tpu.memory_space<hbm>>) dst(%dma_wait3A_263 : memref<8x1024xi32, #tpu.memory_space<vmem>>)
    %dma_wait3A_269 = arith.constant 8 : i32
    %dma_wait3A_270 = arith.constant 0 : i32
    %dma_wait3A_271 = tpu.memref_slice %arg20[%dma_wait3A_269, %dma_wait3A_270] : memref<16x1024xi32, #tpu.memory_space<vmem>> -> memref<8x1024xi32, #tpu.memory_space<vmem>>
    %dma_wait3A_272 = arith.constant 88 : i32
    %dma_wait3A_273 = tpu.memref_slice %arg17[%dma_wait3A_272] : memref<192xi32, #tpu.memory_space<vmem>> -> memref<8xi32, #tpu.memory_space<vmem>>
    %dma_wait3A_274 = arith.constant 0 : i32
    %dma_wait3A_275 = arith.constant 0 : i32
    %dma_wait3A_276 = tpu.memref_slice %arg4[%dma_wait3A_274, %dma_wait3A_275] : memref<2048x1024xi32, #tpu.memory_space<hbm>> -> memref<2048x1024xi32, #tpu.memory_space<hbm>>
    tpu.wait_indirect_dma semaphore(%arg26 : memref<!tpu.dma_semaphore, #tpu.memory_space<semaphore_mem>>) src(%dma_wait3A_276 : memref<2048x1024xi32, #tpu.memory_space<hbm>>) dst(%dma_wait3A_271 : memref<8x1024xi32, #tpu.memory_space<vmem>>)
    %add3A_277 = arith.constant 80 : i32
    %add3A_278 = arith.addi %add3A, %add3A_277 : i32
    %dma_start3A_279 = arith.constant 0 : i32
    %dma_start3A_280 = tpu.memref_slice %arg8[%add3A_278, %dma_start3A_279] : memref<6144x1024xi32, #tpu.memory_space<hbm>> -> memref<16x1024xi32, #tpu.memory_space<hbm>>
    %dma_start3A_281 = arith.constant 0 : i32
    %dma_start3A_282 = tpu.memref_slice %arg8[%add3A_278, %dma_start3A_281] : memref<6144x1024xi32, #tpu.memory_space<hbm>> -> memref<16x1024xi32, #tpu.memory_space<hbm>>
    tpu.enqueue_dma source(%arg20 : memref<16x1024xi32, #tpu.memory_space<vmem>>) target(%dma_start3A_282 : memref<16x1024xi32, #tpu.memory_space<hbm>>) target_semaphore(%arg29 : memref<!tpu.dma_semaphore, #tpu.memory_space<semaphore_mem>>)
    %dma_wait3A_283 = arith.constant 0 : i32
    %dma_wait3A_284 = tpu.memref_slice %arg8[%add3A_278, %dma_wait3A_283] : memref<6144x1024xi32, #tpu.memory_space<hbm>> -> memref<16x1024xi32, #tpu.memory_space<hbm>>
    %dma_wait3A_285 = arith.constant 0 : i32
    %dma_wait3A_286 = tpu.memref_slice %arg8[%add3A_278, %dma_wait3A_285] : memref<6144x1024xi32, #tpu.memory_space<hbm>> -> memref<16x1024xi32, #tpu.memory_space<hbm>>
    tpu.wait_dma2 semaphore(%arg29 : memref<!tpu.dma_semaphore, #tpu.memory_space<semaphore_mem>>) src(%arg20 : memref<16x1024xi32, #tpu.memory_space<vmem>>) dst(%dma_wait3A_286 : memref<16x1024xi32, #tpu.memory_space<hbm>>)
    %dma_start3A_287 = arith.constant 0 : i32
    %dma_start3A_288 = arith.constant 0 : i32
    %dma_start3A_289 = tpu.memref_slice %arg20[%dma_start3A_287, %dma_start3A_288] : memref<16x1024xi32, #tpu.memory_space<vmem>> -> memref<8x1024xi32, #tpu.memory_space<vmem>>
    %dma_start3A_290 = arith.constant 128 : i32
    %dma_start3A_291 = tpu.memref_slice %arg17[%dma_start3A_290] : memref<192xi32, #tpu.memory_space<vmem>> -> memref<8xi32, #tpu.memory_space<vmem>>
    %dma_start3A_292 = arith.constant 0 : i32
    %dma_start3A_293 = arith.constant 0 : i32
    %dma_start3A_294 = tpu.memref_slice %arg4[%dma_start3A_292, %dma_start3A_293] : memref<2048x1024xi32, #tpu.memory_space<hbm>> -> memref<2048x1024xi32, #tpu.memory_space<hbm>>
    tpu.enqueue_indirect_dma source(%dma_start3A_294 : memref<2048x1024xi32, #tpu.memory_space<hbm>>) target(%dma_start3A_289 : memref<8x1024xi32, #tpu.memory_space<vmem>>) offsets(%dma_start3A_291 : memref<8xi32, #tpu.memory_space<vmem>>) semaphore(%arg23 : memref<!tpu.dma_semaphore, #tpu.memory_space<semaphore_mem>>)
    %dma_start3A_295 = arith.constant 8 : i32
    %dma_start3A_296 = arith.constant 0 : i32
    %dma_start3A_297 = tpu.memref_slice %arg20[%dma_start3A_295, %dma_start3A_296] : memref<16x1024xi32, #tpu.memory_space<vmem>> -> memref<8x1024xi32, #tpu.memory_space<vmem>>
    %dma_start3A_298 = arith.constant 136 : i32
    %dma_start3A_299 = tpu.memref_slice %arg17[%dma_start3A_298] : memref<192xi32, #tpu.memory_space<vmem>> -> memref<8xi32, #tpu.memory_space<vmem>>
    %dma_start3A_300 = arith.constant 0 : i32
    %dma_start3A_301 = arith.constant 0 : i32
    %dma_start3A_302 = tpu.memref_slice %arg4[%dma_start3A_300, %dma_start3A_301] : memref<2048x1024xi32, #tpu.memory_space<hbm>> -> memref<2048x1024xi32, #tpu.memory_space<hbm>>
    tpu.enqueue_indirect_dma source(%dma_start3A_302 : memref<2048x1024xi32, #tpu.memory_space<hbm>>) target(%dma_start3A_297 : memref<8x1024xi32, #tpu.memory_space<vmem>>) offsets(%dma_start3A_299 : memref<8xi32, #tpu.memory_space<vmem>>) semaphore(%arg26 : memref<!tpu.dma_semaphore, #tpu.memory_space<semaphore_mem>>)
    %dma_wait3A_303 = arith.constant 0 : i32
    %dma_wait3A_304 = arith.constant 0 : i32
    %dma_wait3A_305 = tpu.memref_slice %arg18[%dma_wait3A_303, %dma_wait3A_304] : memref<16x1024xi32, #tpu.memory_space<vmem>> -> memref<8x1024xi32, #tpu.memory_space<vmem>>
    %dma_wait3A_306 = arith.constant 96 : i32
    %dma_wait3A_307 = tpu.memref_slice %arg17[%dma_wait3A_306] : memref<192xi32, #tpu.memory_space<vmem>> -> memref<8xi32, #tpu.memory_space<vmem>>
    %dma_wait3A_308 = arith.constant 0 : i32
    %dma_wait3A_309 = arith.constant 0 : i32
    %dma_wait3A_310 = tpu.memref_slice %arg4[%dma_wait3A_308, %dma_wait3A_309] : memref<2048x1024xi32, #tpu.memory_space<hbm>> -> memref<2048x1024xi32, #tpu.memory_space<hbm>>
    tpu.wait_indirect_dma semaphore(%arg21 : memref<!tpu.dma_semaphore, #tpu.memory_space<semaphore_mem>>) src(%dma_wait3A_310 : memref<2048x1024xi32, #tpu.memory_space<hbm>>) dst(%dma_wait3A_305 : memref<8x1024xi32, #tpu.memory_space<vmem>>)
    %dma_wait3A_311 = arith.constant 8 : i32
    %dma_wait3A_312 = arith.constant 0 : i32
    %dma_wait3A_313 = tpu.memref_slice %arg18[%dma_wait3A_311, %dma_wait3A_312] : memref<16x1024xi32, #tpu.memory_space<vmem>> -> memref<8x1024xi32, #tpu.memory_space<vmem>>
    %dma_wait3A_314 = arith.constant 104 : i32
    %dma_wait3A_315 = tpu.memref_slice %arg17[%dma_wait3A_314] : memref<192xi32, #tpu.memory_space<vmem>> -> memref<8xi32, #tpu.memory_space<vmem>>
    %dma_wait3A_316 = arith.constant 0 : i32
    %dma_wait3A_317 = arith.constant 0 : i32
    %dma_wait3A_318 = tpu.memref_slice %arg4[%dma_wait3A_316, %dma_wait3A_317] : memref<2048x1024xi32, #tpu.memory_space<hbm>> -> memref<2048x1024xi32, #tpu.memory_space<hbm>>
    tpu.wait_indirect_dma semaphore(%arg24 : memref<!tpu.dma_semaphore, #tpu.memory_space<semaphore_mem>>) src(%dma_wait3A_318 : memref<2048x1024xi32, #tpu.memory_space<hbm>>) dst(%dma_wait3A_313 : memref<8x1024xi32, #tpu.memory_space<vmem>>)
    %add3A_319 = arith.constant 96 : i32
    %add3A_320 = arith.addi %add3A, %add3A_319 : i32
    %dma_start3A_321 = arith.constant 0 : i32
    %dma_start3A_322 = tpu.memref_slice %arg8[%add3A_320, %dma_start3A_321] : memref<6144x1024xi32, #tpu.memory_space<hbm>> -> memref<16x1024xi32, #tpu.memory_space<hbm>>
    %dma_start3A_323 = arith.constant 0 : i32
    %dma_start3A_324 = tpu.memref_slice %arg8[%add3A_320, %dma_start3A_323] : memref<6144x1024xi32, #tpu.memory_space<hbm>> -> memref<16x1024xi32, #tpu.memory_space<hbm>>
    tpu.enqueue_dma source(%arg18 : memref<16x1024xi32, #tpu.memory_space<vmem>>) target(%dma_start3A_324 : memref<16x1024xi32, #tpu.memory_space<hbm>>) target_semaphore(%arg27 : memref<!tpu.dma_semaphore, #tpu.memory_space<semaphore_mem>>)
    %dma_wait3A_325 = arith.constant 0 : i32
    %dma_wait3A_326 = tpu.memref_slice %arg8[%add3A_320, %dma_wait3A_325] : memref<6144x1024xi32, #tpu.memory_space<hbm>> -> memref<16x1024xi32, #tpu.memory_space<hbm>>
    %dma_wait3A_327 = arith.constant 0 : i32
    %dma_wait3A_328 = tpu.memref_slice %arg8[%add3A_320, %dma_wait3A_327] : memref<6144x1024xi32, #tpu.memory_space<hbm>> -> memref<16x1024xi32, #tpu.memory_space<hbm>>
    tpu.wait_dma2 semaphore(%arg27 : memref<!tpu.dma_semaphore, #tpu.memory_space<semaphore_mem>>) src(%arg18 : memref<16x1024xi32, #tpu.memory_space<vmem>>) dst(%dma_wait3A_328 : memref<16x1024xi32, #tpu.memory_space<hbm>>)
    %dma_start3A_329 = arith.constant 0 : i32
    %dma_start3A_330 = arith.constant 0 : i32
    %dma_start3A_331 = tpu.memref_slice %arg18[%dma_start3A_329, %dma_start3A_330] : memref<16x1024xi32, #tpu.memory_space<vmem>> -> memref<8x1024xi32, #tpu.memory_space<vmem>>
    %dma_start3A_332 = arith.constant 144 : i32
    %dma_start3A_333 = tpu.memref_slice %arg17[%dma_start3A_332] : memref<192xi32, #tpu.memory_space<vmem>> -> memref<8xi32, #tpu.memory_space<vmem>>
    %dma_start3A_334 = arith.constant 0 : i32
    %dma_start3A_335 = arith.constant 0 : i32
    %dma_start3A_336 = tpu.memref_slice %arg4[%dma_start3A_334, %dma_start3A_335] : memref<2048x1024xi32, #tpu.memory_space<hbm>> -> memref<2048x1024xi32, #tpu.memory_space<hbm>>
    tpu.enqueue_indirect_dma source(%dma_start3A_336 : memref<2048x1024xi32, #tpu.memory_space<hbm>>) target(%dma_start3A_331 : memref<8x1024xi32, #tpu.memory_space<vmem>>) offsets(%dma_start3A_333 : memref<8xi32, #tpu.memory_space<vmem>>) semaphore(%arg21 : memref<!tpu.dma_semaphore, #tpu.memory_space<semaphore_mem>>)
    %dma_start3A_337 = arith.constant 8 : i32
    %dma_start3A_338 = arith.constant 0 : i32
    %dma_start3A_339 = tpu.memref_slice %arg18[%dma_start3A_337, %dma_start3A_338] : memref<16x1024xi32, #tpu.memory_space<vmem>> -> memref<8x1024xi32, #tpu.memory_space<vmem>>
    %dma_start3A_340 = arith.constant 152 : i32
    %dma_start3A_341 = tpu.memref_slice %arg17[%dma_start3A_340] : memref<192xi32, #tpu.memory_space<vmem>> -> memref<8xi32, #tpu.memory_space<vmem>>
    %dma_start3A_342 = arith.constant 0 : i32
    %dma_start3A_343 = arith.constant 0 : i32
    %dma_start3A_344 = tpu.memref_slice %arg4[%dma_start3A_342, %dma_start3A_343] : memref<2048x1024xi32, #tpu.memory_space<hbm>> -> memref<2048x1024xi32, #tpu.memory_space<hbm>>
    tpu.enqueue_indirect_dma source(%dma_start3A_344 : memref<2048x1024xi32, #tpu.memory_space<hbm>>) target(%dma_start3A_339 : memref<8x1024xi32, #tpu.memory_space<vmem>>) offsets(%dma_start3A_341 : memref<8xi32, #tpu.memory_space<vmem>>) semaphore(%arg24 : memref<!tpu.dma_semaphore, #tpu.memory_space<semaphore_mem>>)
    %dma_wait3A_345 = arith.constant 0 : i32
    %dma_wait3A_346 = arith.constant 0 : i32
    %dma_wait3A_347 = tpu.memref_slice %arg19[%dma_wait3A_345, %dma_wait3A_346] : memref<16x1024xi32, #tpu.memory_space<vmem>> -> memref<8x1024xi32, #tpu.memory_space<vmem>>
    %dma_wait3A_348 = arith.constant 112 : i32
    %dma_wait3A_349 = tpu.memref_slice %arg17[%dma_wait3A_348] : memref<192xi32, #tpu.memory_space<vmem>> -> memref<8xi32, #tpu.memory_space<vmem>>
    %dma_wait3A_350 = arith.constant 0 : i32
    %dma_wait3A_351 = arith.constant 0 : i32
    %dma_wait3A_352 = tpu.memref_slice %arg4[%dma_wait3A_350, %dma_wait3A_351] : memref<2048x1024xi32, #tpu.memory_space<hbm>> -> memref<2048x1024xi32, #tpu.memory_space<hbm>>
    tpu.wait_indirect_dma semaphore(%arg22 : memref<!tpu.dma_semaphore, #tpu.memory_space<semaphore_mem>>) src(%dma_wait3A_352 : memref<2048x1024xi32, #tpu.memory_space<hbm>>) dst(%dma_wait3A_347 : memref<8x1024xi32, #tpu.memory_space<vmem>>)
    %dma_wait3A_353 = arith.constant 8 : i32
    %dma_wait3A_354 = arith.constant 0 : i32
    %dma_wait3A_355 = tpu.memref_slice %arg19[%dma_wait3A_353, %dma_wait3A_354] : memref<16x1024xi32, #tpu.memory_space<vmem>> -> memref<8x1024xi32, #tpu.memory_space<vmem>>
    %dma_wait3A_356 = arith.constant 120 : i32
    %dma_wait3A_357 = tpu.memref_slice %arg17[%dma_wait3A_356] : memref<192xi32, #tpu.memory_space<vmem>> -> memref<8xi32, #tpu.memory_space<vmem>>
    %dma_wait3A_358 = arith.constant 0 : i32
    %dma_wait3A_359 = arith.constant 0 : i32
    %dma_wait3A_360 = tpu.memref_slice %arg4[%dma_wait3A_358, %dma_wait3A_359] : memref<2048x1024xi32, #tpu.memory_space<hbm>> -> memref<2048x1024xi32, #tpu.memory_space<hbm>>
    tpu.wait_indirect_dma semaphore(%arg25 : memref<!tpu.dma_semaphore, #tpu.memory_space<semaphore_mem>>) src(%dma_wait3A_360 : memref<2048x1024xi32, #tpu.memory_space<hbm>>) dst(%dma_wait3A_355 : memref<8x1024xi32, #tpu.memory_space<vmem>>)
    %add3A_361 = arith.constant 112 : i32
    %add3A_362 = arith.addi %add3A, %add3A_361 : i32
    %dma_start3A_363 = arith.constant 0 : i32
    %dma_start3A_364 = tpu.memref_slice %arg8[%add3A_362, %dma_start3A_363] : memref<6144x1024xi32, #tpu.memory_space<hbm>> -> memref<16x1024xi32, #tpu.memory_space<hbm>>
    %dma_start3A_365 = arith.constant 0 : i32
    %dma_start3A_366 = tpu.memref_slice %arg8[%add3A_362, %dma_start3A_365] : memref<6144x1024xi32, #tpu.memory_space<hbm>> -> memref<16x1024xi32, #tpu.memory_space<hbm>>
    tpu.enqueue_dma source(%arg19 : memref<16x1024xi32, #tpu.memory_space<vmem>>) target(%dma_start3A_366 : memref<16x1024xi32, #tpu.memory_space<hbm>>) target_semaphore(%arg28 : memref<!tpu.dma_semaphore, #tpu.memory_space<semaphore_mem>>)
    %dma_wait3A_367 = arith.constant 0 : i32
    %dma_wait3A_368 = tpu.memref_slice %arg8[%add3A_362, %dma_wait3A_367] : memref<6144x1024xi32, #tpu.memory_space<hbm>> -> memref<16x1024xi32, #tpu.memory_space<hbm>>
    %dma_wait3A_369 = arith.constant 0 : i32
    %dma_wait3A_370 = tpu.memref_slice %arg8[%add3A_362, %dma_wait3A_369] : memref<6144x1024xi32, #tpu.memory_space<hbm>> -> memref<16x1024xi32, #tpu.memory_space<hbm>>
    tpu.wait_dma2 semaphore(%arg28 : memref<!tpu.dma_semaphore, #tpu.memory_space<semaphore_mem>>) src(%arg19 : memref<16x1024xi32, #tpu.memory_space<vmem>>) dst(%dma_wait3A_370 : memref<16x1024xi32, #tpu.memory_space<hbm>>)
    %dma_start3A_371 = arith.constant 0 : i32
    %dma_start3A_372 = arith.constant 0 : i32
    %dma_start3A_373 = tpu.memref_slice %arg19[%dma_start3A_371, %dma_start3A_372] : memref<16x1024xi32, #tpu.memory_space<vmem>> -> memref<8x1024xi32, #tpu.memory_space<vmem>>
    %dma_start3A_374 = arith.constant 160 : i32
    %dma_start3A_375 = tpu.memref_slice %arg17[%dma_start3A_374] : memref<192xi32, #tpu.memory_space<vmem>> -> memref<8xi32, #tpu.memory_space<vmem>>
    %dma_start3A_376 = arith.constant 0 : i32
    %dma_start3A_377 = arith.constant 0 : i32
    %dma_start3A_378 = tpu.memref_slice %arg4[%dma_start3A_376, %dma_start3A_377] : memref<2048x1024xi32, #tpu.memory_space<hbm>> -> memref<2048x1024xi32, #tpu.memory_space<hbm>>
    tpu.enqueue_indirect_dma source(%dma_start3A_378 : memref<2048x1024xi32, #tpu.memory_space<hbm>>) target(%dma_start3A_373 : memref<8x1024xi32, #tpu.memory_space<vmem>>) offsets(%dma_start3A_375 : memref<8xi32, #tpu.memory_space<vmem>>) semaphore(%arg22 : memref<!tpu.dma_semaphore, #tpu.memory_space<semaphore_mem>>)
    %dma_start3A_379 = arith.constant 8 : i32
    %dma_start3A_380 = arith.constant 0 : i32
    %dma_start3A_381 = tpu.memref_slice %arg19[%dma_start3A_379, %dma_start3A_380] : memref<16x1024xi32, #tpu.memory_space<vmem>> -> memref<8x1024xi32, #tpu.memory_space<vmem>>
    %dma_start3A_382 = arith.constant 168 : i32
    %dma_start3A_383 = tpu.memref_slice %arg17[%dma_start3A_382] : memref<192xi32, #tpu.memory_space<vmem>> -> memref<8xi32, #tpu.memory_space<vmem>>
    %dma_start3A_384 = arith.constant 0 : i32
    %dma_start3A_385 = arith.constant 0 : i32
    %dma_start3A_386 = tpu.memref_slice %arg4[%dma_start3A_384, %dma_start3A_385] : memref<2048x1024xi32, #tpu.memory_space<hbm>> -> memref<2048x1024xi32, #tpu.memory_space<hbm>>
    tpu.enqueue_indirect_dma source(%dma_start3A_386 : memref<2048x1024xi32, #tpu.memory_space<hbm>>) target(%dma_start3A_381 : memref<8x1024xi32, #tpu.memory_space<vmem>>) offsets(%dma_start3A_383 : memref<8xi32, #tpu.memory_space<vmem>>) semaphore(%arg25 : memref<!tpu.dma_semaphore, #tpu.memory_space<semaphore_mem>>)
    %dma_wait3A_387 = arith.constant 0 : i32
    %dma_wait3A_388 = arith.constant 0 : i32
    %dma_wait3A_389 = tpu.memref_slice %arg20[%dma_wait3A_387, %dma_wait3A_388] : memref<16x1024xi32, #tpu.memory_space<vmem>> -> memref<8x1024xi32, #tpu.memory_space<vmem>>
    %dma_wait3A_390 = arith.constant 128 : i32
    %dma_wait3A_391 = tpu.memref_slice %arg17[%dma_wait3A_390] : memref<192xi32, #tpu.memory_space<vmem>> -> memref<8xi32, #tpu.memory_space<vmem>>
    %dma_wait3A_392 = arith.constant 0 : i32
    %dma_wait3A_393 = arith.constant 0 : i32
    %dma_wait3A_394 = tpu.memref_slice %arg4[%dma_wait3A_392, %dma_wait3A_393] : memref<2048x1024xi32, #tpu.memory_space<hbm>> -> memref<2048x1024xi32, #tpu.memory_space<hbm>>
    tpu.wait_indirect_dma semaphore(%arg23 : memref<!tpu.dma_semaphore, #tpu.memory_space<semaphore_mem>>) src(%dma_wait3A_394 : memref<2048x1024xi32, #tpu.memory_space<hbm>>) dst(%dma_wait3A_389 : memref<8x1024xi32, #tpu.memory_space<vmem>>)
    %dma_wait3A_395 = arith.constant 8 : i32
    %dma_wait3A_396 = arith.constant 0 : i32
    %dma_wait3A_397 = tpu.memref_slice %arg20[%dma_wait3A_395, %dma_wait3A_396] : memref<16x1024xi32, #tpu.memory_space<vmem>> -> memref<8x1024xi32, #tpu.memory_space<vmem>>
    %dma_wait3A_398 = arith.constant 136 : i32
    %dma_wait3A_399 = tpu.memref_slice %arg17[%dma_wait3A_398] : memref<192xi32, #tpu.memory_space<vmem>> -> memref<8xi32, #tpu.memory_space<vmem>>
    %dma_wait3A_400 = arith.constant 0 : i32
    %dma_wait3A_401 = arith.constant 0 : i32
    %dma_wait3A_402 = tpu.memref_slice %arg4[%dma_wait3A_400, %dma_wait3A_401] : memref<2048x1024xi32, #tpu.memory_space<hbm>> -> memref<2048x1024xi32, #tpu.memory_space<hbm>>
    tpu.wait_indirect_dma semaphore(%arg26 : memref<!tpu.dma_semaphore, #tpu.memory_space<semaphore_mem>>) src(%dma_wait3A_402 : memref<2048x1024xi32, #tpu.memory_space<hbm>>) dst(%dma_wait3A_397 : memref<8x1024xi32, #tpu.memory_space<vmem>>)
    %add3A_403 = arith.constant 128 : i32
    %add3A_404 = arith.addi %add3A, %add3A_403 : i32
    %dma_start3A_405 = arith.constant 0 : i32
    %dma_start3A_406 = tpu.memref_slice %arg8[%add3A_404, %dma_start3A_405] : memref<6144x1024xi32, #tpu.memory_space<hbm>> -> memref<16x1024xi32, #tpu.memory_space<hbm>>
    %dma_start3A_407 = arith.constant 0 : i32
    %dma_start3A_408 = tpu.memref_slice %arg8[%add3A_404, %dma_start3A_407] : memref<6144x1024xi32, #tpu.memory_space<hbm>> -> memref<16x1024xi32, #tpu.memory_space<hbm>>
    tpu.enqueue_dma source(%arg20 : memref<16x1024xi32, #tpu.memory_space<vmem>>) target(%dma_start3A_408 : memref<16x1024xi32, #tpu.memory_space<hbm>>) target_semaphore(%arg29 : memref<!tpu.dma_semaphore, #tpu.memory_space<semaphore_mem>>)
    %dma_wait3A_409 = arith.constant 0 : i32
    %dma_wait3A_410 = tpu.memref_slice %arg8[%add3A_404, %dma_wait3A_409] : memref<6144x1024xi32, #tpu.memory_space<hbm>> -> memref<16x1024xi32, #tpu.memory_space<hbm>>
    %dma_wait3A_411 = arith.constant 0 : i32
    %dma_wait3A_412 = tpu.memref_slice %arg8[%add3A_404, %dma_wait3A_411] : memref<6144x1024xi32, #tpu.memory_space<hbm>> -> memref<16x1024xi32, #tpu.memory_space<hbm>>
    tpu.wait_dma2 semaphore(%arg29 : memref<!tpu.dma_semaphore, #tpu.memory_space<semaphore_mem>>) src(%arg20 : memref<16x1024xi32, #tpu.memory_space<vmem>>) dst(%dma_wait3A_412 : memref<16x1024xi32, #tpu.memory_space<hbm>>)
    %dma_start3A_413 = arith.constant 0 : i32
    %dma_start3A_414 = arith.constant 0 : i32
    %dma_start3A_415 = tpu.memref_slice %arg20[%dma_start3A_413, %dma_start3A_414] : memref<16x1024xi32, #tpu.memory_space<vmem>> -> memref<8x1024xi32, #tpu.memory_space<vmem>>
    %dma_start3A_416 = arith.constant 176 : i32
    %dma_start3A_417 = tpu.memref_slice %arg17[%dma_start3A_416] : memref<192xi32, #tpu.memory_space<vmem>> -> memref<8xi32, #tpu.memory_space<vmem>>
    %dma_start3A_418 = arith.constant 0 : i32
    %dma_start3A_419 = arith.constant 0 : i32
    %dma_start3A_420 = tpu.memref_slice %arg4[%dma_start3A_418, %dma_start3A_419] : memref<2048x1024xi32, #tpu.memory_space<hbm>> -> memref<2048x1024xi32, #tpu.memory_space<hbm>>
    tpu.enqueue_indirect_dma source(%dma_start3A_420 : memref<2048x1024xi32, #tpu.memory_space<hbm>>) target(%dma_start3A_415 : memref<8x1024xi32, #tpu.memory_space<vmem>>) offsets(%dma_start3A_417 : memref<8xi32, #tpu.memory_space<vmem>>) semaphore(%arg23 : memref<!tpu.dma_semaphore, #tpu.memory_space<semaphore_mem>>)
    %dma_start3A_421 = arith.constant 8 : i32
    %dma_start3A_422 = arith.constant 0 : i32
    %dma_start3A_423 = tpu.memref_slice %arg20[%dma_start3A_421, %dma_start3A_422] : memref<16x1024xi32, #tpu.memory_space<vmem>> -> memref<8x1024xi32, #tpu.memory_space<vmem>>
    %dma_start3A_424 = arith.constant 184 : i32
    %dma_start3A_425 = tpu.memref_slice %arg17[%dma_start3A_424] : memref<192xi32, #tpu.memory_space<vmem>> -> memref<8xi32, #tpu.memory_space<vmem>>
    %dma_start3A_426 = arith.constant 0 : i32
    %dma_start3A_427 = arith.constant 0 : i32
    %dma_start3A_428 = tpu.memref_slice %arg4[%dma_start3A_426, %dma_start3A_427] : memref<2048x1024xi32, #tpu.memory_space<hbm>> -> memref<2048x1024xi32, #tpu.memory_space<hbm>>
    tpu.enqueue_indirect_dma source(%dma_start3A_428 : memref<2048x1024xi32, #tpu.memory_space<hbm>>) target(%dma_start3A_423 : memref<8x1024xi32, #tpu.memory_space<vmem>>) offsets(%dma_start3A_425 : memref<8xi32, #tpu.memory_space<vmem>>) semaphore(%arg26 : memref<!tpu.dma_semaphore, #tpu.memory_space<semaphore_mem>>)
    %dma_wait3A_429 = arith.constant 0 : i32
    %dma_wait3A_430 = arith.constant 0 : i32
    %dma_wait3A_431 = tpu.memref_slice %arg18[%dma_wait3A_429, %dma_wait3A_430] : memref<16x1024xi32, #tpu.memory_space<vmem>> -> memref<8x1024xi32, #tpu.memory_space<vmem>>
    %dma_wait3A_432 = arith.constant 144 : i32
    %dma_wait3A_433 = tpu.memref_slice %arg17[%dma_wait3A_432] : memref<192xi32, #tpu.memory_space<vmem>> -> memref<8xi32, #tpu.memory_space<vmem>>
    %dma_wait3A_434 = arith.constant 0 : i32
    %dma_wait3A_435 = arith.constant 0 : i32
    %dma_wait3A_436 = tpu.memref_slice %arg4[%dma_wait3A_434, %dma_wait3A_435] : memref<2048x1024xi32, #tpu.memory_space<hbm>> -> memref<2048x1024xi32, #tpu.memory_space<hbm>>
    tpu.wait_indirect_dma semaphore(%arg21 : memref<!tpu.dma_semaphore, #tpu.memory_space<semaphore_mem>>) src(%dma_wait3A_436 : memref<2048x1024xi32, #tpu.memory_space<hbm>>) dst(%dma_wait3A_431 : memref<8x1024xi32, #tpu.memory_space<vmem>>)
    %dma_wait3A_437 = arith.constant 8 : i32
    %dma_wait3A_438 = arith.constant 0 : i32
    %dma_wait3A_439 = tpu.memref_slice %arg18[%dma_wait3A_437, %dma_wait3A_438] : memref<16x1024xi32, #tpu.memory_space<vmem>> -> memref<8x1024xi32, #tpu.memory_space<vmem>>
    %dma_wait3A_440 = arith.constant 152 : i32
    %dma_wait3A_441 = tpu.memref_slice %arg17[%dma_wait3A_440] : memref<192xi32, #tpu.memory_space<vmem>> -> memref<8xi32, #tpu.memory_space<vmem>>
    %dma_wait3A_442 = arith.constant 0 : i32
    %dma_wait3A_443 = arith.constant 0 : i32
    %dma_wait3A_444 = tpu.memref_slice %arg4[%dma_wait3A_442, %dma_wait3A_443] : memref<2048x1024xi32, #tpu.memory_space<hbm>> -> memref<2048x1024xi32, #tpu.memory_space<hbm>>
    tpu.wait_indirect_dma semaphore(%arg24 : memref<!tpu.dma_semaphore, #tpu.memory_space<semaphore_mem>>) src(%dma_wait3A_444 : memref<2048x1024xi32, #tpu.memory_space<hbm>>) dst(%dma_wait3A_439 : memref<8x1024xi32, #tpu.memory_space<vmem>>)
    %add3A_445 = arith.constant 144 : i32
    %add3A_446 = arith.addi %add3A, %add3A_445 : i32
    %dma_start3A_447 = arith.constant 0 : i32
    %dma_start3A_448 = tpu.memref_slice %arg8[%add3A_446, %dma_start3A_447] : memref<6144x1024xi32, #tpu.memory_space<hbm>> -> memref<16x1024xi32, #tpu.memory_space<hbm>>
    %dma_start3A_449 = arith.constant 0 : i32
    %dma_start3A_450 = tpu.memref_slice %arg8[%add3A_446, %dma_start3A_449] : memref<6144x1024xi32, #tpu.memory_space<hbm>> -> memref<16x1024xi32, #tpu.memory_space<hbm>>
    tpu.enqueue_dma source(%arg18 : memref<16x1024xi32, #tpu.memory_space<vmem>>) target(%dma_start3A_450 : memref<16x1024xi32, #tpu.memory_space<hbm>>) target_semaphore(%arg27 : memref<!tpu.dma_semaphore, #tpu.memory_space<semaphore_mem>>)
    %dma_wait3A_451 = arith.constant 0 : i32
    %dma_wait3A_452 = arith.constant 0 : i32
    %dma_wait3A_453 = tpu.memref_slice %arg19[%dma_wait3A_451, %dma_wait3A_452] : memref<16x1024xi32, #tpu.memory_space<vmem>> -> memref<8x1024xi32, #tpu.memory_space<vmem>>
    %dma_wait3A_454 = arith.constant 160 : i32
    %dma_wait3A_455 = tpu.memref_slice %arg17[%dma_wait3A_454] : memref<192xi32, #tpu.memory_space<vmem>> -> memref<8xi32, #tpu.memory_space<vmem>>
    %dma_wait3A_456 = arith.constant 0 : i32
    %dma_wait3A_457 = arith.constant 0 : i32
    %dma_wait3A_458 = tpu.memref_slice %arg4[%dma_wait3A_456, %dma_wait3A_457] : memref<2048x1024xi32, #tpu.memory_space<hbm>> -> memref<2048x1024xi32, #tpu.memory_space<hbm>>
    tpu.wait_indirect_dma semaphore(%arg22 : memref<!tpu.dma_semaphore, #tpu.memory_space<semaphore_mem>>) src(%dma_wait3A_458 : memref<2048x1024xi32, #tpu.memory_space<hbm>>) dst(%dma_wait3A_453 : memref<8x1024xi32, #tpu.memory_space<vmem>>)
    %dma_wait3A_459 = arith.constant 8 : i32
    %dma_wait3A_460 = arith.constant 0 : i32
    %dma_wait3A_461 = tpu.memref_slice %arg19[%dma_wait3A_459, %dma_wait3A_460] : memref<16x1024xi32, #tpu.memory_space<vmem>> -> memref<8x1024xi32, #tpu.memory_space<vmem>>
    %dma_wait3A_462 = arith.constant 168 : i32
    %dma_wait3A_463 = tpu.memref_slice %arg17[%dma_wait3A_462] : memref<192xi32, #tpu.memory_space<vmem>> -> memref<8xi32, #tpu.memory_space<vmem>>
    %dma_wait3A_464 = arith.constant 0 : i32
    %dma_wait3A_465 = arith.constant 0 : i32
    %dma_wait3A_466 = tpu.memref_slice %arg4[%dma_wait3A_464, %dma_wait3A_465] : memref<2048x1024xi32, #tpu.memory_space<hbm>> -> memref<2048x1024xi32, #tpu.memory_space<hbm>>
    tpu.wait_indirect_dma semaphore(%arg25 : memref<!tpu.dma_semaphore, #tpu.memory_space<semaphore_mem>>) src(%dma_wait3A_466 : memref<2048x1024xi32, #tpu.memory_space<hbm>>) dst(%dma_wait3A_461 : memref<8x1024xi32, #tpu.memory_space<vmem>>)
    %add3A_467 = arith.constant 160 : i32
    %add3A_468 = arith.addi %add3A, %add3A_467 : i32
    %dma_start3A_469 = arith.constant 0 : i32
    %dma_start3A_470 = tpu.memref_slice %arg8[%add3A_468, %dma_start3A_469] : memref<6144x1024xi32, #tpu.memory_space<hbm>> -> memref<16x1024xi32, #tpu.memory_space<hbm>>
    %dma_start3A_471 = arith.constant 0 : i32
    %dma_start3A_472 = tpu.memref_slice %arg8[%add3A_468, %dma_start3A_471] : memref<6144x1024xi32, #tpu.memory_space<hbm>> -> memref<16x1024xi32, #tpu.memory_space<hbm>>
    tpu.enqueue_dma source(%arg19 : memref<16x1024xi32, #tpu.memory_space<vmem>>) target(%dma_start3A_472 : memref<16x1024xi32, #tpu.memory_space<hbm>>) target_semaphore(%arg28 : memref<!tpu.dma_semaphore, #tpu.memory_space<semaphore_mem>>)
    %dma_wait3A_473 = arith.constant 0 : i32
    %dma_wait3A_474 = arith.constant 0 : i32
    %dma_wait3A_475 = tpu.memref_slice %arg20[%dma_wait3A_473, %dma_wait3A_474] : memref<16x1024xi32, #tpu.memory_space<vmem>> -> memref<8x1024xi32, #tpu.memory_space<vmem>>
    %dma_wait3A_476 = arith.constant 176 : i32
    %dma_wait3A_477 = tpu.memref_slice %arg17[%dma_wait3A_476] : memref<192xi32, #tpu.memory_space<vmem>> -> memref<8xi32, #tpu.memory_space<vmem>>
    %dma_wait3A_478 = arith.constant 0 : i32
    %dma_wait3A_479 = arith.constant 0 : i32
    %dma_wait3A_480 = tpu.memref_slice %arg4[%dma_wait3A_478, %dma_wait3A_479] : memref<2048x1024xi32, #tpu.memory_space<hbm>> -> memref<2048x1024xi32, #tpu.memory_space<hbm>>
    tpu.wait_indirect_dma semaphore(%arg23 : memref<!tpu.dma_semaphore, #tpu.memory_space<semaphore_mem>>) src(%dma_wait3A_480 : memref<2048x1024xi32, #tpu.memory_space<hbm>>) dst(%dma_wait3A_475 : memref<8x1024xi32, #tpu.memory_space<vmem>>)
    %dma_wait3A_481 = arith.constant 8 : i32
    %dma_wait3A_482 = arith.constant 0 : i32
    %dma_wait3A_483 = tpu.memref_slice %arg20[%dma_wait3A_481, %dma_wait3A_482] : memref<16x1024xi32, #tpu.memory_space<vmem>> -> memref<8x1024xi32, #tpu.memory_space<vmem>>
    %dma_wait3A_484 = arith.constant 184 : i32
    %dma_wait3A_485 = tpu.memref_slice %arg17[%dma_wait3A_484] : memref<192xi32, #tpu.memory_space<vmem>> -> memref<8xi32, #tpu.memory_space<vmem>>
    %dma_wait3A_486 = arith.constant 0 : i32
    %dma_wait3A_487 = arith.constant 0 : i32
    %dma_wait3A_488 = tpu.memref_slice %arg4[%dma_wait3A_486, %dma_wait3A_487] : memref<2048x1024xi32, #tpu.memory_space<hbm>> -> memref<2048x1024xi32, #tpu.memory_space<hbm>>
    tpu.wait_indirect_dma semaphore(%arg26 : memref<!tpu.dma_semaphore, #tpu.memory_space<semaphore_mem>>) src(%dma_wait3A_488 : memref<2048x1024xi32, #tpu.memory_space<hbm>>) dst(%dma_wait3A_483 : memref<8x1024xi32, #tpu.memory_space<vmem>>)
    %add3A_489 = arith.constant 176 : i32
    %add3A_490 = arith.addi %add3A, %add3A_489 : i32
    %dma_start3A_491 = arith.constant 0 : i32
    %dma_start3A_492 = tpu.memref_slice %arg8[%add3A_490, %dma_start3A_491] : memref<6144x1024xi32, #tpu.memory_space<hbm>> -> memref<16x1024xi32, #tpu.memory_space<hbm>>
    %dma_start3A_493 = arith.constant 0 : i32
    %dma_start3A_494 = tpu.memref_slice %arg8[%add3A_490, %dma_start3A_493] : memref<6144x1024xi32, #tpu.memory_space<hbm>> -> memref<16x1024xi32, #tpu.memory_space<hbm>>
    tpu.enqueue_dma source(%arg20 : memref<16x1024xi32, #tpu.memory_space<vmem>>) target(%dma_start3A_494 : memref<16x1024xi32, #tpu.memory_space<hbm>>) target_semaphore(%arg29 : memref<!tpu.dma_semaphore, #tpu.memory_space<semaphore_mem>>)
    %dma_wait3A_495 = arith.constant 0 : i32
    %dma_wait3A_496 = tpu.memref_slice %arg8[%add3A_446, %dma_wait3A_495] : memref<6144x1024xi32, #tpu.memory_space<hbm>> -> memref<16x1024xi32, #tpu.memory_space<hbm>>
    %dma_wait3A_497 = arith.constant 0 : i32
    %dma_wait3A_498 = tpu.memref_slice %arg8[%add3A_446, %dma_wait3A_497] : memref<6144x1024xi32, #tpu.memory_space<hbm>> -> memref<16x1024xi32, #tpu.memory_space<hbm>>
    tpu.wait_dma2 semaphore(%arg27 : memref<!tpu.dma_semaphore, #tpu.memory_space<semaphore_mem>>) src(%arg18 : memref<16x1024xi32, #tpu.memory_space<vmem>>) dst(%dma_wait3A_498 : memref<16x1024xi32, #tpu.memory_space<hbm>>)
    %dma_wait3A_499 = arith.constant 0 : i32
    %dma_wait3A_500 = tpu.memref_slice %arg8[%add3A_468, %dma_wait3A_499] : memref<6144x1024xi32, #tpu.memory_space<hbm>> -> memref<16x1024xi32, #tpu.memory_space<hbm>>
    %dma_wait3A_501 = arith.constant 0 : i32
    %dma_wait3A_502 = tpu.memref_slice %arg8[%add3A_468, %dma_wait3A_501] : memref<6144x1024xi32, #tpu.memory_space<hbm>> -> memref<16x1024xi32, #tpu.memory_space<hbm>>
    tpu.wait_dma2 semaphore(%arg28 : memref<!tpu.dma_semaphore, #tpu.memory_space<semaphore_mem>>) src(%arg19 : memref<16x1024xi32, #tpu.memory_space<vmem>>) dst(%dma_wait3A_502 : memref<16x1024xi32, #tpu.memory_space<hbm>>)
    %dma_wait3A_503 = arith.constant 0 : i32
    %dma_wait3A_504 = tpu.memref_slice %arg8[%add3A_490, %dma_wait3A_503] : memref<6144x1024xi32, #tpu.memory_space<hbm>> -> memref<16x1024xi32, #tpu.memory_space<hbm>>
    %dma_wait3A_505 = arith.constant 0 : i32
    %dma_wait3A_506 = tpu.memref_slice %arg8[%add3A_490, %dma_wait3A_505] : memref<6144x1024xi32, #tpu.memory_space<hbm>> -> memref<16x1024xi32, #tpu.memory_space<hbm>>
    tpu.wait_dma2 semaphore(%arg29 : memref<!tpu.dma_semaphore, #tpu.memory_space<semaphore_mem>>) src(%arg20 : memref<16x1024xi32, #tpu.memory_space<vmem>>) dst(%dma_wait3A_506 : memref<16x1024xi32, #tpu.memory_space<hbm>>)
    return
  }
}

#map = affine_map<(d0, d1) -> (0, 0)>
#map1 = affine_map<(d0, d1) -> (0)>
module attributes {stable_mosaic.version = 14 : i64} {
  func.func @_combine_body(%arg0: i32, %arg1: i32, %arg2: memref<6144x2048xf32, #tpu.memory_space<hbm>>, %arg3: memref<4096xi32, #tpu.memory_space<hbm>>, %arg4: memref<2048x2048xf32, #tpu.memory_space<hbm>>, %arg5: memref<64xi32, #tpu.memory_space<vmem>>, %arg6: memref<64xi32, #tpu.memory_space<vmem>>, %arg7: memref<8x2048xf32, #tpu.memory_space<vmem>>, %arg8: memref<8x2048xf32, #tpu.memory_space<vmem>>, %arg9: memref<8x2048xf32, #tpu.memory_space<vmem>>, %arg10: memref<8x2048xf32, #tpu.memory_space<vmem>>, %arg11: memref<!tpu.dma_semaphore, #tpu.memory_space<semaphore_mem>>, %arg12: memref<!tpu.dma_semaphore, #tpu.memory_space<semaphore_mem>>, %arg13: memref<!tpu.dma_semaphore, #tpu.memory_space<semaphore_mem>>, %arg14: memref<!tpu.dma_semaphore, #tpu.memory_space<semaphore_mem>>, %arg15: memref<!tpu.dma_semaphore, #tpu.memory_space<semaphore_mem>>, %arg16: memref<!tpu.dma_semaphore, #tpu.memory_space<semaphore_mem>>) attributes {dimension_semantics = [#tpu.dimension_semantics<core_parallel>, #tpu.dimension_semantics<subcore_parallel>], iteration_bounds = array<i64: 2, 16>, scalar_prefetch = 0 : i64, scratch_operands = 12 : i64, tpu.core_type = #tpu.core_type<sc_vector_subcore>, window_params = [{transform_indices = #map}, {transform_indices = #map1}, {transform_indices = #map}]} {
    %mul3A = arith.constant 2 : i32
    %mul3A_0 = arith.muli %arg1, %mul3A : i32
    %add3A = arith.addi %mul3A_0, %arg0 : i32
    %mul3A_1 = arith.constant 64 : i32
    %mul3A_2 = arith.muli %add3A, %mul3A_1 : i32
    "tpu.region"() ({
      %run_scoped3A = tpu.sem_alloc : memref<!tpu.dma_semaphore, #tpu.memory_space<semaphore_mem>>
      %dma_start3A_626 = tpu.memref_slice %arg3[%mul3A_2] : memref<4096xi32, #tpu.memory_space<hbm>> -> memref<64xi32, #tpu.memory_space<hbm>>
      %dma_start3A_627 = tpu.memref_slice %arg3[%mul3A_2] : memref<4096xi32, #tpu.memory_space<hbm>> -> memref<64xi32, #tpu.memory_space<hbm>>
      tpu.enqueue_dma source(%dma_start3A_627 : memref<64xi32, #tpu.memory_space<hbm>>) target(%arg5 : memref<64xi32, #tpu.memory_space<vmem>>) target_semaphore(%run_scoped3A : memref<!tpu.dma_semaphore, #tpu.memory_space<semaphore_mem>>)
      %dma_wait3A_628 = tpu.memref_slice %arg3[%mul3A_2] : memref<4096xi32, #tpu.memory_space<hbm>> -> memref<64xi32, #tpu.memory_space<hbm>>
      %dma_wait3A_629 = tpu.memref_slice %arg3[%mul3A_2] : memref<4096xi32, #tpu.memory_space<hbm>> -> memref<64xi32, #tpu.memory_space<hbm>>
      tpu.wait_dma2 semaphore(%run_scoped3A : memref<!tpu.dma_semaphore, #tpu.memory_space<semaphore_mem>>) src(%dma_wait3A_629 : memref<64xi32, #tpu.memory_space<hbm>>) dst(%arg5 : memref<64xi32, #tpu.memory_space<vmem>>)
      tpu.yield
    }) : () -> ()
    %add3A_3 = arith.constant 2048 : i32
    %add3A_4 = arith.addi %add3A_3, %mul3A_2 : i32
    "tpu.region"() ({
      %run_scoped3A = tpu.sem_alloc : memref<!tpu.dma_semaphore, #tpu.memory_space<semaphore_mem>>
      %dma_start3A_626 = tpu.memref_slice %arg3[%add3A_4] : memref<4096xi32, #tpu.memory_space<hbm>> -> memref<64xi32, #tpu.memory_space<hbm>>
      %dma_start3A_627 = tpu.memref_slice %arg3[%add3A_4] : memref<4096xi32, #tpu.memory_space<hbm>> -> memref<64xi32, #tpu.memory_space<hbm>>
      tpu.enqueue_dma source(%dma_start3A_627 : memref<64xi32, #tpu.memory_space<hbm>>) target(%arg6 : memref<64xi32, #tpu.memory_space<vmem>>) target_semaphore(%run_scoped3A : memref<!tpu.dma_semaphore, #tpu.memory_space<semaphore_mem>>)
      %dma_wait3A_628 = tpu.memref_slice %arg3[%add3A_4] : memref<4096xi32, #tpu.memory_space<hbm>> -> memref<64xi32, #tpu.memory_space<hbm>>
      %dma_wait3A_629 = tpu.memref_slice %arg3[%add3A_4] : memref<4096xi32, #tpu.memory_space<hbm>> -> memref<64xi32, #tpu.memory_space<hbm>>
      tpu.wait_dma2 semaphore(%run_scoped3A : memref<!tpu.dma_semaphore, #tpu.memory_space<semaphore_mem>>) src(%dma_wait3A_629 : memref<64xi32, #tpu.memory_space<hbm>>) dst(%arg6 : memref<64xi32, #tpu.memory_space<vmem>>)
      tpu.yield
    }) : () -> ()
    %dma_start3A = arith.constant 0 : i32
    %dma_start3A_5 = tpu.memref_slice %arg5[%dma_start3A] : memref<64xi32, #tpu.memory_space<vmem>> -> memref<8xi32, #tpu.memory_space<vmem>>
    %dma_start3A_6 = arith.constant 0 : i32
    %dma_start3A_7 = arith.constant 0 : i32
    %dma_start3A_8 = tpu.memref_slice %arg2[%dma_start3A_6, %dma_start3A_7] : memref<6144x2048xf32, #tpu.memory_space<hbm>> -> memref<6144x2048xf32, #tpu.memory_space<hbm>>
    tpu.enqueue_indirect_dma source(%dma_start3A_8 : memref<6144x2048xf32, #tpu.memory_space<hbm>>) target(%arg7 : memref<8x2048xf32, #tpu.memory_space<vmem>>) offsets(%dma_start3A_5 : memref<8xi32, #tpu.memory_space<vmem>>) semaphore(%arg11 : memref<!tpu.dma_semaphore, #tpu.memory_space<semaphore_mem>>)
    %dma_start3A_9 = arith.constant 0 : i32
    %dma_start3A_10 = tpu.memref_slice %arg6[%dma_start3A_9] : memref<64xi32, #tpu.memory_space<vmem>> -> memref<8xi32, #tpu.memory_space<vmem>>
    %dma_start3A_11 = arith.constant 0 : i32
    %dma_start3A_12 = arith.constant 0 : i32
    %dma_start3A_13 = tpu.memref_slice %arg2[%dma_start3A_11, %dma_start3A_12] : memref<6144x2048xf32, #tpu.memory_space<hbm>> -> memref<6144x2048xf32, #tpu.memory_space<hbm>>
    tpu.enqueue_indirect_dma source(%dma_start3A_13 : memref<6144x2048xf32, #tpu.memory_space<hbm>>) target(%arg9 : memref<8x2048xf32, #tpu.memory_space<vmem>>) offsets(%dma_start3A_10 : memref<8xi32, #tpu.memory_space<vmem>>) semaphore(%arg13 : memref<!tpu.dma_semaphore, #tpu.memory_space<semaphore_mem>>)
    %dma_start3A_14 = arith.constant 8 : i32
    %dma_start3A_15 = tpu.memref_slice %arg5[%dma_start3A_14] : memref<64xi32, #tpu.memory_space<vmem>> -> memref<8xi32, #tpu.memory_space<vmem>>
    %dma_start3A_16 = arith.constant 0 : i32
    %dma_start3A_17 = arith.constant 0 : i32
    %dma_start3A_18 = tpu.memref_slice %arg2[%dma_start3A_16, %dma_start3A_17] : memref<6144x2048xf32, #tpu.memory_space<hbm>> -> memref<6144x2048xf32, #tpu.memory_space<hbm>>
    tpu.enqueue_indirect_dma source(%dma_start3A_18 : memref<6144x2048xf32, #tpu.memory_space<hbm>>) target(%arg8 : memref<8x2048xf32, #tpu.memory_space<vmem>>) offsets(%dma_start3A_15 : memref<8xi32, #tpu.memory_space<vmem>>) semaphore(%arg12 : memref<!tpu.dma_semaphore, #tpu.memory_space<semaphore_mem>>)
    %dma_start3A_19 = arith.constant 8 : i32
    %dma_start3A_20 = tpu.memref_slice %arg6[%dma_start3A_19] : memref<64xi32, #tpu.memory_space<vmem>> -> memref<8xi32, #tpu.memory_space<vmem>>
    %dma_start3A_21 = arith.constant 0 : i32
    %dma_start3A_22 = arith.constant 0 : i32
    %dma_start3A_23 = tpu.memref_slice %arg2[%dma_start3A_21, %dma_start3A_22] : memref<6144x2048xf32, #tpu.memory_space<hbm>> -> memref<6144x2048xf32, #tpu.memory_space<hbm>>
    tpu.enqueue_indirect_dma source(%dma_start3A_23 : memref<6144x2048xf32, #tpu.memory_space<hbm>>) target(%arg10 : memref<8x2048xf32, #tpu.memory_space<vmem>>) offsets(%dma_start3A_20 : memref<8xi32, #tpu.memory_space<vmem>>) semaphore(%arg14 : memref<!tpu.dma_semaphore, #tpu.memory_space<semaphore_mem>>)
    %dma_wait3A = arith.constant 0 : i32
    %dma_wait3A_24 = tpu.memref_slice %arg5[%dma_wait3A] : memref<64xi32, #tpu.memory_space<vmem>> -> memref<8xi32, #tpu.memory_space<vmem>>
    %dma_wait3A_25 = arith.constant 0 : i32
    %dma_wait3A_26 = arith.constant 0 : i32
    %dma_wait3A_27 = tpu.memref_slice %arg2[%dma_wait3A_25, %dma_wait3A_26] : memref<6144x2048xf32, #tpu.memory_space<hbm>> -> memref<6144x2048xf32, #tpu.memory_space<hbm>>
    tpu.wait_indirect_dma semaphore(%arg11 : memref<!tpu.dma_semaphore, #tpu.memory_space<semaphore_mem>>) src(%dma_wait3A_27 : memref<6144x2048xf32, #tpu.memory_space<hbm>>) dst(%arg7 : memref<8x2048xf32, #tpu.memory_space<vmem>>)
    %dma_wait3A_28 = arith.constant 0 : i32
    %dma_wait3A_29 = tpu.memref_slice %arg6[%dma_wait3A_28] : memref<64xi32, #tpu.memory_space<vmem>> -> memref<8xi32, #tpu.memory_space<vmem>>
    %dma_wait3A_30 = arith.constant 0 : i32
    %dma_wait3A_31 = arith.constant 0 : i32
    %dma_wait3A_32 = tpu.memref_slice %arg2[%dma_wait3A_30, %dma_wait3A_31] : memref<6144x2048xf32, #tpu.memory_space<hbm>> -> memref<6144x2048xf32, #tpu.memory_space<hbm>>
    tpu.wait_indirect_dma semaphore(%arg13 : memref<!tpu.dma_semaphore, #tpu.memory_space<semaphore_mem>>) src(%dma_wait3A_32 : memref<6144x2048xf32, #tpu.memory_space<hbm>>) dst(%arg9 : memref<8x2048xf32, #tpu.memory_space<vmem>>)
    %scan3A = arith.constant 0 : i32
    %scan3A_33 = arith.constant 0 : i32
    %scan3A_34 = arith.constant 128 : i32
    %scan3A_35 = arith.addi %scan3A_33, %scan3A_34 : i32
    %scan3A_36 = arith.constant 1 : i32
    scf.for %scan3A_626 = %scan3A_33 to %scan3A_35 step %scan3A_36  : i32 {
      %mul3A_627 = arith.constant 16 : i32
      %mul3A_628 = arith.muli %scan3A_626, %mul3A_627 : i32
      %get3A = arith.constant 0 : i32
      %get3A_629 = arith.index_cast %get3A : i32 to index
      %get3A_630 = arith.index_cast %mul3A_628 : i32 to index
      %get3A_631 = tpu.vector_load %arg7[%get3A_629, %get3A_630] {strides = array<i32>} : memref<8x2048xf32, #tpu.memory_space<vmem>>, vector<1x16xf32>,
      %get3A_632 = vector.shape_cast %get3A_631 : vector<1x16xf32> to vector<16xf32>
      %get3A_633 = arith.constant 0 : i32
      %get3A_634 = arith.index_cast %get3A_633 : i32 to index
      %get3A_635 = arith.index_cast %mul3A_628 : i32 to index
      %get3A_636 = tpu.vector_load %arg9[%get3A_634, %get3A_635] {strides = array<i32>} : memref<8x2048xf32, #tpu.memory_space<vmem>>, vector<1x16xf32>,
      %get3A_637 = vector.shape_cast %get3A_636 : vector<1x16xf32> to vector<16xf32>
      %add3A_638 = arith.addf %get3A_632, %get3A_637 : vector<16xf32>
      %swap3A = arith.constant 0 : i32
      %swap3A_639 = arith.index_cast %swap3A : i32 to index
      %swap3A_640 = arith.index_cast %mul3A_628 : i32 to index
      %swap3A_641 = tpu.vector_load %arg7[%swap3A_639, %swap3A_640] {strides = array<i32>} : memref<8x2048xf32, #tpu.memory_space<vmem>>, vector<1x16xf32>,
      %swap3A_642 = vector.shape_cast %swap3A_641 : vector<1x16xf32> to vector<16xf32>
      %swap3A_643 = vector.shape_cast %add3A_638 : vector<16xf32> to vector<1x16xf32>
      tpu.vector_store %arg7[%swap3A_639, %swap3A_640], %swap3A_643 {strides = array<i32>} : memref<8x2048xf32, #tpu.memory_space<vmem>>, vector<1x16xf32>,
    }
    %scan3A_37 = arith.constant 128 : i32
    %scan3A_38 = arith.constant 0 : i32
    %scan3A_39 = arith.constant 0 : i32
    %scan3A_40 = arith.constant 128 : i32
    %scan3A_41 = arith.addi %scan3A_39, %scan3A_40 : i32
    %scan3A_42 = arith.constant 1 : i32
    scf.for %scan3A_626 = %scan3A_39 to %scan3A_41 step %scan3A_42  : i32 {
      %mul3A_627 = arith.constant 16 : i32
      %mul3A_628 = arith.muli %scan3A_626, %mul3A_627 : i32
      %get3A = arith.constant 1 : i32
      %get3A_629 = arith.index_cast %get3A : i32 to index
      %get3A_630 = arith.index_cast %mul3A_628 : i32 to index
      %get3A_631 = tpu.vector_load %arg7[%get3A_629, %get3A_630] {strides = array<i32>} : memref<8x2048xf32, #tpu.memory_space<vmem>>, vector<1x16xf32>,
      %get3A_632 = vector.shape_cast %get3A_631 : vector<1x16xf32> to vector<16xf32>
      %get3A_633 = arith.constant 1 : i32
      %get3A_634 = arith.index_cast %get3A_633 : i32 to index
      %get3A_635 = arith.index_cast %mul3A_628 : i32 to index
      %get3A_636 = tpu.vector_load %arg9[%get3A_634, %get3A_635] {strides = array<i32>} : memref<8x2048xf32, #tpu.memory_space<vmem>>, vector<1x16xf32>,
      %get3A_637 = vector.shape_cast %get3A_636 : vector<1x16xf32> to vector<16xf32>
      %add3A_638 = arith.addf %get3A_632, %get3A_637 : vector<16xf32>
      %swap3A = arith.constant 1 : i32
      %swap3A_639 = arith.index_cast %swap3A : i32 to index
      %swap3A_640 = arith.index_cast %mul3A_628 : i32 to index
      %swap3A_641 = tpu.vector_load %arg7[%swap3A_639, %swap3A_640] {strides = array<i32>} : memref<8x2048xf32, #tpu.memory_space<vmem>>, vector<1x16xf32>,
      %swap3A_642 = vector.shape_cast %swap3A_641 : vector<1x16xf32> to vector<16xf32>
      %swap3A_643 = vector.shape_cast %add3A_638 : vector<16xf32> to vector<1x16xf32>
      tpu.vector_store %arg7[%swap3A_639, %swap3A_640], %swap3A_643 {strides = array<i32>} : memref<8x2048xf32, #tpu.memory_space<vmem>>, vector<1x16xf32>,
    }
    %scan3A_43 = arith.constant 128 : i32
    %scan3A_44 = arith.constant 0 : i32
    %scan3A_45 = arith.constant 0 : i32
    %scan3A_46 = arith.constant 128 : i32
    %scan3A_47 = arith.addi %scan3A_45, %scan3A_46 : i32
    %scan3A_48 = arith.constant 1 : i32
    scf.for %scan3A_626 = %scan3A_45 to %scan3A_47 step %scan3A_48  : i32 {
      %mul3A_627 = arith.constant 16 : i32
      %mul3A_628 = arith.muli %scan3A_626, %mul3A_627 : i32
      %get3A = arith.constant 2 : i32
      %get3A_629 = arith.index_cast %get3A : i32 to index
      %get3A_630 = arith.index_cast %mul3A_628 : i32 to index
      %get3A_631 = tpu.vector_load %arg7[%get3A_629, %get3A_630] {strides = array<i32>} : memref<8x2048xf32, #tpu.memory_space<vmem>>, vector<1x16xf32>,
      %get3A_632 = vector.shape_cast %get3A_631 : vector<1x16xf32> to vector<16xf32>
      %get3A_633 = arith.constant 2 : i32
      %get3A_634 = arith.index_cast %get3A_633 : i32 to index
      %get3A_635 = arith.index_cast %mul3A_628 : i32 to index
      %get3A_636 = tpu.vector_load %arg9[%get3A_634, %get3A_635] {strides = array<i32>} : memref<8x2048xf32, #tpu.memory_space<vmem>>, vector<1x16xf32>,
      %get3A_637 = vector.shape_cast %get3A_636 : vector<1x16xf32> to vector<16xf32>
      %add3A_638 = arith.addf %get3A_632, %get3A_637 : vector<16xf32>
      %swap3A = arith.constant 2 : i32
      %swap3A_639 = arith.index_cast %swap3A : i32 to index
      %swap3A_640 = arith.index_cast %mul3A_628 : i32 to index
      %swap3A_641 = tpu.vector_load %arg7[%swap3A_639, %swap3A_640] {strides = array<i32>} : memref<8x2048xf32, #tpu.memory_space<vmem>>, vector<1x16xf32>,
      %swap3A_642 = vector.shape_cast %swap3A_641 : vector<1x16xf32> to vector<16xf32>
      %swap3A_643 = vector.shape_cast %add3A_638 : vector<16xf32> to vector<1x16xf32>
      tpu.vector_store %arg7[%swap3A_639, %swap3A_640], %swap3A_643 {strides = array<i32>} : memref<8x2048xf32, #tpu.memory_space<vmem>>, vector<1x16xf32>,
    }
    %scan3A_49 = arith.constant 128 : i32
    %scan3A_50 = arith.constant 0 : i32
    %scan3A_51 = arith.constant 0 : i32
    %scan3A_52 = arith.constant 128 : i32
    %scan3A_53 = arith.addi %scan3A_51, %scan3A_52 : i32
    %scan3A_54 = arith.constant 1 : i32
    scf.for %scan3A_626 = %scan3A_51 to %scan3A_53 step %scan3A_54  : i32 {
      %mul3A_627 = arith.constant 16 : i32
      %mul3A_628 = arith.muli %scan3A_626, %mul3A_627 : i32
      %get3A = arith.constant 3 : i32
      %get3A_629 = arith.index_cast %get3A : i32 to index
      %get3A_630 = arith.index_cast %mul3A_628 : i32 to index
      %get3A_631 = tpu.vector_load %arg7[%get3A_629, %get3A_630] {strides = array<i32>} : memref<8x2048xf32, #tpu.memory_space<vmem>>, vector<1x16xf32>,
      %get3A_632 = vector.shape_cast %get3A_631 : vector<1x16xf32> to vector<16xf32>
      %get3A_633 = arith.constant 3 : i32
      %get3A_634 = arith.index_cast %get3A_633 : i32 to index
      %get3A_635 = arith.index_cast %mul3A_628 : i32 to index
      %get3A_636 = tpu.vector_load %arg9[%get3A_634, %get3A_635] {strides = array<i32>} : memref<8x2048xf32, #tpu.memory_space<vmem>>, vector<1x16xf32>,
      %get3A_637 = vector.shape_cast %get3A_636 : vector<1x16xf32> to vector<16xf32>
      %add3A_638 = arith.addf %get3A_632, %get3A_637 : vector<16xf32>
      %swap3A = arith.constant 3 : i32
      %swap3A_639 = arith.index_cast %swap3A : i32 to index
      %swap3A_640 = arith.index_cast %mul3A_628 : i32 to index
      %swap3A_641 = tpu.vector_load %arg7[%swap3A_639, %swap3A_640] {strides = array<i32>} : memref<8x2048xf32, #tpu.memory_space<vmem>>, vector<1x16xf32>,
      %swap3A_642 = vector.shape_cast %swap3A_641 : vector<1x16xf32> to vector<16xf32>
      %swap3A_643 = vector.shape_cast %add3A_638 : vector<16xf32> to vector<1x16xf32>
      tpu.vector_store %arg7[%swap3A_639, %swap3A_640], %swap3A_643 {strides = array<i32>} : memref<8x2048xf32, #tpu.memory_space<vmem>>, vector<1x16xf32>,
    }
    %scan3A_55 = arith.constant 128 : i32
    %scan3A_56 = arith.constant 0 : i32
    %scan3A_57 = arith.constant 0 : i32
    %scan3A_58 = arith.constant 128 : i32
    %scan3A_59 = arith.addi %scan3A_57, %scan3A_58 : i32
    %scan3A_60 = arith.constant 1 : i32
    scf.for %scan3A_626 = %scan3A_57 to %scan3A_59 step %scan3A_60  : i32 {
      %mul3A_627 = arith.constant 16 : i32
      %mul3A_628 = arith.muli %scan3A_626, %mul3A_627 : i32
      %get3A = arith.constant 4 : i32
      %get3A_629 = arith.index_cast %get3A : i32 to index
      %get3A_630 = arith.index_cast %mul3A_628 : i32 to index
      %get3A_631 = tpu.vector_load %arg7[%get3A_629, %get3A_630] {strides = array<i32>} : memref<8x2048xf32, #tpu.memory_space<vmem>>, vector<1x16xf32>,
      %get3A_632 = vector.shape_cast %get3A_631 : vector<1x16xf32> to vector<16xf32>
      %get3A_633 = arith.constant 4 : i32
      %get3A_634 = arith.index_cast %get3A_633 : i32 to index
      %get3A_635 = arith.index_cast %mul3A_628 : i32 to index
      %get3A_636 = tpu.vector_load %arg9[%get3A_634, %get3A_635] {strides = array<i32>} : memref<8x2048xf32, #tpu.memory_space<vmem>>, vector<1x16xf32>,
      %get3A_637 = vector.shape_cast %get3A_636 : vector<1x16xf32> to vector<16xf32>
      %add3A_638 = arith.addf %get3A_632, %get3A_637 : vector<16xf32>
      %swap3A = arith.constant 4 : i32
      %swap3A_639 = arith.index_cast %swap3A : i32 to index
      %swap3A_640 = arith.index_cast %mul3A_628 : i32 to index
      %swap3A_641 = tpu.vector_load %arg7[%swap3A_639, %swap3A_640] {strides = array<i32>} : memref<8x2048xf32, #tpu.memory_space<vmem>>, vector<1x16xf32>,
      %swap3A_642 = vector.shape_cast %swap3A_641 : vector<1x16xf32> to vector<16xf32>
      %swap3A_643 = vector.shape_cast %add3A_638 : vector<16xf32> to vector<1x16xf32>
      tpu.vector_store %arg7[%swap3A_639, %swap3A_640], %swap3A_643 {strides = array<i32>} : memref<8x2048xf32, #tpu.memory_space<vmem>>, vector<1x16xf32>,
    }
    %scan3A_61 = arith.constant 128 : i32
    %scan3A_62 = arith.constant 0 : i32
    %scan3A_63 = arith.constant 0 : i32
    %scan3A_64 = arith.constant 128 : i32
    %scan3A_65 = arith.addi %scan3A_63, %scan3A_64 : i32
    %scan3A_66 = arith.constant 1 : i32
    scf.for %scan3A_626 = %scan3A_63 to %scan3A_65 step %scan3A_66  : i32 {
      %mul3A_627 = arith.constant 16 : i32
      %mul3A_628 = arith.muli %scan3A_626, %mul3A_627 : i32
      %get3A = arith.constant 5 : i32
      %get3A_629 = arith.index_cast %get3A : i32 to index
      %get3A_630 = arith.index_cast %mul3A_628 : i32 to index
      %get3A_631 = tpu.vector_load %arg7[%get3A_629, %get3A_630] {strides = array<i32>} : memref<8x2048xf32, #tpu.memory_space<vmem>>, vector<1x16xf32>,
      %get3A_632 = vector.shape_cast %get3A_631 : vector<1x16xf32> to vector<16xf32>
      %get3A_633 = arith.constant 5 : i32
      %get3A_634 = arith.index_cast %get3A_633 : i32 to index
      %get3A_635 = arith.index_cast %mul3A_628 : i32 to index
      %get3A_636 = tpu.vector_load %arg9[%get3A_634, %get3A_635] {strides = array<i32>} : memref<8x2048xf32, #tpu.memory_space<vmem>>, vector<1x16xf32>,
      %get3A_637 = vector.shape_cast %get3A_636 : vector<1x16xf32> to vector<16xf32>
      %add3A_638 = arith.addf %get3A_632, %get3A_637 : vector<16xf32>
      %swap3A = arith.constant 5 : i32
      %swap3A_639 = arith.index_cast %swap3A : i32 to index
      %swap3A_640 = arith.index_cast %mul3A_628 : i32 to index
      %swap3A_641 = tpu.vector_load %arg7[%swap3A_639, %swap3A_640] {strides = array<i32>} : memref<8x2048xf32, #tpu.memory_space<vmem>>, vector<1x16xf32>,
      %swap3A_642 = vector.shape_cast %swap3A_641 : vector<1x16xf32> to vector<16xf32>
      %swap3A_643 = vector.shape_cast %add3A_638 : vector<16xf32> to vector<1x16xf32>
      tpu.vector_store %arg7[%swap3A_639, %swap3A_640], %swap3A_643 {strides = array<i32>} : memref<8x2048xf32, #tpu.memory_space<vmem>>, vector<1x16xf32>,
    }
    %scan3A_67 = arith.constant 128 : i32
    %scan3A_68 = arith.constant 0 : i32
    %scan3A_69 = arith.constant 0 : i32
    %scan3A_70 = arith.constant 128 : i32
    %scan3A_71 = arith.addi %scan3A_69, %scan3A_70 : i32
    %scan3A_72 = arith.constant 1 : i32
    scf.for %scan3A_626 = %scan3A_69 to %scan3A_71 step %scan3A_72  : i32 {
      %mul3A_627 = arith.constant 16 : i32
      %mul3A_628 = arith.muli %scan3A_626, %mul3A_627 : i32
      %get3A = arith.constant 6 : i32
      %get3A_629 = arith.index_cast %get3A : i32 to index
      %get3A_630 = arith.index_cast %mul3A_628 : i32 to index
      %get3A_631 = tpu.vector_load %arg7[%get3A_629, %get3A_630] {strides = array<i32>} : memref<8x2048xf32, #tpu.memory_space<vmem>>, vector<1x16xf32>,
      %get3A_632 = vector.shape_cast %get3A_631 : vector<1x16xf32> to vector<16xf32>
      %get3A_633 = arith.constant 6 : i32
      %get3A_634 = arith.index_cast %get3A_633 : i32 to index
      %get3A_635 = arith.index_cast %mul3A_628 : i32 to index
      %get3A_636 = tpu.vector_load %arg9[%get3A_634, %get3A_635] {strides = array<i32>} : memref<8x2048xf32, #tpu.memory_space<vmem>>, vector<1x16xf32>,
      %get3A_637 = vector.shape_cast %get3A_636 : vector<1x16xf32> to vector<16xf32>
      %add3A_638 = arith.addf %get3A_632, %get3A_637 : vector<16xf32>
      %swap3A = arith.constant 6 : i32
      %swap3A_639 = arith.index_cast %swap3A : i32 to index
      %swap3A_640 = arith.index_cast %mul3A_628 : i32 to index
      %swap3A_641 = tpu.vector_load %arg7[%swap3A_639, %swap3A_640] {strides = array<i32>} : memref<8x2048xf32, #tpu.memory_space<vmem>>, vector<1x16xf32>,
      %swap3A_642 = vector.shape_cast %swap3A_641 : vector<1x16xf32> to vector<16xf32>
      %swap3A_643 = vector.shape_cast %add3A_638 : vector<16xf32> to vector<1x16xf32>
      tpu.vector_store %arg7[%swap3A_639, %swap3A_640], %swap3A_643 {strides = array<i32>} : memref<8x2048xf32, #tpu.memory_space<vmem>>, vector<1x16xf32>,
    }
    %scan3A_73 = arith.constant 128 : i32
    %scan3A_74 = arith.constant 0 : i32
    %scan3A_75 = arith.constant 0 : i32
    %scan3A_76 = arith.constant 128 : i32
    %scan3A_77 = arith.addi %scan3A_75, %scan3A_76 : i32
    %scan3A_78 = arith.constant 1 : i32
    scf.for %scan3A_626 = %scan3A_75 to %scan3A_77 step %scan3A_78  : i32 {
      %mul3A_627 = arith.constant 16 : i32
      %mul3A_628 = arith.muli %scan3A_626, %mul3A_627 : i32
      %get3A = arith.constant 7 : i32
      %get3A_629 = arith.index_cast %get3A : i32 to index
      %get3A_630 = arith.index_cast %mul3A_628 : i32 to index
      %get3A_631 = tpu.vector_load %arg7[%get3A_629, %get3A_630] {strides = array<i32>} : memref<8x2048xf32, #tpu.memory_space<vmem>>, vector<1x16xf32>,
      %get3A_632 = vector.shape_cast %get3A_631 : vector<1x16xf32> to vector<16xf32>
      %get3A_633 = arith.constant 7 : i32
      %get3A_634 = arith.index_cast %get3A_633 : i32 to index
      %get3A_635 = arith.index_cast %mul3A_628 : i32 to index
      %get3A_636 = tpu.vector_load %arg9[%get3A_634, %get3A_635] {strides = array<i32>} : memref<8x2048xf32, #tpu.memory_space<vmem>>, vector<1x16xf32>,
      %get3A_637 = vector.shape_cast %get3A_636 : vector<1x16xf32> to vector<16xf32>
      %add3A_638 = arith.addf %get3A_632, %get3A_637 : vector<16xf32>
      %swap3A = arith.constant 7 : i32
      %swap3A_639 = arith.index_cast %swap3A : i32 to index
      %swap3A_640 = arith.index_cast %mul3A_628 : i32 to index
      %swap3A_641 = tpu.vector_load %arg7[%swap3A_639, %swap3A_640] {strides = array<i32>} : memref<8x2048xf32, #tpu.memory_space<vmem>>, vector<1x16xf32>,
      %swap3A_642 = vector.shape_cast %swap3A_641 : vector<1x16xf32> to vector<16xf32>
      %swap3A_643 = vector.shape_cast %add3A_638 : vector<16xf32> to vector<1x16xf32>
      tpu.vector_store %arg7[%swap3A_639, %swap3A_640], %swap3A_643 {strides = array<i32>} : memref<8x2048xf32, #tpu.memory_space<vmem>>, vector<1x16xf32>,
    }
    %scan3A_79 = arith.constant 128 : i32
    %add3A_80 = arith.constant 0 : i32
    %add3A_81 = arith.addi %mul3A_2, %add3A_80 : i32
    %dma_start3A_82 = arith.constant 0 : i32
    %dma_start3A_83 = tpu.memref_slice %arg4[%add3A_81, %dma_start3A_82] : memref<2048x2048xf32, #tpu.memory_space<hbm>> -> memref<8x2048xf32, #tpu.memory_space<hbm>>
    %dma_start3A_84 = arith.constant 0 : i32
    %dma_start3A_85 = tpu.memref_slice %arg4[%add3A_81, %dma_start3A_84] : memref<2048x2048xf32, #tpu.memory_space<hbm>> -> memref<8x2048xf32, #tpu.memory_space<hbm>>
    tpu.enqueue_dma source(%arg7 : memref<8x2048xf32, #tpu.memory_space<vmem>>) target(%dma_start3A_85 : memref<8x2048xf32, #tpu.memory_space<hbm>>) target_semaphore(%arg15 : memref<!tpu.dma_semaphore, #tpu.memory_space<semaphore_mem>>)
    %dma_wait3A_86 = arith.constant 0 : i32
    %dma_wait3A_87 = tpu.memref_slice %arg4[%add3A_81, %dma_wait3A_86] : memref<2048x2048xf32, #tpu.memory_space<hbm>> -> memref<8x2048xf32, #tpu.memory_space<hbm>>
    %dma_wait3A_88 = arith.constant 0 : i32
    %dma_wait3A_89 = tpu.memref_slice %arg4[%add3A_81, %dma_wait3A_88] : memref<2048x2048xf32, #tpu.memory_space<hbm>> -> memref<8x2048xf32, #tpu.memory_space<hbm>>
    tpu.wait_dma2 semaphore(%arg15 : memref<!tpu.dma_semaphore, #tpu.memory_space<semaphore_mem>>) src(%arg7 : memref<8x2048xf32, #tpu.memory_space<vmem>>) dst(%dma_wait3A_89 : memref<8x2048xf32, #tpu.memory_space<hbm>>)
    %dma_start3A_90 = arith.constant 16 : i32
    %dma_start3A_91 = tpu.memref_slice %arg5[%dma_start3A_90] : memref<64xi32, #tpu.memory_space<vmem>> -> memref<8xi32, #tpu.memory_space<vmem>>
    %dma_start3A_92 = arith.constant 0 : i32
    %dma_start3A_93 = arith.constant 0 : i32
    %dma_start3A_94 = tpu.memref_slice %arg2[%dma_start3A_92, %dma_start3A_93] : memref<6144x2048xf32, #tpu.memory_space<hbm>> -> memref<6144x2048xf32, #tpu.memory_space<hbm>>
    tpu.enqueue_indirect_dma source(%dma_start3A_94 : memref<6144x2048xf32, #tpu.memory_space<hbm>>) target(%arg7 : memref<8x2048xf32, #tpu.memory_space<vmem>>) offsets(%dma_start3A_91 : memref<8xi32, #tpu.memory_space<vmem>>) semaphore(%arg11 : memref<!tpu.dma_semaphore, #tpu.memory_space<semaphore_mem>>)
    %dma_start3A_95 = arith.constant 16 : i32
    %dma_start3A_96 = tpu.memref_slice %arg6[%dma_start3A_95] : memref<64xi32, #tpu.memory_space<vmem>> -> memref<8xi32, #tpu.memory_space<vmem>>
    %dma_start3A_97 = arith.constant 0 : i32
    %dma_start3A_98 = arith.constant 0 : i32
    %dma_start3A_99 = tpu.memref_slice %arg2[%dma_start3A_97, %dma_start3A_98] : memref<6144x2048xf32, #tpu.memory_space<hbm>> -> memref<6144x2048xf32, #tpu.memory_space<hbm>>
    tpu.enqueue_indirect_dma source(%dma_start3A_99 : memref<6144x2048xf32, #tpu.memory_space<hbm>>) target(%arg9 : memref<8x2048xf32, #tpu.memory_space<vmem>>) offsets(%dma_start3A_96 : memref<8xi32, #tpu.memory_space<vmem>>) semaphore(%arg13 : memref<!tpu.dma_semaphore, #tpu.memory_space<semaphore_mem>>)
    %dma_wait3A_100 = arith.constant 8 : i32
    %dma_wait3A_101 = tpu.memref_slice %arg5[%dma_wait3A_100] : memref<64xi32, #tpu.memory_space<vmem>> -> memref<8xi32, #tpu.memory_space<vmem>>
    %dma_wait3A_102 = arith.constant 0 : i32
    %dma_wait3A_103 = arith.constant 0 : i32
    %dma_wait3A_104 = tpu.memref_slice %arg2[%dma_wait3A_102, %dma_wait3A_103] : memref<6144x2048xf32, #tpu.memory_space<hbm>> -> memref<6144x2048xf32, #tpu.memory_space<hbm>>
    tpu.wait_indirect_dma semaphore(%arg12 : memref<!tpu.dma_semaphore, #tpu.memory_space<semaphore_mem>>) src(%dma_wait3A_104 : memref<6144x2048xf32, #tpu.memory_space<hbm>>) dst(%arg8 : memref<8x2048xf32, #tpu.memory_space<vmem>>)
    %dma_wait3A_105 = arith.constant 8 : i32
    %dma_wait3A_106 = tpu.memref_slice %arg6[%dma_wait3A_105] : memref<64xi32, #tpu.memory_space<vmem>> -> memref<8xi32, #tpu.memory_space<vmem>>
    %dma_wait3A_107 = arith.constant 0 : i32
    %dma_wait3A_108 = arith.constant 0 : i32
    %dma_wait3A_109 = tpu.memref_slice %arg2[%dma_wait3A_107, %dma_wait3A_108] : memref<6144x2048xf32, #tpu.memory_space<hbm>> -> memref<6144x2048xf32, #tpu.memory_space<hbm>>
    tpu.wait_indirect_dma semaphore(%arg14 : memref<!tpu.dma_semaphore, #tpu.memory_space<semaphore_mem>>) src(%dma_wait3A_109 : memref<6144x2048xf32, #tpu.memory_space<hbm>>) dst(%arg10 : memref<8x2048xf32, #tpu.memory_space<vmem>>)
    %scan3A_110 = arith.constant 0 : i32
    %scan3A_111 = arith.constant 0 : i32
    %scan3A_112 = arith.constant 128 : i32
    %scan3A_113 = arith.addi %scan3A_111, %scan3A_112 : i32
    %scan3A_114 = arith.constant 1 : i32
    scf.for %scan3A_626 = %scan3A_111 to %scan3A_113 step %scan3A_114  : i32 {
      %mul3A_627 = arith.constant 16 : i32
      %mul3A_628 = arith.muli %scan3A_626, %mul3A_627 : i32
      %get3A = arith.constant 0 : i32
      %get3A_629 = arith.index_cast %get3A : i32 to index
      %get3A_630 = arith.index_cast %mul3A_628 : i32 to index
      %get3A_631 = tpu.vector_load %arg8[%get3A_629, %get3A_630] {strides = array<i32>} : memref<8x2048xf32, #tpu.memory_space<vmem>>, vector<1x16xf32>,
      %get3A_632 = vector.shape_cast %get3A_631 : vector<1x16xf32> to vector<16xf32>
      %get3A_633 = arith.constant 0 : i32
      %get3A_634 = arith.index_cast %get3A_633 : i32 to index
      %get3A_635 = arith.index_cast %mul3A_628 : i32 to index
      %get3A_636 = tpu.vector_load %arg10[%get3A_634, %get3A_635] {strides = array<i32>} : memref<8x2048xf32, #tpu.memory_space<vmem>>, vector<1x16xf32>,
      %get3A_637 = vector.shape_cast %get3A_636 : vector<1x16xf32> to vector<16xf32>
      %add3A_638 = arith.addf %get3A_632, %get3A_637 : vector<16xf32>
      %swap3A = arith.constant 0 : i32
      %swap3A_639 = arith.index_cast %swap3A : i32 to index
      %swap3A_640 = arith.index_cast %mul3A_628 : i32 to index
      %swap3A_641 = tpu.vector_load %arg8[%swap3A_639, %swap3A_640] {strides = array<i32>} : memref<8x2048xf32, #tpu.memory_space<vmem>>, vector<1x16xf32>,
      %swap3A_642 = vector.shape_cast %swap3A_641 : vector<1x16xf32> to vector<16xf32>
      %swap3A_643 = vector.shape_cast %add3A_638 : vector<16xf32> to vector<1x16xf32>
      tpu.vector_store %arg8[%swap3A_639, %swap3A_640], %swap3A_643 {strides = array<i32>} : memref<8x2048xf32, #tpu.memory_space<vmem>>, vector<1x16xf32>,
    }
    %scan3A_115 = arith.constant 128 : i32
    %scan3A_116 = arith.constant 0 : i32
    %scan3A_117 = arith.constant 0 : i32
    %scan3A_118 = arith.constant 128 : i32
    %scan3A_119 = arith.addi %scan3A_117, %scan3A_118 : i32
    %scan3A_120 = arith.constant 1 : i32
    scf.for %scan3A_626 = %scan3A_117 to %scan3A_119 step %scan3A_120  : i32 {
      %mul3A_627 = arith.constant 16 : i32
      %mul3A_628 = arith.muli %scan3A_626, %mul3A_627 : i32
      %get3A = arith.constant 1 : i32
      %get3A_629 = arith.index_cast %get3A : i32 to index
      %get3A_630 = arith.index_cast %mul3A_628 : i32 to index
      %get3A_631 = tpu.vector_load %arg8[%get3A_629, %get3A_630] {strides = array<i32>} : memref<8x2048xf32, #tpu.memory_space<vmem>>, vector<1x16xf32>,
      %get3A_632 = vector.shape_cast %get3A_631 : vector<1x16xf32> to vector<16xf32>
      %get3A_633 = arith.constant 1 : i32
      %get3A_634 = arith.index_cast %get3A_633 : i32 to index
      %get3A_635 = arith.index_cast %mul3A_628 : i32 to index
      %get3A_636 = tpu.vector_load %arg10[%get3A_634, %get3A_635] {strides = array<i32>} : memref<8x2048xf32, #tpu.memory_space<vmem>>, vector<1x16xf32>,
      %get3A_637 = vector.shape_cast %get3A_636 : vector<1x16xf32> to vector<16xf32>
      %add3A_638 = arith.addf %get3A_632, %get3A_637 : vector<16xf32>
      %swap3A = arith.constant 1 : i32
      %swap3A_639 = arith.index_cast %swap3A : i32 to index
      %swap3A_640 = arith.index_cast %mul3A_628 : i32 to index
      %swap3A_641 = tpu.vector_load %arg8[%swap3A_639, %swap3A_640] {strides = array<i32>} : memref<8x2048xf32, #tpu.memory_space<vmem>>, vector<1x16xf32>,
      %swap3A_642 = vector.shape_cast %swap3A_641 : vector<1x16xf32> to vector<16xf32>
      %swap3A_643 = vector.shape_cast %add3A_638 : vector<16xf32> to vector<1x16xf32>
      tpu.vector_store %arg8[%swap3A_639, %swap3A_640], %swap3A_643 {strides = array<i32>} : memref<8x2048xf32, #tpu.memory_space<vmem>>, vector<1x16xf32>,
    }
    %scan3A_121 = arith.constant 128 : i32
    %scan3A_122 = arith.constant 0 : i32
    %scan3A_123 = arith.constant 0 : i32
    %scan3A_124 = arith.constant 128 : i32
    %scan3A_125 = arith.addi %scan3A_123, %scan3A_124 : i32
    %scan3A_126 = arith.constant 1 : i32
    scf.for %scan3A_626 = %scan3A_123 to %scan3A_125 step %scan3A_126  : i32 {
      %mul3A_627 = arith.constant 16 : i32
      %mul3A_628 = arith.muli %scan3A_626, %mul3A_627 : i32
      %get3A = arith.constant 2 : i32
      %get3A_629 = arith.index_cast %get3A : i32 to index
      %get3A_630 = arith.index_cast %mul3A_628 : i32 to index
      %get3A_631 = tpu.vector_load %arg8[%get3A_629, %get3A_630] {strides = array<i32>} : memref<8x2048xf32, #tpu.memory_space<vmem>>, vector<1x16xf32>,
      %get3A_632 = vector.shape_cast %get3A_631 : vector<1x16xf32> to vector<16xf32>
      %get3A_633 = arith.constant 2 : i32
      %get3A_634 = arith.index_cast %get3A_633 : i32 to index
      %get3A_635 = arith.index_cast %mul3A_628 : i32 to index
      %get3A_636 = tpu.vector_load %arg10[%get3A_634, %get3A_635] {strides = array<i32>} : memref<8x2048xf32, #tpu.memory_space<vmem>>, vector<1x16xf32>,
      %get3A_637 = vector.shape_cast %get3A_636 : vector<1x16xf32> to vector<16xf32>
      %add3A_638 = arith.addf %get3A_632, %get3A_637 : vector<16xf32>
      %swap3A = arith.constant 2 : i32
      %swap3A_639 = arith.index_cast %swap3A : i32 to index
      %swap3A_640 = arith.index_cast %mul3A_628 : i32 to index
      %swap3A_641 = tpu.vector_load %arg8[%swap3A_639, %swap3A_640] {strides = array<i32>} : memref<8x2048xf32, #tpu.memory_space<vmem>>, vector<1x16xf32>,
      %swap3A_642 = vector.shape_cast %swap3A_641 : vector<1x16xf32> to vector<16xf32>
      %swap3A_643 = vector.shape_cast %add3A_638 : vector<16xf32> to vector<1x16xf32>
      tpu.vector_store %arg8[%swap3A_639, %swap3A_640], %swap3A_643 {strides = array<i32>} : memref<8x2048xf32, #tpu.memory_space<vmem>>, vector<1x16xf32>,
    }
    %scan3A_127 = arith.constant 128 : i32
    %scan3A_128 = arith.constant 0 : i32
    %scan3A_129 = arith.constant 0 : i32
    %scan3A_130 = arith.constant 128 : i32
    %scan3A_131 = arith.addi %scan3A_129, %scan3A_130 : i32
    %scan3A_132 = arith.constant 1 : i32
    scf.for %scan3A_626 = %scan3A_129 to %scan3A_131 step %scan3A_132  : i32 {
      %mul3A_627 = arith.constant 16 : i32
      %mul3A_628 = arith.muli %scan3A_626, %mul3A_627 : i32
      %get3A = arith.constant 3 : i32
      %get3A_629 = arith.index_cast %get3A : i32 to index
      %get3A_630 = arith.index_cast %mul3A_628 : i32 to index
      %get3A_631 = tpu.vector_load %arg8[%get3A_629, %get3A_630] {strides = array<i32>} : memref<8x2048xf32, #tpu.memory_space<vmem>>, vector<1x16xf32>,
      %get3A_632 = vector.shape_cast %get3A_631 : vector<1x16xf32> to vector<16xf32>
      %get3A_633 = arith.constant 3 : i32
      %get3A_634 = arith.index_cast %get3A_633 : i32 to index
      %get3A_635 = arith.index_cast %mul3A_628 : i32 to index
      %get3A_636 = tpu.vector_load %arg10[%get3A_634, %get3A_635] {strides = array<i32>} : memref<8x2048xf32, #tpu.memory_space<vmem>>, vector<1x16xf32>,
      %get3A_637 = vector.shape_cast %get3A_636 : vector<1x16xf32> to vector<16xf32>
      %add3A_638 = arith.addf %get3A_632, %get3A_637 : vector<16xf32>
      %swap3A = arith.constant 3 : i32
      %swap3A_639 = arith.index_cast %swap3A : i32 to index
      %swap3A_640 = arith.index_cast %mul3A_628 : i32 to index
      %swap3A_641 = tpu.vector_load %arg8[%swap3A_639, %swap3A_640] {strides = array<i32>} : memref<8x2048xf32, #tpu.memory_space<vmem>>, vector<1x16xf32>,
      %swap3A_642 = vector.shape_cast %swap3A_641 : vector<1x16xf32> to vector<16xf32>
      %swap3A_643 = vector.shape_cast %add3A_638 : vector<16xf32> to vector<1x16xf32>
      tpu.vector_store %arg8[%swap3A_639, %swap3A_640], %swap3A_643 {strides = array<i32>} : memref<8x2048xf32, #tpu.memory_space<vmem>>, vector<1x16xf32>,
    }
    %scan3A_133 = arith.constant 128 : i32
    %scan3A_134 = arith.constant 0 : i32
    %scan3A_135 = arith.constant 0 : i32
    %scan3A_136 = arith.constant 128 : i32
    %scan3A_137 = arith.addi %scan3A_135, %scan3A_136 : i32
    %scan3A_138 = arith.constant 1 : i32
    scf.for %scan3A_626 = %scan3A_135 to %scan3A_137 step %scan3A_138  : i32 {
      %mul3A_627 = arith.constant 16 : i32
      %mul3A_628 = arith.muli %scan3A_626, %mul3A_627 : i32
      %get3A = arith.constant 4 : i32
      %get3A_629 = arith.index_cast %get3A : i32 to index
      %get3A_630 = arith.index_cast %mul3A_628 : i32 to index
      %get3A_631 = tpu.vector_load %arg8[%get3A_629, %get3A_630] {strides = array<i32>} : memref<8x2048xf32, #tpu.memory_space<vmem>>, vector<1x16xf32>,
      %get3A_632 = vector.shape_cast %get3A_631 : vector<1x16xf32> to vector<16xf32>
      %get3A_633 = arith.constant 4 : i32
      %get3A_634 = arith.index_cast %get3A_633 : i32 to index
      %get3A_635 = arith.index_cast %mul3A_628 : i32 to index
      %get3A_636 = tpu.vector_load %arg10[%get3A_634, %get3A_635] {strides = array<i32>} : memref<8x2048xf32, #tpu.memory_space<vmem>>, vector<1x16xf32>,
      %get3A_637 = vector.shape_cast %get3A_636 : vector<1x16xf32> to vector<16xf32>
      %add3A_638 = arith.addf %get3A_632, %get3A_637 : vector<16xf32>
      %swap3A = arith.constant 4 : i32
      %swap3A_639 = arith.index_cast %swap3A : i32 to index
      %swap3A_640 = arith.index_cast %mul3A_628 : i32 to index
      %swap3A_641 = tpu.vector_load %arg8[%swap3A_639, %swap3A_640] {strides = array<i32>} : memref<8x2048xf32, #tpu.memory_space<vmem>>, vector<1x16xf32>,
      %swap3A_642 = vector.shape_cast %swap3A_641 : vector<1x16xf32> to vector<16xf32>
      %swap3A_643 = vector.shape_cast %add3A_638 : vector<16xf32> to vector<1x16xf32>
      tpu.vector_store %arg8[%swap3A_639, %swap3A_640], %swap3A_643 {strides = array<i32>} : memref<8x2048xf32, #tpu.memory_space<vmem>>, vector<1x16xf32>,
    }
    %scan3A_139 = arith.constant 128 : i32
    %scan3A_140 = arith.constant 0 : i32
    %scan3A_141 = arith.constant 0 : i32
    %scan3A_142 = arith.constant 128 : i32
    %scan3A_143 = arith.addi %scan3A_141, %scan3A_142 : i32
    %scan3A_144 = arith.constant 1 : i32
    scf.for %scan3A_626 = %scan3A_141 to %scan3A_143 step %scan3A_144  : i32 {
      %mul3A_627 = arith.constant 16 : i32
      %mul3A_628 = arith.muli %scan3A_626, %mul3A_627 : i32
      %get3A = arith.constant 5 : i32
      %get3A_629 = arith.index_cast %get3A : i32 to index
      %get3A_630 = arith.index_cast %mul3A_628 : i32 to index
      %get3A_631 = tpu.vector_load %arg8[%get3A_629, %get3A_630] {strides = array<i32>} : memref<8x2048xf32, #tpu.memory_space<vmem>>, vector<1x16xf32>,
      %get3A_632 = vector.shape_cast %get3A_631 : vector<1x16xf32> to vector<16xf32>
      %get3A_633 = arith.constant 5 : i32
      %get3A_634 = arith.index_cast %get3A_633 : i32 to index
      %get3A_635 = arith.index_cast %mul3A_628 : i32 to index
      %get3A_636 = tpu.vector_load %arg10[%get3A_634, %get3A_635] {strides = array<i32>} : memref<8x2048xf32, #tpu.memory_space<vmem>>, vector<1x16xf32>,
      %get3A_637 = vector.shape_cast %get3A_636 : vector<1x16xf32> to vector<16xf32>
      %add3A_638 = arith.addf %get3A_632, %get3A_637 : vector<16xf32>
      %swap3A = arith.constant 5 : i32
      %swap3A_639 = arith.index_cast %swap3A : i32 to index
      %swap3A_640 = arith.index_cast %mul3A_628 : i32 to index
      %swap3A_641 = tpu.vector_load %arg8[%swap3A_639, %swap3A_640] {strides = array<i32>} : memref<8x2048xf32, #tpu.memory_space<vmem>>, vector<1x16xf32>,
      %swap3A_642 = vector.shape_cast %swap3A_641 : vector<1x16xf32> to vector<16xf32>
      %swap3A_643 = vector.shape_cast %add3A_638 : vector<16xf32> to vector<1x16xf32>
      tpu.vector_store %arg8[%swap3A_639, %swap3A_640], %swap3A_643 {strides = array<i32>} : memref<8x2048xf32, #tpu.memory_space<vmem>>, vector<1x16xf32>,
    }
    %scan3A_145 = arith.constant 128 : i32
    %scan3A_146 = arith.constant 0 : i32
    %scan3A_147 = arith.constant 0 : i32
    %scan3A_148 = arith.constant 128 : i32
    %scan3A_149 = arith.addi %scan3A_147, %scan3A_148 : i32
    %scan3A_150 = arith.constant 1 : i32
    scf.for %scan3A_626 = %scan3A_147 to %scan3A_149 step %scan3A_150  : i32 {
      %mul3A_627 = arith.constant 16 : i32
      %mul3A_628 = arith.muli %scan3A_626, %mul3A_627 : i32
      %get3A = arith.constant 6 : i32
      %get3A_629 = arith.index_cast %get3A : i32 to index
      %get3A_630 = arith.index_cast %mul3A_628 : i32 to index
      %get3A_631 = tpu.vector_load %arg8[%get3A_629, %get3A_630] {strides = array<i32>} : memref<8x2048xf32, #tpu.memory_space<vmem>>, vector<1x16xf32>,
      %get3A_632 = vector.shape_cast %get3A_631 : vector<1x16xf32> to vector<16xf32>
      %get3A_633 = arith.constant 6 : i32
      %get3A_634 = arith.index_cast %get3A_633 : i32 to index
      %get3A_635 = arith.index_cast %mul3A_628 : i32 to index
      %get3A_636 = tpu.vector_load %arg10[%get3A_634, %get3A_635] {strides = array<i32>} : memref<8x2048xf32, #tpu.memory_space<vmem>>, vector<1x16xf32>,
      %get3A_637 = vector.shape_cast %get3A_636 : vector<1x16xf32> to vector<16xf32>
      %add3A_638 = arith.addf %get3A_632, %get3A_637 : vector<16xf32>
      %swap3A = arith.constant 6 : i32
      %swap3A_639 = arith.index_cast %swap3A : i32 to index
      %swap3A_640 = arith.index_cast %mul3A_628 : i32 to index
      %swap3A_641 = tpu.vector_load %arg8[%swap3A_639, %swap3A_640] {strides = array<i32>} : memref<8x2048xf32, #tpu.memory_space<vmem>>, vector<1x16xf32>,
      %swap3A_642 = vector.shape_cast %swap3A_641 : vector<1x16xf32> to vector<16xf32>
      %swap3A_643 = vector.shape_cast %add3A_638 : vector<16xf32> to vector<1x16xf32>
      tpu.vector_store %arg8[%swap3A_639, %swap3A_640], %swap3A_643 {strides = array<i32>} : memref<8x2048xf32, #tpu.memory_space<vmem>>, vector<1x16xf32>,
    }
    %scan3A_151 = arith.constant 128 : i32
    %scan3A_152 = arith.constant 0 : i32
    %scan3A_153 = arith.constant 0 : i32
    %scan3A_154 = arith.constant 128 : i32
    %scan3A_155 = arith.addi %scan3A_153, %scan3A_154 : i32
    %scan3A_156 = arith.constant 1 : i32
    scf.for %scan3A_626 = %scan3A_153 to %scan3A_155 step %scan3A_156  : i32 {
      %mul3A_627 = arith.constant 16 : i32
      %mul3A_628 = arith.muli %scan3A_626, %mul3A_627 : i32
      %get3A = arith.constant 7 : i32
      %get3A_629 = arith.index_cast %get3A : i32 to index
      %get3A_630 = arith.index_cast %mul3A_628 : i32 to index
      %get3A_631 = tpu.vector_load %arg8[%get3A_629, %get3A_630] {strides = array<i32>} : memref<8x2048xf32, #tpu.memory_space<vmem>>, vector<1x16xf32>,
      %get3A_632 = vector.shape_cast %get3A_631 : vector<1x16xf32> to vector<16xf32>
      %get3A_633 = arith.constant 7 : i32
      %get3A_634 = arith.index_cast %get3A_633 : i32 to index
      %get3A_635 = arith.index_cast %mul3A_628 : i32 to index
      %get3A_636 = tpu.vector_load %arg10[%get3A_634, %get3A_635] {strides = array<i32>} : memref<8x2048xf32, #tpu.memory_space<vmem>>, vector<1x16xf32>,
      %get3A_637 = vector.shape_cast %get3A_636 : vector<1x16xf32> to vector<16xf32>
      %add3A_638 = arith.addf %get3A_632, %get3A_637 : vector<16xf32>
      %swap3A = arith.constant 7 : i32
      %swap3A_639 = arith.index_cast %swap3A : i32 to index
      %swap3A_640 = arith.index_cast %mul3A_628 : i32 to index
      %swap3A_641 = tpu.vector_load %arg8[%swap3A_639, %swap3A_640] {strides = array<i32>} : memref<8x2048xf32, #tpu.memory_space<vmem>>, vector<1x16xf32>,
      %swap3A_642 = vector.shape_cast %swap3A_641 : vector<1x16xf32> to vector<16xf32>
      %swap3A_643 = vector.shape_cast %add3A_638 : vector<16xf32> to vector<1x16xf32>
      tpu.vector_store %arg8[%swap3A_639, %swap3A_640], %swap3A_643 {strides = array<i32>} : memref<8x2048xf32, #tpu.memory_space<vmem>>, vector<1x16xf32>,
    }
    %scan3A_157 = arith.constant 128 : i32
    %add3A_158 = arith.constant 8 : i32
    %add3A_159 = arith.addi %mul3A_2, %add3A_158 : i32
    %dma_start3A_160 = arith.constant 0 : i32
    %dma_start3A_161 = tpu.memref_slice %arg4[%add3A_159, %dma_start3A_160] : memref<2048x2048xf32, #tpu.memory_space<hbm>> -> memref<8x2048xf32, #tpu.memory_space<hbm>>
    %dma_start3A_162 = arith.constant 0 : i32
    %dma_start3A_163 = tpu.memref_slice %arg4[%add3A_159, %dma_start3A_162] : memref<2048x2048xf32, #tpu.memory_space<hbm>> -> memref<8x2048xf32, #tpu.memory_space<hbm>>
    tpu.enqueue_dma source(%arg8 : memref<8x2048xf32, #tpu.memory_space<vmem>>) target(%dma_start3A_163 : memref<8x2048xf32, #tpu.memory_space<hbm>>) target_semaphore(%arg16 : memref<!tpu.dma_semaphore, #tpu.memory_space<semaphore_mem>>)
    %dma_wait3A_164 = arith.constant 0 : i32
    %dma_wait3A_165 = tpu.memref_slice %arg4[%add3A_159, %dma_wait3A_164] : memref<2048x2048xf32, #tpu.memory_space<hbm>> -> memref<8x2048xf32, #tpu.memory_space<hbm>>
    %dma_wait3A_166 = arith.constant 0 : i32
    %dma_wait3A_167 = tpu.memref_slice %arg4[%add3A_159, %dma_wait3A_166] : memref<2048x2048xf32, #tpu.memory_space<hbm>> -> memref<8x2048xf32, #tpu.memory_space<hbm>>
    tpu.wait_dma2 semaphore(%arg16 : memref<!tpu.dma_semaphore, #tpu.memory_space<semaphore_mem>>) src(%arg8 : memref<8x2048xf32, #tpu.memory_space<vmem>>) dst(%dma_wait3A_167 : memref<8x2048xf32, #tpu.memory_space<hbm>>)
    %dma_start3A_168 = arith.constant 24 : i32
    %dma_start3A_169 = tpu.memref_slice %arg5[%dma_start3A_168] : memref<64xi32, #tpu.memory_space<vmem>> -> memref<8xi32, #tpu.memory_space<vmem>>
    %dma_start3A_170 = arith.constant 0 : i32
    %dma_start3A_171 = arith.constant 0 : i32
    %dma_start3A_172 = tpu.memref_slice %arg2[%dma_start3A_170, %dma_start3A_171] : memref<6144x2048xf32, #tpu.memory_space<hbm>> -> memref<6144x2048xf32, #tpu.memory_space<hbm>>
    tpu.enqueue_indirect_dma source(%dma_start3A_172 : memref<6144x2048xf32, #tpu.memory_space<hbm>>) target(%arg8 : memref<8x2048xf32, #tpu.memory_space<vmem>>) offsets(%dma_start3A_169 : memref<8xi32, #tpu.memory_space<vmem>>) semaphore(%arg12 : memref<!tpu.dma_semaphore, #tpu.memory_space<semaphore_mem>>)
    %dma_start3A_173 = arith.constant 24 : i32
    %dma_start3A_174 = tpu.memref_slice %arg6[%dma_start3A_173] : memref<64xi32, #tpu.memory_space<vmem>> -> memref<8xi32, #tpu.memory_space<vmem>>
    %dma_start3A_175 = arith.constant 0 : i32
    %dma_start3A_176 = arith.constant 0 : i32
    %dma_start3A_177 = tpu.memref_slice %arg2[%dma_start3A_175, %dma_start3A_176] : memref<6144x2048xf32, #tpu.memory_space<hbm>> -> memref<6144x2048xf32, #tpu.memory_space<hbm>>
    tpu.enqueue_indirect_dma source(%dma_start3A_177 : memref<6144x2048xf32, #tpu.memory_space<hbm>>) target(%arg10 : memref<8x2048xf32, #tpu.memory_space<vmem>>) offsets(%dma_start3A_174 : memref<8xi32, #tpu.memory_space<vmem>>) semaphore(%arg14 : memref<!tpu.dma_semaphore, #tpu.memory_space<semaphore_mem>>)
    %dma_wait3A_178 = arith.constant 16 : i32
    %dma_wait3A_179 = tpu.memref_slice %arg5[%dma_wait3A_178] : memref<64xi32, #tpu.memory_space<vmem>> -> memref<8xi32, #tpu.memory_space<vmem>>
    %dma_wait3A_180 = arith.constant 0 : i32
    %dma_wait3A_181 = arith.constant 0 : i32
    %dma_wait3A_182 = tpu.memref_slice %arg2[%dma_wait3A_180, %dma_wait3A_181] : memref<6144x2048xf32, #tpu.memory_space<hbm>> -> memref<6144x2048xf32, #tpu.memory_space<hbm>>
    tpu.wait_indirect_dma semaphore(%arg11 : memref<!tpu.dma_semaphore, #tpu.memory_space<semaphore_mem>>) src(%dma_wait3A_182 : memref<6144x2048xf32, #tpu.memory_space<hbm>>) dst(%arg7 : memref<8x2048xf32, #tpu.memory_space<vmem>>)
    %dma_wait3A_183 = arith.constant 16 : i32
    %dma_wait3A_184 = tpu.memref_slice %arg6[%dma_wait3A_183] : memref<64xi32, #tpu.memory_space<vmem>> -> memref<8xi32, #tpu.memory_space<vmem>>
    %dma_wait3A_185 = arith.constant 0 : i32
    %dma_wait3A_186 = arith.constant 0 : i32
    %dma_wait3A_187 = tpu.memref_slice %arg2[%dma_wait3A_185, %dma_wait3A_186] : memref<6144x2048xf32, #tpu.memory_space<hbm>> -> memref<6144x2048xf32, #tpu.memory_space<hbm>>
    tpu.wait_indirect_dma semaphore(%arg13 : memref<!tpu.dma_semaphore, #tpu.memory_space<semaphore_mem>>) src(%dma_wait3A_187 : memref<6144x2048xf32, #tpu.memory_space<hbm>>) dst(%arg9 : memref<8x2048xf32, #tpu.memory_space<vmem>>)
    %scan3A_188 = arith.constant 0 : i32
    %scan3A_189 = arith.constant 0 : i32
    %scan3A_190 = arith.constant 128 : i32
    %scan3A_191 = arith.addi %scan3A_189, %scan3A_190 : i32
    %scan3A_192 = arith.constant 1 : i32
    scf.for %scan3A_626 = %scan3A_189 to %scan3A_191 step %scan3A_192  : i32 {
      %mul3A_627 = arith.constant 16 : i32
      %mul3A_628 = arith.muli %scan3A_626, %mul3A_627 : i32
      %get3A = arith.constant 0 : i32
      %get3A_629 = arith.index_cast %get3A : i32 to index
      %get3A_630 = arith.index_cast %mul3A_628 : i32 to index
      %get3A_631 = tpu.vector_load %arg7[%get3A_629, %get3A_630] {strides = array<i32>} : memref<8x2048xf32, #tpu.memory_space<vmem>>, vector<1x16xf32>,
      %get3A_632 = vector.shape_cast %get3A_631 : vector<1x16xf32> to vector<16xf32>
      %get3A_633 = arith.constant 0 : i32
      %get3A_634 = arith.index_cast %get3A_633 : i32 to index
      %get3A_635 = arith.index_cast %mul3A_628 : i32 to index
      %get3A_636 = tpu.vector_load %arg9[%get3A_634, %get3A_635] {strides = array<i32>} : memref<8x2048xf32, #tpu.memory_space<vmem>>, vector<1x16xf32>,
      %get3A_637 = vector.shape_cast %get3A_636 : vector<1x16xf32> to vector<16xf32>
      %add3A_638 = arith.addf %get3A_632, %get3A_637 : vector<16xf32>
      %swap3A = arith.constant 0 : i32
      %swap3A_639 = arith.index_cast %swap3A : i32 to index
      %swap3A_640 = arith.index_cast %mul3A_628 : i32 to index
      %swap3A_641 = tpu.vector_load %arg7[%swap3A_639, %swap3A_640] {strides = array<i32>} : memref<8x2048xf32, #tpu.memory_space<vmem>>, vector<1x16xf32>,
      %swap3A_642 = vector.shape_cast %swap3A_641 : vector<1x16xf32> to vector<16xf32>
      %swap3A_643 = vector.shape_cast %add3A_638 : vector<16xf32> to vector<1x16xf32>
      tpu.vector_store %arg7[%swap3A_639, %swap3A_640], %swap3A_643 {strides = array<i32>} : memref<8x2048xf32, #tpu.memory_space<vmem>>, vector<1x16xf32>,
    }
    %scan3A_193 = arith.constant 128 : i32
    %scan3A_194 = arith.constant 0 : i32
    %scan3A_195 = arith.constant 0 : i32
    %scan3A_196 = arith.constant 128 : i32
    %scan3A_197 = arith.addi %scan3A_195, %scan3A_196 : i32
    %scan3A_198 = arith.constant 1 : i32
    scf.for %scan3A_626 = %scan3A_195 to %scan3A_197 step %scan3A_198  : i32 {
      %mul3A_627 = arith.constant 16 : i32
      %mul3A_628 = arith.muli %scan3A_626, %mul3A_627 : i32
      %get3A = arith.constant 1 : i32
      %get3A_629 = arith.index_cast %get3A : i32 to index
      %get3A_630 = arith.index_cast %mul3A_628 : i32 to index
      %get3A_631 = tpu.vector_load %arg7[%get3A_629, %get3A_630] {strides = array<i32>} : memref<8x2048xf32, #tpu.memory_space<vmem>>, vector<1x16xf32>,
      %get3A_632 = vector.shape_cast %get3A_631 : vector<1x16xf32> to vector<16xf32>
      %get3A_633 = arith.constant 1 : i32
      %get3A_634 = arith.index_cast %get3A_633 : i32 to index
      %get3A_635 = arith.index_cast %mul3A_628 : i32 to index
      %get3A_636 = tpu.vector_load %arg9[%get3A_634, %get3A_635] {strides = array<i32>} : memref<8x2048xf32, #tpu.memory_space<vmem>>, vector<1x16xf32>,
      %get3A_637 = vector.shape_cast %get3A_636 : vector<1x16xf32> to vector<16xf32>
      %add3A_638 = arith.addf %get3A_632, %get3A_637 : vector<16xf32>
      %swap3A = arith.constant 1 : i32
      %swap3A_639 = arith.index_cast %swap3A : i32 to index
      %swap3A_640 = arith.index_cast %mul3A_628 : i32 to index
      %swap3A_641 = tpu.vector_load %arg7[%swap3A_639, %swap3A_640] {strides = array<i32>} : memref<8x2048xf32, #tpu.memory_space<vmem>>, vector<1x16xf32>,
      %swap3A_642 = vector.shape_cast %swap3A_641 : vector<1x16xf32> to vector<16xf32>
      %swap3A_643 = vector.shape_cast %add3A_638 : vector<16xf32> to vector<1x16xf32>
      tpu.vector_store %arg7[%swap3A_639, %swap3A_640], %swap3A_643 {strides = array<i32>} : memref<8x2048xf32, #tpu.memory_space<vmem>>, vector<1x16xf32>,
    }
    %scan3A_199 = arith.constant 128 : i32
    %scan3A_200 = arith.constant 0 : i32
    %scan3A_201 = arith.constant 0 : i32
    %scan3A_202 = arith.constant 128 : i32
    %scan3A_203 = arith.addi %scan3A_201, %scan3A_202 : i32
    %scan3A_204 = arith.constant 1 : i32
    scf.for %scan3A_626 = %scan3A_201 to %scan3A_203 step %scan3A_204  : i32 {
      %mul3A_627 = arith.constant 16 : i32
      %mul3A_628 = arith.muli %scan3A_626, %mul3A_627 : i32
      %get3A = arith.constant 2 : i32
      %get3A_629 = arith.index_cast %get3A : i32 to index
      %get3A_630 = arith.index_cast %mul3A_628 : i32 to index
      %get3A_631 = tpu.vector_load %arg7[%get3A_629, %get3A_630] {strides = array<i32>} : memref<8x2048xf32, #tpu.memory_space<vmem>>, vector<1x16xf32>,
      %get3A_632 = vector.shape_cast %get3A_631 : vector<1x16xf32> to vector<16xf32>
      %get3A_633 = arith.constant 2 : i32
      %get3A_634 = arith.index_cast %get3A_633 : i32 to index
      %get3A_635 = arith.index_cast %mul3A_628 : i32 to index
      %get3A_636 = tpu.vector_load %arg9[%get3A_634, %get3A_635] {strides = array<i32>} : memref<8x2048xf32, #tpu.memory_space<vmem>>, vector<1x16xf32>,
      %get3A_637 = vector.shape_cast %get3A_636 : vector<1x16xf32> to vector<16xf32>
      %add3A_638 = arith.addf %get3A_632, %get3A_637 : vector<16xf32>
      %swap3A = arith.constant 2 : i32
      %swap3A_639 = arith.index_cast %swap3A : i32 to index
      %swap3A_640 = arith.index_cast %mul3A_628 : i32 to index
      %swap3A_641 = tpu.vector_load %arg7[%swap3A_639, %swap3A_640] {strides = array<i32>} : memref<8x2048xf32, #tpu.memory_space<vmem>>, vector<1x16xf32>,
      %swap3A_642 = vector.shape_cast %swap3A_641 : vector<1x16xf32> to vector<16xf32>
      %swap3A_643 = vector.shape_cast %add3A_638 : vector<16xf32> to vector<1x16xf32>
      tpu.vector_store %arg7[%swap3A_639, %swap3A_640], %swap3A_643 {strides = array<i32>} : memref<8x2048xf32, #tpu.memory_space<vmem>>, vector<1x16xf32>,
    }
    %scan3A_205 = arith.constant 128 : i32
    %scan3A_206 = arith.constant 0 : i32
    %scan3A_207 = arith.constant 0 : i32
    %scan3A_208 = arith.constant 128 : i32
    %scan3A_209 = arith.addi %scan3A_207, %scan3A_208 : i32
    %scan3A_210 = arith.constant 1 : i32
    scf.for %scan3A_626 = %scan3A_207 to %scan3A_209 step %scan3A_210  : i32 {
      %mul3A_627 = arith.constant 16 : i32
      %mul3A_628 = arith.muli %scan3A_626, %mul3A_627 : i32
      %get3A = arith.constant 3 : i32
      %get3A_629 = arith.index_cast %get3A : i32 to index
      %get3A_630 = arith.index_cast %mul3A_628 : i32 to index
      %get3A_631 = tpu.vector_load %arg7[%get3A_629, %get3A_630] {strides = array<i32>} : memref<8x2048xf32, #tpu.memory_space<vmem>>, vector<1x16xf32>,
      %get3A_632 = vector.shape_cast %get3A_631 : vector<1x16xf32> to vector<16xf32>
      %get3A_633 = arith.constant 3 : i32
      %get3A_634 = arith.index_cast %get3A_633 : i32 to index
      %get3A_635 = arith.index_cast %mul3A_628 : i32 to index
      %get3A_636 = tpu.vector_load %arg9[%get3A_634, %get3A_635] {strides = array<i32>} : memref<8x2048xf32, #tpu.memory_space<vmem>>, vector<1x16xf32>,
      %get3A_637 = vector.shape_cast %get3A_636 : vector<1x16xf32> to vector<16xf32>
      %add3A_638 = arith.addf %get3A_632, %get3A_637 : vector<16xf32>
      %swap3A = arith.constant 3 : i32
      %swap3A_639 = arith.index_cast %swap3A : i32 to index
      %swap3A_640 = arith.index_cast %mul3A_628 : i32 to index
      %swap3A_641 = tpu.vector_load %arg7[%swap3A_639, %swap3A_640] {strides = array<i32>} : memref<8x2048xf32, #tpu.memory_space<vmem>>, vector<1x16xf32>,
      %swap3A_642 = vector.shape_cast %swap3A_641 : vector<1x16xf32> to vector<16xf32>
      %swap3A_643 = vector.shape_cast %add3A_638 : vector<16xf32> to vector<1x16xf32>
      tpu.vector_store %arg7[%swap3A_639, %swap3A_640], %swap3A_643 {strides = array<i32>} : memref<8x2048xf32, #tpu.memory_space<vmem>>, vector<1x16xf32>,
    }
    %scan3A_211 = arith.constant 128 : i32
    %scan3A_212 = arith.constant 0 : i32
    %scan3A_213 = arith.constant 0 : i32
    %scan3A_214 = arith.constant 128 : i32
    %scan3A_215 = arith.addi %scan3A_213, %scan3A_214 : i32
    %scan3A_216 = arith.constant 1 : i32
    scf.for %scan3A_626 = %scan3A_213 to %scan3A_215 step %scan3A_216  : i32 {
      %mul3A_627 = arith.constant 16 : i32
      %mul3A_628 = arith.muli %scan3A_626, %mul3A_627 : i32
      %get3A = arith.constant 4 : i32
      %get3A_629 = arith.index_cast %get3A : i32 to index
      %get3A_630 = arith.index_cast %mul3A_628 : i32 to index
      %get3A_631 = tpu.vector_load %arg7[%get3A_629, %get3A_630] {strides = array<i32>} : memref<8x2048xf32, #tpu.memory_space<vmem>>, vector<1x16xf32>,
      %get3A_632 = vector.shape_cast %get3A_631 : vector<1x16xf32> to vector<16xf32>
      %get3A_633 = arith.constant 4 : i32
      %get3A_634 = arith.index_cast %get3A_633 : i32 to index
      %get3A_635 = arith.index_cast %mul3A_628 : i32 to index
      %get3A_636 = tpu.vector_load %arg9[%get3A_634, %get3A_635] {strides = array<i32>} : memref<8x2048xf32, #tpu.memory_space<vmem>>, vector<1x16xf32>,
      %get3A_637 = vector.shape_cast %get3A_636 : vector<1x16xf32> to vector<16xf32>
      %add3A_638 = arith.addf %get3A_632, %get3A_637 : vector<16xf32>
      %swap3A = arith.constant 4 : i32
      %swap3A_639 = arith.index_cast %swap3A : i32 to index
      %swap3A_640 = arith.index_cast %mul3A_628 : i32 to index
      %swap3A_641 = tpu.vector_load %arg7[%swap3A_639, %swap3A_640] {strides = array<i32>} : memref<8x2048xf32, #tpu.memory_space<vmem>>, vector<1x16xf32>,
      %swap3A_642 = vector.shape_cast %swap3A_641 : vector<1x16xf32> to vector<16xf32>
      %swap3A_643 = vector.shape_cast %add3A_638 : vector<16xf32> to vector<1x16xf32>
      tpu.vector_store %arg7[%swap3A_639, %swap3A_640], %swap3A_643 {strides = array<i32>} : memref<8x2048xf32, #tpu.memory_space<vmem>>, vector<1x16xf32>,
    }
    %scan3A_217 = arith.constant 128 : i32
    %scan3A_218 = arith.constant 0 : i32
    %scan3A_219 = arith.constant 0 : i32
    %scan3A_220 = arith.constant 128 : i32
    %scan3A_221 = arith.addi %scan3A_219, %scan3A_220 : i32
    %scan3A_222 = arith.constant 1 : i32
    scf.for %scan3A_626 = %scan3A_219 to %scan3A_221 step %scan3A_222  : i32 {
      %mul3A_627 = arith.constant 16 : i32
      %mul3A_628 = arith.muli %scan3A_626, %mul3A_627 : i32
      %get3A = arith.constant 5 : i32
      %get3A_629 = arith.index_cast %get3A : i32 to index
      %get3A_630 = arith.index_cast %mul3A_628 : i32 to index
      %get3A_631 = tpu.vector_load %arg7[%get3A_629, %get3A_630] {strides = array<i32>} : memref<8x2048xf32, #tpu.memory_space<vmem>>, vector<1x16xf32>,
      %get3A_632 = vector.shape_cast %get3A_631 : vector<1x16xf32> to vector<16xf32>
      %get3A_633 = arith.constant 5 : i32
      %get3A_634 = arith.index_cast %get3A_633 : i32 to index
      %get3A_635 = arith.index_cast %mul3A_628 : i32 to index
      %get3A_636 = tpu.vector_load %arg9[%get3A_634, %get3A_635] {strides = array<i32>} : memref<8x2048xf32, #tpu.memory_space<vmem>>, vector<1x16xf32>,
      %get3A_637 = vector.shape_cast %get3A_636 : vector<1x16xf32> to vector<16xf32>
      %add3A_638 = arith.addf %get3A_632, %get3A_637 : vector<16xf32>
      %swap3A = arith.constant 5 : i32
      %swap3A_639 = arith.index_cast %swap3A : i32 to index
      %swap3A_640 = arith.index_cast %mul3A_628 : i32 to index
      %swap3A_641 = tpu.vector_load %arg7[%swap3A_639, %swap3A_640] {strides = array<i32>} : memref<8x2048xf32, #tpu.memory_space<vmem>>, vector<1x16xf32>,
      %swap3A_642 = vector.shape_cast %swap3A_641 : vector<1x16xf32> to vector<16xf32>
      %swap3A_643 = vector.shape_cast %add3A_638 : vector<16xf32> to vector<1x16xf32>
      tpu.vector_store %arg7[%swap3A_639, %swap3A_640], %swap3A_643 {strides = array<i32>} : memref<8x2048xf32, #tpu.memory_space<vmem>>, vector<1x16xf32>,
    }
    %scan3A_223 = arith.constant 128 : i32
    %scan3A_224 = arith.constant 0 : i32
    %scan3A_225 = arith.constant 0 : i32
    %scan3A_226 = arith.constant 128 : i32
    %scan3A_227 = arith.addi %scan3A_225, %scan3A_226 : i32
    %scan3A_228 = arith.constant 1 : i32
    scf.for %scan3A_626 = %scan3A_225 to %scan3A_227 step %scan3A_228  : i32 {
      %mul3A_627 = arith.constant 16 : i32
      %mul3A_628 = arith.muli %scan3A_626, %mul3A_627 : i32
      %get3A = arith.constant 6 : i32
      %get3A_629 = arith.index_cast %get3A : i32 to index
      %get3A_630 = arith.index_cast %mul3A_628 : i32 to index
      %get3A_631 = tpu.vector_load %arg7[%get3A_629, %get3A_630] {strides = array<i32>} : memref<8x2048xf32, #tpu.memory_space<vmem>>, vector<1x16xf32>,
      %get3A_632 = vector.shape_cast %get3A_631 : vector<1x16xf32> to vector<16xf32>
      %get3A_633 = arith.constant 6 : i32
      %get3A_634 = arith.index_cast %get3A_633 : i32 to index
      %get3A_635 = arith.index_cast %mul3A_628 : i32 to index
      %get3A_636 = tpu.vector_load %arg9[%get3A_634, %get3A_635] {strides = array<i32>} : memref<8x2048xf32, #tpu.memory_space<vmem>>, vector<1x16xf32>,
      %get3A_637 = vector.shape_cast %get3A_636 : vector<1x16xf32> to vector<16xf32>
      %add3A_638 = arith.addf %get3A_632, %get3A_637 : vector<16xf32>
      %swap3A = arith.constant 6 : i32
      %swap3A_639 = arith.index_cast %swap3A : i32 to index
      %swap3A_640 = arith.index_cast %mul3A_628 : i32 to index
      %swap3A_641 = tpu.vector_load %arg7[%swap3A_639, %swap3A_640] {strides = array<i32>} : memref<8x2048xf32, #tpu.memory_space<vmem>>, vector<1x16xf32>,
      %swap3A_642 = vector.shape_cast %swap3A_641 : vector<1x16xf32> to vector<16xf32>
      %swap3A_643 = vector.shape_cast %add3A_638 : vector<16xf32> to vector<1x16xf32>
      tpu.vector_store %arg7[%swap3A_639, %swap3A_640], %swap3A_643 {strides = array<i32>} : memref<8x2048xf32, #tpu.memory_space<vmem>>, vector<1x16xf32>,
    }
    %scan3A_229 = arith.constant 128 : i32
    %scan3A_230 = arith.constant 0 : i32
    %scan3A_231 = arith.constant 0 : i32
    %scan3A_232 = arith.constant 128 : i32
    %scan3A_233 = arith.addi %scan3A_231, %scan3A_232 : i32
    %scan3A_234 = arith.constant 1 : i32
    scf.for %scan3A_626 = %scan3A_231 to %scan3A_233 step %scan3A_234  : i32 {
      %mul3A_627 = arith.constant 16 : i32
      %mul3A_628 = arith.muli %scan3A_626, %mul3A_627 : i32
      %get3A = arith.constant 7 : i32
      %get3A_629 = arith.index_cast %get3A : i32 to index
      %get3A_630 = arith.index_cast %mul3A_628 : i32 to index
      %get3A_631 = tpu.vector_load %arg7[%get3A_629, %get3A_630] {strides = array<i32>} : memref<8x2048xf32, #tpu.memory_space<vmem>>, vector<1x16xf32>,
      %get3A_632 = vector.shape_cast %get3A_631 : vector<1x16xf32> to vector<16xf32>
      %get3A_633 = arith.constant 7 : i32
      %get3A_634 = arith.index_cast %get3A_633 : i32 to index
      %get3A_635 = arith.index_cast %mul3A_628 : i32 to index
      %get3A_636 = tpu.vector_load %arg9[%get3A_634, %get3A_635] {strides = array<i32>} : memref<8x2048xf32, #tpu.memory_space<vmem>>, vector<1x16xf32>,
      %get3A_637 = vector.shape_cast %get3A_636 : vector<1x16xf32> to vector<16xf32>
      %add3A_638 = arith.addf %get3A_632, %get3A_637 : vector<16xf32>
      %swap3A = arith.constant 7 : i32
      %swap3A_639 = arith.index_cast %swap3A : i32 to index
      %swap3A_640 = arith.index_cast %mul3A_628 : i32 to index
      %swap3A_641 = tpu.vector_load %arg7[%swap3A_639, %swap3A_640] {strides = array<i32>} : memref<8x2048xf32, #tpu.memory_space<vmem>>, vector<1x16xf32>,
      %swap3A_642 = vector.shape_cast %swap3A_641 : vector<1x16xf32> to vector<16xf32>
      %swap3A_643 = vector.shape_cast %add3A_638 : vector<16xf32> to vector<1x16xf32>
      tpu.vector_store %arg7[%swap3A_639, %swap3A_640], %swap3A_643 {strides = array<i32>} : memref<8x2048xf32, #tpu.memory_space<vmem>>, vector<1x16xf32>,
    }
    %scan3A_235 = arith.constant 128 : i32
    %add3A_236 = arith.constant 16 : i32
    %add3A_237 = arith.addi %mul3A_2, %add3A_236 : i32
    %dma_start3A_238 = arith.constant 0 : i32
    %dma_start3A_239 = tpu.memref_slice %arg4[%add3A_237, %dma_start3A_238] : memref<2048x2048xf32, #tpu.memory_space<hbm>> -> memref<8x2048xf32, #tpu.memory_space<hbm>>
    %dma_start3A_240 = arith.constant 0 : i32
    %dma_start3A_241 = tpu.memref_slice %arg4[%add3A_237, %dma_start3A_240] : memref<2048x2048xf32, #tpu.memory_space<hbm>> -> memref<8x2048xf32, #tpu.memory_space<hbm>>
    tpu.enqueue_dma source(%arg7 : memref<8x2048xf32, #tpu.memory_space<vmem>>) target(%dma_start3A_241 : memref<8x2048xf32, #tpu.memory_space<hbm>>) target_semaphore(%arg15 : memref<!tpu.dma_semaphore, #tpu.memory_space<semaphore_mem>>)
    %dma_wait3A_242 = arith.constant 0 : i32
    %dma_wait3A_243 = tpu.memref_slice %arg4[%add3A_237, %dma_wait3A_242] : memref<2048x2048xf32, #tpu.memory_space<hbm>> -> memref<8x2048xf32, #tpu.memory_space<hbm>>
    %dma_wait3A_244 = arith.constant 0 : i32
    %dma_wait3A_245 = tpu.memref_slice %arg4[%add3A_237, %dma_wait3A_244] : memref<2048x2048xf32, #tpu.memory_space<hbm>> -> memref<8x2048xf32, #tpu.memory_space<hbm>>
    tpu.wait_dma2 semaphore(%arg15 : memref<!tpu.dma_semaphore, #tpu.memory_space<semaphore_mem>>) src(%arg7 : memref<8x2048xf32, #tpu.memory_space<vmem>>) dst(%dma_wait3A_245 : memref<8x2048xf32, #tpu.memory_space<hbm>>)
    %dma_start3A_246 = arith.constant 32 : i32
    %dma_start3A_247 = tpu.memref_slice %arg5[%dma_start3A_246] : memref<64xi32, #tpu.memory_space<vmem>> -> memref<8xi32, #tpu.memory_space<vmem>>
    %dma_start3A_248 = arith.constant 0 : i32
    %dma_start3A_249 = arith.constant 0 : i32
    %dma_start3A_250 = tpu.memref_slice %arg2[%dma_start3A_248, %dma_start3A_249] : memref<6144x2048xf32, #tpu.memory_space<hbm>> -> memref<6144x2048xf32, #tpu.memory_space<hbm>>
    tpu.enqueue_indirect_dma source(%dma_start3A_250 : memref<6144x2048xf32, #tpu.memory_space<hbm>>) target(%arg7 : memref<8x2048xf32, #tpu.memory_space<vmem>>) offsets(%dma_start3A_247 : memref<8xi32, #tpu.memory_space<vmem>>) semaphore(%arg11 : memref<!tpu.dma_semaphore, #tpu.memory_space<semaphore_mem>>)
    %dma_start3A_251 = arith.constant 32 : i32
    %dma_start3A_252 = tpu.memref_slice %arg6[%dma_start3A_251] : memref<64xi32, #tpu.memory_space<vmem>> -> memref<8xi32, #tpu.memory_space<vmem>>
    %dma_start3A_253 = arith.constant 0 : i32
    %dma_start3A_254 = arith.constant 0 : i32
    %dma_start3A_255 = tpu.memref_slice %arg2[%dma_start3A_253, %dma_start3A_254] : memref<6144x2048xf32, #tpu.memory_space<hbm>> -> memref<6144x2048xf32, #tpu.memory_space<hbm>>
    tpu.enqueue_indirect_dma source(%dma_start3A_255 : memref<6144x2048xf32, #tpu.memory_space<hbm>>) target(%arg9 : memref<8x2048xf32, #tpu.memory_space<vmem>>) offsets(%dma_start3A_252 : memref<8xi32, #tpu.memory_space<vmem>>) semaphore(%arg13 : memref<!tpu.dma_semaphore, #tpu.memory_space<semaphore_mem>>)
    %dma_wait3A_256 = arith.constant 24 : i32
    %dma_wait3A_257 = tpu.memref_slice %arg5[%dma_wait3A_256] : memref<64xi32, #tpu.memory_space<vmem>> -> memref<8xi32, #tpu.memory_space<vmem>>
    %dma_wait3A_258 = arith.constant 0 : i32
    %dma_wait3A_259 = arith.constant 0 : i32
    %dma_wait3A_260 = tpu.memref_slice %arg2[%dma_wait3A_258, %dma_wait3A_259] : memref<6144x2048xf32, #tpu.memory_space<hbm>> -> memref<6144x2048xf32, #tpu.memory_space<hbm>>
    tpu.wait_indirect_dma semaphore(%arg12 : memref<!tpu.dma_semaphore, #tpu.memory_space<semaphore_mem>>) src(%dma_wait3A_260 : memref<6144x2048xf32, #tpu.memory_space<hbm>>) dst(%arg8 : memref<8x2048xf32, #tpu.memory_space<vmem>>)
    %dma_wait3A_261 = arith.constant 24 : i32
    %dma_wait3A_262 = tpu.memref_slice %arg6[%dma_wait3A_261] : memref<64xi32, #tpu.memory_space<vmem>> -> memref<8xi32, #tpu.memory_space<vmem>>
    %dma_wait3A_263 = arith.constant 0 : i32
    %dma_wait3A_264 = arith.constant 0 : i32
    %dma_wait3A_265 = tpu.memref_slice %arg2[%dma_wait3A_263, %dma_wait3A_264] : memref<6144x2048xf32, #tpu.memory_space<hbm>> -> memref<6144x2048xf32, #tpu.memory_space<hbm>>
    tpu.wait_indirect_dma semaphore(%arg14 : memref<!tpu.dma_semaphore, #tpu.memory_space<semaphore_mem>>) src(%dma_wait3A_265 : memref<6144x2048xf32, #tpu.memory_space<hbm>>) dst(%arg10 : memref<8x2048xf32, #tpu.memory_space<vmem>>)
    %scan3A_266 = arith.constant 0 : i32
    %scan3A_267 = arith.constant 0 : i32
    %scan3A_268 = arith.constant 128 : i32
    %scan3A_269 = arith.addi %scan3A_267, %scan3A_268 : i32
    %scan3A_270 = arith.constant 1 : i32
    scf.for %scan3A_626 = %scan3A_267 to %scan3A_269 step %scan3A_270  : i32 {
      %mul3A_627 = arith.constant 16 : i32
      %mul3A_628 = arith.muli %scan3A_626, %mul3A_627 : i32
      %get3A = arith.constant 0 : i32
      %get3A_629 = arith.index_cast %get3A : i32 to index
      %get3A_630 = arith.index_cast %mul3A_628 : i32 to index
      %get3A_631 = tpu.vector_load %arg8[%get3A_629, %get3A_630] {strides = array<i32>} : memref<8x2048xf32, #tpu.memory_space<vmem>>, vector<1x16xf32>,
      %get3A_632 = vector.shape_cast %get3A_631 : vector<1x16xf32> to vector<16xf32>
      %get3A_633 = arith.constant 0 : i32
      %get3A_634 = arith.index_cast %get3A_633 : i32 to index
      %get3A_635 = arith.index_cast %mul3A_628 : i32 to index
      %get3A_636 = tpu.vector_load %arg10[%get3A_634, %get3A_635] {strides = array<i32>} : memref<8x2048xf32, #tpu.memory_space<vmem>>, vector<1x16xf32>,
      %get3A_637 = vector.shape_cast %get3A_636 : vector<1x16xf32> to vector<16xf32>
      %add3A_638 = arith.addf %get3A_632, %get3A_637 : vector<16xf32>
      %swap3A = arith.constant 0 : i32
      %swap3A_639 = arith.index_cast %swap3A : i32 to index
      %swap3A_640 = arith.index_cast %mul3A_628 : i32 to index
      %swap3A_641 = tpu.vector_load %arg8[%swap3A_639, %swap3A_640] {strides = array<i32>} : memref<8x2048xf32, #tpu.memory_space<vmem>>, vector<1x16xf32>,
      %swap3A_642 = vector.shape_cast %swap3A_641 : vector<1x16xf32> to vector<16xf32>
      %swap3A_643 = vector.shape_cast %add3A_638 : vector<16xf32> to vector<1x16xf32>
      tpu.vector_store %arg8[%swap3A_639, %swap3A_640], %swap3A_643 {strides = array<i32>} : memref<8x2048xf32, #tpu.memory_space<vmem>>, vector<1x16xf32>,
    }
    %scan3A_271 = arith.constant 128 : i32
    %scan3A_272 = arith.constant 0 : i32
    %scan3A_273 = arith.constant 0 : i32
    %scan3A_274 = arith.constant 128 : i32
    %scan3A_275 = arith.addi %scan3A_273, %scan3A_274 : i32
    %scan3A_276 = arith.constant 1 : i32
    scf.for %scan3A_626 = %scan3A_273 to %scan3A_275 step %scan3A_276  : i32 {
      %mul3A_627 = arith.constant 16 : i32
      %mul3A_628 = arith.muli %scan3A_626, %mul3A_627 : i32
      %get3A = arith.constant 1 : i32
      %get3A_629 = arith.index_cast %get3A : i32 to index
      %get3A_630 = arith.index_cast %mul3A_628 : i32 to index
      %get3A_631 = tpu.vector_load %arg8[%get3A_629, %get3A_630] {strides = array<i32>} : memref<8x2048xf32, #tpu.memory_space<vmem>>, vector<1x16xf32>,
      %get3A_632 = vector.shape_cast %get3A_631 : vector<1x16xf32> to vector<16xf32>
      %get3A_633 = arith.constant 1 : i32
      %get3A_634 = arith.index_cast %get3A_633 : i32 to index
      %get3A_635 = arith.index_cast %mul3A_628 : i32 to index
      %get3A_636 = tpu.vector_load %arg10[%get3A_634, %get3A_635] {strides = array<i32>} : memref<8x2048xf32, #tpu.memory_space<vmem>>, vector<1x16xf32>,
      %get3A_637 = vector.shape_cast %get3A_636 : vector<1x16xf32> to vector<16xf32>
      %add3A_638 = arith.addf %get3A_632, %get3A_637 : vector<16xf32>
      %swap3A = arith.constant 1 : i32
      %swap3A_639 = arith.index_cast %swap3A : i32 to index
      %swap3A_640 = arith.index_cast %mul3A_628 : i32 to index
      %swap3A_641 = tpu.vector_load %arg8[%swap3A_639, %swap3A_640] {strides = array<i32>} : memref<8x2048xf32, #tpu.memory_space<vmem>>, vector<1x16xf32>,
      %swap3A_642 = vector.shape_cast %swap3A_641 : vector<1x16xf32> to vector<16xf32>
      %swap3A_643 = vector.shape_cast %add3A_638 : vector<16xf32> to vector<1x16xf32>
      tpu.vector_store %arg8[%swap3A_639, %swap3A_640], %swap3A_643 {strides = array<i32>} : memref<8x2048xf32, #tpu.memory_space<vmem>>, vector<1x16xf32>,
    }
    %scan3A_277 = arith.constant 128 : i32
    %scan3A_278 = arith.constant 0 : i32
    %scan3A_279 = arith.constant 0 : i32
    %scan3A_280 = arith.constant 128 : i32
    %scan3A_281 = arith.addi %scan3A_279, %scan3A_280 : i32
    %scan3A_282 = arith.constant 1 : i32
    scf.for %scan3A_626 = %scan3A_279 to %scan3A_281 step %scan3A_282  : i32 {
      %mul3A_627 = arith.constant 16 : i32
      %mul3A_628 = arith.muli %scan3A_626, %mul3A_627 : i32
      %get3A = arith.constant 2 : i32
      %get3A_629 = arith.index_cast %get3A : i32 to index
      %get3A_630 = arith.index_cast %mul3A_628 : i32 to index
      %get3A_631 = tpu.vector_load %arg8[%get3A_629, %get3A_630] {strides = array<i32>} : memref<8x2048xf32, #tpu.memory_space<vmem>>, vector<1x16xf32>,
      %get3A_632 = vector.shape_cast %get3A_631 : vector<1x16xf32> to vector<16xf32>
      %get3A_633 = arith.constant 2 : i32
      %get3A_634 = arith.index_cast %get3A_633 : i32 to index
      %get3A_635 = arith.index_cast %mul3A_628 : i32 to index
      %get3A_636 = tpu.vector_load %arg10[%get3A_634, %get3A_635] {strides = array<i32>} : memref<8x2048xf32, #tpu.memory_space<vmem>>, vector<1x16xf32>,
      %get3A_637 = vector.shape_cast %get3A_636 : vector<1x16xf32> to vector<16xf32>
      %add3A_638 = arith.addf %get3A_632, %get3A_637 : vector<16xf32>
      %swap3A = arith.constant 2 : i32
      %swap3A_639 = arith.index_cast %swap3A : i32 to index
      %swap3A_640 = arith.index_cast %mul3A_628 : i32 to index
      %swap3A_641 = tpu.vector_load %arg8[%swap3A_639, %swap3A_640] {strides = array<i32>} : memref<8x2048xf32, #tpu.memory_space<vmem>>, vector<1x16xf32>,
      %swap3A_642 = vector.shape_cast %swap3A_641 : vector<1x16xf32> to vector<16xf32>
      %swap3A_643 = vector.shape_cast %add3A_638 : vector<16xf32> to vector<1x16xf32>
      tpu.vector_store %arg8[%swap3A_639, %swap3A_640], %swap3A_643 {strides = array<i32>} : memref<8x2048xf32, #tpu.memory_space<vmem>>, vector<1x16xf32>,
    }
    %scan3A_283 = arith.constant 128 : i32
    %scan3A_284 = arith.constant 0 : i32
    %scan3A_285 = arith.constant 0 : i32
    %scan3A_286 = arith.constant 128 : i32
    %scan3A_287 = arith.addi %scan3A_285, %scan3A_286 : i32
    %scan3A_288 = arith.constant 1 : i32
    scf.for %scan3A_626 = %scan3A_285 to %scan3A_287 step %scan3A_288  : i32 {
      %mul3A_627 = arith.constant 16 : i32
      %mul3A_628 = arith.muli %scan3A_626, %mul3A_627 : i32
      %get3A = arith.constant 3 : i32
      %get3A_629 = arith.index_cast %get3A : i32 to index
      %get3A_630 = arith.index_cast %mul3A_628 : i32 to index
      %get3A_631 = tpu.vector_load %arg8[%get3A_629, %get3A_630] {strides = array<i32>} : memref<8x2048xf32, #tpu.memory_space<vmem>>, vector<1x16xf32>,
      %get3A_632 = vector.shape_cast %get3A_631 : vector<1x16xf32> to vector<16xf32>
      %get3A_633 = arith.constant 3 : i32
      %get3A_634 = arith.index_cast %get3A_633 : i32 to index
      %get3A_635 = arith.index_cast %mul3A_628 : i32 to index
      %get3A_636 = tpu.vector_load %arg10[%get3A_634, %get3A_635] {strides = array<i32>} : memref<8x2048xf32, #tpu.memory_space<vmem>>, vector<1x16xf32>,
      %get3A_637 = vector.shape_cast %get3A_636 : vector<1x16xf32> to vector<16xf32>
      %add3A_638 = arith.addf %get3A_632, %get3A_637 : vector<16xf32>
      %swap3A = arith.constant 3 : i32
      %swap3A_639 = arith.index_cast %swap3A : i32 to index
      %swap3A_640 = arith.index_cast %mul3A_628 : i32 to index
      %swap3A_641 = tpu.vector_load %arg8[%swap3A_639, %swap3A_640] {strides = array<i32>} : memref<8x2048xf32, #tpu.memory_space<vmem>>, vector<1x16xf32>,
      %swap3A_642 = vector.shape_cast %swap3A_641 : vector<1x16xf32> to vector<16xf32>
      %swap3A_643 = vector.shape_cast %add3A_638 : vector<16xf32> to vector<1x16xf32>
      tpu.vector_store %arg8[%swap3A_639, %swap3A_640], %swap3A_643 {strides = array<i32>} : memref<8x2048xf32, #tpu.memory_space<vmem>>, vector<1x16xf32>,
    }
    %scan3A_289 = arith.constant 128 : i32
    %scan3A_290 = arith.constant 0 : i32
    %scan3A_291 = arith.constant 0 : i32
    %scan3A_292 = arith.constant 128 : i32
    %scan3A_293 = arith.addi %scan3A_291, %scan3A_292 : i32
    %scan3A_294 = arith.constant 1 : i32
    scf.for %scan3A_626 = %scan3A_291 to %scan3A_293 step %scan3A_294  : i32 {
      %mul3A_627 = arith.constant 16 : i32
      %mul3A_628 = arith.muli %scan3A_626, %mul3A_627 : i32
      %get3A = arith.constant 4 : i32
      %get3A_629 = arith.index_cast %get3A : i32 to index
      %get3A_630 = arith.index_cast %mul3A_628 : i32 to index
      %get3A_631 = tpu.vector_load %arg8[%get3A_629, %get3A_630] {strides = array<i32>} : memref<8x2048xf32, #tpu.memory_space<vmem>>, vector<1x16xf32>,
      %get3A_632 = vector.shape_cast %get3A_631 : vector<1x16xf32> to vector<16xf32>
      %get3A_633 = arith.constant 4 : i32
      %get3A_634 = arith.index_cast %get3A_633 : i32 to index
      %get3A_635 = arith.index_cast %mul3A_628 : i32 to index
      %get3A_636 = tpu.vector_load %arg10[%get3A_634, %get3A_635] {strides = array<i32>} : memref<8x2048xf32, #tpu.memory_space<vmem>>, vector<1x16xf32>,
      %get3A_637 = vector.shape_cast %get3A_636 : vector<1x16xf32> to vector<16xf32>
      %add3A_638 = arith.addf %get3A_632, %get3A_637 : vector<16xf32>
      %swap3A = arith.constant 4 : i32
      %swap3A_639 = arith.index_cast %swap3A : i32 to index
      %swap3A_640 = arith.index_cast %mul3A_628 : i32 to index
      %swap3A_641 = tpu.vector_load %arg8[%swap3A_639, %swap3A_640] {strides = array<i32>} : memref<8x2048xf32, #tpu.memory_space<vmem>>, vector<1x16xf32>,
      %swap3A_642 = vector.shape_cast %swap3A_641 : vector<1x16xf32> to vector<16xf32>
      %swap3A_643 = vector.shape_cast %add3A_638 : vector<16xf32> to vector<1x16xf32>
      tpu.vector_store %arg8[%swap3A_639, %swap3A_640], %swap3A_643 {strides = array<i32>} : memref<8x2048xf32, #tpu.memory_space<vmem>>, vector<1x16xf32>,
    }
    %scan3A_295 = arith.constant 128 : i32
    %scan3A_296 = arith.constant 0 : i32
    %scan3A_297 = arith.constant 0 : i32
    %scan3A_298 = arith.constant 128 : i32
    %scan3A_299 = arith.addi %scan3A_297, %scan3A_298 : i32
    %scan3A_300 = arith.constant 1 : i32
    scf.for %scan3A_626 = %scan3A_297 to %scan3A_299 step %scan3A_300  : i32 {
      %mul3A_627 = arith.constant 16 : i32
      %mul3A_628 = arith.muli %scan3A_626, %mul3A_627 : i32
      %get3A = arith.constant 5 : i32
      %get3A_629 = arith.index_cast %get3A : i32 to index
      %get3A_630 = arith.index_cast %mul3A_628 : i32 to index
      %get3A_631 = tpu.vector_load %arg8[%get3A_629, %get3A_630] {strides = array<i32>} : memref<8x2048xf32, #tpu.memory_space<vmem>>, vector<1x16xf32>,
      %get3A_632 = vector.shape_cast %get3A_631 : vector<1x16xf32> to vector<16xf32>
      %get3A_633 = arith.constant 5 : i32
      %get3A_634 = arith.index_cast %get3A_633 : i32 to index
      %get3A_635 = arith.index_cast %mul3A_628 : i32 to index
      %get3A_636 = tpu.vector_load %arg10[%get3A_634, %get3A_635] {strides = array<i32>} : memref<8x2048xf32, #tpu.memory_space<vmem>>, vector<1x16xf32>,
      %get3A_637 = vector.shape_cast %get3A_636 : vector<1x16xf32> to vector<16xf32>
      %add3A_638 = arith.addf %get3A_632, %get3A_637 : vector<16xf32>
      %swap3A = arith.constant 5 : i32
      %swap3A_639 = arith.index_cast %swap3A : i32 to index
      %swap3A_640 = arith.index_cast %mul3A_628 : i32 to index
      %swap3A_641 = tpu.vector_load %arg8[%swap3A_639, %swap3A_640] {strides = array<i32>} : memref<8x2048xf32, #tpu.memory_space<vmem>>, vector<1x16xf32>,
      %swap3A_642 = vector.shape_cast %swap3A_641 : vector<1x16xf32> to vector<16xf32>
      %swap3A_643 = vector.shape_cast %add3A_638 : vector<16xf32> to vector<1x16xf32>
      tpu.vector_store %arg8[%swap3A_639, %swap3A_640], %swap3A_643 {strides = array<i32>} : memref<8x2048xf32, #tpu.memory_space<vmem>>, vector<1x16xf32>,
    }
    %scan3A_301 = arith.constant 128 : i32
    %scan3A_302 = arith.constant 0 : i32
    %scan3A_303 = arith.constant 0 : i32
    %scan3A_304 = arith.constant 128 : i32
    %scan3A_305 = arith.addi %scan3A_303, %scan3A_304 : i32
    %scan3A_306 = arith.constant 1 : i32
    scf.for %scan3A_626 = %scan3A_303 to %scan3A_305 step %scan3A_306  : i32 {
      %mul3A_627 = arith.constant 16 : i32
      %mul3A_628 = arith.muli %scan3A_626, %mul3A_627 : i32
      %get3A = arith.constant 6 : i32
      %get3A_629 = arith.index_cast %get3A : i32 to index
      %get3A_630 = arith.index_cast %mul3A_628 : i32 to index
      %get3A_631 = tpu.vector_load %arg8[%get3A_629, %get3A_630] {strides = array<i32>} : memref<8x2048xf32, #tpu.memory_space<vmem>>, vector<1x16xf32>,
      %get3A_632 = vector.shape_cast %get3A_631 : vector<1x16xf32> to vector<16xf32>
      %get3A_633 = arith.constant 6 : i32
      %get3A_634 = arith.index_cast %get3A_633 : i32 to index
      %get3A_635 = arith.index_cast %mul3A_628 : i32 to index
      %get3A_636 = tpu.vector_load %arg10[%get3A_634, %get3A_635] {strides = array<i32>} : memref<8x2048xf32, #tpu.memory_space<vmem>>, vector<1x16xf32>,
      %get3A_637 = vector.shape_cast %get3A_636 : vector<1x16xf32> to vector<16xf32>
      %add3A_638 = arith.addf %get3A_632, %get3A_637 : vector<16xf32>
      %swap3A = arith.constant 6 : i32
      %swap3A_639 = arith.index_cast %swap3A : i32 to index
      %swap3A_640 = arith.index_cast %mul3A_628 : i32 to index
      %swap3A_641 = tpu.vector_load %arg8[%swap3A_639, %swap3A_640] {strides = array<i32>} : memref<8x2048xf32, #tpu.memory_space<vmem>>, vector<1x16xf32>,
      %swap3A_642 = vector.shape_cast %swap3A_641 : vector<1x16xf32> to vector<16xf32>
      %swap3A_643 = vector.shape_cast %add3A_638 : vector<16xf32> to vector<1x16xf32>
      tpu.vector_store %arg8[%swap3A_639, %swap3A_640], %swap3A_643 {strides = array<i32>} : memref<8x2048xf32, #tpu.memory_space<vmem>>, vector<1x16xf32>,
    }
    %scan3A_307 = arith.constant 128 : i32
    %scan3A_308 = arith.constant 0 : i32
    %scan3A_309 = arith.constant 0 : i32
    %scan3A_310 = arith.constant 128 : i32
    %scan3A_311 = arith.addi %scan3A_309, %scan3A_310 : i32
    %scan3A_312 = arith.constant 1 : i32
    scf.for %scan3A_626 = %scan3A_309 to %scan3A_311 step %scan3A_312  : i32 {
      %mul3A_627 = arith.constant 16 : i32
      %mul3A_628 = arith.muli %scan3A_626, %mul3A_627 : i32
      %get3A = arith.constant 7 : i32
      %get3A_629 = arith.index_cast %get3A : i32 to index
      %get3A_630 = arith.index_cast %mul3A_628 : i32 to index
      %get3A_631 = tpu.vector_load %arg8[%get3A_629, %get3A_630] {strides = array<i32>} : memref<8x2048xf32, #tpu.memory_space<vmem>>, vector<1x16xf32>,
      %get3A_632 = vector.shape_cast %get3A_631 : vector<1x16xf32> to vector<16xf32>
      %get3A_633 = arith.constant 7 : i32
      %get3A_634 = arith.index_cast %get3A_633 : i32 to index
      %get3A_635 = arith.index_cast %mul3A_628 : i32 to index
      %get3A_636 = tpu.vector_load %arg10[%get3A_634, %get3A_635] {strides = array<i32>} : memref<8x2048xf32, #tpu.memory_space<vmem>>, vector<1x16xf32>,
      %get3A_637 = vector.shape_cast %get3A_636 : vector<1x16xf32> to vector<16xf32>
      %add3A_638 = arith.addf %get3A_632, %get3A_637 : vector<16xf32>
      %swap3A = arith.constant 7 : i32
      %swap3A_639 = arith.index_cast %swap3A : i32 to index
      %swap3A_640 = arith.index_cast %mul3A_628 : i32 to index
      %swap3A_641 = tpu.vector_load %arg8[%swap3A_639, %swap3A_640] {strides = array<i32>} : memref<8x2048xf32, #tpu.memory_space<vmem>>, vector<1x16xf32>,
      %swap3A_642 = vector.shape_cast %swap3A_641 : vector<1x16xf32> to vector<16xf32>
      %swap3A_643 = vector.shape_cast %add3A_638 : vector<16xf32> to vector<1x16xf32>
      tpu.vector_store %arg8[%swap3A_639, %swap3A_640], %swap3A_643 {strides = array<i32>} : memref<8x2048xf32, #tpu.memory_space<vmem>>, vector<1x16xf32>,
    }
    %scan3A_313 = arith.constant 128 : i32
    %add3A_314 = arith.constant 24 : i32
    %add3A_315 = arith.addi %mul3A_2, %add3A_314 : i32
    %dma_start3A_316 = arith.constant 0 : i32
    %dma_start3A_317 = tpu.memref_slice %arg4[%add3A_315, %dma_start3A_316] : memref<2048x2048xf32, #tpu.memory_space<hbm>> -> memref<8x2048xf32, #tpu.memory_space<hbm>>
    %dma_start3A_318 = arith.constant 0 : i32
    %dma_start3A_319 = tpu.memref_slice %arg4[%add3A_315, %dma_start3A_318] : memref<2048x2048xf32, #tpu.memory_space<hbm>> -> memref<8x2048xf32, #tpu.memory_space<hbm>>
    tpu.enqueue_dma source(%arg8 : memref<8x2048xf32, #tpu.memory_space<vmem>>) target(%dma_start3A_319 : memref<8x2048xf32, #tpu.memory_space<hbm>>) target_semaphore(%arg16 : memref<!tpu.dma_semaphore, #tpu.memory_space<semaphore_mem>>)
    %dma_wait3A_320 = arith.constant 0 : i32
    %dma_wait3A_321 = tpu.memref_slice %arg4[%add3A_315, %dma_wait3A_320] : memref<2048x2048xf32, #tpu.memory_space<hbm>> -> memref<8x2048xf32, #tpu.memory_space<hbm>>
    %dma_wait3A_322 = arith.constant 0 : i32
    %dma_wait3A_323 = tpu.memref_slice %arg4[%add3A_315, %dma_wait3A_322] : memref<2048x2048xf32, #tpu.memory_space<hbm>> -> memref<8x2048xf32, #tpu.memory_space<hbm>>
    tpu.wait_dma2 semaphore(%arg16 : memref<!tpu.dma_semaphore, #tpu.memory_space<semaphore_mem>>) src(%arg8 : memref<8x2048xf32, #tpu.memory_space<vmem>>) dst(%dma_wait3A_323 : memref<8x2048xf32, #tpu.memory_space<hbm>>)
    %dma_start3A_324 = arith.constant 40 : i32
    %dma_start3A_325 = tpu.memref_slice %arg5[%dma_start3A_324] : memref<64xi32, #tpu.memory_space<vmem>> -> memref<8xi32, #tpu.memory_space<vmem>>
    %dma_start3A_326 = arith.constant 0 : i32
    %dma_start3A_327 = arith.constant 0 : i32
    %dma_start3A_328 = tpu.memref_slice %arg2[%dma_start3A_326, %dma_start3A_327] : memref<6144x2048xf32, #tpu.memory_space<hbm>> -> memref<6144x2048xf32, #tpu.memory_space<hbm>>
    tpu.enqueue_indirect_dma source(%dma_start3A_328 : memref<6144x2048xf32, #tpu.memory_space<hbm>>) target(%arg8 : memref<8x2048xf32, #tpu.memory_space<vmem>>) offsets(%dma_start3A_325 : memref<8xi32, #tpu.memory_space<vmem>>) semaphore(%arg12 : memref<!tpu.dma_semaphore, #tpu.memory_space<semaphore_mem>>)
    %dma_start3A_329 = arith.constant 40 : i32
    %dma_start3A_330 = tpu.memref_slice %arg6[%dma_start3A_329] : memref<64xi32, #tpu.memory_space<vmem>> -> memref<8xi32, #tpu.memory_space<vmem>>
    %dma_start3A_331 = arith.constant 0 : i32
    %dma_start3A_332 = arith.constant 0 : i32
    %dma_start3A_333 = tpu.memref_slice %arg2[%dma_start3A_331, %dma_start3A_332] : memref<6144x2048xf32, #tpu.memory_space<hbm>> -> memref<6144x2048xf32, #tpu.memory_space<hbm>>
    tpu.enqueue_indirect_dma source(%dma_start3A_333 : memref<6144x2048xf32, #tpu.memory_space<hbm>>) target(%arg10 : memref<8x2048xf32, #tpu.memory_space<vmem>>) offsets(%dma_start3A_330 : memref<8xi32, #tpu.memory_space<vmem>>) semaphore(%arg14 : memref<!tpu.dma_semaphore, #tpu.memory_space<semaphore_mem>>)
    %dma_wait3A_334 = arith.constant 32 : i32
    %dma_wait3A_335 = tpu.memref_slice %arg5[%dma_wait3A_334] : memref<64xi32, #tpu.memory_space<vmem>> -> memref<8xi32, #tpu.memory_space<vmem>>
    %dma_wait3A_336 = arith.constant 0 : i32
    %dma_wait3A_337 = arith.constant 0 : i32
    %dma_wait3A_338 = tpu.memref_slice %arg2[%dma_wait3A_336, %dma_wait3A_337] : memref<6144x2048xf32, #tpu.memory_space<hbm>> -> memref<6144x2048xf32, #tpu.memory_space<hbm>>
    tpu.wait_indirect_dma semaphore(%arg11 : memref<!tpu.dma_semaphore, #tpu.memory_space<semaphore_mem>>) src(%dma_wait3A_338 : memref<6144x2048xf32, #tpu.memory_space<hbm>>) dst(%arg7 : memref<8x2048xf32, #tpu.memory_space<vmem>>)
    %dma_wait3A_339 = arith.constant 32 : i32
    %dma_wait3A_340 = tpu.memref_slice %arg6[%dma_wait3A_339] : memref<64xi32, #tpu.memory_space<vmem>> -> memref<8xi32, #tpu.memory_space<vmem>>
    %dma_wait3A_341 = arith.constant 0 : i32
    %dma_wait3A_342 = arith.constant 0 : i32
    %dma_wait3A_343 = tpu.memref_slice %arg2[%dma_wait3A_341, %dma_wait3A_342] : memref<6144x2048xf32, #tpu.memory_space<hbm>> -> memref<6144x2048xf32, #tpu.memory_space<hbm>>
    tpu.wait_indirect_dma semaphore(%arg13 : memref<!tpu.dma_semaphore, #tpu.memory_space<semaphore_mem>>) src(%dma_wait3A_343 : memref<6144x2048xf32, #tpu.memory_space<hbm>>) dst(%arg9 : memref<8x2048xf32, #tpu.memory_space<vmem>>)
    %scan3A_344 = arith.constant 0 : i32
    %scan3A_345 = arith.constant 0 : i32
    %scan3A_346 = arith.constant 128 : i32
    %scan3A_347 = arith.addi %scan3A_345, %scan3A_346 : i32
    %scan3A_348 = arith.constant 1 : i32
    scf.for %scan3A_626 = %scan3A_345 to %scan3A_347 step %scan3A_348  : i32 {
      %mul3A_627 = arith.constant 16 : i32
      %mul3A_628 = arith.muli %scan3A_626, %mul3A_627 : i32
      %get3A = arith.constant 0 : i32
      %get3A_629 = arith.index_cast %get3A : i32 to index
      %get3A_630 = arith.index_cast %mul3A_628 : i32 to index
      %get3A_631 = tpu.vector_load %arg7[%get3A_629, %get3A_630] {strides = array<i32>} : memref<8x2048xf32, #tpu.memory_space<vmem>>, vector<1x16xf32>,
      %get3A_632 = vector.shape_cast %get3A_631 : vector<1x16xf32> to vector<16xf32>
      %get3A_633 = arith.constant 0 : i32
      %get3A_634 = arith.index_cast %get3A_633 : i32 to index
      %get3A_635 = arith.index_cast %mul3A_628 : i32 to index
      %get3A_636 = tpu.vector_load %arg9[%get3A_634, %get3A_635] {strides = array<i32>} : memref<8x2048xf32, #tpu.memory_space<vmem>>, vector<1x16xf32>,
      %get3A_637 = vector.shape_cast %get3A_636 : vector<1x16xf32> to vector<16xf32>
      %add3A_638 = arith.addf %get3A_632, %get3A_637 : vector<16xf32>
      %swap3A = arith.constant 0 : i32
      %swap3A_639 = arith.index_cast %swap3A : i32 to index
      %swap3A_640 = arith.index_cast %mul3A_628 : i32 to index
      %swap3A_641 = tpu.vector_load %arg7[%swap3A_639, %swap3A_640] {strides = array<i32>} : memref<8x2048xf32, #tpu.memory_space<vmem>>, vector<1x16xf32>,
      %swap3A_642 = vector.shape_cast %swap3A_641 : vector<1x16xf32> to vector<16xf32>
      %swap3A_643 = vector.shape_cast %add3A_638 : vector<16xf32> to vector<1x16xf32>
      tpu.vector_store %arg7[%swap3A_639, %swap3A_640], %swap3A_643 {strides = array<i32>} : memref<8x2048xf32, #tpu.memory_space<vmem>>, vector<1x16xf32>,
    }
    %scan3A_349 = arith.constant 128 : i32
    %scan3A_350 = arith.constant 0 : i32
    %scan3A_351 = arith.constant 0 : i32
    %scan3A_352 = arith.constant 128 : i32
    %scan3A_353 = arith.addi %scan3A_351, %scan3A_352 : i32
    %scan3A_354 = arith.constant 1 : i32
    scf.for %scan3A_626 = %scan3A_351 to %scan3A_353 step %scan3A_354  : i32 {
      %mul3A_627 = arith.constant 16 : i32
      %mul3A_628 = arith.muli %scan3A_626, %mul3A_627 : i32
      %get3A = arith.constant 1 : i32
      %get3A_629 = arith.index_cast %get3A : i32 to index
      %get3A_630 = arith.index_cast %mul3A_628 : i32 to index
      %get3A_631 = tpu.vector_load %arg7[%get3A_629, %get3A_630] {strides = array<i32>} : memref<8x2048xf32, #tpu.memory_space<vmem>>, vector<1x16xf32>,
      %get3A_632 = vector.shape_cast %get3A_631 : vector<1x16xf32> to vector<16xf32>
      %get3A_633 = arith.constant 1 : i32
      %get3A_634 = arith.index_cast %get3A_633 : i32 to index
      %get3A_635 = arith.index_cast %mul3A_628 : i32 to index
      %get3A_636 = tpu.vector_load %arg9[%get3A_634, %get3A_635] {strides = array<i32>} : memref<8x2048xf32, #tpu.memory_space<vmem>>, vector<1x16xf32>,
      %get3A_637 = vector.shape_cast %get3A_636 : vector<1x16xf32> to vector<16xf32>
      %add3A_638 = arith.addf %get3A_632, %get3A_637 : vector<16xf32>
      %swap3A = arith.constant 1 : i32
      %swap3A_639 = arith.index_cast %swap3A : i32 to index
      %swap3A_640 = arith.index_cast %mul3A_628 : i32 to index
      %swap3A_641 = tpu.vector_load %arg7[%swap3A_639, %swap3A_640] {strides = array<i32>} : memref<8x2048xf32, #tpu.memory_space<vmem>>, vector<1x16xf32>,
      %swap3A_642 = vector.shape_cast %swap3A_641 : vector<1x16xf32> to vector<16xf32>
      %swap3A_643 = vector.shape_cast %add3A_638 : vector<16xf32> to vector<1x16xf32>
      tpu.vector_store %arg7[%swap3A_639, %swap3A_640], %swap3A_643 {strides = array<i32>} : memref<8x2048xf32, #tpu.memory_space<vmem>>, vector<1x16xf32>,
    }
    %scan3A_355 = arith.constant 128 : i32
    %scan3A_356 = arith.constant 0 : i32
    %scan3A_357 = arith.constant 0 : i32
    %scan3A_358 = arith.constant 128 : i32
    %scan3A_359 = arith.addi %scan3A_357, %scan3A_358 : i32
    %scan3A_360 = arith.constant 1 : i32
    scf.for %scan3A_626 = %scan3A_357 to %scan3A_359 step %scan3A_360  : i32 {
      %mul3A_627 = arith.constant 16 : i32
      %mul3A_628 = arith.muli %scan3A_626, %mul3A_627 : i32
      %get3A = arith.constant 2 : i32
      %get3A_629 = arith.index_cast %get3A : i32 to index
      %get3A_630 = arith.index_cast %mul3A_628 : i32 to index
      %get3A_631 = tpu.vector_load %arg7[%get3A_629, %get3A_630] {strides = array<i32>} : memref<8x2048xf32, #tpu.memory_space<vmem>>, vector<1x16xf32>,
      %get3A_632 = vector.shape_cast %get3A_631 : vector<1x16xf32> to vector<16xf32>
      %get3A_633 = arith.constant 2 : i32
      %get3A_634 = arith.index_cast %get3A_633 : i32 to index
      %get3A_635 = arith.index_cast %mul3A_628 : i32 to index
      %get3A_636 = tpu.vector_load %arg9[%get3A_634, %get3A_635] {strides = array<i32>} : memref<8x2048xf32, #tpu.memory_space<vmem>>, vector<1x16xf32>,
      %get3A_637 = vector.shape_cast %get3A_636 : vector<1x16xf32> to vector<16xf32>
      %add3A_638 = arith.addf %get3A_632, %get3A_637 : vector<16xf32>
      %swap3A = arith.constant 2 : i32
      %swap3A_639 = arith.index_cast %swap3A : i32 to index
      %swap3A_640 = arith.index_cast %mul3A_628 : i32 to index
      %swap3A_641 = tpu.vector_load %arg7[%swap3A_639, %swap3A_640] {strides = array<i32>} : memref<8x2048xf32, #tpu.memory_space<vmem>>, vector<1x16xf32>,
      %swap3A_642 = vector.shape_cast %swap3A_641 : vector<1x16xf32> to vector<16xf32>
      %swap3A_643 = vector.shape_cast %add3A_638 : vector<16xf32> to vector<1x16xf32>
      tpu.vector_store %arg7[%swap3A_639, %swap3A_640], %swap3A_643 {strides = array<i32>} : memref<8x2048xf32, #tpu.memory_space<vmem>>, vector<1x16xf32>,
    }
    %scan3A_361 = arith.constant 128 : i32
    %scan3A_362 = arith.constant 0 : i32
    %scan3A_363 = arith.constant 0 : i32
    %scan3A_364 = arith.constant 128 : i32
    %scan3A_365 = arith.addi %scan3A_363, %scan3A_364 : i32
    %scan3A_366 = arith.constant 1 : i32
    scf.for %scan3A_626 = %scan3A_363 to %scan3A_365 step %scan3A_366  : i32 {
      %mul3A_627 = arith.constant 16 : i32
      %mul3A_628 = arith.muli %scan3A_626, %mul3A_627 : i32
      %get3A = arith.constant 3 : i32
      %get3A_629 = arith.index_cast %get3A : i32 to index
      %get3A_630 = arith.index_cast %mul3A_628 : i32 to index
      %get3A_631 = tpu.vector_load %arg7[%get3A_629, %get3A_630] {strides = array<i32>} : memref<8x2048xf32, #tpu.memory_space<vmem>>, vector<1x16xf32>,
      %get3A_632 = vector.shape_cast %get3A_631 : vector<1x16xf32> to vector<16xf32>
      %get3A_633 = arith.constant 3 : i32
      %get3A_634 = arith.index_cast %get3A_633 : i32 to index
      %get3A_635 = arith.index_cast %mul3A_628 : i32 to index
      %get3A_636 = tpu.vector_load %arg9[%get3A_634, %get3A_635] {strides = array<i32>} : memref<8x2048xf32, #tpu.memory_space<vmem>>, vector<1x16xf32>,
      %get3A_637 = vector.shape_cast %get3A_636 : vector<1x16xf32> to vector<16xf32>
      %add3A_638 = arith.addf %get3A_632, %get3A_637 : vector<16xf32>
      %swap3A = arith.constant 3 : i32
      %swap3A_639 = arith.index_cast %swap3A : i32 to index
      %swap3A_640 = arith.index_cast %mul3A_628 : i32 to index
      %swap3A_641 = tpu.vector_load %arg7[%swap3A_639, %swap3A_640] {strides = array<i32>} : memref<8x2048xf32, #tpu.memory_space<vmem>>, vector<1x16xf32>,
      %swap3A_642 = vector.shape_cast %swap3A_641 : vector<1x16xf32> to vector<16xf32>
      %swap3A_643 = vector.shape_cast %add3A_638 : vector<16xf32> to vector<1x16xf32>
      tpu.vector_store %arg7[%swap3A_639, %swap3A_640], %swap3A_643 {strides = array<i32>} : memref<8x2048xf32, #tpu.memory_space<vmem>>, vector<1x16xf32>,
    }
    %scan3A_367 = arith.constant 128 : i32
    %scan3A_368 = arith.constant 0 : i32
    %scan3A_369 = arith.constant 0 : i32
    %scan3A_370 = arith.constant 128 : i32
    %scan3A_371 = arith.addi %scan3A_369, %scan3A_370 : i32
    %scan3A_372 = arith.constant 1 : i32
    scf.for %scan3A_626 = %scan3A_369 to %scan3A_371 step %scan3A_372  : i32 {
      %mul3A_627 = arith.constant 16 : i32
      %mul3A_628 = arith.muli %scan3A_626, %mul3A_627 : i32
      %get3A = arith.constant 4 : i32
      %get3A_629 = arith.index_cast %get3A : i32 to index
      %get3A_630 = arith.index_cast %mul3A_628 : i32 to index
      %get3A_631 = tpu.vector_load %arg7[%get3A_629, %get3A_630] {strides = array<i32>} : memref<8x2048xf32, #tpu.memory_space<vmem>>, vector<1x16xf32>,
      %get3A_632 = vector.shape_cast %get3A_631 : vector<1x16xf32> to vector<16xf32>
      %get3A_633 = arith.constant 4 : i32
      %get3A_634 = arith.index_cast %get3A_633 : i32 to index
      %get3A_635 = arith.index_cast %mul3A_628 : i32 to index
      %get3A_636 = tpu.vector_load %arg9[%get3A_634, %get3A_635] {strides = array<i32>} : memref<8x2048xf32, #tpu.memory_space<vmem>>, vector<1x16xf32>,
      %get3A_637 = vector.shape_cast %get3A_636 : vector<1x16xf32> to vector<16xf32>
      %add3A_638 = arith.addf %get3A_632, %get3A_637 : vector<16xf32>
      %swap3A = arith.constant 4 : i32
      %swap3A_639 = arith.index_cast %swap3A : i32 to index
      %swap3A_640 = arith.index_cast %mul3A_628 : i32 to index
      %swap3A_641 = tpu.vector_load %arg7[%swap3A_639, %swap3A_640] {strides = array<i32>} : memref<8x2048xf32, #tpu.memory_space<vmem>>, vector<1x16xf32>,
      %swap3A_642 = vector.shape_cast %swap3A_641 : vector<1x16xf32> to vector<16xf32>
      %swap3A_643 = vector.shape_cast %add3A_638 : vector<16xf32> to vector<1x16xf32>
      tpu.vector_store %arg7[%swap3A_639, %swap3A_640], %swap3A_643 {strides = array<i32>} : memref<8x2048xf32, #tpu.memory_space<vmem>>, vector<1x16xf32>,
    }
    %scan3A_373 = arith.constant 128 : i32
    %scan3A_374 = arith.constant 0 : i32
    %scan3A_375 = arith.constant 0 : i32
    %scan3A_376 = arith.constant 128 : i32
    %scan3A_377 = arith.addi %scan3A_375, %scan3A_376 : i32
    %scan3A_378 = arith.constant 1 : i32
    scf.for %scan3A_626 = %scan3A_375 to %scan3A_377 step %scan3A_378  : i32 {
      %mul3A_627 = arith.constant 16 : i32
      %mul3A_628 = arith.muli %scan3A_626, %mul3A_627 : i32
      %get3A = arith.constant 5 : i32
      %get3A_629 = arith.index_cast %get3A : i32 to index
      %get3A_630 = arith.index_cast %mul3A_628 : i32 to index
      %get3A_631 = tpu.vector_load %arg7[%get3A_629, %get3A_630] {strides = array<i32>} : memref<8x2048xf32, #tpu.memory_space<vmem>>, vector<1x16xf32>,
      %get3A_632 = vector.shape_cast %get3A_631 : vector<1x16xf32> to vector<16xf32>
      %get3A_633 = arith.constant 5 : i32
      %get3A_634 = arith.index_cast %get3A_633 : i32 to index
      %get3A_635 = arith.index_cast %mul3A_628 : i32 to index
      %get3A_636 = tpu.vector_load %arg9[%get3A_634, %get3A_635] {strides = array<i32>} : memref<8x2048xf32, #tpu.memory_space<vmem>>, vector<1x16xf32>,
      %get3A_637 = vector.shape_cast %get3A_636 : vector<1x16xf32> to vector<16xf32>
      %add3A_638 = arith.addf %get3A_632, %get3A_637 : vector<16xf32>
      %swap3A = arith.constant 5 : i32
      %swap3A_639 = arith.index_cast %swap3A : i32 to index
      %swap3A_640 = arith.index_cast %mul3A_628 : i32 to index
      %swap3A_641 = tpu.vector_load %arg7[%swap3A_639, %swap3A_640] {strides = array<i32>} : memref<8x2048xf32, #tpu.memory_space<vmem>>, vector<1x16xf32>,
      %swap3A_642 = vector.shape_cast %swap3A_641 : vector<1x16xf32> to vector<16xf32>
      %swap3A_643 = vector.shape_cast %add3A_638 : vector<16xf32> to vector<1x16xf32>
      tpu.vector_store %arg7[%swap3A_639, %swap3A_640], %swap3A_643 {strides = array<i32>} : memref<8x2048xf32, #tpu.memory_space<vmem>>, vector<1x16xf32>,
    }
    %scan3A_379 = arith.constant 128 : i32
    %scan3A_380 = arith.constant 0 : i32
    %scan3A_381 = arith.constant 0 : i32
    %scan3A_382 = arith.constant 128 : i32
    %scan3A_383 = arith.addi %scan3A_381, %scan3A_382 : i32
    %scan3A_384 = arith.constant 1 : i32
    scf.for %scan3A_626 = %scan3A_381 to %scan3A_383 step %scan3A_384  : i32 {
      %mul3A_627 = arith.constant 16 : i32
      %mul3A_628 = arith.muli %scan3A_626, %mul3A_627 : i32
      %get3A = arith.constant 6 : i32
      %get3A_629 = arith.index_cast %get3A : i32 to index
      %get3A_630 = arith.index_cast %mul3A_628 : i32 to index
      %get3A_631 = tpu.vector_load %arg7[%get3A_629, %get3A_630] {strides = array<i32>} : memref<8x2048xf32, #tpu.memory_space<vmem>>, vector<1x16xf32>,
      %get3A_632 = vector.shape_cast %get3A_631 : vector<1x16xf32> to vector<16xf32>
      %get3A_633 = arith.constant 6 : i32
      %get3A_634 = arith.index_cast %get3A_633 : i32 to index
      %get3A_635 = arith.index_cast %mul3A_628 : i32 to index
      %get3A_636 = tpu.vector_load %arg9[%get3A_634, %get3A_635] {strides = array<i32>} : memref<8x2048xf32, #tpu.memory_space<vmem>>, vector<1x16xf32>,
      %get3A_637 = vector.shape_cast %get3A_636 : vector<1x16xf32> to vector<16xf32>
      %add3A_638 = arith.addf %get3A_632, %get3A_637 : vector<16xf32>
      %swap3A = arith.constant 6 : i32
      %swap3A_639 = arith.index_cast %swap3A : i32 to index
      %swap3A_640 = arith.index_cast %mul3A_628 : i32 to index
      %swap3A_641 = tpu.vector_load %arg7[%swap3A_639, %swap3A_640] {strides = array<i32>} : memref<8x2048xf32, #tpu.memory_space<vmem>>, vector<1x16xf32>,
      %swap3A_642 = vector.shape_cast %swap3A_641 : vector<1x16xf32> to vector<16xf32>
      %swap3A_643 = vector.shape_cast %add3A_638 : vector<16xf32> to vector<1x16xf32>
      tpu.vector_store %arg7[%swap3A_639, %swap3A_640], %swap3A_643 {strides = array<i32>} : memref<8x2048xf32, #tpu.memory_space<vmem>>, vector<1x16xf32>,
    }
    %scan3A_385 = arith.constant 128 : i32
    %scan3A_386 = arith.constant 0 : i32
    %scan3A_387 = arith.constant 0 : i32
    %scan3A_388 = arith.constant 128 : i32
    %scan3A_389 = arith.addi %scan3A_387, %scan3A_388 : i32
    %scan3A_390 = arith.constant 1 : i32
    scf.for %scan3A_626 = %scan3A_387 to %scan3A_389 step %scan3A_390  : i32 {
      %mul3A_627 = arith.constant 16 : i32
      %mul3A_628 = arith.muli %scan3A_626, %mul3A_627 : i32
      %get3A = arith.constant 7 : i32
      %get3A_629 = arith.index_cast %get3A : i32 to index
      %get3A_630 = arith.index_cast %mul3A_628 : i32 to index
      %get3A_631 = tpu.vector_load %arg7[%get3A_629, %get3A_630] {strides = array<i32>} : memref<8x2048xf32, #tpu.memory_space<vmem>>, vector<1x16xf32>,
      %get3A_632 = vector.shape_cast %get3A_631 : vector<1x16xf32> to vector<16xf32>
      %get3A_633 = arith.constant 7 : i32
      %get3A_634 = arith.index_cast %get3A_633 : i32 to index
      %get3A_635 = arith.index_cast %mul3A_628 : i32 to index
      %get3A_636 = tpu.vector_load %arg9[%get3A_634, %get3A_635] {strides = array<i32>} : memref<8x2048xf32, #tpu.memory_space<vmem>>, vector<1x16xf32>,
      %get3A_637 = vector.shape_cast %get3A_636 : vector<1x16xf32> to vector<16xf32>
      %add3A_638 = arith.addf %get3A_632, %get3A_637 : vector<16xf32>
      %swap3A = arith.constant 7 : i32
      %swap3A_639 = arith.index_cast %swap3A : i32 to index
      %swap3A_640 = arith.index_cast %mul3A_628 : i32 to index
      %swap3A_641 = tpu.vector_load %arg7[%swap3A_639, %swap3A_640] {strides = array<i32>} : memref<8x2048xf32, #tpu.memory_space<vmem>>, vector<1x16xf32>,
      %swap3A_642 = vector.shape_cast %swap3A_641 : vector<1x16xf32> to vector<16xf32>
      %swap3A_643 = vector.shape_cast %add3A_638 : vector<16xf32> to vector<1x16xf32>
      tpu.vector_store %arg7[%swap3A_639, %swap3A_640], %swap3A_643 {strides = array<i32>} : memref<8x2048xf32, #tpu.memory_space<vmem>>, vector<1x16xf32>,
    }
    %scan3A_391 = arith.constant 128 : i32
    %add3A_392 = arith.constant 32 : i32
    %add3A_393 = arith.addi %mul3A_2, %add3A_392 : i32
    %dma_start3A_394 = arith.constant 0 : i32
    %dma_start3A_395 = tpu.memref_slice %arg4[%add3A_393, %dma_start3A_394] : memref<2048x2048xf32, #tpu.memory_space<hbm>> -> memref<8x2048xf32, #tpu.memory_space<hbm>>
    %dma_start3A_396 = arith.constant 0 : i32
    %dma_start3A_397 = tpu.memref_slice %arg4[%add3A_393, %dma_start3A_396] : memref<2048x2048xf32, #tpu.memory_space<hbm>> -> memref<8x2048xf32, #tpu.memory_space<hbm>>
    tpu.enqueue_dma source(%arg7 : memref<8x2048xf32, #tpu.memory_space<vmem>>) target(%dma_start3A_397 : memref<8x2048xf32, #tpu.memory_space<hbm>>) target_semaphore(%arg15 : memref<!tpu.dma_semaphore, #tpu.memory_space<semaphore_mem>>)
    %dma_wait3A_398 = arith.constant 0 : i32
    %dma_wait3A_399 = tpu.memref_slice %arg4[%add3A_393, %dma_wait3A_398] : memref<2048x2048xf32, #tpu.memory_space<hbm>> -> memref<8x2048xf32, #tpu.memory_space<hbm>>
    %dma_wait3A_400 = arith.constant 0 : i32
    %dma_wait3A_401 = tpu.memref_slice %arg4[%add3A_393, %dma_wait3A_400] : memref<2048x2048xf32, #tpu.memory_space<hbm>> -> memref<8x2048xf32, #tpu.memory_space<hbm>>
    tpu.wait_dma2 semaphore(%arg15 : memref<!tpu.dma_semaphore, #tpu.memory_space<semaphore_mem>>) src(%arg7 : memref<8x2048xf32, #tpu.memory_space<vmem>>) dst(%dma_wait3A_401 : memref<8x2048xf32, #tpu.memory_space<hbm>>)
    %dma_start3A_402 = arith.constant 48 : i32
    %dma_start3A_403 = tpu.memref_slice %arg5[%dma_start3A_402] : memref<64xi32, #tpu.memory_space<vmem>> -> memref<8xi32, #tpu.memory_space<vmem>>
    %dma_start3A_404 = arith.constant 0 : i32
    %dma_start3A_405 = arith.constant 0 : i32
    %dma_start3A_406 = tpu.memref_slice %arg2[%dma_start3A_404, %dma_start3A_405] : memref<6144x2048xf32, #tpu.memory_space<hbm>> -> memref<6144x2048xf32, #tpu.memory_space<hbm>>
    tpu.enqueue_indirect_dma source(%dma_start3A_406 : memref<6144x2048xf32, #tpu.memory_space<hbm>>) target(%arg7 : memref<8x2048xf32, #tpu.memory_space<vmem>>) offsets(%dma_start3A_403 : memref<8xi32, #tpu.memory_space<vmem>>) semaphore(%arg11 : memref<!tpu.dma_semaphore, #tpu.memory_space<semaphore_mem>>)
    %dma_start3A_407 = arith.constant 48 : i32
    %dma_start3A_408 = tpu.memref_slice %arg6[%dma_start3A_407] : memref<64xi32, #tpu.memory_space<vmem>> -> memref<8xi32, #tpu.memory_space<vmem>>
    %dma_start3A_409 = arith.constant 0 : i32
    %dma_start3A_410 = arith.constant 0 : i32
    %dma_start3A_411 = tpu.memref_slice %arg2[%dma_start3A_409, %dma_start3A_410] : memref<6144x2048xf32, #tpu.memory_space<hbm>> -> memref<6144x2048xf32, #tpu.memory_space<hbm>>
    tpu.enqueue_indirect_dma source(%dma_start3A_411 : memref<6144x2048xf32, #tpu.memory_space<hbm>>) target(%arg9 : memref<8x2048xf32, #tpu.memory_space<vmem>>) offsets(%dma_start3A_408 : memref<8xi32, #tpu.memory_space<vmem>>) semaphore(%arg13 : memref<!tpu.dma_semaphore, #tpu.memory_space<semaphore_mem>>)
    %dma_wait3A_412 = arith.constant 40 : i32
    %dma_wait3A_413 = tpu.memref_slice %arg5[%dma_wait3A_412] : memref<64xi32, #tpu.memory_space<vmem>> -> memref<8xi32, #tpu.memory_space<vmem>>
    %dma_wait3A_414 = arith.constant 0 : i32
    %dma_wait3A_415 = arith.constant 0 : i32
    %dma_wait3A_416 = tpu.memref_slice %arg2[%dma_wait3A_414, %dma_wait3A_415] : memref<6144x2048xf32, #tpu.memory_space<hbm>> -> memref<6144x2048xf32, #tpu.memory_space<hbm>>
    tpu.wait_indirect_dma semaphore(%arg12 : memref<!tpu.dma_semaphore, #tpu.memory_space<semaphore_mem>>) src(%dma_wait3A_416 : memref<6144x2048xf32, #tpu.memory_space<hbm>>) dst(%arg8 : memref<8x2048xf32, #tpu.memory_space<vmem>>)
    %dma_wait3A_417 = arith.constant 40 : i32
    %dma_wait3A_418 = tpu.memref_slice %arg6[%dma_wait3A_417] : memref<64xi32, #tpu.memory_space<vmem>> -> memref<8xi32, #tpu.memory_space<vmem>>
    %dma_wait3A_419 = arith.constant 0 : i32
    %dma_wait3A_420 = arith.constant 0 : i32
    %dma_wait3A_421 = tpu.memref_slice %arg2[%dma_wait3A_419, %dma_wait3A_420] : memref<6144x2048xf32, #tpu.memory_space<hbm>> -> memref<6144x2048xf32, #tpu.memory_space<hbm>>
    tpu.wait_indirect_dma semaphore(%arg14 : memref<!tpu.dma_semaphore, #tpu.memory_space<semaphore_mem>>) src(%dma_wait3A_421 : memref<6144x2048xf32, #tpu.memory_space<hbm>>) dst(%arg10 : memref<8x2048xf32, #tpu.memory_space<vmem>>)
    %scan3A_422 = arith.constant 0 : i32
    %scan3A_423 = arith.constant 0 : i32
    %scan3A_424 = arith.constant 128 : i32
    %scan3A_425 = arith.addi %scan3A_423, %scan3A_424 : i32
    %scan3A_426 = arith.constant 1 : i32
    scf.for %scan3A_626 = %scan3A_423 to %scan3A_425 step %scan3A_426  : i32 {
      %mul3A_627 = arith.constant 16 : i32
      %mul3A_628 = arith.muli %scan3A_626, %mul3A_627 : i32
      %get3A = arith.constant 0 : i32
      %get3A_629 = arith.index_cast %get3A : i32 to index
      %get3A_630 = arith.index_cast %mul3A_628 : i32 to index
      %get3A_631 = tpu.vector_load %arg8[%get3A_629, %get3A_630] {strides = array<i32>} : memref<8x2048xf32, #tpu.memory_space<vmem>>, vector<1x16xf32>,
      %get3A_632 = vector.shape_cast %get3A_631 : vector<1x16xf32> to vector<16xf32>
      %get3A_633 = arith.constant 0 : i32
      %get3A_634 = arith.index_cast %get3A_633 : i32 to index
      %get3A_635 = arith.index_cast %mul3A_628 : i32 to index
      %get3A_636 = tpu.vector_load %arg10[%get3A_634, %get3A_635] {strides = array<i32>} : memref<8x2048xf32, #tpu.memory_space<vmem>>, vector<1x16xf32>,
      %get3A_637 = vector.shape_cast %get3A_636 : vector<1x16xf32> to vector<16xf32>
      %add3A_638 = arith.addf %get3A_632, %get3A_637 : vector<16xf32>
      %swap3A = arith.constant 0 : i32
      %swap3A_639 = arith.index_cast %swap3A : i32 to index
      %swap3A_640 = arith.index_cast %mul3A_628 : i32 to index
      %swap3A_641 = tpu.vector_load %arg8[%swap3A_639, %swap3A_640] {strides = array<i32>} : memref<8x2048xf32, #tpu.memory_space<vmem>>, vector<1x16xf32>,
      %swap3A_642 = vector.shape_cast %swap3A_641 : vector<1x16xf32> to vector<16xf32>
      %swap3A_643 = vector.shape_cast %add3A_638 : vector<16xf32> to vector<1x16xf32>
      tpu.vector_store %arg8[%swap3A_639, %swap3A_640], %swap3A_643 {strides = array<i32>} : memref<8x2048xf32, #tpu.memory_space<vmem>>, vector<1x16xf32>,
    }
    %scan3A_427 = arith.constant 128 : i32
    %scan3A_428 = arith.constant 0 : i32
    %scan3A_429 = arith.constant 0 : i32
    %scan3A_430 = arith.constant 128 : i32
    %scan3A_431 = arith.addi %scan3A_429, %scan3A_430 : i32
    %scan3A_432 = arith.constant 1 : i32
    scf.for %scan3A_626 = %scan3A_429 to %scan3A_431 step %scan3A_432  : i32 {
      %mul3A_627 = arith.constant 16 : i32
      %mul3A_628 = arith.muli %scan3A_626, %mul3A_627 : i32
      %get3A = arith.constant 1 : i32
      %get3A_629 = arith.index_cast %get3A : i32 to index
      %get3A_630 = arith.index_cast %mul3A_628 : i32 to index
      %get3A_631 = tpu.vector_load %arg8[%get3A_629, %get3A_630] {strides = array<i32>} : memref<8x2048xf32, #tpu.memory_space<vmem>>, vector<1x16xf32>,
      %get3A_632 = vector.shape_cast %get3A_631 : vector<1x16xf32> to vector<16xf32>
      %get3A_633 = arith.constant 1 : i32
      %get3A_634 = arith.index_cast %get3A_633 : i32 to index
      %get3A_635 = arith.index_cast %mul3A_628 : i32 to index
      %get3A_636 = tpu.vector_load %arg10[%get3A_634, %get3A_635] {strides = array<i32>} : memref<8x2048xf32, #tpu.memory_space<vmem>>, vector<1x16xf32>,
      %get3A_637 = vector.shape_cast %get3A_636 : vector<1x16xf32> to vector<16xf32>
      %add3A_638 = arith.addf %get3A_632, %get3A_637 : vector<16xf32>
      %swap3A = arith.constant 1 : i32
      %swap3A_639 = arith.index_cast %swap3A : i32 to index
      %swap3A_640 = arith.index_cast %mul3A_628 : i32 to index
      %swap3A_641 = tpu.vector_load %arg8[%swap3A_639, %swap3A_640] {strides = array<i32>} : memref<8x2048xf32, #tpu.memory_space<vmem>>, vector<1x16xf32>,
      %swap3A_642 = vector.shape_cast %swap3A_641 : vector<1x16xf32> to vector<16xf32>
      %swap3A_643 = vector.shape_cast %add3A_638 : vector<16xf32> to vector<1x16xf32>
      tpu.vector_store %arg8[%swap3A_639, %swap3A_640], %swap3A_643 {strides = array<i32>} : memref<8x2048xf32, #tpu.memory_space<vmem>>, vector<1x16xf32>,
    }
    %scan3A_433 = arith.constant 128 : i32
    %scan3A_434 = arith.constant 0 : i32
    %scan3A_435 = arith.constant 0 : i32
    %scan3A_436 = arith.constant 128 : i32
    %scan3A_437 = arith.addi %scan3A_435, %scan3A_436 : i32
    %scan3A_438 = arith.constant 1 : i32
    scf.for %scan3A_626 = %scan3A_435 to %scan3A_437 step %scan3A_438  : i32 {
      %mul3A_627 = arith.constant 16 : i32
      %mul3A_628 = arith.muli %scan3A_626, %mul3A_627 : i32
      %get3A = arith.constant 2 : i32
      %get3A_629 = arith.index_cast %get3A : i32 to index
      %get3A_630 = arith.index_cast %mul3A_628 : i32 to index
      %get3A_631 = tpu.vector_load %arg8[%get3A_629, %get3A_630] {strides = array<i32>} : memref<8x2048xf32, #tpu.memory_space<vmem>>, vector<1x16xf32>,
      %get3A_632 = vector.shape_cast %get3A_631 : vector<1x16xf32> to vector<16xf32>
      %get3A_633 = arith.constant 2 : i32
      %get3A_634 = arith.index_cast %get3A_633 : i32 to index
      %get3A_635 = arith.index_cast %mul3A_628 : i32 to index
      %get3A_636 = tpu.vector_load %arg10[%get3A_634, %get3A_635] {strides = array<i32>} : memref<8x2048xf32, #tpu.memory_space<vmem>>, vector<1x16xf32>,
      %get3A_637 = vector.shape_cast %get3A_636 : vector<1x16xf32> to vector<16xf32>
      %add3A_638 = arith.addf %get3A_632, %get3A_637 : vector<16xf32>
      %swap3A = arith.constant 2 : i32
      %swap3A_639 = arith.index_cast %swap3A : i32 to index
      %swap3A_640 = arith.index_cast %mul3A_628 : i32 to index
      %swap3A_641 = tpu.vector_load %arg8[%swap3A_639, %swap3A_640] {strides = array<i32>} : memref<8x2048xf32, #tpu.memory_space<vmem>>, vector<1x16xf32>,
      %swap3A_642 = vector.shape_cast %swap3A_641 : vector<1x16xf32> to vector<16xf32>
      %swap3A_643 = vector.shape_cast %add3A_638 : vector<16xf32> to vector<1x16xf32>
      tpu.vector_store %arg8[%swap3A_639, %swap3A_640], %swap3A_643 {strides = array<i32>} : memref<8x2048xf32, #tpu.memory_space<vmem>>, vector<1x16xf32>,
    }
    %scan3A_439 = arith.constant 128 : i32
    %scan3A_440 = arith.constant 0 : i32
    %scan3A_441 = arith.constant 0 : i32
    %scan3A_442 = arith.constant 128 : i32
    %scan3A_443 = arith.addi %scan3A_441, %scan3A_442 : i32
    %scan3A_444 = arith.constant 1 : i32
    scf.for %scan3A_626 = %scan3A_441 to %scan3A_443 step %scan3A_444  : i32 {
      %mul3A_627 = arith.constant 16 : i32
      %mul3A_628 = arith.muli %scan3A_626, %mul3A_627 : i32
      %get3A = arith.constant 3 : i32
      %get3A_629 = arith.index_cast %get3A : i32 to index
      %get3A_630 = arith.index_cast %mul3A_628 : i32 to index
      %get3A_631 = tpu.vector_load %arg8[%get3A_629, %get3A_630] {strides = array<i32>} : memref<8x2048xf32, #tpu.memory_space<vmem>>, vector<1x16xf32>,
      %get3A_632 = vector.shape_cast %get3A_631 : vector<1x16xf32> to vector<16xf32>
      %get3A_633 = arith.constant 3 : i32
      %get3A_634 = arith.index_cast %get3A_633 : i32 to index
      %get3A_635 = arith.index_cast %mul3A_628 : i32 to index
      %get3A_636 = tpu.vector_load %arg10[%get3A_634, %get3A_635] {strides = array<i32>} : memref<8x2048xf32, #tpu.memory_space<vmem>>, vector<1x16xf32>,
      %get3A_637 = vector.shape_cast %get3A_636 : vector<1x16xf32> to vector<16xf32>
      %add3A_638 = arith.addf %get3A_632, %get3A_637 : vector<16xf32>
      %swap3A = arith.constant 3 : i32
      %swap3A_639 = arith.index_cast %swap3A : i32 to index
      %swap3A_640 = arith.index_cast %mul3A_628 : i32 to index
      %swap3A_641 = tpu.vector_load %arg8[%swap3A_639, %swap3A_640] {strides = array<i32>} : memref<8x2048xf32, #tpu.memory_space<vmem>>, vector<1x16xf32>,
      %swap3A_642 = vector.shape_cast %swap3A_641 : vector<1x16xf32> to vector<16xf32>
      %swap3A_643 = vector.shape_cast %add3A_638 : vector<16xf32> to vector<1x16xf32>
      tpu.vector_store %arg8[%swap3A_639, %swap3A_640], %swap3A_643 {strides = array<i32>} : memref<8x2048xf32, #tpu.memory_space<vmem>>, vector<1x16xf32>,
    }
    %scan3A_445 = arith.constant 128 : i32
    %scan3A_446 = arith.constant 0 : i32
    %scan3A_447 = arith.constant 0 : i32
    %scan3A_448 = arith.constant 128 : i32
    %scan3A_449 = arith.addi %scan3A_447, %scan3A_448 : i32
    %scan3A_450 = arith.constant 1 : i32
    scf.for %scan3A_626 = %scan3A_447 to %scan3A_449 step %scan3A_450  : i32 {
      %mul3A_627 = arith.constant 16 : i32
      %mul3A_628 = arith.muli %scan3A_626, %mul3A_627 : i32
      %get3A = arith.constant 4 : i32
      %get3A_629 = arith.index_cast %get3A : i32 to index
      %get3A_630 = arith.index_cast %mul3A_628 : i32 to index
      %get3A_631 = tpu.vector_load %arg8[%get3A_629, %get3A_630] {strides = array<i32>} : memref<8x2048xf32, #tpu.memory_space<vmem>>, vector<1x16xf32>,
      %get3A_632 = vector.shape_cast %get3A_631 : vector<1x16xf32> to vector<16xf32>
      %get3A_633 = arith.constant 4 : i32
      %get3A_634 = arith.index_cast %get3A_633 : i32 to index
      %get3A_635 = arith.index_cast %mul3A_628 : i32 to index
      %get3A_636 = tpu.vector_load %arg10[%get3A_634, %get3A_635] {strides = array<i32>} : memref<8x2048xf32, #tpu.memory_space<vmem>>, vector<1x16xf32>,
      %get3A_637 = vector.shape_cast %get3A_636 : vector<1x16xf32> to vector<16xf32>
      %add3A_638 = arith.addf %get3A_632, %get3A_637 : vector<16xf32>
      %swap3A = arith.constant 4 : i32
      %swap3A_639 = arith.index_cast %swap3A : i32 to index
      %swap3A_640 = arith.index_cast %mul3A_628 : i32 to index
      %swap3A_641 = tpu.vector_load %arg8[%swap3A_639, %swap3A_640] {strides = array<i32>} : memref<8x2048xf32, #tpu.memory_space<vmem>>, vector<1x16xf32>,
      %swap3A_642 = vector.shape_cast %swap3A_641 : vector<1x16xf32> to vector<16xf32>
      %swap3A_643 = vector.shape_cast %add3A_638 : vector<16xf32> to vector<1x16xf32>
      tpu.vector_store %arg8[%swap3A_639, %swap3A_640], %swap3A_643 {strides = array<i32>} : memref<8x2048xf32, #tpu.memory_space<vmem>>, vector<1x16xf32>,
    }
    %scan3A_451 = arith.constant 128 : i32
    %scan3A_452 = arith.constant 0 : i32
    %scan3A_453 = arith.constant 0 : i32
    %scan3A_454 = arith.constant 128 : i32
    %scan3A_455 = arith.addi %scan3A_453, %scan3A_454 : i32
    %scan3A_456 = arith.constant 1 : i32
    scf.for %scan3A_626 = %scan3A_453 to %scan3A_455 step %scan3A_456  : i32 {
      %mul3A_627 = arith.constant 16 : i32
      %mul3A_628 = arith.muli %scan3A_626, %mul3A_627 : i32
      %get3A = arith.constant 5 : i32
      %get3A_629 = arith.index_cast %get3A : i32 to index
      %get3A_630 = arith.index_cast %mul3A_628 : i32 to index
      %get3A_631 = tpu.vector_load %arg8[%get3A_629, %get3A_630] {strides = array<i32>} : memref<8x2048xf32, #tpu.memory_space<vmem>>, vector<1x16xf32>,
      %get3A_632 = vector.shape_cast %get3A_631 : vector<1x16xf32> to vector<16xf32>
      %get3A_633 = arith.constant 5 : i32
      %get3A_634 = arith.index_cast %get3A_633 : i32 to index
      %get3A_635 = arith.index_cast %mul3A_628 : i32 to index
      %get3A_636 = tpu.vector_load %arg10[%get3A_634, %get3A_635] {strides = array<i32>} : memref<8x2048xf32, #tpu.memory_space<vmem>>, vector<1x16xf32>,
      %get3A_637 = vector.shape_cast %get3A_636 : vector<1x16xf32> to vector<16xf32>
      %add3A_638 = arith.addf %get3A_632, %get3A_637 : vector<16xf32>
      %swap3A = arith.constant 5 : i32
      %swap3A_639 = arith.index_cast %swap3A : i32 to index
      %swap3A_640 = arith.index_cast %mul3A_628 : i32 to index
      %swap3A_641 = tpu.vector_load %arg8[%swap3A_639, %swap3A_640] {strides = array<i32>} : memref<8x2048xf32, #tpu.memory_space<vmem>>, vector<1x16xf32>,
      %swap3A_642 = vector.shape_cast %swap3A_641 : vector<1x16xf32> to vector<16xf32>
      %swap3A_643 = vector.shape_cast %add3A_638 : vector<16xf32> to vector<1x16xf32>
      tpu.vector_store %arg8[%swap3A_639, %swap3A_640], %swap3A_643 {strides = array<i32>} : memref<8x2048xf32, #tpu.memory_space<vmem>>, vector<1x16xf32>,
    }
    %scan3A_457 = arith.constant 128 : i32
    %scan3A_458 = arith.constant 0 : i32
    %scan3A_459 = arith.constant 0 : i32
    %scan3A_460 = arith.constant 128 : i32
    %scan3A_461 = arith.addi %scan3A_459, %scan3A_460 : i32
    %scan3A_462 = arith.constant 1 : i32
    scf.for %scan3A_626 = %scan3A_459 to %scan3A_461 step %scan3A_462  : i32 {
      %mul3A_627 = arith.constant 16 : i32
      %mul3A_628 = arith.muli %scan3A_626, %mul3A_627 : i32
      %get3A = arith.constant 6 : i32
      %get3A_629 = arith.index_cast %get3A : i32 to index
      %get3A_630 = arith.index_cast %mul3A_628 : i32 to index
      %get3A_631 = tpu.vector_load %arg8[%get3A_629, %get3A_630] {strides = array<i32>} : memref<8x2048xf32, #tpu.memory_space<vmem>>, vector<1x16xf32>,
      %get3A_632 = vector.shape_cast %get3A_631 : vector<1x16xf32> to vector<16xf32>
      %get3A_633 = arith.constant 6 : i32
      %get3A_634 = arith.index_cast %get3A_633 : i32 to index
      %get3A_635 = arith.index_cast %mul3A_628 : i32 to index
      %get3A_636 = tpu.vector_load %arg10[%get3A_634, %get3A_635] {strides = array<i32>} : memref<8x2048xf32, #tpu.memory_space<vmem>>, vector<1x16xf32>,
      %get3A_637 = vector.shape_cast %get3A_636 : vector<1x16xf32> to vector<16xf32>
      %add3A_638 = arith.addf %get3A_632, %get3A_637 : vector<16xf32>
      %swap3A = arith.constant 6 : i32
      %swap3A_639 = arith.index_cast %swap3A : i32 to index
      %swap3A_640 = arith.index_cast %mul3A_628 : i32 to index
      %swap3A_641 = tpu.vector_load %arg8[%swap3A_639, %swap3A_640] {strides = array<i32>} : memref<8x2048xf32, #tpu.memory_space<vmem>>, vector<1x16xf32>,
      %swap3A_642 = vector.shape_cast %swap3A_641 : vector<1x16xf32> to vector<16xf32>
      %swap3A_643 = vector.shape_cast %add3A_638 : vector<16xf32> to vector<1x16xf32>
      tpu.vector_store %arg8[%swap3A_639, %swap3A_640], %swap3A_643 {strides = array<i32>} : memref<8x2048xf32, #tpu.memory_space<vmem>>, vector<1x16xf32>,
    }
    %scan3A_463 = arith.constant 128 : i32
    %scan3A_464 = arith.constant 0 : i32
    %scan3A_465 = arith.constant 0 : i32
    %scan3A_466 = arith.constant 128 : i32
    %scan3A_467 = arith.addi %scan3A_465, %scan3A_466 : i32
    %scan3A_468 = arith.constant 1 : i32
    scf.for %scan3A_626 = %scan3A_465 to %scan3A_467 step %scan3A_468  : i32 {
      %mul3A_627 = arith.constant 16 : i32
      %mul3A_628 = arith.muli %scan3A_626, %mul3A_627 : i32
      %get3A = arith.constant 7 : i32
      %get3A_629 = arith.index_cast %get3A : i32 to index
      %get3A_630 = arith.index_cast %mul3A_628 : i32 to index
      %get3A_631 = tpu.vector_load %arg8[%get3A_629, %get3A_630] {strides = array<i32>} : memref<8x2048xf32, #tpu.memory_space<vmem>>, vector<1x16xf32>,
      %get3A_632 = vector.shape_cast %get3A_631 : vector<1x16xf32> to vector<16xf32>
      %get3A_633 = arith.constant 7 : i32
      %get3A_634 = arith.index_cast %get3A_633 : i32 to index
      %get3A_635 = arith.index_cast %mul3A_628 : i32 to index
      %get3A_636 = tpu.vector_load %arg10[%get3A_634, %get3A_635] {strides = array<i32>} : memref<8x2048xf32, #tpu.memory_space<vmem>>, vector<1x16xf32>,
      %get3A_637 = vector.shape_cast %get3A_636 : vector<1x16xf32> to vector<16xf32>
      %add3A_638 = arith.addf %get3A_632, %get3A_637 : vector<16xf32>
      %swap3A = arith.constant 7 : i32
      %swap3A_639 = arith.index_cast %swap3A : i32 to index
      %swap3A_640 = arith.index_cast %mul3A_628 : i32 to index
      %swap3A_641 = tpu.vector_load %arg8[%swap3A_639, %swap3A_640] {strides = array<i32>} : memref<8x2048xf32, #tpu.memory_space<vmem>>, vector<1x16xf32>,
      %swap3A_642 = vector.shape_cast %swap3A_641 : vector<1x16xf32> to vector<16xf32>
      %swap3A_643 = vector.shape_cast %add3A_638 : vector<16xf32> to vector<1x16xf32>
      tpu.vector_store %arg8[%swap3A_639, %swap3A_640], %swap3A_643 {strides = array<i32>} : memref<8x2048xf32, #tpu.memory_space<vmem>>, vector<1x16xf32>,
    }
    %scan3A_469 = arith.constant 128 : i32
    %add3A_470 = arith.constant 40 : i32
    %add3A_471 = arith.addi %mul3A_2, %add3A_470 : i32
    %dma_start3A_472 = arith.constant 0 : i32
    %dma_start3A_473 = tpu.memref_slice %arg4[%add3A_471, %dma_start3A_472] : memref<2048x2048xf32, #tpu.memory_space<hbm>> -> memref<8x2048xf32, #tpu.memory_space<hbm>>
    %dma_start3A_474 = arith.constant 0 : i32
    %dma_start3A_475 = tpu.memref_slice %arg4[%add3A_471, %dma_start3A_474] : memref<2048x2048xf32, #tpu.memory_space<hbm>> -> memref<8x2048xf32, #tpu.memory_space<hbm>>
    tpu.enqueue_dma source(%arg8 : memref<8x2048xf32, #tpu.memory_space<vmem>>) target(%dma_start3A_475 : memref<8x2048xf32, #tpu.memory_space<hbm>>) target_semaphore(%arg16 : memref<!tpu.dma_semaphore, #tpu.memory_space<semaphore_mem>>)
    %dma_wait3A_476 = arith.constant 0 : i32
    %dma_wait3A_477 = tpu.memref_slice %arg4[%add3A_471, %dma_wait3A_476] : memref<2048x2048xf32, #tpu.memory_space<hbm>> -> memref<8x2048xf32, #tpu.memory_space<hbm>>
    %dma_wait3A_478 = arith.constant 0 : i32
    %dma_wait3A_479 = tpu.memref_slice %arg4[%add3A_471, %dma_wait3A_478] : memref<2048x2048xf32, #tpu.memory_space<hbm>> -> memref<8x2048xf32, #tpu.memory_space<hbm>>
    tpu.wait_dma2 semaphore(%arg16 : memref<!tpu.dma_semaphore, #tpu.memory_space<semaphore_mem>>) src(%arg8 : memref<8x2048xf32, #tpu.memory_space<vmem>>) dst(%dma_wait3A_479 : memref<8x2048xf32, #tpu.memory_space<hbm>>)
    %dma_start3A_480 = arith.constant 56 : i32
    %dma_start3A_481 = tpu.memref_slice %arg5[%dma_start3A_480] : memref<64xi32, #tpu.memory_space<vmem>> -> memref<8xi32, #tpu.memory_space<vmem>>
    %dma_start3A_482 = arith.constant 0 : i32
    %dma_start3A_483 = arith.constant 0 : i32
    %dma_start3A_484 = tpu.memref_slice %arg2[%dma_start3A_482, %dma_start3A_483] : memref<6144x2048xf32, #tpu.memory_space<hbm>> -> memref<6144x2048xf32, #tpu.memory_space<hbm>>
    tpu.enqueue_indirect_dma source(%dma_start3A_484 : memref<6144x2048xf32, #tpu.memory_space<hbm>>) target(%arg8 : memref<8x2048xf32, #tpu.memory_space<vmem>>) offsets(%dma_start3A_481 : memref<8xi32, #tpu.memory_space<vmem>>) semaphore(%arg12 : memref<!tpu.dma_semaphore, #tpu.memory_space<semaphore_mem>>)
    %dma_start3A_485 = arith.constant 56 : i32
    %dma_start3A_486 = tpu.memref_slice %arg6[%dma_start3A_485] : memref<64xi32, #tpu.memory_space<vmem>> -> memref<8xi32, #tpu.memory_space<vmem>>
    %dma_start3A_487 = arith.constant 0 : i32
    %dma_start3A_488 = arith.constant 0 : i32
    %dma_start3A_489 = tpu.memref_slice %arg2[%dma_start3A_487, %dma_start3A_488] : memref<6144x2048xf32, #tpu.memory_space<hbm>> -> memref<6144x2048xf32, #tpu.memory_space<hbm>>
    tpu.enqueue_indirect_dma source(%dma_start3A_489 : memref<6144x2048xf32, #tpu.memory_space<hbm>>) target(%arg10 : memref<8x2048xf32, #tpu.memory_space<vmem>>) offsets(%dma_start3A_486 : memref<8xi32, #tpu.memory_space<vmem>>) semaphore(%arg14 : memref<!tpu.dma_semaphore, #tpu.memory_space<semaphore_mem>>)
    %dma_wait3A_490 = arith.constant 48 : i32
    %dma_wait3A_491 = tpu.memref_slice %arg5[%dma_wait3A_490] : memref<64xi32, #tpu.memory_space<vmem>> -> memref<8xi32, #tpu.memory_space<vmem>>
    %dma_wait3A_492 = arith.constant 0 : i32
    %dma_wait3A_493 = arith.constant 0 : i32
    %dma_wait3A_494 = tpu.memref_slice %arg2[%dma_wait3A_492, %dma_wait3A_493] : memref<6144x2048xf32, #tpu.memory_space<hbm>> -> memref<6144x2048xf32, #tpu.memory_space<hbm>>
    tpu.wait_indirect_dma semaphore(%arg11 : memref<!tpu.dma_semaphore, #tpu.memory_space<semaphore_mem>>) src(%dma_wait3A_494 : memref<6144x2048xf32, #tpu.memory_space<hbm>>) dst(%arg7 : memref<8x2048xf32, #tpu.memory_space<vmem>>)
    %dma_wait3A_495 = arith.constant 48 : i32
    %dma_wait3A_496 = tpu.memref_slice %arg6[%dma_wait3A_495] : memref<64xi32, #tpu.memory_space<vmem>> -> memref<8xi32, #tpu.memory_space<vmem>>
    %dma_wait3A_497 = arith.constant 0 : i32
    %dma_wait3A_498 = arith.constant 0 : i32
    %dma_wait3A_499 = tpu.memref_slice %arg2[%dma_wait3A_497, %dma_wait3A_498] : memref<6144x2048xf32, #tpu.memory_space<hbm>> -> memref<6144x2048xf32, #tpu.memory_space<hbm>>
    tpu.wait_indirect_dma semaphore(%arg13 : memref<!tpu.dma_semaphore, #tpu.memory_space<semaphore_mem>>) src(%dma_wait3A_499 : memref<6144x2048xf32, #tpu.memory_space<hbm>>) dst(%arg9 : memref<8x2048xf32, #tpu.memory_space<vmem>>)
    %scan3A_500 = arith.constant 0 : i32
    %scan3A_501 = arith.constant 0 : i32
    %scan3A_502 = arith.constant 128 : i32
    %scan3A_503 = arith.addi %scan3A_501, %scan3A_502 : i32
    %scan3A_504 = arith.constant 1 : i32
    scf.for %scan3A_626 = %scan3A_501 to %scan3A_503 step %scan3A_504  : i32 {
      %mul3A_627 = arith.constant 16 : i32
      %mul3A_628 = arith.muli %scan3A_626, %mul3A_627 : i32
      %get3A = arith.constant 0 : i32
      %get3A_629 = arith.index_cast %get3A : i32 to index
      %get3A_630 = arith.index_cast %mul3A_628 : i32 to index
      %get3A_631 = tpu.vector_load %arg7[%get3A_629, %get3A_630] {strides = array<i32>} : memref<8x2048xf32, #tpu.memory_space<vmem>>, vector<1x16xf32>,
      %get3A_632 = vector.shape_cast %get3A_631 : vector<1x16xf32> to vector<16xf32>
      %get3A_633 = arith.constant 0 : i32
      %get3A_634 = arith.index_cast %get3A_633 : i32 to index
      %get3A_635 = arith.index_cast %mul3A_628 : i32 to index
      %get3A_636 = tpu.vector_load %arg9[%get3A_634, %get3A_635] {strides = array<i32>} : memref<8x2048xf32, #tpu.memory_space<vmem>>, vector<1x16xf32>,
      %get3A_637 = vector.shape_cast %get3A_636 : vector<1x16xf32> to vector<16xf32>
      %add3A_638 = arith.addf %get3A_632, %get3A_637 : vector<16xf32>
      %swap3A = arith.constant 0 : i32
      %swap3A_639 = arith.index_cast %swap3A : i32 to index
      %swap3A_640 = arith.index_cast %mul3A_628 : i32 to index
      %swap3A_641 = tpu.vector_load %arg7[%swap3A_639, %swap3A_640] {strides = array<i32>} : memref<8x2048xf32, #tpu.memory_space<vmem>>, vector<1x16xf32>,
      %swap3A_642 = vector.shape_cast %swap3A_641 : vector<1x16xf32> to vector<16xf32>
      %swap3A_643 = vector.shape_cast %add3A_638 : vector<16xf32> to vector<1x16xf32>
      tpu.vector_store %arg7[%swap3A_639, %swap3A_640], %swap3A_643 {strides = array<i32>} : memref<8x2048xf32, #tpu.memory_space<vmem>>, vector<1x16xf32>,
    }
    %scan3A_505 = arith.constant 128 : i32
    %scan3A_506 = arith.constant 0 : i32
    %scan3A_507 = arith.constant 0 : i32
    %scan3A_508 = arith.constant 128 : i32
    %scan3A_509 = arith.addi %scan3A_507, %scan3A_508 : i32
    %scan3A_510 = arith.constant 1 : i32
    scf.for %scan3A_626 = %scan3A_507 to %scan3A_509 step %scan3A_510  : i32 {
      %mul3A_627 = arith.constant 16 : i32
      %mul3A_628 = arith.muli %scan3A_626, %mul3A_627 : i32
      %get3A = arith.constant 1 : i32
      %get3A_629 = arith.index_cast %get3A : i32 to index
      %get3A_630 = arith.index_cast %mul3A_628 : i32 to index
      %get3A_631 = tpu.vector_load %arg7[%get3A_629, %get3A_630] {strides = array<i32>} : memref<8x2048xf32, #tpu.memory_space<vmem>>, vector<1x16xf32>,
      %get3A_632 = vector.shape_cast %get3A_631 : vector<1x16xf32> to vector<16xf32>
      %get3A_633 = arith.constant 1 : i32
      %get3A_634 = arith.index_cast %get3A_633 : i32 to index
      %get3A_635 = arith.index_cast %mul3A_628 : i32 to index
      %get3A_636 = tpu.vector_load %arg9[%get3A_634, %get3A_635] {strides = array<i32>} : memref<8x2048xf32, #tpu.memory_space<vmem>>, vector<1x16xf32>,
      %get3A_637 = vector.shape_cast %get3A_636 : vector<1x16xf32> to vector<16xf32>
      %add3A_638 = arith.addf %get3A_632, %get3A_637 : vector<16xf32>
      %swap3A = arith.constant 1 : i32
      %swap3A_639 = arith.index_cast %swap3A : i32 to index
      %swap3A_640 = arith.index_cast %mul3A_628 : i32 to index
      %swap3A_641 = tpu.vector_load %arg7[%swap3A_639, %swap3A_640] {strides = array<i32>} : memref<8x2048xf32, #tpu.memory_space<vmem>>, vector<1x16xf32>,
      %swap3A_642 = vector.shape_cast %swap3A_641 : vector<1x16xf32> to vector<16xf32>
      %swap3A_643 = vector.shape_cast %add3A_638 : vector<16xf32> to vector<1x16xf32>
      tpu.vector_store %arg7[%swap3A_639, %swap3A_640], %swap3A_643 {strides = array<i32>} : memref<8x2048xf32, #tpu.memory_space<vmem>>, vector<1x16xf32>,
    }
    %scan3A_511 = arith.constant 128 : i32
    %scan3A_512 = arith.constant 0 : i32
    %scan3A_513 = arith.constant 0 : i32
    %scan3A_514 = arith.constant 128 : i32
    %scan3A_515 = arith.addi %scan3A_513, %scan3A_514 : i32
    %scan3A_516 = arith.constant 1 : i32
    scf.for %scan3A_626 = %scan3A_513 to %scan3A_515 step %scan3A_516  : i32 {
      %mul3A_627 = arith.constant 16 : i32
      %mul3A_628 = arith.muli %scan3A_626, %mul3A_627 : i32
      %get3A = arith.constant 2 : i32
      %get3A_629 = arith.index_cast %get3A : i32 to index
      %get3A_630 = arith.index_cast %mul3A_628 : i32 to index
      %get3A_631 = tpu.vector_load %arg7[%get3A_629, %get3A_630] {strides = array<i32>} : memref<8x2048xf32, #tpu.memory_space<vmem>>, vector<1x16xf32>,
      %get3A_632 = vector.shape_cast %get3A_631 : vector<1x16xf32> to vector<16xf32>
      %get3A_633 = arith.constant 2 : i32
      %get3A_634 = arith.index_cast %get3A_633 : i32 to index
      %get3A_635 = arith.index_cast %mul3A_628 : i32 to index
      %get3A_636 = tpu.vector_load %arg9[%get3A_634, %get3A_635] {strides = array<i32>} : memref<8x2048xf32, #tpu.memory_space<vmem>>, vector<1x16xf32>,
      %get3A_637 = vector.shape_cast %get3A_636 : vector<1x16xf32> to vector<16xf32>
      %add3A_638 = arith.addf %get3A_632, %get3A_637 : vector<16xf32>
      %swap3A = arith.constant 2 : i32
      %swap3A_639 = arith.index_cast %swap3A : i32 to index
      %swap3A_640 = arith.index_cast %mul3A_628 : i32 to index
      %swap3A_641 = tpu.vector_load %arg7[%swap3A_639, %swap3A_640] {strides = array<i32>} : memref<8x2048xf32, #tpu.memory_space<vmem>>, vector<1x16xf32>,
      %swap3A_642 = vector.shape_cast %swap3A_641 : vector<1x16xf32> to vector<16xf32>
      %swap3A_643 = vector.shape_cast %add3A_638 : vector<16xf32> to vector<1x16xf32>
      tpu.vector_store %arg7[%swap3A_639, %swap3A_640], %swap3A_643 {strides = array<i32>} : memref<8x2048xf32, #tpu.memory_space<vmem>>, vector<1x16xf32>,
    }
    %scan3A_517 = arith.constant 128 : i32
    %scan3A_518 = arith.constant 0 : i32
    %scan3A_519 = arith.constant 0 : i32
    %scan3A_520 = arith.constant 128 : i32
    %scan3A_521 = arith.addi %scan3A_519, %scan3A_520 : i32
    %scan3A_522 = arith.constant 1 : i32
    scf.for %scan3A_626 = %scan3A_519 to %scan3A_521 step %scan3A_522  : i32 {
      %mul3A_627 = arith.constant 16 : i32
      %mul3A_628 = arith.muli %scan3A_626, %mul3A_627 : i32
      %get3A = arith.constant 3 : i32
      %get3A_629 = arith.index_cast %get3A : i32 to index
      %get3A_630 = arith.index_cast %mul3A_628 : i32 to index
      %get3A_631 = tpu.vector_load %arg7[%get3A_629, %get3A_630] {strides = array<i32>} : memref<8x2048xf32, #tpu.memory_space<vmem>>, vector<1x16xf32>,
      %get3A_632 = vector.shape_cast %get3A_631 : vector<1x16xf32> to vector<16xf32>
      %get3A_633 = arith.constant 3 : i32
      %get3A_634 = arith.index_cast %get3A_633 : i32 to index
      %get3A_635 = arith.index_cast %mul3A_628 : i32 to index
      %get3A_636 = tpu.vector_load %arg9[%get3A_634, %get3A_635] {strides = array<i32>} : memref<8x2048xf32, #tpu.memory_space<vmem>>, vector<1x16xf32>,
      %get3A_637 = vector.shape_cast %get3A_636 : vector<1x16xf32> to vector<16xf32>
      %add3A_638 = arith.addf %get3A_632, %get3A_637 : vector<16xf32>
      %swap3A = arith.constant 3 : i32
      %swap3A_639 = arith.index_cast %swap3A : i32 to index
      %swap3A_640 = arith.index_cast %mul3A_628 : i32 to index
      %swap3A_641 = tpu.vector_load %arg7[%swap3A_639, %swap3A_640] {strides = array<i32>} : memref<8x2048xf32, #tpu.memory_space<vmem>>, vector<1x16xf32>,
      %swap3A_642 = vector.shape_cast %swap3A_641 : vector<1x16xf32> to vector<16xf32>
      %swap3A_643 = vector.shape_cast %add3A_638 : vector<16xf32> to vector<1x16xf32>
      tpu.vector_store %arg7[%swap3A_639, %swap3A_640], %swap3A_643 {strides = array<i32>} : memref<8x2048xf32, #tpu.memory_space<vmem>>, vector<1x16xf32>,
    }
    %scan3A_523 = arith.constant 128 : i32
    %scan3A_524 = arith.constant 0 : i32
    %scan3A_525 = arith.constant 0 : i32
    %scan3A_526 = arith.constant 128 : i32
    %scan3A_527 = arith.addi %scan3A_525, %scan3A_526 : i32
    %scan3A_528 = arith.constant 1 : i32
    scf.for %scan3A_626 = %scan3A_525 to %scan3A_527 step %scan3A_528  : i32 {
      %mul3A_627 = arith.constant 16 : i32
      %mul3A_628 = arith.muli %scan3A_626, %mul3A_627 : i32
      %get3A = arith.constant 4 : i32
      %get3A_629 = arith.index_cast %get3A : i32 to index
      %get3A_630 = arith.index_cast %mul3A_628 : i32 to index
      %get3A_631 = tpu.vector_load %arg7[%get3A_629, %get3A_630] {strides = array<i32>} : memref<8x2048xf32, #tpu.memory_space<vmem>>, vector<1x16xf32>,
      %get3A_632 = vector.shape_cast %get3A_631 : vector<1x16xf32> to vector<16xf32>
      %get3A_633 = arith.constant 4 : i32
      %get3A_634 = arith.index_cast %get3A_633 : i32 to index
      %get3A_635 = arith.index_cast %mul3A_628 : i32 to index
      %get3A_636 = tpu.vector_load %arg9[%get3A_634, %get3A_635] {strides = array<i32>} : memref<8x2048xf32, #tpu.memory_space<vmem>>, vector<1x16xf32>,
      %get3A_637 = vector.shape_cast %get3A_636 : vector<1x16xf32> to vector<16xf32>
      %add3A_638 = arith.addf %get3A_632, %get3A_637 : vector<16xf32>
      %swap3A = arith.constant 4 : i32
      %swap3A_639 = arith.index_cast %swap3A : i32 to index
      %swap3A_640 = arith.index_cast %mul3A_628 : i32 to index
      %swap3A_641 = tpu.vector_load %arg7[%swap3A_639, %swap3A_640] {strides = array<i32>} : memref<8x2048xf32, #tpu.memory_space<vmem>>, vector<1x16xf32>,
      %swap3A_642 = vector.shape_cast %swap3A_641 : vector<1x16xf32> to vector<16xf32>
      %swap3A_643 = vector.shape_cast %add3A_638 : vector<16xf32> to vector<1x16xf32>
      tpu.vector_store %arg7[%swap3A_639, %swap3A_640], %swap3A_643 {strides = array<i32>} : memref<8x2048xf32, #tpu.memory_space<vmem>>, vector<1x16xf32>,
    }
    %scan3A_529 = arith.constant 128 : i32
    %scan3A_530 = arith.constant 0 : i32
    %scan3A_531 = arith.constant 0 : i32
    %scan3A_532 = arith.constant 128 : i32
    %scan3A_533 = arith.addi %scan3A_531, %scan3A_532 : i32
    %scan3A_534 = arith.constant 1 : i32
    scf.for %scan3A_626 = %scan3A_531 to %scan3A_533 step %scan3A_534  : i32 {
      %mul3A_627 = arith.constant 16 : i32
      %mul3A_628 = arith.muli %scan3A_626, %mul3A_627 : i32
      %get3A = arith.constant 5 : i32
      %get3A_629 = arith.index_cast %get3A : i32 to index
      %get3A_630 = arith.index_cast %mul3A_628 : i32 to index
      %get3A_631 = tpu.vector_load %arg7[%get3A_629, %get3A_630] {strides = array<i32>} : memref<8x2048xf32, #tpu.memory_space<vmem>>, vector<1x16xf32>,
      %get3A_632 = vector.shape_cast %get3A_631 : vector<1x16xf32> to vector<16xf32>
      %get3A_633 = arith.constant 5 : i32
      %get3A_634 = arith.index_cast %get3A_633 : i32 to index
      %get3A_635 = arith.index_cast %mul3A_628 : i32 to index
      %get3A_636 = tpu.vector_load %arg9[%get3A_634, %get3A_635] {strides = array<i32>} : memref<8x2048xf32, #tpu.memory_space<vmem>>, vector<1x16xf32>,
      %get3A_637 = vector.shape_cast %get3A_636 : vector<1x16xf32> to vector<16xf32>
      %add3A_638 = arith.addf %get3A_632, %get3A_637 : vector<16xf32>
      %swap3A = arith.constant 5 : i32
      %swap3A_639 = arith.index_cast %swap3A : i32 to index
      %swap3A_640 = arith.index_cast %mul3A_628 : i32 to index
      %swap3A_641 = tpu.vector_load %arg7[%swap3A_639, %swap3A_640] {strides = array<i32>} : memref<8x2048xf32, #tpu.memory_space<vmem>>, vector<1x16xf32>,
      %swap3A_642 = vector.shape_cast %swap3A_641 : vector<1x16xf32> to vector<16xf32>
      %swap3A_643 = vector.shape_cast %add3A_638 : vector<16xf32> to vector<1x16xf32>
      tpu.vector_store %arg7[%swap3A_639, %swap3A_640], %swap3A_643 {strides = array<i32>} : memref<8x2048xf32, #tpu.memory_space<vmem>>, vector<1x16xf32>,
    }
    %scan3A_535 = arith.constant 128 : i32
    %scan3A_536 = arith.constant 0 : i32
    %scan3A_537 = arith.constant 0 : i32
    %scan3A_538 = arith.constant 128 : i32
    %scan3A_539 = arith.addi %scan3A_537, %scan3A_538 : i32
    %scan3A_540 = arith.constant 1 : i32
    scf.for %scan3A_626 = %scan3A_537 to %scan3A_539 step %scan3A_540  : i32 {
      %mul3A_627 = arith.constant 16 : i32
      %mul3A_628 = arith.muli %scan3A_626, %mul3A_627 : i32
      %get3A = arith.constant 6 : i32
      %get3A_629 = arith.index_cast %get3A : i32 to index
      %get3A_630 = arith.index_cast %mul3A_628 : i32 to index
      %get3A_631 = tpu.vector_load %arg7[%get3A_629, %get3A_630] {strides = array<i32>} : memref<8x2048xf32, #tpu.memory_space<vmem>>, vector<1x16xf32>,
      %get3A_632 = vector.shape_cast %get3A_631 : vector<1x16xf32> to vector<16xf32>
      %get3A_633 = arith.constant 6 : i32
      %get3A_634 = arith.index_cast %get3A_633 : i32 to index
      %get3A_635 = arith.index_cast %mul3A_628 : i32 to index
      %get3A_636 = tpu.vector_load %arg9[%get3A_634, %get3A_635] {strides = array<i32>} : memref<8x2048xf32, #tpu.memory_space<vmem>>, vector<1x16xf32>,
      %get3A_637 = vector.shape_cast %get3A_636 : vector<1x16xf32> to vector<16xf32>
      %add3A_638 = arith.addf %get3A_632, %get3A_637 : vector<16xf32>
      %swap3A = arith.constant 6 : i32
      %swap3A_639 = arith.index_cast %swap3A : i32 to index
      %swap3A_640 = arith.index_cast %mul3A_628 : i32 to index
      %swap3A_641 = tpu.vector_load %arg7[%swap3A_639, %swap3A_640] {strides = array<i32>} : memref<8x2048xf32, #tpu.memory_space<vmem>>, vector<1x16xf32>,
      %swap3A_642 = vector.shape_cast %swap3A_641 : vector<1x16xf32> to vector<16xf32>
      %swap3A_643 = vector.shape_cast %add3A_638 : vector<16xf32> to vector<1x16xf32>
      tpu.vector_store %arg7[%swap3A_639, %swap3A_640], %swap3A_643 {strides = array<i32>} : memref<8x2048xf32, #tpu.memory_space<vmem>>, vector<1x16xf32>,
    }
    %scan3A_541 = arith.constant 128 : i32
    %scan3A_542 = arith.constant 0 : i32
    %scan3A_543 = arith.constant 0 : i32
    %scan3A_544 = arith.constant 128 : i32
    %scan3A_545 = arith.addi %scan3A_543, %scan3A_544 : i32
    %scan3A_546 = arith.constant 1 : i32
    scf.for %scan3A_626 = %scan3A_543 to %scan3A_545 step %scan3A_546  : i32 {
      %mul3A_627 = arith.constant 16 : i32
      %mul3A_628 = arith.muli %scan3A_626, %mul3A_627 : i32
      %get3A = arith.constant 7 : i32
      %get3A_629 = arith.index_cast %get3A : i32 to index
      %get3A_630 = arith.index_cast %mul3A_628 : i32 to index
      %get3A_631 = tpu.vector_load %arg7[%get3A_629, %get3A_630] {strides = array<i32>} : memref<8x2048xf32, #tpu.memory_space<vmem>>, vector<1x16xf32>,
      %get3A_632 = vector.shape_cast %get3A_631 : vector<1x16xf32> to vector<16xf32>
      %get3A_633 = arith.constant 7 : i32
      %get3A_634 = arith.index_cast %get3A_633 : i32 to index
      %get3A_635 = arith.index_cast %mul3A_628 : i32 to index
      %get3A_636 = tpu.vector_load %arg9[%get3A_634, %get3A_635] {strides = array<i32>} : memref<8x2048xf32, #tpu.memory_space<vmem>>, vector<1x16xf32>,
      %get3A_637 = vector.shape_cast %get3A_636 : vector<1x16xf32> to vector<16xf32>
      %add3A_638 = arith.addf %get3A_632, %get3A_637 : vector<16xf32>
      %swap3A = arith.constant 7 : i32
      %swap3A_639 = arith.index_cast %swap3A : i32 to index
      %swap3A_640 = arith.index_cast %mul3A_628 : i32 to index
      %swap3A_641 = tpu.vector_load %arg7[%swap3A_639, %swap3A_640] {strides = array<i32>} : memref<8x2048xf32, #tpu.memory_space<vmem>>, vector<1x16xf32>,
      %swap3A_642 = vector.shape_cast %swap3A_641 : vector<1x16xf32> to vector<16xf32>
      %swap3A_643 = vector.shape_cast %add3A_638 : vector<16xf32> to vector<1x16xf32>
      tpu.vector_store %arg7[%swap3A_639, %swap3A_640], %swap3A_643 {strides = array<i32>} : memref<8x2048xf32, #tpu.memory_space<vmem>>, vector<1x16xf32>,
    }
    %scan3A_547 = arith.constant 128 : i32
    %add3A_548 = arith.constant 48 : i32
    %add3A_549 = arith.addi %mul3A_2, %add3A_548 : i32
    %dma_start3A_550 = arith.constant 0 : i32
    %dma_start3A_551 = tpu.memref_slice %arg4[%add3A_549, %dma_start3A_550] : memref<2048x2048xf32, #tpu.memory_space<hbm>> -> memref<8x2048xf32, #tpu.memory_space<hbm>>
    %dma_start3A_552 = arith.constant 0 : i32
    %dma_start3A_553 = tpu.memref_slice %arg4[%add3A_549, %dma_start3A_552] : memref<2048x2048xf32, #tpu.memory_space<hbm>> -> memref<8x2048xf32, #tpu.memory_space<hbm>>
    tpu.enqueue_dma source(%arg7 : memref<8x2048xf32, #tpu.memory_space<vmem>>) target(%dma_start3A_553 : memref<8x2048xf32, #tpu.memory_space<hbm>>) target_semaphore(%arg15 : memref<!tpu.dma_semaphore, #tpu.memory_space<semaphore_mem>>)
    %dma_wait3A_554 = arith.constant 56 : i32
    %dma_wait3A_555 = tpu.memref_slice %arg5[%dma_wait3A_554] : memref<64xi32, #tpu.memory_space<vmem>> -> memref<8xi32, #tpu.memory_space<vmem>>
    %dma_wait3A_556 = arith.constant 0 : i32
    %dma_wait3A_557 = arith.constant 0 : i32
    %dma_wait3A_558 = tpu.memref_slice %arg2[%dma_wait3A_556, %dma_wait3A_557] : memref<6144x2048xf32, #tpu.memory_space<hbm>> -> memref<6144x2048xf32, #tpu.memory_space<hbm>>
    tpu.wait_indirect_dma semaphore(%arg12 : memref<!tpu.dma_semaphore, #tpu.memory_space<semaphore_mem>>) src(%dma_wait3A_558 : memref<6144x2048xf32, #tpu.memory_space<hbm>>) dst(%arg8 : memref<8x2048xf32, #tpu.memory_space<vmem>>)
    %dma_wait3A_559 = arith.constant 56 : i32
    %dma_wait3A_560 = tpu.memref_slice %arg6[%dma_wait3A_559] : memref<64xi32, #tpu.memory_space<vmem>> -> memref<8xi32, #tpu.memory_space<vmem>>
    %dma_wait3A_561 = arith.constant 0 : i32
    %dma_wait3A_562 = arith.constant 0 : i32
    %dma_wait3A_563 = tpu.memref_slice %arg2[%dma_wait3A_561, %dma_wait3A_562] : memref<6144x2048xf32, #tpu.memory_space<hbm>> -> memref<6144x2048xf32, #tpu.memory_space<hbm>>
    tpu.wait_indirect_dma semaphore(%arg14 : memref<!tpu.dma_semaphore, #tpu.memory_space<semaphore_mem>>) src(%dma_wait3A_563 : memref<6144x2048xf32, #tpu.memory_space<hbm>>) dst(%arg10 : memref<8x2048xf32, #tpu.memory_space<vmem>>)
    %scan3A_564 = arith.constant 0 : i32
    %scan3A_565 = arith.constant 0 : i32
    %scan3A_566 = arith.constant 128 : i32
    %scan3A_567 = arith.addi %scan3A_565, %scan3A_566 : i32
    %scan3A_568 = arith.constant 1 : i32
    scf.for %scan3A_626 = %scan3A_565 to %scan3A_567 step %scan3A_568  : i32 {
      %mul3A_627 = arith.constant 16 : i32
      %mul3A_628 = arith.muli %scan3A_626, %mul3A_627 : i32
      %get3A = arith.constant 0 : i32
      %get3A_629 = arith.index_cast %get3A : i32 to index
      %get3A_630 = arith.index_cast %mul3A_628 : i32 to index
      %get3A_631 = tpu.vector_load %arg8[%get3A_629, %get3A_630] {strides = array<i32>} : memref<8x2048xf32, #tpu.memory_space<vmem>>, vector<1x16xf32>,
      %get3A_632 = vector.shape_cast %get3A_631 : vector<1x16xf32> to vector<16xf32>
      %get3A_633 = arith.constant 0 : i32
      %get3A_634 = arith.index_cast %get3A_633 : i32 to index
      %get3A_635 = arith.index_cast %mul3A_628 : i32 to index
      %get3A_636 = tpu.vector_load %arg10[%get3A_634, %get3A_635] {strides = array<i32>} : memref<8x2048xf32, #tpu.memory_space<vmem>>, vector<1x16xf32>,
      %get3A_637 = vector.shape_cast %get3A_636 : vector<1x16xf32> to vector<16xf32>
      %add3A_638 = arith.addf %get3A_632, %get3A_637 : vector<16xf32>
      %swap3A = arith.constant 0 : i32
      %swap3A_639 = arith.index_cast %swap3A : i32 to index
      %swap3A_640 = arith.index_cast %mul3A_628 : i32 to index
      %swap3A_641 = tpu.vector_load %arg8[%swap3A_639, %swap3A_640] {strides = array<i32>} : memref<8x2048xf32, #tpu.memory_space<vmem>>, vector<1x16xf32>,
      %swap3A_642 = vector.shape_cast %swap3A_641 : vector<1x16xf32> to vector<16xf32>
      %swap3A_643 = vector.shape_cast %add3A_638 : vector<16xf32> to vector<1x16xf32>
      tpu.vector_store %arg8[%swap3A_639, %swap3A_640], %swap3A_643 {strides = array<i32>} : memref<8x2048xf32, #tpu.memory_space<vmem>>, vector<1x16xf32>,
    }
    %scan3A_569 = arith.constant 128 : i32
    %scan3A_570 = arith.constant 0 : i32
    %scan3A_571 = arith.constant 0 : i32
    %scan3A_572 = arith.constant 128 : i32
    %scan3A_573 = arith.addi %scan3A_571, %scan3A_572 : i32
    %scan3A_574 = arith.constant 1 : i32
    scf.for %scan3A_626 = %scan3A_571 to %scan3A_573 step %scan3A_574  : i32 {
      %mul3A_627 = arith.constant 16 : i32
      %mul3A_628 = arith.muli %scan3A_626, %mul3A_627 : i32
      %get3A = arith.constant 1 : i32
      %get3A_629 = arith.index_cast %get3A : i32 to index
      %get3A_630 = arith.index_cast %mul3A_628 : i32 to index
      %get3A_631 = tpu.vector_load %arg8[%get3A_629, %get3A_630] {strides = array<i32>} : memref<8x2048xf32, #tpu.memory_space<vmem>>, vector<1x16xf32>,
      %get3A_632 = vector.shape_cast %get3A_631 : vector<1x16xf32> to vector<16xf32>
      %get3A_633 = arith.constant 1 : i32
      %get3A_634 = arith.index_cast %get3A_633 : i32 to index
      %get3A_635 = arith.index_cast %mul3A_628 : i32 to index
      %get3A_636 = tpu.vector_load %arg10[%get3A_634, %get3A_635] {strides = array<i32>} : memref<8x2048xf32, #tpu.memory_space<vmem>>, vector<1x16xf32>,
      %get3A_637 = vector.shape_cast %get3A_636 : vector<1x16xf32> to vector<16xf32>
      %add3A_638 = arith.addf %get3A_632, %get3A_637 : vector<16xf32>
      %swap3A = arith.constant 1 : i32
      %swap3A_639 = arith.index_cast %swap3A : i32 to index
      %swap3A_640 = arith.index_cast %mul3A_628 : i32 to index
      %swap3A_641 = tpu.vector_load %arg8[%swap3A_639, %swap3A_640] {strides = array<i32>} : memref<8x2048xf32, #tpu.memory_space<vmem>>, vector<1x16xf32>,
      %swap3A_642 = vector.shape_cast %swap3A_641 : vector<1x16xf32> to vector<16xf32>
      %swap3A_643 = vector.shape_cast %add3A_638 : vector<16xf32> to vector<1x16xf32>
      tpu.vector_store %arg8[%swap3A_639, %swap3A_640], %swap3A_643 {strides = array<i32>} : memref<8x2048xf32, #tpu.memory_space<vmem>>, vector<1x16xf32>,
    }
    %scan3A_575 = arith.constant 128 : i32
    %scan3A_576 = arith.constant 0 : i32
    %scan3A_577 = arith.constant 0 : i32
    %scan3A_578 = arith.constant 128 : i32
    %scan3A_579 = arith.addi %scan3A_577, %scan3A_578 : i32
    %scan3A_580 = arith.constant 1 : i32
    scf.for %scan3A_626 = %scan3A_577 to %scan3A_579 step %scan3A_580  : i32 {
      %mul3A_627 = arith.constant 16 : i32
      %mul3A_628 = arith.muli %scan3A_626, %mul3A_627 : i32
      %get3A = arith.constant 2 : i32
      %get3A_629 = arith.index_cast %get3A : i32 to index
      %get3A_630 = arith.index_cast %mul3A_628 : i32 to index
      %get3A_631 = tpu.vector_load %arg8[%get3A_629, %get3A_630] {strides = array<i32>} : memref<8x2048xf32, #tpu.memory_space<vmem>>, vector<1x16xf32>,
      %get3A_632 = vector.shape_cast %get3A_631 : vector<1x16xf32> to vector<16xf32>
      %get3A_633 = arith.constant 2 : i32
      %get3A_634 = arith.index_cast %get3A_633 : i32 to index
      %get3A_635 = arith.index_cast %mul3A_628 : i32 to index
      %get3A_636 = tpu.vector_load %arg10[%get3A_634, %get3A_635] {strides = array<i32>} : memref<8x2048xf32, #tpu.memory_space<vmem>>, vector<1x16xf32>,
      %get3A_637 = vector.shape_cast %get3A_636 : vector<1x16xf32> to vector<16xf32>
      %add3A_638 = arith.addf %get3A_632, %get3A_637 : vector<16xf32>
      %swap3A = arith.constant 2 : i32
      %swap3A_639 = arith.index_cast %swap3A : i32 to index
      %swap3A_640 = arith.index_cast %mul3A_628 : i32 to index
      %swap3A_641 = tpu.vector_load %arg8[%swap3A_639, %swap3A_640] {strides = array<i32>} : memref<8x2048xf32, #tpu.memory_space<vmem>>, vector<1x16xf32>,
      %swap3A_642 = vector.shape_cast %swap3A_641 : vector<1x16xf32> to vector<16xf32>
      %swap3A_643 = vector.shape_cast %add3A_638 : vector<16xf32> to vector<1x16xf32>
      tpu.vector_store %arg8[%swap3A_639, %swap3A_640], %swap3A_643 {strides = array<i32>} : memref<8x2048xf32, #tpu.memory_space<vmem>>, vector<1x16xf32>,
    }
    %scan3A_581 = arith.constant 128 : i32
    %scan3A_582 = arith.constant 0 : i32
    %scan3A_583 = arith.constant 0 : i32
    %scan3A_584 = arith.constant 128 : i32
    %scan3A_585 = arith.addi %scan3A_583, %scan3A_584 : i32
    %scan3A_586 = arith.constant 1 : i32
    scf.for %scan3A_626 = %scan3A_583 to %scan3A_585 step %scan3A_586  : i32 {
      %mul3A_627 = arith.constant 16 : i32
      %mul3A_628 = arith.muli %scan3A_626, %mul3A_627 : i32
      %get3A = arith.constant 3 : i32
      %get3A_629 = arith.index_cast %get3A : i32 to index
      %get3A_630 = arith.index_cast %mul3A_628 : i32 to index
      %get3A_631 = tpu.vector_load %arg8[%get3A_629, %get3A_630] {strides = array<i32>} : memref<8x2048xf32, #tpu.memory_space<vmem>>, vector<1x16xf32>,
      %get3A_632 = vector.shape_cast %get3A_631 : vector<1x16xf32> to vector<16xf32>
      %get3A_633 = arith.constant 3 : i32
      %get3A_634 = arith.index_cast %get3A_633 : i32 to index
      %get3A_635 = arith.index_cast %mul3A_628 : i32 to index
      %get3A_636 = tpu.vector_load %arg10[%get3A_634, %get3A_635] {strides = array<i32>} : memref<8x2048xf32, #tpu.memory_space<vmem>>, vector<1x16xf32>,
      %get3A_637 = vector.shape_cast %get3A_636 : vector<1x16xf32> to vector<16xf32>
      %add3A_638 = arith.addf %get3A_632, %get3A_637 : vector<16xf32>
      %swap3A = arith.constant 3 : i32
      %swap3A_639 = arith.index_cast %swap3A : i32 to index
      %swap3A_640 = arith.index_cast %mul3A_628 : i32 to index
      %swap3A_641 = tpu.vector_load %arg8[%swap3A_639, %swap3A_640] {strides = array<i32>} : memref<8x2048xf32, #tpu.memory_space<vmem>>, vector<1x16xf32>,
      %swap3A_642 = vector.shape_cast %swap3A_641 : vector<1x16xf32> to vector<16xf32>
      %swap3A_643 = vector.shape_cast %add3A_638 : vector<16xf32> to vector<1x16xf32>
      tpu.vector_store %arg8[%swap3A_639, %swap3A_640], %swap3A_643 {strides = array<i32>} : memref<8x2048xf32, #tpu.memory_space<vmem>>, vector<1x16xf32>,
    }
    %scan3A_587 = arith.constant 128 : i32
    %scan3A_588 = arith.constant 0 : i32
    %scan3A_589 = arith.constant 0 : i32
    %scan3A_590 = arith.constant 128 : i32
    %scan3A_591 = arith.addi %scan3A_589, %scan3A_590 : i32
    %scan3A_592 = arith.constant 1 : i32
    scf.for %scan3A_626 = %scan3A_589 to %scan3A_591 step %scan3A_592  : i32 {
      %mul3A_627 = arith.constant 16 : i32
      %mul3A_628 = arith.muli %scan3A_626, %mul3A_627 : i32
      %get3A = arith.constant 4 : i32
      %get3A_629 = arith.index_cast %get3A : i32 to index
      %get3A_630 = arith.index_cast %mul3A_628 : i32 to index
      %get3A_631 = tpu.vector_load %arg8[%get3A_629, %get3A_630] {strides = array<i32>} : memref<8x2048xf32, #tpu.memory_space<vmem>>, vector<1x16xf32>,
      %get3A_632 = vector.shape_cast %get3A_631 : vector<1x16xf32> to vector<16xf32>
      %get3A_633 = arith.constant 4 : i32
      %get3A_634 = arith.index_cast %get3A_633 : i32 to index
      %get3A_635 = arith.index_cast %mul3A_628 : i32 to index
      %get3A_636 = tpu.vector_load %arg10[%get3A_634, %get3A_635] {strides = array<i32>} : memref<8x2048xf32, #tpu.memory_space<vmem>>, vector<1x16xf32>,
      %get3A_637 = vector.shape_cast %get3A_636 : vector<1x16xf32> to vector<16xf32>
      %add3A_638 = arith.addf %get3A_632, %get3A_637 : vector<16xf32>
      %swap3A = arith.constant 4 : i32
      %swap3A_639 = arith.index_cast %swap3A : i32 to index
      %swap3A_640 = arith.index_cast %mul3A_628 : i32 to index
      %swap3A_641 = tpu.vector_load %arg8[%swap3A_639, %swap3A_640] {strides = array<i32>} : memref<8x2048xf32, #tpu.memory_space<vmem>>, vector<1x16xf32>,
      %swap3A_642 = vector.shape_cast %swap3A_641 : vector<1x16xf32> to vector<16xf32>
      %swap3A_643 = vector.shape_cast %add3A_638 : vector<16xf32> to vector<1x16xf32>
      tpu.vector_store %arg8[%swap3A_639, %swap3A_640], %swap3A_643 {strides = array<i32>} : memref<8x2048xf32, #tpu.memory_space<vmem>>, vector<1x16xf32>,
    }
    %scan3A_593 = arith.constant 128 : i32
    %scan3A_594 = arith.constant 0 : i32
    %scan3A_595 = arith.constant 0 : i32
    %scan3A_596 = arith.constant 128 : i32
    %scan3A_597 = arith.addi %scan3A_595, %scan3A_596 : i32
    %scan3A_598 = arith.constant 1 : i32
    scf.for %scan3A_626 = %scan3A_595 to %scan3A_597 step %scan3A_598  : i32 {
      %mul3A_627 = arith.constant 16 : i32
      %mul3A_628 = arith.muli %scan3A_626, %mul3A_627 : i32
      %get3A = arith.constant 5 : i32
      %get3A_629 = arith.index_cast %get3A : i32 to index
      %get3A_630 = arith.index_cast %mul3A_628 : i32 to index
      %get3A_631 = tpu.vector_load %arg8[%get3A_629, %get3A_630] {strides = array<i32>} : memref<8x2048xf32, #tpu.memory_space<vmem>>, vector<1x16xf32>,
      %get3A_632 = vector.shape_cast %get3A_631 : vector<1x16xf32> to vector<16xf32>
      %get3A_633 = arith.constant 5 : i32
      %get3A_634 = arith.index_cast %get3A_633 : i32 to index
      %get3A_635 = arith.index_cast %mul3A_628 : i32 to index
      %get3A_636 = tpu.vector_load %arg10[%get3A_634, %get3A_635] {strides = array<i32>} : memref<8x2048xf32, #tpu.memory_space<vmem>>, vector<1x16xf32>,
      %get3A_637 = vector.shape_cast %get3A_636 : vector<1x16xf32> to vector<16xf32>
      %add3A_638 = arith.addf %get3A_632, %get3A_637 : vector<16xf32>
      %swap3A = arith.constant 5 : i32
      %swap3A_639 = arith.index_cast %swap3A : i32 to index
      %swap3A_640 = arith.index_cast %mul3A_628 : i32 to index
      %swap3A_641 = tpu.vector_load %arg8[%swap3A_639, %swap3A_640] {strides = array<i32>} : memref<8x2048xf32, #tpu.memory_space<vmem>>, vector<1x16xf32>,
      %swap3A_642 = vector.shape_cast %swap3A_641 : vector<1x16xf32> to vector<16xf32>
      %swap3A_643 = vector.shape_cast %add3A_638 : vector<16xf32> to vector<1x16xf32>
      tpu.vector_store %arg8[%swap3A_639, %swap3A_640], %swap3A_643 {strides = array<i32>} : memref<8x2048xf32, #tpu.memory_space<vmem>>, vector<1x16xf32>,
    }
    %scan3A_599 = arith.constant 128 : i32
    %scan3A_600 = arith.constant 0 : i32
    %scan3A_601 = arith.constant 0 : i32
    %scan3A_602 = arith.constant 128 : i32
    %scan3A_603 = arith.addi %scan3A_601, %scan3A_602 : i32
    %scan3A_604 = arith.constant 1 : i32
    scf.for %scan3A_626 = %scan3A_601 to %scan3A_603 step %scan3A_604  : i32 {
      %mul3A_627 = arith.constant 16 : i32
      %mul3A_628 = arith.muli %scan3A_626, %mul3A_627 : i32
      %get3A = arith.constant 6 : i32
      %get3A_629 = arith.index_cast %get3A : i32 to index
      %get3A_630 = arith.index_cast %mul3A_628 : i32 to index
      %get3A_631 = tpu.vector_load %arg8[%get3A_629, %get3A_630] {strides = array<i32>} : memref<8x2048xf32, #tpu.memory_space<vmem>>, vector<1x16xf32>,
      %get3A_632 = vector.shape_cast %get3A_631 : vector<1x16xf32> to vector<16xf32>
      %get3A_633 = arith.constant 6 : i32
      %get3A_634 = arith.index_cast %get3A_633 : i32 to index
      %get3A_635 = arith.index_cast %mul3A_628 : i32 to index
      %get3A_636 = tpu.vector_load %arg10[%get3A_634, %get3A_635] {strides = array<i32>} : memref<8x2048xf32, #tpu.memory_space<vmem>>, vector<1x16xf32>,
      %get3A_637 = vector.shape_cast %get3A_636 : vector<1x16xf32> to vector<16xf32>
      %add3A_638 = arith.addf %get3A_632, %get3A_637 : vector<16xf32>
      %swap3A = arith.constant 6 : i32
      %swap3A_639 = arith.index_cast %swap3A : i32 to index
      %swap3A_640 = arith.index_cast %mul3A_628 : i32 to index
      %swap3A_641 = tpu.vector_load %arg8[%swap3A_639, %swap3A_640] {strides = array<i32>} : memref<8x2048xf32, #tpu.memory_space<vmem>>, vector<1x16xf32>,
      %swap3A_642 = vector.shape_cast %swap3A_641 : vector<1x16xf32> to vector<16xf32>
      %swap3A_643 = vector.shape_cast %add3A_638 : vector<16xf32> to vector<1x16xf32>
      tpu.vector_store %arg8[%swap3A_639, %swap3A_640], %swap3A_643 {strides = array<i32>} : memref<8x2048xf32, #tpu.memory_space<vmem>>, vector<1x16xf32>,
    }
    %scan3A_605 = arith.constant 128 : i32
    %scan3A_606 = arith.constant 0 : i32
    %scan3A_607 = arith.constant 0 : i32
    %scan3A_608 = arith.constant 128 : i32
    %scan3A_609 = arith.addi %scan3A_607, %scan3A_608 : i32
    %scan3A_610 = arith.constant 1 : i32
    scf.for %scan3A_626 = %scan3A_607 to %scan3A_609 step %scan3A_610  : i32 {
      %mul3A_627 = arith.constant 16 : i32
      %mul3A_628 = arith.muli %scan3A_626, %mul3A_627 : i32
      %get3A = arith.constant 7 : i32
      %get3A_629 = arith.index_cast %get3A : i32 to index
      %get3A_630 = arith.index_cast %mul3A_628 : i32 to index
      %get3A_631 = tpu.vector_load %arg8[%get3A_629, %get3A_630] {strides = array<i32>} : memref<8x2048xf32, #tpu.memory_space<vmem>>, vector<1x16xf32>,
      %get3A_632 = vector.shape_cast %get3A_631 : vector<1x16xf32> to vector<16xf32>
      %get3A_633 = arith.constant 7 : i32
      %get3A_634 = arith.index_cast %get3A_633 : i32 to index
      %get3A_635 = arith.index_cast %mul3A_628 : i32 to index
      %get3A_636 = tpu.vector_load %arg10[%get3A_634, %get3A_635] {strides = array<i32>} : memref<8x2048xf32, #tpu.memory_space<vmem>>, vector<1x16xf32>,
      %get3A_637 = vector.shape_cast %get3A_636 : vector<1x16xf32> to vector<16xf32>
      %add3A_638 = arith.addf %get3A_632, %get3A_637 : vector<16xf32>
      %swap3A = arith.constant 7 : i32
      %swap3A_639 = arith.index_cast %swap3A : i32 to index
      %swap3A_640 = arith.index_cast %mul3A_628 : i32 to index
      %swap3A_641 = tpu.vector_load %arg8[%swap3A_639, %swap3A_640] {strides = array<i32>} : memref<8x2048xf32, #tpu.memory_space<vmem>>, vector<1x16xf32>,
      %swap3A_642 = vector.shape_cast %swap3A_641 : vector<1x16xf32> to vector<16xf32>
      %swap3A_643 = vector.shape_cast %add3A_638 : vector<16xf32> to vector<1x16xf32>
      tpu.vector_store %arg8[%swap3A_639, %swap3A_640], %swap3A_643 {strides = array<i32>} : memref<8x2048xf32, #tpu.memory_space<vmem>>, vector<1x16xf32>,
    }
    %scan3A_611 = arith.constant 128 : i32
    %add3A_612 = arith.constant 56 : i32
    %add3A_613 = arith.addi %mul3A_2, %add3A_612 : i32
    %dma_start3A_614 = arith.constant 0 : i32
    %dma_start3A_615 = tpu.memref_slice %arg4[%add3A_613, %dma_start3A_614] : memref<2048x2048xf32, #tpu.memory_space<hbm>> -> memref<8x2048xf32, #tpu.memory_space<hbm>>
    %dma_start3A_616 = arith.constant 0 : i32
    %dma_start3A_617 = tpu.memref_slice %arg4[%add3A_613, %dma_start3A_616] : memref<2048x2048xf32, #tpu.memory_space<hbm>> -> memref<8x2048xf32, #tpu.memory_space<hbm>>
    tpu.enqueue_dma source(%arg8 : memref<8x2048xf32, #tpu.memory_space<vmem>>) target(%dma_start3A_617 : memref<8x2048xf32, #tpu.memory_space<hbm>>) target_semaphore(%arg16 : memref<!tpu.dma_semaphore, #tpu.memory_space<semaphore_mem>>)
    %dma_wait3A_618 = arith.constant 0 : i32
    %dma_wait3A_619 = tpu.memref_slice %arg4[%add3A_549, %dma_wait3A_618] : memref<2048x2048xf32, #tpu.memory_space<hbm>> -> memref<8x2048xf32, #tpu.memory_space<hbm>>
    %dma_wait3A_620 = arith.constant 0 : i32
    %dma_wait3A_621 = tpu.memref_slice %arg4[%add3A_549, %dma_wait3A_620] : memref<2048x2048xf32, #tpu.memory_space<hbm>> -> memref<8x2048xf32, #tpu.memory_space<hbm>>
    tpu.wait_dma2 semaphore(%arg15 : memref<!tpu.dma_semaphore, #tpu.memory_space<semaphore_mem>>) src(%arg7 : memref<8x2048xf32, #tpu.memory_space<vmem>>) dst(%dma_wait3A_621 : memref<8x2048xf32, #tpu.memory_space<hbm>>)
    %dma_wait3A_622 = arith.constant 0 : i32
    %dma_wait3A_623 = tpu.memref_slice %arg4[%add3A_613, %dma_wait3A_622] : memref<2048x2048xf32, #tpu.memory_space<hbm>> -> memref<8x2048xf32, #tpu.memory_space<hbm>>
    %dma_wait3A_624 = arith.constant 0 : i32
    %dma_wait3A_625 = tpu.memref_slice %arg4[%add3A_613, %dma_wait3A_624] : memref<2048x2048xf32, #tpu.memory_space<hbm>> -> memref<8x2048xf32, #tpu.memory_space<hbm>>
    tpu.wait_dma2 semaphore(%arg16 : memref<!tpu.dma_semaphore, #tpu.memory_space<semaphore_mem>>) src(%arg8 : memref<8x2048xf32, #tpu.memory_space<vmem>>) dst(%dma_wait3A_625 : memref<8x2048xf32, #tpu.memory_space<hbm>>)
    return
  }
}

module attributes {stable_mosaic.version = 14 : i64} {
  func.func @_router_body(%arg0: memref<2048x2048xf32, #tpu.memory_space<vmem>>, %arg1: memref<2048x8xf32, #tpu.memory_space<vmem>>, %arg2: memref<2048x2xi32, #tpu.memory_space<vmem>>, %arg3: memref<2048x2xf32, #tpu.memory_space<vmem>>, %arg4: memref<2048x1024xi32, #tpu.memory_space<vmem>>) attributes {dimension_semantics = [], scalar_prefetch = 0 : i64, scratch_operands = 0 : i64, tpu.core_type = #tpu.core_type<tc>} {
    %get3A = arith.constant 0 : index
    %get3A_0 = arith.constant 0 : index
    %get3A_1 = vector.load %arg0[%get3A, %get3A_0] : memref<2048x2048xf32, #tpu.memory_space<vmem>>, vector<2048x2048xf32>
    %convert_element_type3A = arith.truncf %get3A_1 : vector<2048x2048xf32> to vector<2048x2048xbf16>
    %slice3A = vector.extract_strided_slice %convert_element_type3A {offsets = [0, 0], sizes = [2048, 1024], strides = [1, 1]} : vector<2048x2048xbf16> to vector<2048x1024xbf16>
    %bitcast_convert_type3A = tpu.bitcast %slice3A : vector<2048x1024xbf16> -> vector<2048x1024xi16>
    %slice3A_2 = vector.extract_strided_slice %convert_element_type3A {offsets = [0, 1024], sizes = [2048, 1024], strides = [1, 1]} : vector<2048x2048xbf16> to vector<2048x1024xbf16>
    %bitcast_convert_type3A_3 = tpu.bitcast %slice3A_2 : vector<2048x1024xbf16> -> vector<2048x1024xi16>
    %convert_element_type3A_4 = arith.extui %bitcast_convert_type3A : vector<2048x1024xi16> to vector<2048x1024xi32>
    %convert_element_type3A_5 = arith.extui %bitcast_convert_type3A_3 : vector<2048x1024xi16> to vector<2048x1024xi32>
    %shift_left3A = arith.constant 16 : i32
    %shift_left3A_6 = vector.broadcast %shift_left3A : i32 to vector<2048x1024xi32>
    %shift_left3A_7 = arith.shli %convert_element_type3A_5, %shift_left3A_6 : vector<2048x1024xi32>
    %or3A = arith.ori %convert_element_type3A_4, %shift_left3A_7 : vector<2048x1024xi32>
    %bitcast_convert_type3A_8 = tpu.bitcast %or3A : vector<2048x1024xi32> -> vector<2048x1024xi32>
    %swap3A = arith.constant 0 : index
    %swap3A_9 = arith.constant 0 : index
    %swap3A_10 = vector.load %arg4[%swap3A, %swap3A_9] : memref<2048x1024xi32, #tpu.memory_space<vmem>>, vector<2048x1024xi32>
    tpu.vector_store %arg4[%swap3A, %swap3A_9], %bitcast_convert_type3A_8 {strides = array<i32>} : memref<2048x1024xi32, #tpu.memory_space<vmem>>, vector<2048x1024xi32>,
    %get3A_11 = arith.constant 0 : index
    %get3A_12 = arith.constant 0 : index
    %get3A_13 = vector.load %arg0[%get3A_11, %get3A_12] : memref<2048x2048xf32, #tpu.memory_space<vmem>>, vector<2048x2048xf32>
    %get3A_14 = arith.constant 0 : index
    %get3A_15 = arith.constant 0 : index
    %get3A_16 = vector.load %arg1[%get3A_14, %get3A_15] : memref<2048x8xf32, #tpu.memory_space<vmem>>, vector<2048x8xf32>
    %dot_general3A = arith.constant dense<0.000000e+00> : vector<2048x8xf32>
    %dot_general3A_17 = tpu.matmul %get3A_13, %get3A_16, %dot_general3A {dimension_numbers = #tpu.dot_dimension_numbers<[1], [0], [0], [1], [0, 0, 1, 1], [], []>, transpose_lhs_hint = false} : vector<2048x2048xf32>, vector<2048x8xf32>, vector<2048x8xf32> -> vector<2048x8xf32>
    %reduce_max3A = arith.constant dense<0xFF800000> : vector<2048xf32>
    %reduce_max3A_18 = vector.multi_reduction <maximumf>, %dot_general3A_17, %reduce_max3A [1] : vector<2048x8xf32> to vector<2048xf32>
    %broadcast_in_dim3A = vector.shape_cast %reduce_max3A_18 : vector<2048xf32> to vector<2048x1xf32>
    %sub3A = vector.broadcast %broadcast_in_dim3A : vector<2048x1xf32> to vector<2048x8xf32>
    %sub3A_19 = arith.subf %dot_general3A_17, %sub3A : vector<2048x8xf32>
    %exp3A = math.exp %sub3A_19 : vector<2048x8xf32>
    %reduce_sum3A = arith.constant dense<0.000000e+00> : vector<2048xf32>
    %reduce_sum3A_20 = vector.multi_reduction <add>, %exp3A, %reduce_sum3A [1] : vector<2048x8xf32> to vector<2048xf32>
    %broadcast_in_dim3A_21 = vector.shape_cast %reduce_sum3A_20 : vector<2048xf32> to vector<2048x1xf32>
    %div3A = vector.broadcast %broadcast_in_dim3A_21 : vector<2048x1xf32> to vector<2048x8xf32>
    %div3A_22 = arith.divf %exp3A, %div3A : vector<2048x8xf32>
    %iota3A = tpu.iota {dimensions = array<i32: 1>} : vector<2048x8xi32>
    %reduce_max3A_23 = arith.constant dense<0xFF800000> : vector<2048xf32>
    %reduce_max3A_24 = vector.multi_reduction <maximumf>, %div3A_22, %reduce_max3A_23 [1] : vector<2048x8xf32> to vector<2048xf32>
    %broadcast_in_dim3A_25 = vector.shape_cast %reduce_max3A_24 : vector<2048xf32> to vector<2048x1xf32>
    %eq3A = vector.broadcast %broadcast_in_dim3A_25 : vector<2048x1xf32> to vector<2048x8xf32>
    %eq3A_26 = arith.cmpf oeq, %div3A_22, %eq3A : vector<2048x8xf32>
    %jit3A = arith.constant 8 : i32
    %broadcast_in_dim3A_27 = vector.broadcast %jit3A : i32 to vector<2048x8xi32>
    %select_n3A = arith.select %eq3A_26, %iota3A, %broadcast_in_dim3A_27 : vector<2048x8xi1>, vector<2048x8xi32>
    %reduce_min3A = arith.constant dense<2147483647> : vector<2048xi32>
    %reduce_min3A_28 = vector.multi_reduction <minsi>, %select_n3A, %reduce_min3A [1] : vector<2048x8xi32> to vector<2048xi32>
    %broadcast_in_dim3A_29 = vector.shape_cast %reduce_min3A_28 : vector<2048xi32> to vector<2048x1xi32>
    %eq3A_30 = vector.broadcast %broadcast_in_dim3A_29 : vector<2048x1xi32> to vector<2048x8xi32>
    %eq3A_31 = arith.cmpi eq, %iota3A, %eq3A_30 : vector<2048x8xi32>
    %jit3A_32 = arith.constant -1.000000e+00 : f32
    %broadcast_in_dim3A_33 = vector.broadcast %jit3A_32 : f32 to vector<2048x8xf32>
    %select_n3A_34 = arith.select %eq3A_31, %broadcast_in_dim3A_33, %div3A_22 : vector<2048x8xi1>, vector<2048x8xf32>
    %reduce_max3A_35 = arith.constant dense<0xFF800000> : vector<2048xf32>
    %reduce_max3A_36 = vector.multi_reduction <maximumf>, %select_n3A_34, %reduce_max3A_35 [1] : vector<2048x8xf32> to vector<2048xf32>
    %broadcast_in_dim3A_37 = vector.shape_cast %reduce_max3A_36 : vector<2048xf32> to vector<2048x1xf32>
    %eq3A_38 = vector.broadcast %broadcast_in_dim3A_37 : vector<2048x1xf32> to vector<2048x8xf32>
    %eq3A_39 = arith.cmpf oeq, %select_n3A_34, %eq3A_38 : vector<2048x8xf32>
    %jit3A_40 = arith.constant 8 : i32
    %broadcast_in_dim3A_41 = vector.broadcast %jit3A_40 : i32 to vector<2048x8xi32>
    %select_n3A_42 = arith.select %eq3A_39, %iota3A, %broadcast_in_dim3A_41 : vector<2048x8xi1>, vector<2048x8xi32>
    %reduce_min3A_43 = arith.constant dense<2147483647> : vector<2048xi32>
    %reduce_min3A_44 = vector.multi_reduction <minsi>, %select_n3A_42, %reduce_min3A_43 [1] : vector<2048x8xi32> to vector<2048xi32>
    %broadcast_in_dim3A_45 = vector.shape_cast %reduce_min3A_44 : vector<2048xi32> to vector<2048x1xi32>
    %add3A = arith.addf %broadcast_in_dim3A_25, %broadcast_in_dim3A_37 : vector<2048x1xf32>
    %concatenate3A = tpu.concatenate %broadcast_in_dim3A_29, %broadcast_in_dim3A_45 in 1 : vector<2048x1xi32>, vector<2048x1xi32> -> vector<2048x2xi32>
    %swap3A_46 = arith.constant 0 : index
    %swap3A_47 = arith.constant 0 : index
    %swap3A_48 = vector.load %arg2[%swap3A_46, %swap3A_47] : memref<2048x2xi32, #tpu.memory_space<vmem>>, vector<2048x2xi32>
    tpu.vector_store %arg2[%swap3A_46, %swap3A_47], %concatenate3A {strides = array<i32>} : memref<2048x2xi32, #tpu.memory_space<vmem>>, vector<2048x2xi32>,
    %div3A_49 = arith.divf %broadcast_in_dim3A_25, %add3A : vector<2048x1xf32>
    %div3A_50 = arith.divf %broadcast_in_dim3A_37, %add3A : vector<2048x1xf32>
    %concatenate3A_51 = tpu.concatenate %div3A_49, %div3A_50 in 1 : vector<2048x1xf32>, vector<2048x1xf32> -> vector<2048x2xf32>
    %swap3A_52 = arith.constant 0 : index
    %swap3A_53 = arith.constant 0 : index
    %swap3A_54 = vector.load %arg3[%swap3A_52, %swap3A_53] : memref<2048x2xf32, #tpu.memory_space<vmem>>, vector<2048x2xf32>
    tpu.vector_store %arg3[%swap3A_52, %swap3A_53], %concatenate3A_51 {strides = array<i32>} : memref<2048x2xf32, #tpu.memory_space<vmem>>, vector<2048x2xf32>,
    return
  }
}

module attributes {stable_mosaic.version = 14 : i64} {
  func.func @_ffn_body(%arg0: i32, %arg1: memref<32xi32, #tpu.memory_space<smem>>, %arg2: memref<256x1024xi32, #tpu.memory_space<vmem>>, %arg3: memref<256x1xf32, #tpu.memory_space<vmem>>, %arg4: memref<1x2048x768xbf16, #tpu.memory_space<vmem>>, %arg5: memref<1x2048x768xbf16, #tpu.memory_space<vmem>>, %arg6: memref<1x768x2048xbf16, #tpu.memory_space<vmem>>, %arg7: memref<256x2048xf32, #tpu.memory_space<vmem>>) attributes {dimension_semantics = [#tpu.dimension_semantics<arbitrary>], iteration_bounds = array<i64: 24>, scalar_prefetch = 1 : i64, scratch_operands = 0 : i64, tpu.core_type = #tpu.core_type<tc>, window_params = [{transform_indices = @transform_0, window_bounds = array<i64: 256, 1024>}, {transform_indices = @transform_1, window_bounds = array<i64: 256, 1>}, {transform_indices = @transform_2, window_bounds = array<i64: 1, 2048, 768>}, {transform_indices = @transform_3, window_bounds = array<i64: 1, 2048, 768>}, {transform_indices = @transform_4, window_bounds = array<i64: 1, 768, 2048>}, {transform_indices = @transform_5, window_bounds = array<i64: 256, 2048>}]} {
    %get3A = arith.constant 24 : index
    %get3A_0 = memref.load %arg1[%get3A] : memref<32xi32, #tpu.memory_space<smem>>
    %lt3A = arith.cmpi slt, %arg0, %get3A_0 : i32
    %convert_element_type3A = arith.extui %lt3A : i1 to i32
    %cond3A = arith.constant 0 : i32
    %cond3A_1 = arith.cmpi ne, %convert_element_type3A, %cond3A : i32
    scf.if %cond3A_1 {
      %get3A_2 = arith.constant 0 : index
      %get3A_3 = arith.constant 0 : index
      %get3A_4 = vector.load %arg2[%get3A_2, %get3A_3] : memref<256x1024xi32, #tpu.memory_space<vmem>>, vector<256x1024xi32>
      %bitcast_convert_type3A = tpu.bitcast %get3A_4 : vector<256x1024xi32> -> vector<256x1024xi32>
      %and3A = arith.constant 65535 : i32
      %and3A_5 = vector.broadcast %and3A : i32 to vector<256x1024xi32>
      %and3A_6 = arith.andi %bitcast_convert_type3A, %and3A_5 : vector<256x1024xi32>
      %convert_element_type3A_7 = arith.trunci %and3A_6 : vector<256x1024xi32> to vector<256x1024xi16>
      %bitcast_convert_type3A_8 = tpu.bitcast %convert_element_type3A_7 : vector<256x1024xi16> -> vector<256x1024xbf16>
      %shift_right_logical3A = arith.constant 16 : i32
      %shift_right_logical3A_9 = vector.broadcast %shift_right_logical3A : i32 to vector<256x1024xi32>
      %shift_right_logical3A_10 = arith.shrui %bitcast_convert_type3A, %shift_right_logical3A_9 : vector<256x1024xi32>
      %convert_element_type3A_11 = arith.trunci %shift_right_logical3A_10 : vector<256x1024xi32> to vector<256x1024xi16>
      %bitcast_convert_type3A_12 = tpu.bitcast %convert_element_type3A_11 : vector<256x1024xi16> -> vector<256x1024xbf16>
      %concatenate3A = tpu.concatenate %bitcast_convert_type3A_8, %bitcast_convert_type3A_12 in 1 : vector<256x1024xbf16>, vector<256x1024xbf16> -> vector<256x2048xbf16>
      %get3A_13 = arith.constant 0 : index
      %get3A_14 = arith.constant 0 : index
      %get3A_15 = arith.constant 0 : index
      %get3A_16 = vector.load %arg4[%get3A_13, %get3A_14, %get3A_15] : memref<1x2048x768xbf16, #tpu.memory_space<vmem>>, vector<1x2048x768xbf16>
      %get3A_17 = vector.shape_cast %get3A_16 : vector<1x2048x768xbf16> to vector<2048x768xbf16>
      %dot_general3A = arith.constant dense<0.000000e+00> : vector<256x768xf32>
      %dot_general3A_18 = tpu.matmul %concatenate3A, %get3A_17, %dot_general3A {dimension_numbers = #tpu.dot_dimension_numbers<[1], [0], [0], [1], [0, 0, 1, 1], [], []>, transpose_lhs_hint = false} : vector<256x2048xbf16>, vector<2048x768xbf16>, vector<256x768xf32> -> vector<256x768xf32>
      %get3A_19 = arith.constant 0 : index
      %get3A_20 = arith.constant 0 : index
      %get3A_21 = arith.constant 0 : index
      %get3A_22 = vector.load %arg5[%get3A_19, %get3A_20, %get3A_21] : memref<1x2048x768xbf16, #tpu.memory_space<vmem>>, vector<1x2048x768xbf16>
      %get3A_23 = vector.shape_cast %get3A_22 : vector<1x2048x768xbf16> to vector<2048x768xbf16>
      %dot_general3A_24 = arith.constant dense<0.000000e+00> : vector<256x768xf32>
      %dot_general3A_25 = tpu.matmul %concatenate3A, %get3A_23, %dot_general3A_24 {dimension_numbers = #tpu.dot_dimension_numbers<[1], [0], [0], [1], [0, 0, 1, 1], [], []>, transpose_lhs_hint = false} : vector<256x2048xbf16>, vector<2048x768xbf16>, vector<256x768xf32> -> vector<256x768xf32>
      %logistic3A = arith.negf %dot_general3A_18 : vector<256x768xf32>
      %logistic3A_26 = math.exp %logistic3A : vector<256x768xf32>
      %logistic3A_27 = arith.constant 1.000000e+00 : f32
      %logistic3A_28 = vector.broadcast %logistic3A_27 : f32 to vector<256x768xf32>
      %logistic3A_29 = arith.addf %logistic3A_28, %logistic3A_26 : vector<256x768xf32>
      %logistic3A_30 = arith.divf %logistic3A_28, %logistic3A_29 : vector<256x768xf32>
      %mul3A = arith.mulf %dot_general3A_18, %logistic3A_30 : vector<256x768xf32>
      %mul3A_31 = arith.mulf %mul3A, %dot_general3A_25 : vector<256x768xf32>
      %convert_element_type3A_32 = arith.truncf %mul3A_31 : vector<256x768xf32> to vector<256x768xbf16>
      %get3A_33 = arith.constant 0 : index
      %get3A_34 = arith.constant 0 : index
      %get3A_35 = arith.constant 0 : index
      %get3A_36 = vector.load %arg6[%get3A_33, %get3A_34, %get3A_35] : memref<1x768x2048xbf16, #tpu.memory_space<vmem>>, vector<1x768x2048xbf16>
      %get3A_37 = vector.shape_cast %get3A_36 : vector<1x768x2048xbf16> to vector<768x2048xbf16>
      %dot_general3A_38 = arith.constant dense<0.000000e+00> : vector<256x2048xf32>
      %dot_general3A_39 = tpu.matmul %convert_element_type3A_32, %get3A_37, %dot_general3A_38 {dimension_numbers = #tpu.dot_dimension_numbers<[1], [0], [0], [1], [0, 0, 1, 1], [], []>, transpose_lhs_hint = false} : vector<256x768xbf16>, vector<768x2048xbf16>, vector<256x2048xf32> -> vector<256x2048xf32>
      %get3A_40 = arith.constant 0 : index
      %get3A_41 = arith.constant 0 : index
      %get3A_42 = vector.load %arg3[%get3A_40, %get3A_41] : memref<256x1xf32, #tpu.memory_space<vmem>>, vector<256x1xf32>
      %mul3A_43 = vector.broadcast %get3A_42 : vector<256x1xf32> to vector<256x2048xf32>
      %mul3A_44 = arith.mulf %dot_general3A_39, %mul3A_43 : vector<256x2048xf32>
      %swap3A = arith.constant 0 : index
      %swap3A_45 = arith.constant 0 : index
      %swap3A_46 = vector.load %arg7[%swap3A, %swap3A_45] : memref<256x2048xf32, #tpu.memory_space<vmem>>, vector<256x2048xf32>
      tpu.vector_store %arg7[%swap3A, %swap3A_45], %mul3A_44 {strides = array<i32>} : memref<256x2048xf32, #tpu.memory_space<vmem>>, vector<256x2048xf32>,
    } else {
    }
    return
  }
  func.func @transform_0(%arg0: i32, %arg1: memref<32xi32, #tpu.memory_space<smem>>) -> (i32, i32) {
    %c0_i32 = arith.constant 0 : i32
    %c0_i32_0 = arith.constant 0 : i32
    return %arg0, %c0_i32 : i32, i32
  }
  func.func @transform_1(%arg0: i32, %arg1: memref<32xi32, #tpu.memory_space<smem>>) -> (i32, i32) {
    %c0_i32 = arith.constant 0 : i32
    %c0_i32_0 = arith.constant 0 : i32
    return %arg0, %c0_i32 : i32, i32
  }
  func.func @transform_2(%arg0: i32, %arg1: memref<32xi32, #tpu.memory_space<smem>>) -> (i32, i32, i32) {
    %get3A = arith.index_cast %arg0 : i32 to index
    %get3A_0 = memref.load %arg1[%get3A] : memref<32xi32, #tpu.memory_space<smem>>
    %c0_i32 = arith.constant 0 : i32
    %c0_i32_1 = arith.constant 0 : i32
    %c0_i32_2 = arith.constant 0 : i32
    return %get3A_0, %c0_i32, %c0_i32_1 : i32, i32, i32
  }
  func.func @transform_3(%arg0: i32, %arg1: memref<32xi32, #tpu.memory_space<smem>>) -> (i32, i32, i32) {
    %get3A = arith.index_cast %arg0 : i32 to index
    %get3A_0 = memref.load %arg1[%get3A] : memref<32xi32, #tpu.memory_space<smem>>
    %c0_i32 = arith.constant 0 : i32
    %c0_i32_1 = arith.constant 0 : i32
    %c0_i32_2 = arith.constant 0 : i32
    return %get3A_0, %c0_i32, %c0_i32_1 : i32, i32, i32
  }
  func.func @transform_4(%arg0: i32, %arg1: memref<32xi32, #tpu.memory_space<smem>>) -> (i32, i32, i32) {
    %get3A = arith.index_cast %arg0 : i32 to index
    %get3A_0 = memref.load %arg1[%get3A] : memref<32xi32, #tpu.memory_space<smem>>
    %c0_i32 = arith.constant 0 : i32
    %c0_i32_1 = arith.constant 0 : i32
    %c0_i32_2 = arith.constant 0 : i32
    return %get3A_0, %c0_i32, %c0_i32_1 : i32, i32, i32
  }
  func.func @transform_5(%arg0: i32, %arg1: memref<32xi32, #tpu.memory_space<smem>>) -> (i32, i32) {
    %c0_i32 = arith.constant 0 : i32
    %c0_i32_0 = arith.constant 0 : i32
    return %arg0, %c0_i32 : i32, i32
  }
}

</mosaic_0001>

<sc_bundles>
// kernel: _moe.6.cloned.1.call-start
scs
__scs_entry_jumppad:
0x0: {  	(pc) =	sbr.rel $0x88, $3  }
0x1: {  	(tag) =	ssettag $0x0;
	lr =	simm.s32 $0x1  }
0x2: {  	[smem:$0x3F9C] =	sst lr;
	_ =	strace $0xD0000000  }
0x3: {  	_ = 	snop  }
0x4: {  	_ = 	snop  }
0x5: {  	_ = 	snop  }
0x6: {  	_ = 	snop  }
0x7: {  	_ = 	snop  }
__scs_overlays_trampoline_lowered:
0x8: {  	[smem:$0x3FAB] =	sst s0  }
0x9: {  	[smem:$0x3FAC] =	sst s1  }
0xa: {  	[smem:$0x3FAD] =	sst s2  }
0xb: {  	[smem:$0x3FAE] =	sst s3  }
0xc: {  	[smem:$0x3FAF] =	sst s4  }
0xd: {  	[smem:$0x3FB0] =	sst s5  }
0xe: {  	[smem:$0x3FB1] =	sst s6  }
0xf: {  	[smem:$0x3FB2] =	sst s7  }
0x10: {  	[smem:$0x3FB3] =	sst s8  }
0x11: {  	[smem:$0x3FB4] =	sst s9;
	s0 =	simm.s32 @!p0 $0x0  }
0x12: {  	s1 =	sld [smem:$0x3F9A];
	s0 =	simm.s32 @p0 $0x1  }
0x13: {  	[smem:$0x3FB5] =	sst s0;
	s0 =	simm.s32 @!p1 $0x0  }
0x14: {  	s2 =	sld [smem:$0x3F99];
	s0 =	simm.s32 @p1 $0x1  }
0x15: {  	[smem:$0x3FB6] =	sst s0;
	s0 =	simm.s32 @!p2 $0x0  }
0x16: {  	s3 =	sld [smem:$0x3FDB];
	s0 =	simm.s32 @p2 $0x1  }
0x17: {  	s4 =	simm.s32 $0x1BF5;
	[smem:$0x3FB8] =	sst s0  }
0x18: {  	s0 =	sld [smem:$0x3F9B];
	_ =	swait.ge [sflag:s4], $0x0  }
0x19: {  	s7 =	sld [smem:$0x3F9C]  }
0x1a: {  	s8 =	sadd.s32 $0xFFFFE003, lr  }
0x1b: {  	s9 =	sadd.s32 $0xFFFFFEF7, lr;
	s5 =	simm.s32 $0xFFFFFFFF;
	p2 =	slt.u32 s8, $0xFFFFF086  }
0x1c: {  	p1 =	slt.u32 s9, $0xF7A;
	s5 =	simm.s32 @!p2 $0x0  }
0x1d: {  	s5 =	simm.s32 @p1 $0x1;
	p0 =	seq.s32 s7, s2  }
0x1e: {  	s7 =	smul.u32 @!p0 $0xF7A, s2;
	p2 =	seq.s32 @!p0 s5, $0x0  }
0x1f: {  	s9 =	smul.u32 $0xF7A, s1;
	s8 =	simm.s32 @!p0 $0x1BF5;
	p2 =	por !p2, p0  }
0x20: {  	[sflag:s8] =	ssyncset.s32 @!p0 $0xFFFFF086;
	s6 =	sadd.s32 @!p0 s3, s7;
	s7 =	simm.s32 @!p0 $0x108  }
0x21: {  	s3 =	sadd.s32 s3, s9;
	s6 =	sadd.s32 @!p0 $0x88, s6;
	s7 =	simm.s32 @p2 $0x1082  }
0x22: {  	[simem:s7], [sflag:s8] =	dma.local @!p0 [hbm:s6], $0xF7A  }
0x23: {  	s9 =	sor.u32 $0xD0000000, s2;
	s6 =	simm.s32 $0x108;
	_ =	swait.ge @!p0 [sflag:s8], $0x0  }
0x24: {  	s3 =	sadd.s32 $0x88, s3;
	s6 =	simm.s32 @!p1 $0x1082;
	[sflag:s4] =	ssyncset.s32 $0xFFFFF086  }
0x25: {  	[simem:s6], [sflag:s4] =	dma.local [hbm:s3], $0xF7A  }
0x26: {  	[smem:$0x3F9C] =	sst s1;
	(tag) =	ssettag s2;
	_ =	strace s9  }
0x27: {  	s1 =	sld [smem:$0x3FAC]  }
0x28: {  	s2 =	sld [smem:$0x3FAD]  }
0x29: {  	s4 =	sld [smem:$0x3FAF]  }
0x2a: {  	p0 =	seq.s32 s5, $0x0;
	s5 =	sld [smem:$0x3FB0]  }
0x2b: {  	s6 =	sld [smem:$0x3FB1]  }
0x2c: {  	s7 =	sld [smem:$0x3FB2]  }
0x2d: {  	s3 =	simm.s32 $0x108;
	s8 =	sld [smem:$0x3FB3]  }
0x2e: {  	s3 =	simm.s32 @!p0 $0x1082;
	s9 =	sld [smem:$0x3FB4]  }
0x2f: {  	lr =	sadd.s32 s0, s3;
	s0 =	sld [smem:$0x3FAB]  }
0x30: {  	s3 =	sld [smem:$0x3FAE]  }
0x31: {  	[smem:$0x3FB7] =	sst s10  }
0x32: {  	s10 =	sld [smem:$0x3FB5];
	_ =	sdelay $0x3  }
0x33: {  	p0 =	seq.s32 s10, $0x1;
	s10 =	sld [smem:$0x3FB7];
	_ =	sdelay $0x3  }
0x34: {  	[smem:$0x3FB7] =	sst s10  }
0x35: {  	s10 =	sld [smem:$0x3FB6];
	_ =	sdelay $0x3  }
0x36: {  	p1 =	seq.s32 s10, $0x1;
	s10 =	sld [smem:$0x3FB7];
	_ =	sdelay $0x3  }
0x37: {  	[smem:$0x3FB7] =	sst s10  }
0x38: {  	s10 =	sld [smem:$0x3FB8]  }
0x39: {  	_ = 	snop;
	(pc) =	sbr.ind lr, $3  }
0x3a: {  	_ = 	snop  }
0x3b: {  	_ = 	snop  }
0x3c: {  	p2 =	seq.s32 s10, $0x1;
	s10 =	sld [smem:$0x3FB7]  }
0x3d: {  	_ =	shalt  }
0x3e: {  	_ =	shalt  }
0x3f: {  	_ =	shalt  }
0x40: {  	_ =	shalt  }
0x41: {  	_ =	shalt  }
0x42: {  	_ =	shalt  }
0x43: {  	_ =	shalt  }
0x44: {  	_ =	shalt  }
0x45: {  	_ =	shalt  }
0x46: {  	_ =	shalt  }
0x47: {  	_ =	shalt  }
0x48: {  	_ =	shalt  }
0x49: {  	_ =	shalt  }
0x4a: {  	_ =	shalt  }
0x4b: {  	_ =	shalt  }
0x4c: {  	_ =	shalt  }
0x4d: {  	_ =	shalt  }
0x4e: {  	_ =	shalt  }
0x4f: {  	_ =	shalt  }
0x50: {  	_ =	shalt  }
0x51: {  	_ =	shalt  }
0x52: {  	_ =	shalt  }
0x53: {  	_ =	shalt  }
0x54: {  	_ =	shalt  }
0x55: {  	_ =	shalt  }
0x56: {  	_ =	shalt  }
0x57: {  	_ =	shalt  }
0x58: {  	_ =	shalt  }
0x59: {  	_ =	shalt  }
0x5a: {  	_ =	shalt  }
0x5b: {  	_ =	shalt  }
0x5c: {  	_ =	shalt  }
0x5d: {  	_ =	shalt  }
0x5e: {  	_ =	shalt  }
0x5f: {  	_ =	shalt  }
0x60: {  	_ =	shalt  }
0x61: {  	_ =	shalt  }
0x62: {  	_ =	shalt  }
0x63: {  	_ =	shalt  }
0x64: {  	_ =	shalt  }
0x65: {  	_ =	shalt  }
0x66: {  	_ =	shalt  }
0x67: {  	_ =	shalt  }
0x68: {  	_ =	shalt  }
0x69: {  	_ =	shalt  }
0x6a: {  	_ =	shalt  }
0x6b: {  	_ =	shalt  }
0x6c: {  	_ =	shalt  }
0x6d: {  	_ =	shalt  }
0x6e: {  	_ =	shalt  }
0x6f: {  	_ =	shalt  }
0x70: {  	_ =	shalt  }
0x71: {  	_ =	shalt  }
0x72: {  	_ =	shalt  }
0x73: {  	_ =	shalt  }
0x74: {  	_ =	shalt  }
0x75: {  	_ =	shalt  }
0x76: {  	_ =	shalt  }
0x77: {  	_ =	shalt  }
0x78: {  	_ =	shalt  }
0x79: {  	_ =	shalt  }
0x7a: {  	_ =	shalt  }
0x7b: {  	_ =	shalt  }
0x7c: {  	_ =	shalt  }
0x7d: {  	_ =	shalt  }
0x7e: {  	_ =	shalt  }
0x7f: {  	_ =	shalt  }
0x80: {  	_ =	shalt  }
0x81: {  	_ =	shalt  }
0x82: {  	_ =	shalt  }
0x83: {  	_ =	shalt  }
0x84: {  	_ =	shalt  }
0x85: {  	_ =	shalt  }
0x86: {  	_ =	shalt  }
0x87: {  	_ =	shalt  }
.Lfunc_end0:
.L_simem_size_0:
called_computation_lowered:
.L_overlay_start_0:
0x88: {  	s2 =	sld [smem:$0x3FD9]  }
0x89: {  	s3 =	sld [smem:$0x3FFE];
	_ =	sdelay $0x1  }
0x8a: {  	s1 =	srdreg.scid  }
0x8b: {  	s0 =	sand.u32 $0x1, s1  }
0x8c: {  	s17 =	sshll.u32 s0, $0xA;
	s2 =	sadd.s32 s3, s2  }
0x8d: {  	s2 =	sadd.s32 s2, s17  }
0x8e: {  	[smem:$0x3FC3] =	sst s2  }
0x8f: {  	_ = 	snop  }
0x90: {  	s2 =	sld [smem:$0x3FD0];
	(tm) =	ssettm $0x1  }
0x91: {  	s18 =	sld [smem:$0x3FFB];
	_ =	sdelay $0x3  }
0x92: {  	_ =	strace s18  }
0x93: {  	s3 =	sld [smem:$0x3FFC];
	_ =	sdelay $0x3  }
0x94: {  	_ =	strace s3  }
0x95: {  	s3 =	sld [smem:$0x3FFD];
	_ =	sdelay $0x3  }
0x96: {  	_ =	strace s3  }
0x97: {  	_ =	strace $0x8FFFFFFF  }
0x98: {  	s19 =	sld [smem:$0x3FDB];
	_ =	sdelay $0x1  }
0x99: {  	s4 =	simm.s32 $_scs_section_size  }
0x9a: {  	s5 =	simm.s32 $_size__tile_overlayer_lowered;
	s6 =	simm.s32 $_tile_overlayer_lowered  }
0x9b: {  	s22 =	simm.s32 $0x1BFF;
	s21 =	sshll.u32 s6, $0x1;
	s3 =	sadd.s32 s4, s19  }
0x9c: {  	s7 =	simm.s32 $0x0;
	s20 =	sshll.u32 s5, $0x1;
	s5 =	sadd.s32 s21, s3  }
0x9d: {  	[timem:s7], [sflag:s22] =	dma.local [hbm:s5], s20  }
0x9e: {  	_ =	swait.ge [sflag:s22], s20  }
0x9f: {  	s4 =	ssub.s32 $0x0, s20;
	[sflag:s22] =	ssyncset.done $0x0  }
0xa0: {  	[sflag:s22] =	ssyncadd.s32 s4;
	_ =	sdelay $0x1  }
0xa1: {  	s23 =	simm.s32 $0x1B8B  }
0xa2: {  	_ =	swait.ge [sflag:s23], $0x1  }
0xa3: {  	[sflag:s23] =	ssyncset.done $0x0  }
0xa4: {  	s25 =	simm.s32 $0x1B8E;
	s24 =	sld [smem:$0x3FFE];
	[sflag:s23] =	ssyncadd.s32 $0xFFFFFFFF  }
0xa5: {  	s26 =	simm.s32 $execute0_lowered;
	[smem:$0x3FD2] =	sst s25  }
0xa6: {  	s5 =	sshll.u32 s26, $0x1;
	_ =	strace $0x80000046;
	[dreg:$0x1] =	wrdreg $0xFFFFFFFF  }
0xa7: {  	s28 =	simm.s32 $_size_execute0_lowered;
	s3 =	sadd.s32 s3, s5;
	[dreg:$0x0] =	wrdreg $0x0  }
0xa8: {  	s5 =	sshll.u32 s28, $0x1;
	[dreg:$0x2] =	wrdreg s3  }
0xa9: {  	[dreg:$0x3] =	wrdreg s5  }
0xaa: {  	[dreg:$0x4] =	wrdreg $0xC0  }
0xab: {  	_ =	task [dreg:s7], $0x5FFFF  }
0xac: {  	[dreg:$0x1] =	wrdreg $0xFFFFFFFF  }
0xad: {  	[dreg:$0x0] =	wrdreg $0x60  }
0xae: {  	[dreg:$0x2] =	wrdreg s24  }
0xaf: {  	[dreg:$0x3] =	wrdreg s2  }
0xb0: {  	[dreg:$0x4] =	wrdreg $0x70800  }
0xb1: {  	[dreg:$0x5] =	wrdreg $0x9  }
0xb2: {  	_ =	task.clear_ibuf [dreg:s7], $0x6FFFF;
	_ =	strace $0x90000046  }
0xb3: {  	s29 =	simm.s32 $0x9;
	_ =	strace $0x80000048  }
0xb4: {  	_ =	swait.ge [sflag:s29], $0x1  }
0xb5: {  	[sflag:s29] =	ssyncadd.s32 $0xFFFFFFFF  }
0xb6: {  	_ =	strace $0x90000048  }
0xb7: {  	_ =	sfence  }
0xb8: {  	s30 =	sld [smem:$0x0];
	_ =	sdelay $0x2  }
0xb9: {  	s31 =	sshll.u32 s1, $0xD;
	s1 =	sshrl.u32 s1, $0x2  }
0xba: {  	s3 =	sand.u32 $0x4000, s31;
	s1 =	sadd.s32 s1, s30  }
0xbb: {  	s0 =	sor.u32 s3, s0;
	s1 =	sshll.u32 s1, $0x11  }
0xbc: {  	s0 =	sor.u32 s1, s0  }
0xbd: {  	s0 =	sadd.s32 $0x8F2B, s0  }
0xbe: {  	[sflag:s0] =	ssyncadd.remote.s32 $0x1  }
0xbf: {  	_ =	sfence.sel $0xFFFF  }
0xc0: {  	[dreg:$0x0] =	wrdreg $0xFFFFFFFF;
	(pc) =	sbr.abs _section_cstart, $3  }
0xc1: {  	[dreg:$0x1] =	wrdreg $0xFFFFFFFF  }
0xc2: {  	_ =	task.clear_ibuf [dreg:s7], $0x2FFFF;
	_ =	strace $0x9FFFFFFF  }
0xc3: {  	(tm) =	ssettm $0x7FFFFFFF  }
tec
execute0_lowered:
.L_overlay_start_1:
0x0: {  	(tag) =	ssettag $0x1  }
0x1: {  	s0 =	rddreg [dreg:$0x0]  }
0x2: {  	s1 =	rddreg [dreg:$0x1]  }
0x3: {  	s8 =	rddreg [dreg:$0x2]  }
0x4: {  	s2 =	srdreg.scid;
	s3 =	simm.s32 $0x0;
	s4 =	stileid.u32  }
0x5: {  	s2 =	sand.u32 $0x1, s2;
	[smem:$0x7FF] =	sst s3;
	s6 =	smul.u32 $0xC0, s4  }
0x6: {  	s7 =	sadd.s32 $0x1200, s0;
	s10 =	sadd.s32 $0x1400, s0;
	s11 =	sadd.s32 $0xC1C00, s0  }
0x7: {  	s12 =	sadd.s32 $0x1600, s0;
	_ =	strace $0x80000047;
	[dreg:$0x4] =	wrdreg s7  }
0x8: {  	s5 =	smul.u32 $0xC00, s2;
	[dreg:$0x5] =	wrdreg s10;
	s14 =	ssub.s32 $0x2, s2  }
0x9: {  	s9 =	sadd.s32 $0x1A00, s0;
	[dreg:$0x6] =	wrdreg s11;
	s15 =	sshrl.u32 s14, $0x1  }
0xa: {  	[dreg:$0x7] =	wrdreg s12;
	s5 =	sadd.s32 s6, s5;
	s6 =	ssub.s32 s14, s15  }
0xb: {  	[dreg:$0x8] =	wrdreg s9;
	s13 =	sshll.u32 s5, $0x7;
	s28 =	smax.u32 s6, $0x1  }
0xc: {  	s8 =	sadd.s32 s5, s8;
	s0 =	sadd.s32 s13, s0;
	[dreg:$0x16] =	wrdreg s28  }
0xd: {  	[dreg:$0x9] =	wrdreg s8;
	s17 =	sadd.s32 $0x2400, s0  }
0xe: {  	s29 =	simm.s32 $0x3000;
	s18 =	sadd.s32 $0x2C00, s0;
	[dreg:$0xb] =	wrdreg s17  }
0xf: {  	s30 =	simm.s32 $0x4000;
	s19 =	sadd.s32 $0x3400, s0;
	[dreg:$0xc] =	wrdreg s18  }
0x10: {  	s31 =	simm.s32 $0x5800;
	s20 =	sadd.s32 $0x3C00, s0;
	[dreg:$0xd] =	wrdreg s19  }
0x11: {  	p0 =	sne.s32 s4, $0x0;
	s21 =	sadd.s32 $0x4400, s0;
	[dreg:$0xe] =	wrdreg s20  }
0x12: {  	s4 =	simm.s32 $0x0;
	s22 =	sadd.s32 $0x4C00, s0;
	[dreg:$0xf] =	wrdreg s21  }
0x13: {  	s7 =	sadd.s32 $0x100, s1;
	s23 =	sadd.s32 $0x5400, s0;
	[dreg:$0x10] =	wrdreg s22  }
0x14: {  	s11 =	sadd.s32 $0x200, s1;
	s24 =	sadd.s32 $0x5C00, s0;
	[dreg:$0x11] =	wrdreg s23  }
.Ltmp0:
0x15: {  	s25 =	sadd.s32 $0x6400, s0;
	[dreg:$0x12] =	wrdreg s24;
	(pc) =	sbr.rel .LBB2_1-.Ltmp0, $4  }
0x16: {  	v0 =	vlaneseq.u32;
	v1 =	vimm.s32 $0x0;
	v2 =	vimm.f32 $0.0e+00;
	s12 =	sadd.s32 $0x300, s1;
	s26 =	sadd.s32 $0x6C00, s0;
	[dreg:$0x13] =	wrdreg s25  }
0x17: {  	vm0 =	vmmov $0xffff;
	v3 =	vand.u32 $0x1, v0;
	v5 =	vmul.u32 $0x100, v0;
	s16 =	sadd.s32 $0x1C00, s0;
	s0 =	sadd.s32 $0x7400, s0;
	[dreg:$0x14] =	wrdreg s26  }
0x18: {  	v7 =	vshrl.u32 v0, $0x3;
	v6 =	vand.u32 $0x7, v0;
	p1 =	sne.s32 s2, $0x0;
	v3 =	vmul.u32 $0x800, v3;
	s15 =	simm.s32 $0x5;
	[dreg:$0x15] =	wrdreg s0  }
0x19: {  	v7 =	vmul.u32 $0x8, v7;
	v4 =	vor.u32 $0x1, v5;
	v5 =	vor.u32 $0x1001, v5;
	s8 =	simm.s32 $0xF300;
	[dreg:$0xa] =	wrdreg s16;
	s16 =	simm.s32 $0x8  }
.LBB2_15:
0x1a: {  	[bflag:$0x0] =	sbarrier.arrive $0xFFFF  }
0x1b: {  	s20 =	simm.s32 $0x7200;
	s19 =	simm.s32 $0xA;
	s0 =	rddreg [dreg:$0x9]  }
0x1c: {  	[tilespmem:s20], [sflag:$0xA] =	stream.linear.gather [spmem:s0], $0xC0, $0x38;
	[tilespmem:$0x13300] =	vst v63  }
0x1d: {  	_ =	swait.ge [sflag:s19], $0xC0  }
0x1e: {  	[sflag:s19] =	ssyncset.done $0x0  }
0x1f: {  	[sflag:s19] =	ssyncadd.s32 $0xFFFFFF40  }
0x20: {  	v8 =	vld.msk [tilespmem:$0x7200], $0xff;
	_ =	sdelay $0x4  }
0x21: {  	v9 =	vshll.u32 v8, $0x3  }
0x22: {  	v8 =	vand.u32 $0x7, v8;
	v9 =	vand.u32 $0xFFFFFFC0, v9  }
0x23: {  	v8 =	vor.u32 v8, v9  }
0x24: {  	v8 =	vperm.xlane v8, v6;
	_ =	sdelay $0x1  }
0x25: {  	v8 =	vadd.s32 v7, v8;
	_ =	sdelay $0x3  }
0x26: {  	s20 =	simm.s32 $0x7300;
	s10 =	rddreg [dreg:$0x1]  }
0x27: {  	[tilespmem:s20], [sflag:$0x1] =	stream.indirect_vreg.gather [hbm4b:s10+s3], $0x80, v8, vm0, $0xb8;
	[tilespmem:$0x13300] =	vst v63  }
0x28: {  	s28 =	simm.s32 $0x7B00  }
0x29: {  	[tilespmem:s28], [sflag:$0x1] =	stream.indirect_vreg.gather [hbm4b:s7+s3], $0x80, v8, vm0, $0xb8;
	[tilespmem:$0x13300] =	vst v63  }
0x2a: {  	s24 =	simm.s32 $0x8300  }
0x2b: {  	[tilespmem:s24], [sflag:$0x1] =	stream.indirect_vreg.gather [hbm4b:s11+s3], $0x80, v8, vm0, $0xb8;
	[tilespmem:$0x13300] =	vst v63  }
0x2c: {  	s25 =	simm.s32 $0x8B00  }
0x2d: {  	[tilespmem:s25], [sflag:$0x1] =	stream.indirect_vreg.gather [hbm4b:s12+s3], $0x80, v8, vm0, $0xb8;
	[tilespmem:$0x13300] =	vst v63  }
0x2e: {  	v8 =	vld.msk [tilespmem:$0x7208], $0xff;
	_ =	sdelay $0x4  }
0x2f: {  	v41 =	vshll.u32 v8, $0x3  }
0x30: {  	v8 =	vand.u32 $0x7, v8;
	v9 =	vand.u32 $0xFFFFFFC0, v41  }
0x31: {  	v8 =	vor.u32 v8, v9  }
0x32: {  	v8 =	vperm.xlane v8, v6;
	_ =	sdelay $0x1  }
0x33: {  	v8 =	vadd.s32 v7, v8;
	_ =	sdelay $0x3  }
0x34: {  	s26 =	simm.s32 $0x9300  }
0x35: {  	[tilespmem:s26], [sflag:$0x4] =	stream.indirect_vreg.gather [hbm4b:s10+s3], $0x80, v8, vm0, $0xb8;
	[tilespmem:$0x13300] =	vst v63  }
0x36: {  	s21 =	simm.s32 $0x9B00  }
0x37: {  	[tilespmem:s21], [sflag:$0x4] =	stream.indirect_vreg.gather [hbm4b:s7+s3], $0x80, v8, vm0, $0xb8;
	[tilespmem:$0x13300] =	vst v63  }
0x38: {  	s23 =	simm.s32 $0xA300  }
0x39: {  	[tilespmem:s23], [sflag:$0x4] =	stream.indirect_vreg.gather [hbm4b:s11+s3], $0x80, v8, vm0, $0xb8;
	[tilespmem:$0x13300] =	vst v63  }
0x3a: {  	s22 =	simm.s32 $0xAB00  }
0x3b: {  	[tilespmem:s22], [sflag:$0x4] =	stream.indirect_vreg.gather [hbm4b:s12+s3], $0x80, v8, vm0, $0xb8;
	[tilespmem:$0x13300] =	vst v63  }
0x3c: {  	v8 =	vld.msk [tilespmem:$0x7210], $0xff;
	_ =	sdelay $0x4  }
0x3d: {  	v42 =	vshll.u32 v8, $0x3  }
0x3e: {  	v8 =	vand.u32 $0x7, v8;
	v9 =	vand.u32 $0xFFFFFFC0, v42  }
0x3f: {  	v8 =	vor.u32 v8, v9  }
0x40: {  	v8 =	vperm.xlane v8, v6;
	_ =	sdelay $0x1  }
0x41: {  	v8 =	vadd.s32 v7, v8;
	_ =	sdelay $0x3  }
0x42: {  	s9 =	simm.s32 $0xB300  }
0x43: {  	[tilespmem:s9], [sflag:$0x2] =	stream.indirect_vreg.gather [hbm4b:s10+s3], $0x80, v8, vm0, $0xb8;
	[tilespmem:$0x13300] =	vst v63  }
0x44: {  	s1 =	simm.s32 $0xBB00  }
0x45: {  	[tilespmem:s1], [sflag:$0x2] =	stream.indirect_vreg.gather [hbm4b:s7+s3], $0x80, v8, vm0, $0xb8;
	[tilespmem:$0x13300] =	vst v63  }
0x46: {  	s2 =	simm.s32 $0xC300  }
0x47: {  	[tilespmem:s2], [sflag:$0x2] =	stream.indirect_vreg.gather [hbm4b:s11+s3], $0x80, v8, vm0, $0xb8;
	[tilespmem:$0x13300] =	vst v63  }
0x48: {  	s5 =	simm.s32 $0xCB00  }
0x49: {  	[tilespmem:s5], [sflag:$0x2] =	stream.indirect_vreg.gather [hbm4b:s12+s3], $0x80, v8, vm0, $0xb8;
	[tilespmem:$0x13300] =	vst v63  }
0x4a: {  	v8 =	vld.msk [tilespmem:$0x7218], $0xff;
	_ =	sdelay $0x4  }
0x4b: {  	v43 =	vshll.u32 v8, $0x3  }
0x4c: {  	v8 =	vand.u32 $0x7, v8;
	v9 =	vand.u32 $0xFFFFFFC0, v43  }
0x4d: {  	v8 =	vor.u32 v8, v9  }
0x4e: {  	v8 =	vperm.xlane v8, v6;
	_ =	sdelay $0x1  }
0x4f: {  	v8 =	vadd.s32 v7, v8;
	_ =	sdelay $0x3  }
0x50: {  	s14 =	simm.s32 $0xD300  }
0x51: {  	[tilespmem:s14], [sflag:$0x5] =	stream.indirect_vreg.gather [hbm4b:s10+s3], $0x80, v8, vm0, $0xb8;
	[tilespmem:$0x13300] =	vst v63  }
0x52: {  	s18 =	simm.s32 $0xDB00  }
0x53: {  	[tilespmem:s18], [sflag:$0x5] =	stream.indirect_vreg.gather [hbm4b:s7+s3], $0x80, v8, vm0, $0xb8;
	[tilespmem:$0x13300] =	vst v63  }
0x54: {  	s19 =	simm.s32 $0xE300  }
0x55: {  	[tilespmem:s19], [sflag:$0x5] =	stream.indirect_vreg.gather [hbm4b:s11+s3], $0x80, v8, vm0, $0xb8;
	[tilespmem:$0x13300] =	vst v63  }
0x56: {  	s1 =	simm.s32 $0xEB00  }
0x57: {  	[tilespmem:s1], [sflag:$0x5] =	stream.indirect_vreg.gather [hbm4b:s12+s3], $0x80, v8, vm0, $0xb8;
	[tilespmem:$0x13300] =	vst v63  }
0x58: {  	v8 =	vld.msk [tilespmem:$0x7220], $0xff;
	_ =	sdelay $0x4  }
0x59: {  	v44 =	vshll.u32 v8, $0x3  }
0x5a: {  	v8 =	vand.u32 $0x7, v8;
	v9 =	vand.u32 $0xFFFFFFC0, v44  }
0x5b: {  	v8 =	vor.u32 v8, v9  }
0x5c: {  	v8 =	vperm.xlane v8, v6;
	_ =	sdelay $0x1  }
0x5d: {  	v8 =	vadd.s32 v7, v8;
	_ =	sdelay $0x4  }
0x5e: {  	[tilespmem:s8], [sflag:$0x3] =	stream.indirect_vreg.gather [hbm4b:s10+s3], $0x80, v8, vm0, $0xb8;
	[tilespmem:$0x13300] =	vst v63  }
0x5f: {  	s2 =	simm.s32 $0xFB00  }
0x60: {  	[tilespmem:s2], [sflag:$0x3] =	stream.indirect_vreg.gather [hbm4b:s7+s3], $0x80, v8, vm0, $0xb8;
	[tilespmem:$0x13300] =	vst v63  }
0x61: {  	s1 =	simm.s32 $0x10300  }
0x62: {  	[tilespmem:s1], [sflag:$0x3] =	stream.indirect_vreg.gather [hbm4b:s11+s3], $0x80, v8, vm0, $0xb8;
	[tilespmem:$0x13300] =	vst v63  }
0x63: {  	s2 =	simm.s32 $0x10B00  }
0x64: {  	[tilespmem:s2], [sflag:$0x3] =	stream.indirect_vreg.gather [hbm4b:s12+s3], $0x80, v8, vm0, $0xb8;
	[tilespmem:$0x13300] =	vst v63  }
0x65: {  	v8 =	vld.msk [tilespmem:$0x7228], $0xff;
	_ =	sdelay $0x4  }
0x66: {  	v45 =	vshll.u32 v8, $0x3  }
0x67: {  	v8 =	vand.u32 $0x7, v8;
	v9 =	vand.u32 $0xFFFFFFC0, v45  }
0x68: {  	v8 =	vor.u32 v8, v9  }
0x69: {  	v8 =	vperm.xlane v8, v6;
	_ =	sdelay $0x1  }
0x6a: {  	v8 =	vadd.s32 v7, v8;
	_ =	sdelay $0x3  }
0x6b: {  	s1 =	simm.s32 $0x11300  }
0x6c: {  	[tilespmem:s1], [sflag:$0x6] =	stream.indirect_vreg.gather [hbm4b:s10+s3], $0x80, v8, vm0, $0xb8;
	[tilespmem:$0x13300] =	vst v63  }
0x6d: {  	s2 =	simm.s32 $0x11B00  }
0x6e: {  	[tilespmem:s2], [sflag:$0x6] =	stream.indirect_vreg.gather [hbm4b:s7+s3], $0x80, v8, vm0, $0xb8;
	[tilespmem:$0x13300] =	vst v63  }
0x6f: {  	s1 =	simm.s32 $0x12300  }
0x70: {  	[tilespmem:s1], [sflag:$0x6] =	stream.indirect_vreg.gather [hbm4b:s11+s3], $0x80, v8, vm0, $0xb8;
	[tilespmem:$0x13300] =	vst v63  }
0x71: {  	s0 =	simm.s32 $0x1;
	s2 =	simm.s32 $0x12B00  }
0x72: {  	[tilespmem:s2], [sflag:$0x6] =	stream.indirect_vreg.gather [hbm4b:s12+s3], $0x80, v8, vm0, $0xb8;
	[tilespmem:$0x13300] =	vst v63  }
0x73: {  	_ =	swait.ge [sflag:s0], $0x2000  }
0x74: {  	[sflag:s0] =	ssyncset.done $0x0  }
0x75: {  	s1 =	simm.s32 $0x4;
	[sflag:s0] =	ssyncadd.s32 $0xFFFFE000  }
0x76: {  	_ =	swait.ge [sflag:s1], $0x2000  }
0x77: {  	[sflag:s1] =	ssyncset.done $0x0  }
0x78: {  	s2 =	rddreg [dreg:$0xa];
	[sflag:s1] =	ssyncadd.s32 $0xFFFFE000  }
0x79: {  	[hbm4b:s2+s3] =	stream.linear.scatter [tilespmem:s20], [sflag:$0x7], $0x4000, $0x38;
	[tilespmem:$0x13300] =	vst v63  }
0x7a: {  	s2 =	simm.s32 $0x7  }
0x7b: {  	_ =	swait.ge [sflag:s2], $0x4000  }
0x7c: {  	[sflag:s2] =	ssyncset.done $0x0  }
0x7d: {  	[sflag:s2] =	ssyncadd.s32 $0xFFFFC000  }
0x7e: {  	v8 =	vld.msk [tilespmem:$0x7230], $0xff;
	_ =	sdelay $0x4  }
0x7f: {  	v46 =	vshll.u32 v8, $0x3  }
0x80: {  	v8 =	vand.u32 $0x7, v8;
	v9 =	vand.u32 $0xFFFFFFC0, v46  }
0x81: {  	v8 =	vor.u32 v8, v9  }
0x82: {  	v8 =	vperm.xlane v8, v6;
	_ =	sdelay $0x1  }
0x83: {  	v8 =	vadd.s32 v7, v8;
	_ =	sdelay $0x4  }
0x84: {  	[tilespmem:s20], [sflag:$0x1] =	stream.indirect_vreg.gather [hbm4b:s10+s3], $0x80, v8, vm0, $0xb8;
	[tilespmem:$0x13300] =	vst v63  }
0x85: {  	_ = 	snop  }
0x86: {  	[tilespmem:s28], [sflag:$0x1] =	stream.indirect_vreg.gather [hbm4b:s7+s3], $0x80, v8, vm0, $0xb8;
	[tilespmem:$0x13300] =	vst v63  }
0x87: {  	_ = 	snop  }
0x88: {  	[tilespmem:s24], [sflag:$0x1] =	stream.indirect_vreg.gather [hbm4b:s11+s3], $0x80, v8, vm0, $0xb8;
	[tilespmem:$0x13300] =	vst v63  }
0x89: {  	_ = 	snop  }
0x8a: {  	[tilespmem:s25], [sflag:$0x1] =	stream.indirect_vreg.gather [hbm4b:s12+s3], $0x80, v8, vm0, $0xb8;
	[tilespmem:$0x13300] =	vst v63  }
0x8b: {  	v8 =	vld.msk [tilespmem:$0x7238], $0xff;
	_ =	sdelay $0x4  }
0x8c: {  	v47 =	vshll.u32 v8, $0x3  }
0x8d: {  	v8 =	vand.u32 $0x7, v8;
	v9 =	vand.u32 $0xFFFFFFC0, v47  }
0x8e: {  	v8 =	vor.u32 v8, v9  }
0x8f: {  	v8 =	vperm.xlane v8, v6;
	_ =	sdelay $0x1  }
0x90: {  	v8 =	vadd.s32 v7, v8;
	_ =	sdelay $0x4  }
0x91: {  	[tilespmem:s26], [sflag:$0x4] =	stream.indirect_vreg.gather [hbm4b:s10+s3], $0x80, v8, vm0, $0xb8;
	[tilespmem:$0x13300] =	vst v63  }
0x92: {  	s6 =	simm.s32 $0x9B00  }
0x93: {  	[tilespmem:s6], [sflag:$0x4] =	stream.indirect_vreg.gather [hbm4b:s7+s3], $0x80, v8, vm0, $0xb8;
	[tilespmem:$0x13300] =	vst v63  }
0x94: {  	_ = 	snop  }
0x95: {  	[tilespmem:s23], [sflag:$0x4] =	stream.indirect_vreg.gather [hbm4b:s11+s3], $0x80, v8, vm0, $0xb8;
	[tilespmem:$0x13300] =	vst v63  }
0x96: {  	s13 =	simm.s32 $0xAB00  }
0x97: {  	[tilespmem:s13], [sflag:$0x4] =	stream.indirect_vreg.gather [hbm4b:s12+s3], $0x80, v8, vm0, $0xb8;
	[tilespmem:$0x13300] =	vst v63  }
0x98: {  	s13 =	simm.s32 $0x2  }
0x99: {  	_ =	swait.ge [sflag:s13], $0x2000  }
0x9a: {  	[sflag:s13] =	ssyncset.done $0x0  }
0x9b: {  	[sflag:s13] =	ssyncadd.s32 $0xFFFFE000  }
0x9c: {  	_ =	swait.ge [sflag:s15], $0x2000  }
0x9d: {  	[sflag:s15] =	ssyncset.done $0x0  }
0x9e: {  	s6 =	rddreg [dreg:$0xb];
	[sflag:s15] =	ssyncadd.s32 $0xFFFFE000  }
0x9f: {  	[hbm4b:s6+s3] =	stream.linear.scatter [tilespmem:s9], [sflag:$0x8], $0x4000, $0x38;
	[tilespmem:$0x13300] =	vst v63  }
0xa0: {  	_ =	swait.ge [sflag:s16], $0x4000  }
0xa1: {  	[sflag:s16] =	ssyncset.done $0x0  }
0xa2: {  	[sflag:s16] =	ssyncadd.s32 $0xFFFFC000  }
0xa3: {  	v8 =	vld.msk [tilespmem:$0x7240], $0xff;
	_ =	sdelay $0x4  }
0xa4: {  	v48 =	vshll.u32 v8, $0x3  }
0xa5: {  	v8 =	vand.u32 $0x7, v8;
	v9 =	vand.u32 $0xFFFFFFC0, v48  }
0xa6: {  	v8 =	vor.u32 v8, v9  }
0xa7: {  	v8 =	vperm.xlane v8, v6;
	_ =	sdelay $0x1  }
0xa8: {  	v8 =	vadd.s32 v7, v8;
	_ =	sdelay $0x4  }
0xa9: {  	[tilespmem:s9], [sflag:$0x2] =	stream.indirect_vreg.gather [hbm4b:s10+s3], $0x80, v8, vm0, $0xb8;
	[tilespmem:$0x13300] =	vst v63  }
0xaa: {  	s22 =	simm.s32 $0xBB00  }
0xab: {  	[tilespmem:s22], [sflag:$0x2] =	stream.indirect_vreg.gather [hbm4b:s7+s3], $0x80, v8, vm0, $0xb8;
	[tilespmem:$0x13300] =	vst v63  }
0xac: {  	s17 =	simm.s32 $0xC300  }
0xad: {  	[tilespmem:s17], [sflag:$0x2] =	stream.indirect_vreg.gather [hbm4b:s11+s3], $0x80, v8, vm0, $0xb8;
	[tilespmem:$0x13300] =	vst v63  }
0xae: {  	s5 =	simm.s32 $0xCB00  }
0xaf: {  	[tilespmem:s5], [sflag:$0x2] =	stream.indirect_vreg.gather [hbm4b:s12+s3], $0x80, v8, vm0, $0xb8;
	[tilespmem:$0x13300] =	vst v63  }
0xb0: {  	v8 =	vld.msk [tilespmem:$0x7248], $0xff;
	_ =	sdelay $0x4  }
0xb1: {  	v49 =	vshll.u32 v8, $0x3  }
0xb2: {  	v8 =	vand.u32 $0x7, v8;
	v9 =	vand.u32 $0xFFFFFFC0, v49  }
0xb3: {  	v8 =	vor.u32 v8, v9  }
0xb4: {  	v8 =	vperm.xlane v8, v6;
	_ =	sdelay $0x1  }
0xb5: {  	v8 =	vadd.s32 v7, v8;
	_ =	sdelay $0x3  }
0xb6: {  	s21 =	simm.s32 $0xD300  }
0xb7: {  	[tilespmem:s21], [sflag:$0x5] =	stream.indirect_vreg.gather [hbm4b:s10+s3], $0x80, v8, vm0, $0xb8;
	[tilespmem:$0x13300] =	vst v63  }
0xb8: {  	s18 =	simm.s32 $0xDB00  }
0xb9: {  	[tilespmem:s18], [sflag:$0x5] =	stream.indirect_vreg.gather [hbm4b:s7+s3], $0x80, v8, vm0, $0xb8;
	[tilespmem:$0x13300] =	vst v63  }
0xba: {  	s19 =	simm.s32 $0xE300  }
0xbb: {  	[tilespmem:s19], [sflag:$0x5] =	stream.indirect_vreg.gather [hbm4b:s11+s3], $0x80, v8, vm0, $0xb8;
	[tilespmem:$0x13300] =	vst v63  }
0xbc: {  	s14 =	simm.s32 $0xEB00;
	s17 =	simm.s32 $0x3  }
0xbd: {  	[tilespmem:s14], [sflag:$0x5] =	stream.indirect_vreg.gather [hbm4b:s12+s3], $0x80, v8, vm0, $0xb8;
	[tilespmem:$0x13300] =	vst v63  }
0xbe: {  	_ =	swait.ge [sflag:s17], $0x2000  }
0xbf: {  	[sflag:s17] =	ssyncset.done $0x0  }
0xc0: {  	s14 =	simm.s32 $0x6;
	[sflag:s17] =	ssyncadd.s32 $0xFFFFE000  }
0xc1: {  	_ =	swait.ge [sflag:s14], $0x2000  }
0xc2: {  	[sflag:s14] =	ssyncset.done $0x0  }
0xc3: {  	s6 =	simm.s32 $0x9;
	s18 =	rddreg [dreg:$0xc];
	[sflag:s14] =	ssyncadd.s32 $0xFFFFE000  }
0xc4: {  	[hbm4b:s18+s3] =	stream.linear.scatter [tilespmem:s8], [sflag:$0x9], $0x4000, $0x38;
	[tilespmem:$0x13300] =	vst v63  }
0xc5: {  	_ =	swait.ge [sflag:s6], $0x4000  }
0xc6: {  	[sflag:s6] =	ssyncset.done $0x0  }
0xc7: {  	[sflag:s6] =	ssyncadd.s32 $0xFFFFC000  }
0xc8: {  	v8 =	vld.msk [tilespmem:$0x7250], $0xff;
	_ =	sdelay $0x4  }
0xc9: {  	v50 =	vshll.u32 v8, $0x3  }
0xca: {  	v8 =	vand.u32 $0x7, v8;
	v9 =	vand.u32 $0xFFFFFFC0, v50  }
0xcb: {  	v8 =	vor.u32 v8, v9  }
0xcc: {  	v8 =	vperm.xlane v8, v6;
	_ =	sdelay $0x1  }
0xcd: {  	v8 =	vadd.s32 v7, v8;
	_ =	sdelay $0x4  }
0xce: {  	[tilespmem:s8], [sflag:$0x3] =	stream.indirect_vreg.gather [hbm4b:s10+s3], $0x80, v8, vm0, $0xb8;
	[tilespmem:$0x13300] =	vst v63  }
0xcf: {  	s19 =	simm.s32 $0xFB00  }
0xd0: {  	[tilespmem:s19], [sflag:$0x3] =	stream.indirect_vreg.gather [hbm4b:s7+s3], $0x80, v8, vm0, $0xb8;
	[tilespmem:$0x13300] =	vst v63  }
0xd1: {  	s22 =	simm.s32 $0x10300  }
0xd2: {  	[tilespmem:s22], [sflag:$0x3] =	stream.indirect_vreg.gather [hbm4b:s11+s3], $0x80, v8, vm0, $0xb8;
	[tilespmem:$0x13300] =	vst v63  }
0xd3: {  	s18 =	simm.s32 $0x10B00  }
0xd4: {  	[tilespmem:s18], [sflag:$0x3] =	stream.indirect_vreg.gather [hbm4b:s12+s3], $0x80, v8, vm0, $0xb8;
	[tilespmem:$0x13300] =	vst v63  }
0xd5: {  	v8 =	vld.msk [tilespmem:$0x7258], $0xff;
	_ =	sdelay $0x4  }
0xd6: {  	v51 =	vshll.u32 v8, $0x3  }
0xd7: {  	v8 =	vand.u32 $0x7, v8;
	v9 =	vand.u32 $0xFFFFFFC0, v51  }
0xd8: {  	v8 =	vor.u32 v8, v9  }
0xd9: {  	v8 =	vperm.xlane v8, v6;
	_ =	sdelay $0x1  }
0xda: {  	v8 =	vadd.s32 v7, v8;
	_ =	sdelay $0x3  }
0xdb: {  	s22 =	simm.s32 $0x11300  }
0xdc: {  	[tilespmem:s22], [sflag:$0x6] =	stream.indirect_vreg.gather [hbm4b:s10+s3], $0x80, v8, vm0, $0xb8;
	[tilespmem:$0x13300] =	vst v63  }
0xdd: {  	s18 =	simm.s32 $0x11B00  }
0xde: {  	[tilespmem:s18], [sflag:$0x6] =	stream.indirect_vreg.gather [hbm4b:s7+s3], $0x80, v8, vm0, $0xb8;
	[tilespmem:$0x13300] =	vst v63  }
0xdf: {  	s18 =	simm.s32 $0x12300  }
0xe0: {  	[tilespmem:s18], [sflag:$0x6] =	stream.indirect_vreg.gather [hbm4b:s11+s3], $0x80, v8, vm0, $0xb8;
	[tilespmem:$0x13300] =	vst v63  }
0xe1: {  	s18 =	simm.s32 $0x12B00  }
0xe2: {  	[tilespmem:s18], [sflag:$0x6] =	stream.indirect_vreg.gather [hbm4b:s12+s3], $0x80, v8, vm0, $0xb8;
	[tilespmem:$0x13300] =	vst v63  }
0xe3: {  	_ =	swait.ge [sflag:s0], $0x2000  }
0xe4: {  	[sflag:s0] =	ssyncset.done $0x0  }
0xe5: {  	[sflag:s0] =	ssyncadd.s32 $0xFFFFE000  }
0xe6: {  	_ =	swait.ge [sflag:s1], $0x2000  }
0xe7: {  	[sflag:s1] =	ssyncset.done $0x0  }
0xe8: {  	s5 =	rddreg [dreg:$0xd];
	[sflag:s1] =	ssyncadd.s32 $0xFFFFE000  }
0xe9: {  	[hbm4b:s5+s3] =	stream.linear.scatter [tilespmem:s20], [sflag:$0x7], $0x4000, $0x38;
	[tilespmem:$0x13300] =	vst v63  }
0xea: {  	_ =	swait.ge [sflag:s2], $0x4000  }
0xeb: {  	[sflag:s2] =	ssyncset.done $0x0  }
0xec: {  	[sflag:s2] =	ssyncadd.s32 $0xFFFFC000  }
0xed: {  	v8 =	vld.msk [tilespmem:$0x7260], $0xff;
	_ =	sdelay $0x4  }
0xee: {  	v52 =	vshll.u32 v8, $0x3  }
0xef: {  	v8 =	vand.u32 $0x7, v8;
	v9 =	vand.u32 $0xFFFFFFC0, v52  }
0xf0: {  	v8 =	vor.u32 v8, v9  }
0xf1: {  	v8 =	vperm.xlane v8, v6;
	_ =	sdelay $0x1  }
0xf2: {  	v8 =	vadd.s32 v7, v8;
	_ =	sdelay $0x4  }
0xf3: {  	[tilespmem:s20], [sflag:$0x1] =	stream.indirect_vreg.gather [hbm4b:s10+s3], $0x80, v8, vm0, $0xb8;
	[tilespmem:$0x13300] =	vst v63  }
0xf4: {  	_ = 	snop  }
0xf5: {  	[tilespmem:s28], [sflag:$0x1] =	stream.indirect_vreg.gather [hbm4b:s7+s3], $0x80, v8, vm0, $0xb8;
	[tilespmem:$0x13300] =	vst v63  }
0xf6: {  	_ = 	snop  }
0xf7: {  	[tilespmem:s24], [sflag:$0x1] =	stream.indirect_vreg.gather [hbm4b:s11+s3], $0x80, v8, vm0, $0xb8;
	[tilespmem:$0x13300] =	vst v63  }
0xf8: {  	_ = 	snop  }
0xf9: {  	[tilespmem:s25], [sflag:$0x1] =	stream.indirect_vreg.gather [hbm4b:s12+s3], $0x80, v8, vm0, $0xb8;
	[tilespmem:$0x13300] =	vst v63  }
0xfa: {  	v8 =	vld.msk [tilespmem:$0x7268], $0xff;
	_ =	sdelay $0x4  }
0xfb: {  	v53 =	vshll.u32 v8, $0x3  }
0xfc: {  	v8 =	vand.u32 $0x7, v8;
	v9 =	vand.u32 $0xFFFFFFC0, v53  }
0xfd: {  	v8 =	vor.u32 v8, v9  }
0xfe: {  	v8 =	vperm.xlane v8, v6;
	_ =	sdelay $0x1  }
0xff: {  	v8 =	vadd.s32 v7, v8;
	_ =	sdelay $0x4  }
0x100: {  	[tilespmem:s26], [sflag:$0x4] =	stream.indirect_vreg.gather [hbm4b:s10+s3], $0x80, v8, vm0, $0xb8;
	[tilespmem:$0x13300] =	vst v63  }
0x101: {  	s18 =	simm.s32 $0x9B00  }
0x102: {  	[tilespmem:s18], [sflag:$0x4] =	stream.indirect_vreg.gather [hbm4b:s7+s3], $0x80, v8, vm0, $0xb8;
	[tilespmem:$0x13300] =	vst v63  }
0x103: {  	_ = 	snop  }
0x104: {  	[tilespmem:s23], [sflag:$0x4] =	stream.indirect_vreg.gather [hbm4b:s11+s3], $0x80, v8, vm0, $0xb8;
	[tilespmem:$0x13300] =	vst v63  }
0x105: {  	s18 =	simm.s32 $0xAB00  }
0x106: {  	[tilespmem:s18], [sflag:$0x4] =	stream.indirect_vreg.gather [hbm4b:s12+s3], $0x80, v8, vm0, $0xb8;
	[tilespmem:$0x13300] =	vst v63  }
0x107: {  	_ =	swait.ge [sflag:s13], $0x2000  }
0x108: {  	[sflag:s13] =	ssyncset.done $0x0  }
0x109: {  	[sflag:s13] =	ssyncadd.s32 $0xFFFFE000  }
0x10a: {  	_ =	swait.ge [sflag:s15], $0x2000  }
0x10b: {  	[sflag:s15] =	ssyncset.done $0x0  }
0x10c: {  	s18 =	rddreg [dreg:$0xe];
	[sflag:s15] =	ssyncadd.s32 $0xFFFFE000  }
0x10d: {  	[hbm4b:s18+s3] =	stream.linear.scatter [tilespmem:s9], [sflag:$0x8], $0x4000, $0x38;
	[tilespmem:$0x13300] =	vst v63  }
0x10e: {  	_ =	swait.ge [sflag:s16], $0x4000  }
0x10f: {  	[sflag:s16] =	ssyncset.done $0x0  }
0x110: {  	[sflag:s16] =	ssyncadd.s32 $0xFFFFC000  }
0x111: {  	v8 =	vld.msk [tilespmem:$0x7270], $0xff;
	_ =	sdelay $0x4  }
0x112: {  	v54 =	vshll.u32 v8, $0x3  }
0x113: {  	v8 =	vand.u32 $0x7, v8;
	v9 =	vand.u32 $0xFFFFFFC0, v54  }
0x114: {  	v8 =	vor.u32 v8, v9  }
0x115: {  	v8 =	vperm.xlane v8, v6;
	_ =	sdelay $0x1  }
0x116: {  	v8 =	vadd.s32 v7, v8;
	_ =	sdelay $0x4  }
0x117: {  	[tilespmem:s9], [sflag:$0x2] =	stream.indirect_vreg.gather [hbm4b:s10+s3], $0x80, v8, vm0, $0xb8;
	[tilespmem:$0x13300] =	vst v63  }
0x118: {  	s18 =	simm.s32 $0xBB00  }
0x119: {  	[tilespmem:s18], [sflag:$0x2] =	stream.indirect_vreg.gather [hbm4b:s7+s3], $0x80, v8, vm0, $0xb8;
	[tilespmem:$0x13300] =	vst v63  }
0x11a: {  	s18 =	simm.s32 $0xC300  }
0x11b: {  	[tilespmem:s18], [sflag:$0x2] =	stream.indirect_vreg.gather [hbm4b:s11+s3], $0x80, v8, vm0, $0xb8;
	[tilespmem:$0x13300] =	vst v63  }
0x11c: {  	s18 =	simm.s32 $0xCB00  }
0x11d: {  	[tilespmem:s18], [sflag:$0x2] =	stream.indirect_vreg.gather [hbm4b:s12+s3], $0x80, v8, vm0, $0xb8;
	[tilespmem:$0x13300] =	vst v63  }
0x11e: {  	v8 =	vld.msk [tilespmem:$0x7278], $0xff;
	_ =	sdelay $0x4  }
0x11f: {  	v55 =	vshll.u32 v8, $0x3  }
0x120: {  	v8 =	vand.u32 $0x7, v8;
	v9 =	vand.u32 $0xFFFFFFC0, v55  }
0x121: {  	v8 =	vor.u32 v8, v9  }
0x122: {  	v8 =	vperm.xlane v8, v6;
	_ =	sdelay $0x1  }
0x123: {  	v8 =	vadd.s32 v7, v8;
	_ =	sdelay $0x3  }
0x124: {  	s21 =	simm.s32 $0xD300  }
0x125: {  	[tilespmem:s21], [sflag:$0x5] =	stream.indirect_vreg.gather [hbm4b:s10+s3], $0x80, v8, vm0, $0xb8;
	[tilespmem:$0x13300] =	vst v63  }
0x126: {  	s21 =	simm.s32 $0xDB00  }
0x127: {  	[tilespmem:s21], [sflag:$0x5] =	stream.indirect_vreg.gather [hbm4b:s7+s3], $0x80, v8, vm0, $0xb8;
	[tilespmem:$0x13300] =	vst v63  }
0x128: {  	s21 =	simm.s32 $0xE300  }
0x129: {  	[tilespmem:s21], [sflag:$0x5] =	stream.indirect_vreg.gather [hbm4b:s11+s3], $0x80, v8, vm0, $0xb8;
	[tilespmem:$0x13300] =	vst v63  }
0x12a: {  	s21 =	simm.s32 $0xEB00  }
0x12b: {  	[tilespmem:s21], [sflag:$0x5] =	stream.indirect_vreg.gather [hbm4b:s12+s3], $0x80, v8, vm0, $0xb8;
	[tilespmem:$0x13300] =	vst v63  }
0x12c: {  	_ =	swait.ge [sflag:s17], $0x2000  }
0x12d: {  	[sflag:s17] =	ssyncset.done $0x0  }
0x12e: {  	[sflag:s17] =	ssyncadd.s32 $0xFFFFE000  }
0x12f: {  	_ =	swait.ge [sflag:s14], $0x2000  }
0x130: {  	[sflag:s14] =	ssyncset.done $0x0  }
0x131: {  	s18 =	rddreg [dreg:$0xf];
	[sflag:s14] =	ssyncadd.s32 $0xFFFFE000  }
0x132: {  	[hbm4b:s18+s3] =	stream.linear.scatter [tilespmem:s8], [sflag:$0x9], $0x4000, $0x38;
	[tilespmem:$0x13300] =	vst v63  }
0x133: {  	_ =	swait.ge [sflag:s6], $0x4000  }
0x134: {  	[sflag:s6] =	ssyncset.done $0x0  }
0x135: {  	[sflag:s6] =	ssyncadd.s32 $0xFFFFC000  }
0x136: {  	v8 =	vld.msk [tilespmem:$0x7280], $0xff;
	_ =	sdelay $0x4  }
0x137: {  	v56 =	vshll.u32 v8, $0x3  }
0x138: {  	v8 =	vand.u32 $0x7, v8;
	v9 =	vand.u32 $0xFFFFFFC0, v56  }
0x139: {  	v8 =	vor.u32 v8, v9  }
0x13a: {  	v8 =	vperm.xlane v8, v6;
	_ =	sdelay $0x1  }
0x13b: {  	v8 =	vadd.s32 v7, v8;
	_ =	sdelay $0x4  }
0x13c: {  	[tilespmem:s8], [sflag:$0x3] =	stream.indirect_vreg.gather [hbm4b:s10+s3], $0x80, v8, vm0, $0xb8;
	[tilespmem:$0x13300] =	vst v63  }
0x13d: {  	s18 =	simm.s32 $0xFB00  }
0x13e: {  	[tilespmem:s18], [sflag:$0x3] =	stream.indirect_vreg.gather [hbm4b:s7+s3], $0x80, v8, vm0, $0xb8;
	[tilespmem:$0x13300] =	vst v63  }
0x13f: {  	s19 =	simm.s32 $0x10300  }
0x140: {  	[tilespmem:s19], [sflag:$0x3] =	stream.indirect_vreg.gather [hbm4b:s11+s3], $0x80, v8, vm0, $0xb8;
	[tilespmem:$0x13300] =	vst v63  }
0x141: {  	s18 =	simm.s32 $0x10B00  }
0x142: {  	[tilespmem:s18], [sflag:$0x3] =	stream.indirect_vreg.gather [hbm4b:s12+s3], $0x80, v8, vm0, $0xb8;
	[tilespmem:$0x13300] =	vst v63  }
0x143: {  	v8 =	vld.msk [tilespmem:$0x7288], $0xff;
	_ =	sdelay $0x4  }
0x144: {  	v57 =	vshll.u32 v8, $0x3  }
0x145: {  	v8 =	vand.u32 $0x7, v8;
	v9 =	vand.u32 $0xFFFFFFC0, v57  }
0x146: {  	v8 =	vor.u32 v8, v9  }
0x147: {  	v8 =	vperm.xlane v8, v6;
	_ =	sdelay $0x1  }
0x148: {  	v8 =	vadd.s32 v7, v8;
	_ =	sdelay $0x3  }
0x149: {  	s22 =	simm.s32 $0x11300  }
0x14a: {  	[tilespmem:s22], [sflag:$0x6] =	stream.indirect_vreg.gather [hbm4b:s10+s3], $0x80, v8, vm0, $0xb8;
	[tilespmem:$0x13300] =	vst v63  }
0x14b: {  	s18 =	simm.s32 $0x11B00  }
0x14c: {  	[tilespmem:s18], [sflag:$0x6] =	stream.indirect_vreg.gather [hbm4b:s7+s3], $0x80, v8, vm0, $0xb8;
	[tilespmem:$0x13300] =	vst v63  }
0x14d: {  	s18 =	simm.s32 $0x12300  }
0x14e: {  	[tilespmem:s18], [sflag:$0x6] =	stream.indirect_vreg.gather [hbm4b:s11+s3], $0x80, v8, vm0, $0xb8;
	[tilespmem:$0x13300] =	vst v63  }
0x14f: {  	s18 =	simm.s32 $0x12B00  }
0x150: {  	[tilespmem:s18], [sflag:$0x6] =	stream.indirect_vreg.gather [hbm4b:s12+s3], $0x80, v8, vm0, $0xb8;
	[tilespmem:$0x13300] =	vst v63  }
0x151: {  	_ =	swait.ge [sflag:s0], $0x2000  }
0x152: {  	[sflag:s0] =	ssyncset.done $0x0  }
0x153: {  	[sflag:s0] =	ssyncadd.s32 $0xFFFFE000  }
0x154: {  	_ =	swait.ge [sflag:s1], $0x2000  }
0x155: {  	[sflag:s1] =	ssyncset.done $0x0  }
0x156: {  	s18 =	rddreg [dreg:$0x10];
	[sflag:s1] =	ssyncadd.s32 $0xFFFFE000  }
0x157: {  	[hbm4b:s18+s3] =	stream.linear.scatter [tilespmem:s20], [sflag:$0x7], $0x4000, $0x38;
	[tilespmem:$0x13300] =	vst v63  }
0x158: {  	_ =	swait.ge [sflag:s2], $0x4000  }
0x159: {  	[sflag:s2] =	ssyncset.done $0x0  }
0x15a: {  	[sflag:s2] =	ssyncadd.s32 $0xFFFFC000  }
0x15b: {  	v8 =	vld.msk [tilespmem:$0x7290], $0xff;
	_ =	sdelay $0x4  }
0x15c: {  	v58 =	vshll.u32 v8, $0x3  }
0x15d: {  	v8 =	vand.u32 $0x7, v8;
	v9 =	vand.u32 $0xFFFFFFC0, v58  }
0x15e: {  	v8 =	vor.u32 v8, v9  }
0x15f: {  	v8 =	vperm.xlane v8, v6;
	_ =	sdelay $0x1  }
0x160: {  	v8 =	vadd.s32 v7, v8;
	_ =	sdelay $0x4  }
0x161: {  	[tilespmem:s20], [sflag:$0x1] =	stream.indirect_vreg.gather [hbm4b:s10+s3], $0x80, v8, vm0, $0xb8;
	[tilespmem:$0x13300] =	vst v63  }
0x162: {  	_ = 	snop  }
0x163: {  	[tilespmem:s28], [sflag:$0x1] =	stream.indirect_vreg.gather [hbm4b:s7+s3], $0x80, v8, vm0, $0xb8;
	[tilespmem:$0x13300] =	vst v63  }
0x164: {  	_ = 	snop  }
0x165: {  	[tilespmem:s24], [sflag:$0x1] =	stream.indirect_vreg.gather [hbm4b:s11+s3], $0x80, v8, vm0, $0xb8;
	[tilespmem:$0x13300] =	vst v63  }
0x166: {  	_ = 	snop  }
0x167: {  	[tilespmem:s25], [sflag:$0x1] =	stream.indirect_vreg.gather [hbm4b:s12+s3], $0x80, v8, vm0, $0xb8;
	[tilespmem:$0x13300] =	vst v63  }
0x168: {  	v8 =	vld.msk [tilespmem:$0x7298], $0xff;
	_ =	sdelay $0x4  }
0x169: {  	v59 =	vshll.u32 v8, $0x3  }
0x16a: {  	v8 =	vand.u32 $0x7, v8;
	v9 =	vand.u32 $0xFFFFFFC0, v59  }
0x16b: {  	v8 =	vor.u32 v8, v9  }
0x16c: {  	v8 =	vperm.xlane v8, v6;
	_ =	sdelay $0x1  }
0x16d: {  	v8 =	vadd.s32 v7, v8;
	_ =	sdelay $0x4  }
0x16e: {  	[tilespmem:s26], [sflag:$0x4] =	stream.indirect_vreg.gather [hbm4b:s10+s3], $0x80, v8, vm0, $0xb8;
	[tilespmem:$0x13300] =	vst v63  }
0x16f: {  	s25 =	simm.s32 $0x9B00  }
0x170: {  	[tilespmem:s25], [sflag:$0x4] =	stream.indirect_vreg.gather [hbm4b:s7+s3], $0x80, v8, vm0, $0xb8;
	[tilespmem:$0x13300] =	vst v63  }
0x171: {  	_ = 	snop  }
0x172: {  	[tilespmem:s23], [sflag:$0x4] =	stream.indirect_vreg.gather [hbm4b:s11+s3], $0x80, v8, vm0, $0xb8;
	[tilespmem:$0x13300] =	vst v63  }
0x173: {  	s5 =	simm.s32 $0xAB00  }
0x174: {  	[tilespmem:s5], [sflag:$0x4] =	stream.indirect_vreg.gather [hbm4b:s12+s3], $0x80, v8, vm0, $0xb8;
	[tilespmem:$0x13300] =	vst v63  }
0x175: {  	_ =	swait.ge [sflag:s13], $0x2000  }
0x176: {  	[sflag:s13] =	ssyncset.done $0x0  }
0x177: {  	[sflag:s13] =	ssyncadd.s32 $0xFFFFE000  }
0x178: {  	_ =	swait.ge [sflag:s15], $0x2000  }
0x179: {  	[sflag:s15] =	ssyncset.done $0x0  }
0x17a: {  	s26 =	rddreg [dreg:$0x11];
	[sflag:s15] =	ssyncadd.s32 $0xFFFFE000  }
0x17b: {  	[hbm4b:s26+s3] =	stream.linear.scatter [tilespmem:s9], [sflag:$0x8], $0x4000, $0x38;
	[tilespmem:$0x13300] =	vst v63  }
0x17c: {  	_ =	swait.ge [sflag:s16], $0x4000  }
0x17d: {  	[sflag:s16] =	ssyncset.done $0x0  }
0x17e: {  	[sflag:s16] =	ssyncadd.s32 $0xFFFFC000  }
0x17f: {  	v8 =	vld.msk [tilespmem:$0x72A0], $0xff;
	_ =	sdelay $0x4  }
0x180: {  	v60 =	vshll.u32 v8, $0x3  }
0x181: {  	v8 =	vand.u32 $0x7, v8;
	v9 =	vand.u32 $0xFFFFFFC0, v60  }
0x182: {  	v8 =	vor.u32 v8, v9  }
0x183: {  	v8 =	vperm.xlane v8, v6;
	_ =	sdelay $0x1  }
0x184: {  	v8 =	vadd.s32 v7, v8;
	_ =	sdelay $0x4  }
0x185: {  	[tilespmem:s9], [sflag:$0x2] =	stream.indirect_vreg.gather [hbm4b:s10+s3], $0x80, v8, vm0, $0xb8;
	[tilespmem:$0x13300] =	vst v63  }
0x186: {  	s28 =	simm.s32 $0xBB00  }
0x187: {  	[tilespmem:s28], [sflag:$0x2] =	stream.indirect_vreg.gather [hbm4b:s7+s3], $0x80, v8, vm0, $0xb8;
	[tilespmem:$0x13300] =	vst v63  }
0x188: {  	s18 =	simm.s32 $0xC300  }
0x189: {  	[tilespmem:s18], [sflag:$0x2] =	stream.indirect_vreg.gather [hbm4b:s11+s3], $0x80, v8, vm0, $0xb8;
	[tilespmem:$0x13300] =	vst v63  }
0x18a: {  	s23 =	simm.s32 $0xCB00  }
0x18b: {  	[tilespmem:s23], [sflag:$0x2] =	stream.indirect_vreg.gather [hbm4b:s12+s3], $0x80, v8, vm0, $0xb8;
	[tilespmem:$0x13300] =	vst v63  }
0x18c: {  	v8 =	vld.msk [tilespmem:$0x72A8], $0xff;
	_ =	sdelay $0x4  }
0x18d: {  	v61 =	vshll.u32 v8, $0x3  }
0x18e: {  	v8 =	vand.u32 $0x7, v8;
	v9 =	vand.u32 $0xFFFFFFC0, v61  }
0x18f: {  	v8 =	vor.u32 v8, v9  }
0x190: {  	v8 =	vperm.xlane v8, v6;
	_ =	sdelay $0x1  }
0x191: {  	v8 =	vadd.s32 v7, v8;
	_ =	sdelay $0x3  }
0x192: {  	s24 =	simm.s32 $0xD300  }
0x193: {  	[tilespmem:s24], [sflag:$0x5] =	stream.indirect_vreg.gather [hbm4b:s10+s3], $0x80, v8, vm0, $0xb8;
	[tilespmem:$0x13300] =	vst v63  }
0x194: {  	s25 =	simm.s32 $0xDB00  }
0x195: {  	[tilespmem:s25], [sflag:$0x5] =	stream.indirect_vreg.gather [hbm4b:s7+s3], $0x80, v8, vm0, $0xb8;
	[tilespmem:$0x13300] =	vst v63  }
0x196: {  	s26 =	simm.s32 $0xE300  }
0x197: {  	[tilespmem:s26], [sflag:$0x5] =	stream.indirect_vreg.gather [hbm4b:s11+s3], $0x80, v8, vm0, $0xb8;
	[tilespmem:$0x13300] =	vst v63  }
0x198: {  	s21 =	simm.s32 $0xEB00  }
0x199: {  	[tilespmem:s21], [sflag:$0x5] =	stream.indirect_vreg.gather [hbm4b:s12+s3], $0x80, v8, vm0, $0xb8;
	[tilespmem:$0x13300] =	vst v63  }
0x19a: {  	_ =	swait.ge [sflag:s17], $0x2000  }
0x19b: {  	[sflag:s17] =	ssyncset.done $0x0  }
0x19c: {  	[sflag:s17] =	ssyncadd.s32 $0xFFFFE000  }
0x19d: {  	_ =	swait.ge [sflag:s14], $0x2000  }
0x19e: {  	[sflag:s14] =	ssyncset.done $0x0  }
0x19f: {  	s28 =	rddreg [dreg:$0x12];
	[sflag:s14] =	ssyncadd.s32 $0xFFFFE000  }
0x1a0: {  	[hbm4b:s28+s3] =	stream.linear.scatter [tilespmem:s8], [sflag:$0x9], $0x4000, $0x38;
	[tilespmem:$0x13300] =	vst v63  }
0x1a1: {  	_ =	swait.ge [sflag:s6], $0x4000  }
0x1a2: {  	[sflag:s6] =	ssyncset.done $0x0  }
0x1a3: {  	[sflag:s6] =	ssyncadd.s32 $0xFFFFC000  }
0x1a4: {  	v8 =	vld.msk [tilespmem:$0x72B0], $0xff;
	_ =	sdelay $0x4  }
0x1a5: {  	v62 =	vshll.u32 v8, $0x3  }
0x1a6: {  	v8 =	vand.u32 $0x7, v8;
	v9 =	vand.u32 $0xFFFFFFC0, v62  }
0x1a7: {  	v8 =	vor.u32 v8, v9  }
0x1a8: {  	v8 =	vperm.xlane v8, v6;
	_ =	sdelay $0x1  }
0x1a9: {  	v8 =	vadd.s32 v7, v8;
	_ =	sdelay $0x4  }
0x1aa: {  	[tilespmem:s8], [sflag:$0x3] =	stream.indirect_vreg.gather [hbm4b:s10+s3], $0x80, v8, vm0, $0xb8;
	[tilespmem:$0x13300] =	vst v63  }
0x1ab: {  	s18 =	simm.s32 $0xFB00  }
0x1ac: {  	[tilespmem:s18], [sflag:$0x3] =	stream.indirect_vreg.gather [hbm4b:s7+s3], $0x80, v8, vm0, $0xb8;
	[tilespmem:$0x13300] =	vst v63  }
0x1ad: {  	s19 =	simm.s32 $0x10300  }
0x1ae: {  	[tilespmem:s19], [sflag:$0x3] =	stream.indirect_vreg.gather [hbm4b:s11+s3], $0x80, v8, vm0, $0xb8;
	[tilespmem:$0x13300] =	vst v63  }
0x1af: {  	s19 =	simm.s32 $0x10B00  }
0x1b0: {  	[tilespmem:s19], [sflag:$0x3] =	stream.indirect_vreg.gather [hbm4b:s12+s3], $0x80, v8, vm0, $0xb8;
	[tilespmem:$0x13300] =	vst v63  }
0x1b1: {  	v8 =	vld.msk [tilespmem:$0x72B8], $0xff;
	_ =	sdelay $0x4  }
0x1b2: {  	v63 =	vshll.u32 v8, $0x3  }
0x1b3: {  	v8 =	vand.u32 $0x7, v8;
	v9 =	vand.u32 $0xFFFFFFC0, v63  }
0x1b4: {  	v8 =	vor.u32 v8, v9  }
0x1b5: {  	v8 =	vperm.xlane v8, v6;
	_ =	sdelay $0x1  }
0x1b6: {  	v8 =	vadd.s32 v7, v8;
	_ =	sdelay $0x3  }
0x1b7: {  	s22 =	simm.s32 $0x11300  }
0x1b8: {  	[tilespmem:s22], [sflag:$0x6] =	stream.indirect_vreg.gather [hbm4b:s10+s3], $0x80, v8, vm0, $0xb8;
	[tilespmem:$0x13300] =	vst v63  }
0x1b9: {  	s21 =	simm.s32 $0x11B00  }
0x1ba: {  	[tilespmem:s21], [sflag:$0x6] =	stream.indirect_vreg.gather [hbm4b:s7+s3], $0x80, v8, vm0, $0xb8;
	[tilespmem:$0x13300] =	vst v63  }
0x1bb: {  	s22 =	simm.s32 $0x12300  }
0x1bc: {  	[tilespmem:s22], [sflag:$0x6] =	stream.indirect_vreg.gather [hbm4b:s11+s3], $0x80, v8, vm0, $0xb8;
	[tilespmem:$0x13300] =	vst v63  }
0x1bd: {  	s23 =	simm.s32 $0x12B00  }
0x1be: {  	[tilespmem:s23], [sflag:$0x6] =	stream.indirect_vreg.gather [hbm4b:s12+s3], $0x80, v8, vm0, $0xb8;
	[tilespmem:$0x13300] =	vst v63  }
0x1bf: {  	_ =	swait.ge [sflag:s0], $0x2000  }
0x1c0: {  	[sflag:s0] =	ssyncset.done $0x0  }
0x1c1: {  	[sflag:s0] =	ssyncadd.s32 $0xFFFFE000  }
0x1c2: {  	_ =	swait.ge [sflag:s1], $0x2000  }
0x1c3: {  	[sflag:s1] =	ssyncset.done $0x0  }
0x1c4: {  	s24 =	rddreg [dreg:$0x13];
	[sflag:s1] =	ssyncadd.s32 $0xFFFFE000  }
0x1c5: {  	[hbm4b:s24+s3] =	stream.linear.scatter [tilespmem:s20], [sflag:$0x7], $0x4000, $0x38;
	[tilespmem:$0x13300] =	vst v63  }
0x1c6: {  	_ =	swait.ge [sflag:s13], $0x2000  }
0x1c7: {  	[sflag:s13] =	ssyncset.done $0x0  }
0x1c8: {  	[sflag:s13] =	ssyncadd.s32 $0xFFFFE000  }
0x1c9: {  	_ =	swait.ge [sflag:s15], $0x2000  }
0x1ca: {  	[sflag:s15] =	ssyncset.done $0x0  }
0x1cb: {  	s25 =	rddreg [dreg:$0x14];
	[sflag:s15] =	ssyncadd.s32 $0xFFFFE000  }
0x1cc: {  	[hbm4b:s25+s3] =	stream.linear.scatter [tilespmem:s9], [sflag:$0x8], $0x4000, $0x38;
	[tilespmem:$0x13300] =	vst v63  }
0x1cd: {  	_ =	swait.ge [sflag:s17], $0x2000  }
0x1ce: {  	[sflag:s17] =	ssyncset.done $0x0  }
0x1cf: {  	[sflag:s17] =	ssyncadd.s32 $0xFFFFE000  }
0x1d0: {  	_ =	swait.ge [sflag:s14], $0x2000  }
0x1d1: {  	[sflag:s14] =	ssyncset.done $0x0  }
0x1d2: {  	s26 =	rddreg [dreg:$0x15];
	[sflag:s14] =	ssyncadd.s32 $0xFFFFE000  }
0x1d3: {  	[hbm4b:s26+s3] =	stream.linear.scatter [tilespmem:s8], [sflag:$0x9], $0x4000, $0x38;
	[tilespmem:$0x13300] =	vst v63  }
0x1d4: {  	_ =	swait.ge [sflag:s2], $0x4000  }
0x1d5: {  	[sflag:s2] =	ssyncset.done $0x0  }
0x1d6: {  	[sflag:s2] =	ssyncadd.s32 $0xFFFFC000  }
0x1d7: {  	_ =	swait.ge [sflag:s16], $0x4000  }
0x1d8: {  	[sflag:s16] =	ssyncset.done $0x0  }
0x1d9: {  	[sflag:s16] =	ssyncadd.s32 $0xFFFFC000  }
0x1da: {  	_ =	swait.ge [sflag:s6], $0x4000  }
0x1db: {  	s4 =	sadd.s32 $0x1, s4;
	s28 =	rddreg [dreg:$0x16]  }
0x1dc: {  	p2 =	sne.s32 s4, s28  }
.Ltmp1:
0x1dd: {  	_ = 	snop;
	(pc) =	sbr.rel @!p2 .LBB2_16-.Ltmp1, $3  }
0x1de: {  	_ =	sdelay $0x1  }
0x1df: {  	[sflag:s6] =	ssyncset.done $0x0  }
0x1e0: {  	[sflag:s6] =	ssyncadd.s32 $0xFFFFC000  }
.LBB2_1:
.Ltmp2:
0x1e1: {  	(pc) =	sbr.rel @p0 .LBB2_15-.Ltmp2, $1  }
0x1e2: {  	_ =	sdelay $0x3  }
0x1e3: {  	s6 =	simm.s32 $0x0;
	s2 =	rddreg [dreg:$0x4];
	s5 =	simm.s32 $0xA  }
0x1e4: {  	[tilespmem:s6], [sflag:$0xA] =	stream.linear.gather [hbm4b:s2+s6], $0x1000, $0x38;
	[tilespmem:$0x13300] =	vst v63  }
0x1e5: {  	_ =	swait.ge [sflag:s5], $0x1000  }
0x1e6: {  	s20 =	simm.s32 $0x1000;
	p4 =	por $0x0, $0x0;
	[sflag:s5] =	ssyncset.done $0x0  }
.Ltmp3:
0x1e7: {  	s26 =	rddreg [dreg:$0x5];
	[sflag:s5] =	ssyncadd.s32 $0xFFFFF000;
	(pc) =	sbr.rel @p4 .LBB2_3-.Ltmp3, $4  }
0x1e8: {  	[tilespmem:s20], [sflag:$0xA] =	stream.linear.gather [hbm4b:s26+s6], $0x1000, $0x38;
	[tilespmem:$0x13300] =	vst v63  }
0x1e9: {  	_ =	swait.ge [sflag:s5], $0x1000  }
0x1ea: {  	s0 =	smov.u32 s4;
	s28 =	simm.s32 $0x0;
	[sflag:s5] =	ssyncset.done $0x0  }
0x1eb: {  	p2 =	por $0x0, $0x0;
	p3 =	por $0x0, $0x0;
	[sflag:s5] =	ssyncadd.s32 $0xFFFFF000  }
0x1ec: {  	v8 =	vld [tilespmem:s28+$0x0];
	_ =	sdelay $0x4  }
0x1ed: {  	vm1 =	veq.s32 v8, $0x7  }
0x1ee: {  	vm8 =	veq.s32 v8, $0x0;
	v9 =	vsel vm1, $0x1, v1  }
0x1ef: {  	vm7 =	veq.s32 v8, $0x1;
	v10 =	vsel vm8, $0x1, v1;
	(xrf0) =	vadd.scan.msk.s32 $0xffff, v9  }
0x1f0: {  	vm6 =	veq.s32 v8, $0x2;
	v9 =	vsel vm7, $0x1, v1;
	(xrf0) =	vadd.scan.msk.s32 $0xffff, v10  }
0x1f1: {  	vm4 =	veq.s32 v8, $0x3;
	vm3 =	veq.s32 v8, $0x4;
	v10 =	vsel vm6, $0x1, v1;
	(xrf0) =	vadd.scan.msk.s32 $0xffff, v9  }
0x1f2: {  	vm5 =	veq.s32 v8, $0x5;
	v9 =	vsel vm4, $0x1, v1;
	(xrf0) =	vadd.scan.msk.s32 $0xffff, v10;
	v10 =	vsel vm3, $0x1, v1  }
0x1f3: {  	vm2 =	veq.s32 v8, $0x6;
	v8 =	vsel vm5, $0x1, v1;
	(xrf0) =	vadd.scan.msk.s32 $0xffff, v9  }
0x1f4: {  	v9 =	vsel vm2, $0x1, v1;
	(xrf0) =	vadd.scan.msk.s32 $0xffff, v10  }
0x1f5: {  	(xrf0) =	vadd.scan.msk.s32 $0xffff, v8;
	v10, _, _ =	vpop (xrf0)  }
0x1f6: {  	v14 =	vmov s6;
	v8, _, _ =	vpop (xrf0);
	(xrf0) =	vadd.scan.msk.s32 $0xffff, v9;
	(v2sf) =	vpush v10, $0xF  }
0x1f7: {  	v17 =	vadd.s32 $0xFFFFFFFF, v14;
	(v2sf) =	vpush v8, $0xF;
	v9, _, _ =	vpop (xrf0)  }
0x1f8: {  	p4 =	por $0x0, $0x0;
	v13 =	vbroadcast v17, $0x0;
	(v2sf) =	vpush v9, $0xF;
	v11, _, _ =	vpop (xrf0)  }
.Ltmp4:
0x1f9: {  	(v2sf) =	vpush v11, $0xF;
	v19, _, _ =	vpop (xrf0);
	(pc) =	sbr.rel @p4 .LBB2_5-.Ltmp4, $4  }
0x1fa: {  	v8 =	vadd.s32 v13, v8;
	(v2sf) =	vpush v19, $0xF;
	v16, _, _ =	vpop (xrf0)  }
0x1fb: {  	v8 =	vnsel vm8, $0x0, v8;
	v9 =	vadd.s32 v13, v9;
	(v2sf) =	vpush v16, $0xF;
	v12, _, _ =	vpop (xrf0)  }
0x1fc: {  	v8 =	vsel vm7, v9, v8;
	v9 =	vadd.s32 v13, v11;
	(v2sf) =	vpush v12, $0xF;
	v15, _, _ =	vpop (xrf0)  }
0x1fd: {  	s19 =	simm.s32 $0x10;
	p2 =	por $0x1, $0x1;
	v18 =	vsel vm6, v9, v8;
	v19 =	vadd.s32 v13, v19;
	(v2sf) =	vpush v15, $0xF  }
0x1fe: {  	_ = 	snop  }
0x1ff: {  	v11 =	vld [tilespmem:s19+$0x0];
	_ =	sdelay $0x1  }
0x200: {  	v8 =	vsel vm4, v19, v18;
	v9 =	vadd.s32 v13, v16  }
0x201: {  	v8 =	vsel vm3, v9, v8;
	v9 =	vadd.s32 v13, v12  }
0x202: {  	vm6 =	vmmov vm1;
	v12 =	vadd.s32 v13, v15;
	v9 =	vsel vm5, v9, v8  }
0x203: {  	v8 =	vadd.s32 v13, v10;
	v9 =	vsel vm2, v12, v9;
	vm9 =	veq.s32 v11, $0x0  }
0x204: {  	vm8 =	veq.s32 v11, $0x1;
	vm1 =	veq.s32 v11, $0x7;
	vm7 =	veq.s32 v11, $0x2;
	s2 =	spop (v2sf)  }
0x205: {  	vm4 =	veq.s32 v11, $0x3;
	vm3 =	veq.s32 v11, $0x4;
	v13 =	vsel vm1, $0x1, v1;
	s18 =	spop (v2sf)  }
0x206: {  	vm5 =	veq.s32 v11, $0x5;
	vm2 =	veq.s32 v11, $0x6;
	v10 =	vsel vm9, $0x1, v1;
	(xrf0) =	vadd.scan.msk.s32 $0xffff, v13;
	s21 =	sadd.s32 $0x0, s2;
	s20 =	spop (v2sf)  }
0x207: {  	v12 =	vsel vm8, $0x1, v1;
	v14 =	vsel vm4, $0x1, v1;
	v13 =	vsel vm7, $0x1, v1;
	(xrf0) =	vadd.scan.msk.s32 $0xffff, v10;
	s25 =	sadd.s32 $0x0, s18;
	s24 =	sadd.s32 $0x0, s20;
	s22 =	spop (v2sf)  }
0x208: {  	v10 =	vmov s21;
	(xrf0) =	vadd.scan.msk.s32 $0xffff, v12;
	v11 =	vmov s25;
	v17 =	vmov s24;
	s23 =	spop (v2sf)  }
0x209: {  	(xrf0) =	vadd.scan.msk.s32 $0xffff, v13;
	v13 =	vadd.s32 $0xFFFFFFFF, v11;
	v11 =	vadd.s32 $0xFFFFFFFF, v10;
	v10 =	vadd.s32 $0xFFFFFFFF, v17;
	s23 =	sadd.s32 $0x0, s23  }
0x20a: {  	v15 =	vsel vm3, $0x1, v1;
	(xrf0) =	vadd.scan.msk.s32 $0xffff, v14;
	s22 =	sadd.s32 $0x0, s22;
	v17 =	vmov s23  }
0x20b: {  	v16 =	vsel vm2, $0x1, v1;
	v12 =	vsel vm5, $0x1, v1;
	v14 =	vmov s22;
	(xrf0) =	vadd.scan.msk.s32 $0xffff, v15  }
0x20c: {  	v13 =	vbroadcast v13, $0x0;
	s26 =	spop (v2sf);
	v15 =	vbroadcast v10, $0x0;
	v14 =	vadd.s32 $0xFFFFFFFF, v14;
	(xrf0) =	vadd.scan.msk.s32 $0xffff, v12;
	v10, _, _ =	vpop (xrf0)  }
0x20d: {  	s2 =	sadd.s32 $0x0, s26;
	v12 =	vbroadcast v14, $0x0;
	v14 =	vadd.s32 $0xFFFFFFFF, v17;
	(xrf0) =	vadd.scan.msk.s32 $0xffff, v16;
	v17, _, _ =	vpop (xrf0);
	(v2sf) =	vpush v10, $0xF  }
0x20e: {  	s4 =	spop (v2sf);
	v16 =	vmov s2;
	v13 =	vadd.s32 v13, v17;
	(v2sf) =	vpush v17, $0xF;
	v17, _, _ =	vpop (xrf0)  }
0x20f: {  	p4 =	por $0x0, $0x0;
	s4 =	sadd.s32 $0x0, s4;
	v13 =	vnsel vm9, $0x0, v13;
	v15 =	vadd.s32 v15, v17;
	(v2sf) =	vpush v17, $0xF;
	v17, _, _ =	vpop (xrf0)  }
.Ltmp5:
0x210: {  	(v2sf) =	vpush v17, $0xF;
	v20, _, _ =	vpop (xrf0);
	v18 =	vsel vm8, v15, v13;
	v15 =	vmov s4;
	(pc) =	sbr.rel @p4 .LBB2_7-.Ltmp5, $4  }
0x211: {  	s9 =	spop (v2sf);
	v19 =	vbroadcast v14, $0x0;
	v14 =	vadd.s32 $0xFFFFFFFF, v16;
	(v2sf) =	vpush v20, $0xF;
	v16, _, _ =	vpop (xrf0)  }
0x212: {  	s18 =	sadd.s32 $0x0, s9;
	v21 =	vadd.s32 v12, v17;
	v13 =	vbroadcast v14, $0x0;
	(v2sf) =	vpush v16, $0xF;
	v12, _, _ =	vpop (xrf0)  }
0x213: {  	v14 =	vmov s18;
	v17 =	vadd.s32 $0xFFFFFFFF, v15;
	(v2sf) =	vpush v12, $0xF;
	v15, _, _ =	vpop (xrf0)  }
0x214: {  	p3 =	por $0x1, $0x1;
	s26 =	simm.s32 $0x20;
	s9 =	simm.s32 $0xC0;
	v18 =	vsel vm7, v21, v18;
	v19 =	vadd.s32 v19, v20;
	(v2sf) =	vpush v15, $0xF  }
.LBB2_8:
0x215: {  	p4 =	seq.s32 s9, $0x3FC0;
	v20 =	vld [tilespmem:s26+$0x0];
	v18 =	vsel vm4, v19, v18;
	v17 =	vbroadcast v17, $0x0;
	v14 =	vadd.s32 $0xFFFFFFFF, v14  }
0x216: {  	v13 =	vadd.s32 v13, v16;
	v11 =	vbroadcast v11, $0x0;
	v14 =	vbroadcast v14, $0x0  }
0x217: {  	v9 =	vsel vm6, v8, v9;
	v13 =	vsel vm3, v13, v18;
	v12 =	vadd.s32 v17, v12  }
0x218: {  	v8 =	vadd.s32 v11, v10;
	v12 =	vsel vm5, v12, v13;
	v13 =	vadd.s32 v14, v15;
	[tilespmem:s28+$0x2000] =	vst v9;
	s28 =	smov.u32 s19;
	s19 =	smov.u32 s26  }
0x219: {  	vm6 =	vmmov vm1;
	v9 =	vsel vm2, v13, v12  }
0x21a: {  	vm9 =	veq.s32 v20, $0x0;
	vm8 =	veq.s32 v20, $0x1;
	vm1 =	veq.s32 v20, $0x7  }
0x21b: {  	v10 =	vsel vm9, $0x1, v1;
	v11 =	vsel vm8, $0x1, v1;
	v12 =	vsel vm1, $0x1, v1  }
0x21c: {  	vm7 =	veq.s32 v20, $0x2;
	vm4 =	veq.s32 v20, $0x3;
	vm3 =	veq.s32 v20, $0x4;
	(xrf0) =	vadd.scan.msk.s32 $0xffff, v12;
	s26 =	spop (v2sf)  }
0x21d: {  	v13 =	vsel vm4, $0x1, v1;
	v14 =	vsel vm3, $0x1, v1;
	v12 =	vsel vm7, $0x1, v1;
	(xrf0) =	vadd.scan.msk.s32 $0xffff, v10;
	s21 =	sadd.s32 s21, s26;
	s26 =	spop (v2sf)  }
0x21e: {  	vm5 =	veq.s32 v20, $0x5;
	vm2 =	veq.s32 v20, $0x6;
	v10 =	vmov s21;
	(xrf0) =	vadd.scan.msk.s32 $0xffff, v11;
	s25 =	sadd.s32 s25, s26;
	s26 =	spop (v2sf)  }
0x21f: {  	v15 =	vsel vm5, $0x1, v1;
	v16 =	vsel vm2, $0x1, v1;
	v11 =	vmov s25;
	(xrf0) =	vadd.scan.msk.s32 $0xffff, v12;
	s24 =	sadd.s32 s24, s26;
	s26 =	spop (v2sf)  }
0x220: {  	v12 =	vadd.s32 $0xFFFFFFFF, v11;
	v17 =	vmov s24;
	v11 =	vadd.s32 $0xFFFFFFFF, v10;
	(xrf0) =	vadd.scan.msk.s32 $0xffff, v13;
	s22 =	sadd.s32 s22, s26;
	s26 =	spop (v2sf)  }
0x221: {  	v12 =	vbroadcast v12, $0x0;
	v18 =	vadd.s32 $0xFFFFFFFF, v17;
	v13 =	vmov s22;
	(xrf0) =	vadd.scan.msk.s32 $0xffff, v14;
	s23 =	sadd.s32 s23, s26;
	s26 =	spop (v2sf)  }
0x222: {  	v14 =	vbroadcast v18, $0x0;
	v13 =	vadd.s32 $0xFFFFFFFF, v13;
	v18 =	vmov s23;
	(xrf0) =	vadd.scan.msk.s32 $0xffff, v15;
	v10, _, _ =	vpop (xrf0);
	s2 =	sadd.s32 s2, s26;
	s26 =	spop (v2sf)  }
0x223: {  	v13 =	vbroadcast v13, $0x0;
	v15 =	vadd.s32 $0xFFFFFFFF, v18;
	v17, _, _ =	vpop (xrf0);
	(xrf0) =	vadd.scan.msk.s32 $0xffff, v16;
	(v2sf) =	vpush v10, $0xF;
	s4 =	sadd.s32 s4, s26;
	s26 =	spop (v2sf)  }
0x224: {  	v16 =	vmov s2;
	v12 =	vadd.s32 v12, v17;
	(v2sf) =	vpush v17, $0xF;
	v17, _, _ =	vpop (xrf0);
	s18 =	sadd.s32 s18, s26  }
0x225: {  	v12 =	vnsel vm9, $0x0, v12;
	v14 =	vadd.s32 v14, v17;
	(v2sf) =	vpush v17, $0xF;
	v17, _, _ =	vpop (xrf0)  }
.Ltmp6:
0x226: {  	v19 =	vbroadcast v15, $0x0;
	v15 =	vadd.s32 $0xFFFFFFFF, v16;
	(v2sf) =	vpush v17, $0xF;
	v20, _, _ =	vpop (xrf0);
	(pc) =	sbr.rel @!p4 .LBB2_8-.Ltmp6, $4  }
0x227: {  	v18 =	vsel vm8, v14, v12;
	v14 =	vmov s4;
	(v2sf) =	vpush v20, $0xF;
	v16, _, _ =	vpop (xrf0)  }
0x228: {  	v21 =	vadd.s32 v13, v17;
	v13 =	vbroadcast v15, $0x0;
	(v2sf) =	vpush v16, $0xF;
	v12, _, _ =	vpop (xrf0)  }
0x229: {  	v17 =	vadd.s32 $0xFFFFFFFF, v14;
	v14 =	vmov s18;
	(v2sf) =	vpush v12, $0xF;
	v15, _, _ =	vpop (xrf0)  }
0x22a: {  	s26 =	sshra.s32 s9, $0x2;
	s9 =	sadd.s32 $0x40, s9;
	v18 =	vsel vm7, v21, v18;
	v19 =	vadd.s32 v19, v20;
	(v2sf) =	vpush v15, $0xF  }
0x22b: {  	s1 =	smov.u32 s28;
	s28 =	smov.u32 s19  }
.LBB2_10:
0x22c: {  	v20 =	vld [tilespmem:s26+$0x0];
	_ =	sdelay $0x4  }
0x22d: {  	vm7 =	veq.s32 v20, $0x7  }
0x22e: {  	vm14 =	veq.s32 v20, $0x0;
	v21 =	vsel vm7, $0x1, v1  }
0x22f: {  	vm13 =	veq.s32 v20, $0x1;
	v22 =	vsel vm14, $0x1, v1;
	(xrf0) =	vadd.scan.msk.s32 $0xffff, v21  }
0x230: {  	vm12 =	veq.s32 v20, $0x2;
	v35 =	vsel vm13, $0x1, v1;
	(xrf0) =	vadd.scan.msk.s32 $0xffff, v22  }
0x231: {  	v18 =	vsel @p2 vm4, v19, v18;
	vm11 =	veq.s32 v20, $0x3;
	v36 =	vsel vm12, $0x1, v1;
	(xrf0) =	vadd.scan.msk.s32 $0xffff, v35  }
0x232: {  	v13 =	vadd.s32 @p2 v13, v16;
	vm10 =	veq.s32 v20, $0x4;
	v37 =	vsel vm11, $0x1, v1;
	(xrf0) =	vadd.scan.msk.s32 $0xffff, v36  }
0x233: {  	v17 =	vbroadcast @p2 v17, $0x0;
	vm9 =	veq.s32 v20, $0x5;
	v38 =	vsel vm10, $0x1, v1;
	(xrf0) =	vadd.scan.msk.s32 $0xffff, v37  }
0x234: {  	v8 =	vsel @p3 vm6, v8, v9;
	vm8 =	veq.s32 v20, $0x6;
	v39 =	vsel vm9, $0x1, v1;
	(xrf0) =	vadd.scan.msk.s32 $0xffff, v38  }
0x235: {  	v9 =	vadd.s32 @p2 $0xFFFFFFFF, v14;
	v11 =	vbroadcast @p2 v11, $0x0;
	v40 =	vsel vm8, $0x1, v1;
	(xrf0) =	vadd.scan.msk.s32 $0xffff, v39;
	v41, _, _ =	vpop (xrf0)  }
0x236: {  	vm1 =	vmmov @p2 vm1;
	v13 =	vsel @p2 vm3, v13, v18;
	s20 =	spop @p2 (v2sf);
	(xrf0) =	vadd.scan.msk.s32 $0xffff, v40;
	v42, _, _ =	vpop (xrf0);
	(v2sf) =	vpush v41, $0xF  }
0x237: {  	v9 =	vbroadcast @p2 v9, $0x0;
	vm1 =	vmmov @p2 vm1;
	s19 =	spop @p2 (v2sf);
	(v2sf) =	vpush v42, $0xF;
	v43, _, _ =	vpop (xrf0)  }
0x238: {  	v12 =	vadd.s32 @p2 v17, v12;
	v10 =	vadd.s32 @p2 v11, v10;
	s25 =	sadd.s32 @p2 s25, s19;
	s19 =	simm.s32 $0x0;
	s9 =	spop @p2 (v2sf);
	(v2sf) =	vpush v43, $0xF;
	v44, _, _ =	vpop (xrf0)  }
0x239: {  	v12 =	vsel @p2 vm5, v12, v13;
	v9 =	vadd.s32 @p2 v9, v15;
	s19 =	smov.u32 @p2 s25;
	s9 =	sadd.s32 @p2 s24, s9;
	s24 =	simm.s32 $0x0;
	(v2sf) =	vpush v44, $0xF;
	v45, _, _ =	vpop (xrf0)  }
0x23a: {  	v10 =	vpsel p2, v10, v0;
	v9 =	vsel @p2 vm2, v9, v12;
	s24 =	smov.u32 @p2 s9;
	s9 =	sadd.s32 @p2 s21, s20;
	s21 =	simm.s32 $0x0;
	(v2sf) =	vpush v45, $0xF;
	v47, _, _ =	vpop (xrf0)  }
0x23b: {  	s5 =	simm.s32 $0x0;
	v9 =	vpsel p2, v9, v0;
	v46 =	vmov s19;
	s20 =	spop @p2 (v2sf);
	s21 =	smov.u32 @p2 s9;
	(v2sf) =	vpush v47, $0xF;
	v48, _, _ =	vpop (xrf0)  }
0x23c: {  	v13 =	vadd.s32 $0xFFFFFFFF, v46;
	v49 =	vmov s24;
	s9 =	spop @p2 (v2sf);
	s20 =	sadd.s32 @p2 s22, s20;
	s22 =	simm.s32 $0x0;
	(v2sf) =	vpush v48, $0xF;
	v50, _, _ =	vpop (xrf0)  }
0x23d: {  	v13 =	vbroadcast v13, $0x0;
	v21 =	vadd.s32 $0xFFFFFFFF, v49;
	s25 =	spop @p2 (v2sf);
	s5 =	smov.u32 @p2 s20;
	s9 =	sadd.s32 @p2 s23, s9;
	(v2sf) =	vpush v50, $0xF  }
0x23e: {  	v54 =	vmov s21;
	v52 =	vbroadcast v21, $0x0;
	v55 =	vmov s5;
	s22 =	smov.u32 @p2 s9;
	s2 =	sadd.s32 @p2 s2, s25;
	s9 =	simm.s32 $0x0  }
0x23f: {  	s20 =	spop @p2 (v2sf);
	v12 =	vadd.s32 $0xFFFFFFFF, v54;
	v16 =	vadd.s32 $0xFFFFFFFF, v55;
	v56 =	vmov s22;
	s9 =	smov.u32 @p2 s2  }
0x240: {  	s4 =	sadd.s32 @p2 s4, s20;
	s20 =	simm.s32 $0x0;
	v51 =	vadd.s32 v13, v42;
	v16 =	vbroadcast v16, $0x0;
	v57 =	vmov s9  }
0x241: {  	s2 =	spop @p2 (v2sf);
	s20 =	smov.u32 @p2 s4;
	v53 =	vnsel vm14, $0x0, v51;
	v13 =	vadd.s32 v52, v43;
	v18 =	vadd.s32 $0xFFFFFFFF, v57  }
0x242: {  	s25 =	simm.s32 $0x0;
	s2 =	sadd.s32 @p2 s18, s2;
	v58 =	vmov s20;
	v11 =	vsel vm13, v13, v53;
	v13 =	vadd.s32 $0xFFFFFFFF, v56  }
0x243: {  	s25 =	smov.u32 @p2 s2;
	v14 =	vadd.s32 v16, v44;
	v18 =	vbroadcast v18, $0x0;
	v13 =	vbroadcast v13, $0x0  }
0x244: {  	v16 =	vadd.s32 $0xFFFFFFFF, v58;
	v59 =	vmov s25;
	v11 =	vsel vm12, v14, v11  }
0x245: {  	v16 =	vbroadcast v16, $0x0;
	v14 =	vadd.s32 $0xFFFFFFFF, v59;
	v13 =	vadd.s32 v13, v45;
	s18 =	spop (v2sf)  }
0x246: {  	v60 =	vadd.s32 v18, v47;
	v14 =	vbroadcast v14, $0x0;
	v11 =	vsel vm11, v13, v11;
	s23 =	spop (v2sf)  }
0x247: {  	v12 =	vbroadcast v12, $0x0;
	v61 =	vadd.s32 v16, v48;
	v11 =	vsel vm10, v60, v11;
	s2 =	sadd.s32 s21, s18;
	s10 =	spop (v2sf);
	s4 =	sadd.s32 s19, s23  }
0x248: {  	v9 =	vsel @p2 vm1, v10, v9;
	v63 =	vadd.s32 v14, v50;
	v62 =	vsel vm9, v61, v11;
	s21 =	spop (v2sf);
	s18 =	sadd.s32 s24, s10;
	s24 =	smov.u32 @p2 s28  }
0x249: {  	[tilespmem:s1+$0x2000] =	vst @p3 v8;
	vm1 =	vmmov vm7;
	v8 =	vadd.s32 v12, v41;
	v10 =	vsel vm8, v63, v62;
	s13 =	spop (v2sf);
	s19 =	sadd.s32 s5, s21;
	s21 =	smov.u32 @p2 s24  }
0x24a: {  	v8 =	vsel vm1, v8, v10;
	s14 =	spop (v2sf);
	[tilespmem:s21+$0x2000] =	vst @p2 v9  }
0x24b: {  	s17 =	spop (v2sf);
	[tilespmem:s26+$0x2000] =	vst v8;
	v8 =	vor.u32 s6, v0  }
0x24c: {  	s24 =	simm.s32 $0x4000;
	s28 =	spop (v2sf);
	v8 =	vand.u32 $0x7FF, v8  }
0x24d: {  	s22 =	sadd.s32 s22, s13;
	s21 =	sadd.s32 s25, s28;
	s25 =	simm.s32 $0x5800;
	[tilespmem:s24+$0x0] =	vst v8  }
0x24e: {  	s23 =	sadd.s32 s9, s14;
	s26 =	simm.s32 $0x10;
	s9 =	sadd.s32 s20, s17;
	[tilespmem:s25+$0x0] =	vst v2  }
.LBB2_11:
0x24f: {  	p2 =	seq.s32 s26, $0x17F0  }
.Ltmp7:
0x250: {  	_ = 	snop;
	(pc) =	sbr.rel @!p2 .LBB2_11-.Ltmp7, $4  }
0x251: {  	v8 =	vor.u32 s26, v0  }
0x252: {  	s24 =	sadd.s32 $0x10, s24;
	v8 =	vand.u32 $0x7FF, v8  }
0x253: {  	s25 =	sadd.s32 $0x10, s25;
	[tilespmem:s24+$0x0] =	vst v8  }
0x254: {  	s26 =	sadd.s32 $0x10, s26;
	[tilespmem:s25+$0x0] =	vst v2  }
0x255: {  	s4 =	sadd.s32 $0xFF, s4;
	s5 =	sadd.s32 $0xFF, s18  }
0x256: {  	s26 =	sadd.s32 $0xFF, s19;
	s4 =	sand.u32 $0xFFFFFF00, s4;
	s5 =	sand.u32 $0xFFFFFF00, s5  }
0x257: {  	s28 =	sadd.s32 $0xFF, s22;
	s18 =	sand.u32 $0xFFFFFF00, s26;
	s5 =	sadd.s32 s4, s5  }
0x258: {  	s20 =	sadd.s32 $0xFF, s23;
	s19 =	sand.u32 $0xFFFFFF00, s28;
	s18 =	sadd.s32 s18, s5  }
0x259: {  	s9 =	sadd.s32 $0xFF, s9;
	s20 =	sand.u32 $0xFFFFFF00, s20;
	s19 =	sadd.s32 s19, s18  }
0x25a: {  	s21 =	sadd.s32 $0xFF, s21;
	s9 =	sand.u32 $0xFFFFFF00, s9;
	s20 =	sadd.s32 s20, s19  }
0x25b: {  	s21 =	sand.u32 $0xFFFFFF00, s21;
	v12 =	vmov s18;
	s18 =	simm.s32 $0x2000;
	s9 =	sadd.s32 s9, s20  }
0x25c: {  	v14 =	vmov s4;
	v16 =	vld [tilespmem:s18+$0x0];
	s4 =	sadd.s32 s21, s9;
	v9 =	vmov s9;
	s9 =	simm.s32 $0x0  }
0x25d: {  	v15 =	vld [tilespmem:s9+$0x0];
	_ =	sdelay $0x2  }
0x25e: {  	v13 =	vmov s5;
	v11 =	vmov s19  }
0x25f: {  	v10 =	vmov s20;
	v8 =	vmov s4;
	v17 =	vor.u32 s9, v0  }
0x260: {  	v17 =	vshrl.u32 v17, $0x1;
	v19 =	vadd.s32 v14, v16;
	vm1 =	veq.s32 v15, $0x0  }
0x261: {  	v20 =	vor.u32 v3, v17;
	v18 =	vnsel vm1, $0x0, v16;
	vm1 =	veq.s32 v15, $0x1  }
0x262: {  	v18 =	vsel vm1, v19, v18;
	vm1 =	veq.s32 v15, $0x2;
	v19 =	vadd.s32 v13, v16  }
0x263: {  	vm2 =	veq.s32 v15, $0x3;
	v18 =	vsel vm1, v19, v18;
	v19 =	vadd.s32 v12, v16  }
0x264: {  	vm1 =	veq.s32 v15, $0x4;
	v18 =	vsel vm2, v19, v18;
	v19 =	vadd.s32 v11, v16  }
0x265: {  	v18 =	vsel vm1, v19, v18;
	vm1 =	veq.s32 v15, $0x5;
	v19 =	vadd.s32 v10, v16  }
0x266: {  	v18 =	vsel vm1, v19, v18;
	vm1 =	veq.s32 v15, $0x6;
	v19 =	vadd.s32 v9, v16  }
0x267: {  	v18 =	vsel vm1, v19, v18;
	vm1 =	veq.s32 v15, $0x7;
	v15 =	vadd.s32 v8, v16  }
0x268: {  	v15 =	vsel vm1, v15, v18;
	_ =	sdelay $0x3  }
0x269: {  	[tilespmem:v20+s29+$0x0] =	vst.idx.msk $0xffff, v15  }
0x26a: {  	s19 =	simm.s32 $0x1000;
	[tilespmem:v15+s30+$0x0] =	vst.idx.msk $0xffff, v17  }
0x26b: {  	s21 =	simm.s32 $0x10;
	v16 =	vld [tilespmem:s19+$0x0]  }
.LBB2_13:
0x26c: {  	_ =	sdelay $0x2  }
0x26d: {  	s9 =	sadd.s32 $0x10, s9;
	s18 =	sadd.s32 $0x10, s18;
	s19 =	sadd.s32 $0x10, s19  }
0x26e: {  	p2 =	sne.s32 s21, $0xFF0;
	s5 =	smov.u32 s21;
	s21 =	sadd.s32 $0x10, s21;
	[tilespmem:v15+s31+$0x0] =	vst.idx.msk $0xffff, v16  }
0x26f: {  	v15 =	vld [tilespmem:s9+$0x0]  }
0x270: {  	v16 =	vld [tilespmem:s18+$0x0];
	_ =	sdelay $0x2  }
0x271: {  	v17 =	vor.u32 s5, v0  }
0x272: {  	v17 =	vshrl.u32 v17, $0x1;
	vm1 =	veq.s32 v15, $0x0;
	vm2 =	veq.s32 v15, $0x3  }
0x273: {  	v18 =	vnsel vm1, $0x0, v16;
	vm1 =	veq.s32 v15, $0x1;
	v19 =	vadd.s32 v14, v16  }
0x274: {  	v18 =	vsel vm1, v19, v18;
	vm1 =	veq.s32 v15, $0x2;
	v19 =	vadd.s32 v13, v16  }
0x275: {  	v20 =	vor.u32 v3, v17;
	v18 =	vsel vm1, v19, v18;
	v19 =	vadd.s32 v12, v16  }
0x276: {  	vm1 =	veq.s32 v15, $0x4;
	v18 =	vsel vm2, v19, v18;
	v19 =	vadd.s32 v11, v16  }
0x277: {  	v18 =	vsel vm1, v19, v18;
	vm1 =	veq.s32 v15, $0x5;
	v19 =	vadd.s32 v10, v16  }
0x278: {  	v18 =	vsel vm1, v19, v18;
	vm1 =	veq.s32 v15, $0x6;
	v19 =	vadd.s32 v9, v16  }
0x279: {  	v18 =	vsel vm1, v19, v18;
	vm1 =	veq.s32 v15, $0x7;
	v15 =	vadd.s32 v8, v16  }
0x27a: {  	v15 =	vsel vm1, v15, v18  }
0x27b: {  	[tilespmem:v20+s29+$0x0] =	vst.idx.msk $0xffff, v15  }
.Ltmp8:
0x27c: {  	(pc) =	sbr.rel @p2 .LBB2_13-.Ltmp8, $3  }
0x27d: {  	_ =	sdelay $0x1  }
0x27e: {  	[tilespmem:v15+s30+$0x0] =	vst.idx.msk $0xffff, v17  }
0x27f: {  	v16 =	vld [tilespmem:s19+$0x0]  }
0x280: {  	vm1 =	vlt.s32 v14, v4;
	vm2 =	vlt.s32 v13, v4  }
0x281: {  	v17 =	vsel vm1, $0x1, v1;
	v18 =	vsel vm2, $0x1, v1;
	vm1 =	vlt.s32 v12, v4  }
0x282: {  	vm2 =	vlt.s32 v10, v4;
	v19 =	vsel vm1, $0x1, v1;
	vm1 =	vlt.s32 v11, v4  }
0x283: {  	v21 =	vsel vm2, $0x1, v1;
	v20 =	vsel vm1, $0x1, v1;
	vm1 =	vlt.s32 v9, v4  }
0x284: {  	v17 =	vadd.s32 v17, v18;
	v49 =	vsel vm1, $0x1, v1;
	vm1 =	vlt.s32 v8, v4  }
0x285: {  	v17 =	vadd.s32 v19, v17;
	v50 =	vsel vm1, $0x1, v1;
	vm1 =	vlt.s32 v14, v5  }
0x286: {  	v51 =	vadd.s32 v20, v17;
	v52 =	vsel vm1, $0x1, v1;
	vm1 =	vlt.s32 v13, v5  }
0x287: {  	v53 =	vadd.s32 v21, v51;
	v54 =	vsel vm1, $0x1, v1;
	vm1 =	vlt.s32 v12, v5  }
0x288: {  	v55 =	vadd.s32 v52, v54;
	v56 =	vsel vm1, $0x1, v1;
	vm1 =	vlt.s32 v11, v5  }
0x289: {  	v57 =	vadd.s32 v56, v55;
	v58 =	vsel vm1, $0x1, v1;
	vm1 =	vlt.s32 v10, v5  }
0x28a: {  	s2 =	sadd.s32 $0xFF, s2;
	v59 =	vadd.s32 v58, v57;
	v60 =	vsel vm1, $0x1, v1;
	vm1 =	vlt.s32 v9, v5  }
0x28b: {  	s2 =	sand.u32 $0xFFFFFF00, s2;
	v61 =	vadd.s32 v60, v59;
	v62 =	vsel vm1, $0x1, v1;
	vm1 =	vlt.s32 v8, v5  }
0x28c: {  	s2 =	sadd.s32 s2, s4;
	v8 =	vadd.s32 v49, v53;
	v9 =	vadd.s32 v62, v61;
	v63 =	vsel vm1, $0x1, v1  }
0x28d: {  	s2 =	sshrl.u32 s2, $0x8;
	[tilespmem:v15+s31+$0x0] =	vst.idx.msk $0xffff, v16;
	v8 =	vadd.s32 v50, v8;
	vm1 =	veq.s32 v0, $0x8;
	v9 =	vadd.s32 v63, v9  }
0x28e: {  	[tilespmem:$0x7000] =	vst v8;
	v8 =	vsel vm1, s2, v9  }
0x28f: {  	s26 =	rddreg [dreg:$0x2];
	s28 =	simm.s32 $0xA;
	[tilespmem:$0x7010] =	vst v8  }
0x290: {  	[spmem:s26] =	stream.linear.scatter [tilespmem:s30], [sflag:$0xA], $0x1800, $0x38;
	[tilespmem:$0x13300] =	vst v63  }
0x291: {  	_ =	swait.ge [sflag:s28], $0x1800  }
0x292: {  	s4 =	simm.s32 @!p1 $0x3000;
	[sflag:s28] =	ssyncset.done $0x0  }
0x293: {  	s2 =	simm.s32 @!p1 $0x0;
	s5 =	rddreg [dreg:$0x6];
	[sflag:s28] =	ssyncadd.s32 $0xFFFFE800  }
0x294: {  	[hbm4b:s5+s2] =	stream.linear.scatter @!p1 [tilespmem:s4], [sflag:$0xA], $0x1000, $0x38;
	[tilespmem:$0x13300] =	vst v63  }
0x295: {  	s4 =	simm.s32 @!p1 $0xA  }
0x296: {  	_ =	swait.ge @!p1 [sflag:s4], $0x1000  }
0x297: {  	[sflag:s4] =	ssyncset.done @!p1 $0x0  }
0x298: {  	s5 =	simm.s32 @!p1 $0x5800;
	s9 =	rddreg [dreg:$0x7];
	[sflag:s4] =	ssyncadd.s32 @!p1 $0xFFFFF000  }
0x299: {  	[hbm4b:s9+s2] =	stream.linear.scatter @!p1 [tilespmem:s5], [sflag:$0xA], $0x1800, $0x38;
	[tilespmem:$0x13300] =	vst v63  }
0x29a: {  	_ =	swait.ge @!p1 [sflag:s4], $0x1800  }
0x29b: {  	s5 =	simm.s32 @!p1 $0x7000;
	[sflag:s4] =	ssyncset.done @!p1 $0x0  }
.Ltmp9:
0x29c: {  	s9 =	rddreg [dreg:$0x8];
	[sflag:s4] =	ssyncadd.s32 @!p1 $0xFFFFE800;
	(pc) =	sbr.rel .LBB2_15-.Ltmp9, $4  }
0x29d: {  	[hbm4b:s9+s2] =	stream.linear.scatter @!p1 [tilespmem:s5], [sflag:$0xA], $0x80, $0x38;
	[tilespmem:$0x13300] =	vst v63  }
0x29e: {  	_ =	swait.ge @!p1 [sflag:s4], $0x80  }
0x29f: {  	[sflag:s4] =	ssyncset.done @!p1 $0x0  }
0x2a0: {  	[sflag:s4] =	ssyncadd.s32 @!p1 $0xFFFFFF80;
	s4 =	smov.u32 s0  }
.LBB2_3:
.Ltmp10:
0x2a1: {  	(pc) =	sbr.rel .LBB2_10-.Ltmp10, $4  }
0x2a2: {  	_ = 	snop  }
0x2a3: {  	s26 =	simm.s32 $0x0;
	s21 =	simm.s32 $0x0;
	s25 =	simm.s32 $0x0  }
0x2a4: {  	s24 =	simm.s32 $0x0;
	s22 =	simm.s32 $0x0;
	s23 =	simm.s32 $0x0  }
0x2a5: {  	s2 =	simm.s32 $0x0;
	s4 =	simm.s32 $0x0;
	s18 =	simm.s32 $0x0  }
.LBB2_5:
.Ltmp11:
0x2a6: {  	(pc) =	sbr.rel .LBB2_10-.Ltmp11, $4  }
0x2a7: {  	_ = 	snop  }
0x2a8: {  	s26 =	simm.s32 $0x10;
	s21 =	simm.s32 $0x0;
	s25 =	simm.s32 $0x0  }
0x2a9: {  	s24 =	simm.s32 $0x0;
	s22 =	simm.s32 $0x0;
	s23 =	simm.s32 $0x0  }
0x2aa: {  	v11 =	vmov v17;
	s2 =	simm.s32 $0x0;
	s4 =	simm.s32 $0x0;
	s18 =	simm.s32 $0x0  }
.LBB2_7:
.Ltmp12:
0x2ab: {  	(pc) =	sbr.rel .LBB2_10-.Ltmp12, $2  }
0x2ac: {  	_ =	sdelay $0x2  }
0x2ad: {  	s1 =	simm.s32 $0x0;
	s28 =	simm.s32 $0x10  }
.LBB2_16:
0x2ae: {  	_ =	sfence.sel $0x180000  }
0x2af: {  	[bflag:$0x0] =	sbarrier.arrive $0xFFFF  }
0x2b0: {  	_ =	strace $0x90000047  }
0x2b1: {  	[bflag:$0x2] =	sbarrier.arrive $0xFFFF  }
0x2b2: {  	s0 =	rddreg [dreg:$0x3]  }
0x2b3: {  	s0 =	sadd.s32 @!p0 $0x100000, s0  }
0x2b4: {  	[sflag:s0] =	ssyncadd.tile.s32 @!p0 $0x1;
	_ =	shalt  }
.Lfunc_end2:
_tile_overlayer_lowered:
.L_overlay_start_2:
0x2b5: {  	(tag) =	ssettag $0x2  }
0x2b6: {  	s0 =	rddreg [dreg:$0x0];
	s2 =	stileid.u32  }
0x2b7: {  	s1 =	rddreg [dreg:$0x1];
	p0 =	sne.s32 s2, $0x0  }
0x2b8: {  	s3 =	rddreg [dreg:$0x2];
	[bflag:$0x3] =	sbarrier.arrive $0xFFFF;
	s2 =	simm.s32 @!p0 $0x1C0A  }
0x2b9: {  	[timem:s3], [sflag:s2] =	dma.local @!p0 [hbm:s0], s1  }
0x2ba: {  	s0 =	simm.s32 @!p0 $0xA  }
0x2bb: {  	_ =	swait.ge @!p0 [sflag:s0], s1  }
0x2bc: {  	s1 =	ssub.s32 @!p0 $0x0, s1;
	[sflag:s0] =	ssyncset.done @!p0 $0x0  }
0x2bd: {  	[sflag:s0] =	ssyncadd.s32 @!p0 s1  }
0x2be: {  	[bflag:$0x3] =	sbarrier.arrive $0xFFFF  }
0x2bf: {  	_ =	shalt  }

// kernel: _moe.9.cloned.1.call-start
scs
__scs_entry_jumppad:
0x0: {  	(pc) =	sbr.rel $0x88, $3  }
0x1: {  	(tag) =	ssettag $0x0;
	lr =	simm.s32 $0x1  }
0x2: {  	[smem:$0x3F9C] =	sst lr;
	_ =	strace $0xD0000000  }
0x3: {  	_ = 	snop  }
0x4: {  	_ = 	snop  }
0x5: {  	_ = 	snop  }
0x6: {  	_ = 	snop  }
0x7: {  	_ = 	snop  }
__scs_overlays_trampoline_lowered:
0x8: {  	[smem:$0x3FAB] =	sst s0  }
0x9: {  	[smem:$0x3FAC] =	sst s1  }
0xa: {  	[smem:$0x3FAD] =	sst s2  }
0xb: {  	[smem:$0x3FAE] =	sst s3  }
0xc: {  	[smem:$0x3FAF] =	sst s4  }
0xd: {  	[smem:$0x3FB0] =	sst s5  }
0xe: {  	[smem:$0x3FB1] =	sst s6  }
0xf: {  	[smem:$0x3FB2] =	sst s7  }
0x10: {  	[smem:$0x3FB3] =	sst s8  }
0x11: {  	[smem:$0x3FB4] =	sst s9;
	s0 =	simm.s32 @!p0 $0x0  }
0x12: {  	s1 =	sld [smem:$0x3F9A];
	s0 =	simm.s32 @p0 $0x1  }
0x13: {  	[smem:$0x3FB5] =	sst s0;
	s0 =	simm.s32 @!p1 $0x0  }
0x14: {  	s2 =	sld [smem:$0x3F99];
	s0 =	simm.s32 @p1 $0x1  }
0x15: {  	[smem:$0x3FB6] =	sst s0;
	s0 =	simm.s32 @!p2 $0x0  }
0x16: {  	s3 =	sld [smem:$0x3FDB];
	s0 =	simm.s32 @p2 $0x1  }
0x17: {  	s4 =	simm.s32 $0x1BF5;
	[smem:$0x3FB8] =	sst s0  }
0x18: {  	s0 =	sld [smem:$0x3F9B];
	_ =	swait.ge [sflag:s4], $0x0  }
0x19: {  	s7 =	sld [smem:$0x3F9C]  }
0x1a: {  	s8 =	sadd.s32 $0xFFFFE003, lr  }
0x1b: {  	s9 =	sadd.s32 $0xFFFFFEF7, lr;
	s5 =	simm.s32 $0xFFFFFFFF;
	p2 =	slt.u32 s8, $0xFFFFF086  }
0x1c: {  	p1 =	slt.u32 s9, $0xF7A;
	s5 =	simm.s32 @!p2 $0x0  }
0x1d: {  	s5 =	simm.s32 @p1 $0x1;
	p0 =	seq.s32 s7, s2  }
0x1e: {  	s7 =	smul.u32 @!p0 $0xF7A, s2;
	p2 =	seq.s32 @!p0 s5, $0x0  }
0x1f: {  	s9 =	smul.u32 $0xF7A, s1;
	s8 =	simm.s32 @!p0 $0x1BF5;
	p2 =	por !p2, p0  }
0x20: {  	[sflag:s8] =	ssyncset.s32 @!p0 $0xFFFFF086;
	s6 =	sadd.s32 @!p0 s3, s7;
	s7 =	simm.s32 @!p0 $0x108  }
0x21: {  	s3 =	sadd.s32 s3, s9;
	s6 =	sadd.s32 @!p0 $0x88, s6;
	s7 =	simm.s32 @p2 $0x1082  }
0x22: {  	[simem:s7], [sflag:s8] =	dma.local @!p0 [hbm:s6], $0xF7A  }
0x23: {  	s9 =	sor.u32 $0xD0000000, s2;
	s6 =	simm.s32 $0x108;
	_ =	swait.ge @!p0 [sflag:s8], $0x0  }
0x24: {  	s3 =	sadd.s32 $0x88, s3;
	s6 =	simm.s32 @!p1 $0x1082;
	[sflag:s4] =	ssyncset.s32 $0xFFFFF086  }
0x25: {  	[simem:s6], [sflag:s4] =	dma.local [hbm:s3], $0xF7A  }
0x26: {  	[smem:$0x3F9C] =	sst s1;
	(tag) =	ssettag s2;
	_ =	strace s9  }
0x27: {  	s1 =	sld [smem:$0x3FAC]  }
0x28: {  	s2 =	sld [smem:$0x3FAD]  }
0x29: {  	s4 =	sld [smem:$0x3FAF]  }
0x2a: {  	p0 =	seq.s32 s5, $0x0;
	s5 =	sld [smem:$0x3FB0]  }
0x2b: {  	s6 =	sld [smem:$0x3FB1]  }
0x2c: {  	s7 =	sld [smem:$0x3FB2]  }
0x2d: {  	s3 =	simm.s32 $0x108;
	s8 =	sld [smem:$0x3FB3]  }
0x2e: {  	s3 =	simm.s32 @!p0 $0x1082;
	s9 =	sld [smem:$0x3FB4]  }
0x2f: {  	lr =	sadd.s32 s0, s3;
	s0 =	sld [smem:$0x3FAB]  }
0x30: {  	s3 =	sld [smem:$0x3FAE]  }
0x31: {  	[smem:$0x3FB7] =	sst s10  }
0x32: {  	s10 =	sld [smem:$0x3FB5];
	_ =	sdelay $0x3  }
0x33: {  	p0 =	seq.s32 s10, $0x1;
	s10 =	sld [smem:$0x3FB7];
	_ =	sdelay $0x3  }
0x34: {  	[smem:$0x3FB7] =	sst s10  }
0x35: {  	s10 =	sld [smem:$0x3FB6];
	_ =	sdelay $0x3  }
0x36: {  	p1 =	seq.s32 s10, $0x1;
	s10 =	sld [smem:$0x3FB7];
	_ =	sdelay $0x3  }
0x37: {  	[smem:$0x3FB7] =	sst s10  }
0x38: {  	s10 =	sld [smem:$0x3FB8]  }
0x39: {  	_ = 	snop;
	(pc) =	sbr.ind lr, $3  }
0x3a: {  	_ = 	snop  }
0x3b: {  	_ = 	snop  }
0x3c: {  	p2 =	seq.s32 s10, $0x1;
	s10 =	sld [smem:$0x3FB7]  }
0x3d: {  	_ =	shalt  }
0x3e: {  	_ =	shalt  }
0x3f: {  	_ =	shalt  }
0x40: {  	_ =	shalt  }
0x41: {  	_ =	shalt  }
0x42: {  	_ =	shalt  }
0x43: {  	_ =	shalt  }
0x44: {  	_ =	shalt  }
0x45: {  	_ =	shalt  }
0x46: {  	_ =	shalt  }
0x47: {  	_ =	shalt  }
0x48: {  	_ =	shalt  }
0x49: {  	_ =	shalt  }
0x4a: {  	_ =	shalt  }
0x4b: {  	_ =	shalt  }
0x4c: {  	_ =	shalt  }
0x4d: {  	_ =	shalt  }
0x4e: {  	_ =	shalt  }
0x4f: {  	_ =	shalt  }
0x50: {  	_ =	shalt  }
0x51: {  	_ =	shalt  }
0x52: {  	_ =	shalt  }
0x53: {  	_ =	shalt  }
0x54: {  	_ =	shalt  }
0x55: {  	_ =	shalt  }
0x56: {  	_ =	shalt  }
0x57: {  	_ =	shalt  }
0x58: {  	_ =	shalt  }
0x59: {  	_ =	shalt  }
0x5a: {  	_ =	shalt  }
0x5b: {  	_ =	shalt  }
0x5c: {  	_ =	shalt  }
0x5d: {  	_ =	shalt  }
0x5e: {  	_ =	shalt  }
0x5f: {  	_ =	shalt  }
0x60: {  	_ =	shalt  }
0x61: {  	_ =	shalt  }
0x62: {  	_ =	shalt  }
0x63: {  	_ =	shalt  }
0x64: {  	_ =	shalt  }
0x65: {  	_ =	shalt  }
0x66: {  	_ =	shalt  }
0x67: {  	_ =	shalt  }
0x68: {  	_ =	shalt  }
0x69: {  	_ =	shalt  }
0x6a: {  	_ =	shalt  }
0x6b: {  	_ =	shalt  }
0x6c: {  	_ =	shalt  }
0x6d: {  	_ =	shalt  }
0x6e: {  	_ =	shalt  }
0x6f: {  	_ =	shalt  }
0x70: {  	_ =	shalt  }
0x71: {  	_ =	shalt  }
0x72: {  	_ =	shalt  }
0x73: {  	_ =	shalt  }
0x74: {  	_ =	shalt  }
0x75: {  	_ =	shalt  }
0x76: {  	_ =	shalt  }
0x77: {  	_ =	shalt  }
0x78: {  	_ =	shalt  }
0x79: {  	_ =	shalt  }
0x7a: {  	_ =	shalt  }
0x7b: {  	_ =	shalt  }
0x7c: {  	_ =	shalt  }
0x7d: {  	_ =	shalt  }
0x7e: {  	_ =	shalt  }
0x7f: {  	_ =	shalt  }
0x80: {  	_ =	shalt  }
0x81: {  	_ =	shalt  }
0x82: {  	_ =	shalt  }
0x83: {  	_ =	shalt  }
0x84: {  	_ =	shalt  }
0x85: {  	_ =	shalt  }
0x86: {  	_ =	shalt  }
0x87: {  	_ =	shalt  }
.Lfunc_end0:
.L_simem_size_0:
called_computation.1_lowered:
.L_overlay_start_0:
0x88: {  	s2 =	sld [smem:$0x3FD9]  }
0x89: {  	s3 =	sld [smem:$0x3FFE];
	_ =	sdelay $0x1  }
0x8a: {  	s1 =	srdreg.scid  }
0x8b: {  	s0 =	sand.u32 $0x1, s1  }
0x8c: {  	s17 =	sshll.u32 s0, $0xA;
	s2 =	sadd.s32 s3, s2  }
0x8d: {  	s2 =	sadd.s32 s2, s17  }
0x8e: {  	[smem:$0x3FC3] =	sst s2  }
0x8f: {  	_ = 	snop  }
0x90: {  	s2 =	sld [smem:$0x3FD0];
	(tm) =	ssettm $0x1  }
0x91: {  	s18 =	sld [smem:$0x3FFB];
	_ =	sdelay $0x3  }
0x92: {  	_ =	strace s18  }
0x93: {  	s3 =	sld [smem:$0x3FFC];
	_ =	sdelay $0x3  }
0x94: {  	_ =	strace s3  }
0x95: {  	s3 =	sld [smem:$0x3FFD];
	_ =	sdelay $0x3  }
0x96: {  	_ =	strace s3  }
0x97: {  	_ =	strace $0x8FFFFFFF  }
0x98: {  	s19 =	sld [smem:$0x3FDB];
	_ =	sdelay $0x1  }
0x99: {  	s4 =	simm.s32 $_scs_section_size  }
0x9a: {  	s5 =	simm.s32 $_size__tile_overlayer_lowered;
	s6 =	simm.s32 $_tile_overlayer_lowered  }
0x9b: {  	s22 =	simm.s32 $0x1BFF;
	s21 =	sshll.u32 s6, $0x1;
	s3 =	sadd.s32 s4, s19  }
0x9c: {  	s7 =	simm.s32 $0x0;
	s20 =	sshll.u32 s5, $0x1;
	s5 =	sadd.s32 s21, s3  }
0x9d: {  	[timem:s7], [sflag:s22] =	dma.local [hbm:s5], s20  }
0x9e: {  	_ =	swait.ge [sflag:s22], s20  }
0x9f: {  	s4 =	ssub.s32 $0x0, s20;
	[sflag:s22] =	ssyncset.done $0x0  }
0xa0: {  	[sflag:s22] =	ssyncadd.s32 s4;
	_ =	sdelay $0x1  }
0xa1: {  	s23 =	simm.s32 $0x1B8B  }
0xa2: {  	_ =	swait.ge [sflag:s23], $0x1  }
0xa3: {  	[sflag:s23] =	ssyncset.done $0x0  }
0xa4: {  	s25 =	simm.s32 $0x1B8E;
	s24 =	sld [smem:$0x3FFE];
	[sflag:s23] =	ssyncadd.s32 $0xFFFFFFFF  }
0xa5: {  	s26 =	simm.s32 $execute0_lowered;
	[smem:$0x3FD2] =	sst s25  }
0xa6: {  	s5 =	sshll.u32 s26, $0x1;
	_ =	strace $0x80000049;
	[dreg:$0x1] =	wrdreg $0xFFFFFFFF  }
0xa7: {  	s28 =	simm.s32 $_size_execute0_lowered;
	s3 =	sadd.s32 s3, s5;
	[dreg:$0x0] =	wrdreg $0x0  }
0xa8: {  	s5 =	sshll.u32 s28, $0x1;
	[dreg:$0x2] =	wrdreg s3  }
0xa9: {  	[dreg:$0x3] =	wrdreg s5  }
0xaa: {  	[dreg:$0x4] =	wrdreg $0xC0  }
0xab: {  	_ =	task [dreg:s7], $0x5FFFF  }
0xac: {  	[dreg:$0x1] =	wrdreg $0xFFFFFFFF  }
0xad: {  	[dreg:$0x0] =	wrdreg $0x60  }
0xae: {  	[dreg:$0x2] =	wrdreg s24  }
0xaf: {  	[dreg:$0x3] =	wrdreg s2  }
0xb0: {  	[dreg:$0x4] =	wrdreg $0x9  }
0xb1: {  	_ =	task.clear_ibuf [dreg:s7], $0x5FFFF;
	_ =	strace $0x90000049  }
0xb2: {  	s29 =	simm.s32 $0x9;
	_ =	strace $0x8000004B  }
0xb3: {  	_ =	swait.ge [sflag:s29], $0x1  }
0xb4: {  	[sflag:s29] =	ssyncadd.s32 $0xFFFFFFFF  }
0xb5: {  	_ =	strace $0x9000004B  }
0xb6: {  	_ =	sfence  }
0xb7: {  	s30 =	sld [smem:$0x0];
	_ =	sdelay $0x2  }
0xb8: {  	s31 =	sshll.u32 s1, $0xD;
	s1 =	sshrl.u32 s1, $0x2  }
0xb9: {  	s3 =	sand.u32 $0x4000, s31;
	s1 =	sadd.s32 s1, s30  }
0xba: {  	s0 =	sor.u32 s3, s0;
	s1 =	sshll.u32 s1, $0x11  }
0xbb: {  	s0 =	sor.u32 s1, s0  }
0xbc: {  	s0 =	sadd.s32 $0x8F2B, s0  }
0xbd: {  	[sflag:s0] =	ssyncadd.remote.s32 $0x1  }
0xbe: {  	_ =	sfence.sel $0xFFFF  }
0xbf: {  	[dreg:$0x0] =	wrdreg $0xFFFFFFFF;
	(pc) =	sbr.abs _section_cstart, $3  }
0xc0: {  	[dreg:$0x1] =	wrdreg $0xFFFFFFFF  }
0xc1: {  	_ =	task.clear_ibuf [dreg:s7], $0x2FFFF;
	_ =	strace $0x9FFFFFFF  }
0xc2: {  	(tm) =	ssettm $0x7FFFFFFF  }
0xc3: {  	_ =	shalt  }
tec
execute0_lowered:
.L_overlay_start_1:
0x0: {  	(tag) =	ssettag $0x1  }
0x1: {  	s0 =	rddreg [dreg:$0x0]  }
0x2: {  	s1 =	rddreg [dreg:$0x1]  }
0x3: {  	s2 =	srdreg.scid;
	s4 =	stileid.u32  }
0x4: {  	s18 =	simm.s32 $0x4100;
	s14 =	simm.s32 $0x1;
	s15 =	simm.s32 $0x3  }
0x5: {  	s16 =	simm.s32 $0x5;
	s17 =	simm.s32 $0x2;
	s19 =	simm.s32 $0x4  }
0x6: {  	s20 =	simm.s32 $0x6;
	s3 =	sand.u32 $0x1, s2;
	s2 =	simm.s32 $0x0  }
0x7: {  	s4 =	sshll.u32 s4, $0x7;
	s8 =	sadd.s32 $0x302200, s0;
	s5 =	sshll.u32 s3, $0x6  }
0x8: {  	[smem:$0x7FF] =	sst s2;
	s21 =	ssub.s32 $0x2, s3;
	s4 =	sor.u32 s5, s4  }
0x9: {  	s7 =	sshrl.u32 s21, $0x1;
	s6 =	sshrl.u32 s4, $0x3;
	s4 =	sshll.u32 s4, $0x8  }
0xa: {  	_ =	strace $0x8000004A;
	s5 =	ssub.s32 s21, s7;
	s1 =	sadd.s32 s1, s4  }
0xb: {  	s6 =	sadd.s32 s6, s0;
	s31 =	smax.u32 s5, $0x1;
	[dreg:$0x5] =	wrdreg s1  }
0xc: {  	s9 =	sadd.s32 $0x302300, s0;
	s22 =	sadd.s32 $0xC1C00, s6;
	[dreg:$0xd] =	wrdreg s31  }
0xd: {  	s10 =	sadd.s32 $0x302400, s0;
	s6 =	sadd.s32 $0xC1D00, s6;
	[dreg:$0x3] =	wrdreg s22  }
0xe: {  	s12 =	sadd.s32 $0x302000, s0;
	s23 =	sadd.s32 $0x800, s1;
	[dreg:$0x4] =	wrdreg s6  }
0xf: {  	s13 =	sadd.s32 $0x302500, s0;
	s24 =	sadd.s32 $0x1000, s1;
	[dreg:$0x6] =	wrdreg s23  }
0x10: {  	s3 =	sadd.s32 $0x301E00, s0;
	s25 =	sadd.s32 $0x1800, s1;
	[dreg:$0x7] =	wrdreg s24  }
0x11: {  	s7 =	sadd.s32 $0x302100, s0;
	s26 =	sadd.s32 $0x2000, s1;
	[dreg:$0x8] =	wrdreg s25  }
0x12: {  	s21 =	simm.s32 $0x0;
	s28 =	sadd.s32 $0x2800, s1;
	[dreg:$0x9] =	wrdreg s26  }
0x13: {  	s4 =	simm.s32 $0xF100;
	s29 =	sadd.s32 $0x3000, s1;
	[dreg:$0xa] =	wrdreg s28  }
0x14: {  	v0 =	vlaneseq.u32;
	s5 =	simm.s32 $0xF900;
	s30 =	sadd.s32 $0x3800, s1;
	[dreg:$0xb] =	wrdreg s29  }
0x15: {  	v1 =	vshrl.u32 v0, $0x3;
	s1 =	simm.s32 $0xE100;
	s6 =	sadd.s32 $0x301F00, s0;
	[dreg:$0xc] =	wrdreg s30  }
0x16: {  	vm0 =	vmmov $0xffff;
	v0 =	vand.u32 $0x7, v0;
	v1 =	vmul.u32 $0x8, v1;
	s22 =	simm.s32 $0x7;
	s24 =	simm.s32 $0x100;
	s23 =	simm.s32 $0xE900  }
.LBB2_1:
0x17: {  	s0 =	rddreg [dreg:$0x3]  }
0x18: {  	[tilespmem:s2], [sflag:$0x7] =	stream.linear.gather [hbm4b:s0+s2], $0x40, $0x38;
	[tilespmem:$0x10100] =	vst v63  }
0x19: {  	_ =	swait.ge [sflag:s22], $0x40  }
0x1a: {  	[sflag:s22] =	ssyncset.done $0x0  }
0x1b: {  	s11 =	simm.s32 $0x80;
	s26 =	rddreg [dreg:$0x4];
	[sflag:s22] =	ssyncadd.s32 $0xFFFFFFC0  }
0x1c: {  	[tilespmem:s11], [sflag:$0x7] =	stream.linear.gather [hbm4b:s26+s2], $0x40, $0x38;
	[tilespmem:$0x10100] =	vst v63  }
0x1d: {  	_ =	swait.ge [sflag:s22], $0x40  }
0x1e: {  	[sflag:s22] =	ssyncset.done $0x0  }
0x1f: {  	[sflag:s22] =	ssyncadd.s32 $0xFFFFFFC0  }
0x20: {  	v2 =	vld.msk [tilespmem:$0x0], $0xff;
	_ =	sdelay $0x4  }
0x21: {  	v3 =	vshll.u32 v2, $0x4  }
0x22: {  	v2 =	vand.u32 $0x7, v2;
	v3 =	vand.u32 $0xFFFFFF80, v3  }
0x23: {  	v2 =	vor.u32 v2, v3  }
0x24: {  	v2 =	vperm.xlane v2, v0;
	_ =	sdelay $0x1  }
0x25: {  	v2 =	vadd.s32 v1, v2;
	_ =	sdelay $0x4  }
0x26: {  	[tilespmem:s24], [sflag:$0x1] =	stream.indirect_vreg.gather [hbm4b:s3+s2], $0x80, v2, vm0, $0xb8;
	[tilespmem:$0x10100] =	vst v63  }
0x27: {  	s29 =	simm.s32 $0x900  }
0x28: {  	[tilespmem:s29], [sflag:$0x1] =	stream.indirect_vreg.gather [hbm4b:s6+s2], $0x80, v2, vm0, $0xb8;
	[tilespmem:$0x10100] =	vst v63  }
0x29: {  	s30 =	simm.s32 $0x1100  }
0x2a: {  	[tilespmem:s30], [sflag:$0x1] =	stream.indirect_vreg.gather [hbm4b:s12+s2], $0x80, v2, vm0, $0xb8;
	[tilespmem:$0x10100] =	vst v63  }
0x2b: {  	s31 =	simm.s32 $0x1900  }
0x2c: {  	[tilespmem:s31], [sflag:$0x1] =	stream.indirect_vreg.gather [hbm4b:s7+s2], $0x80, v2, vm0, $0xb8;
	[tilespmem:$0x10100] =	vst v63  }
0x2d: {  	s11 =	simm.s32 $0x2100  }
0x2e: {  	[tilespmem:s11], [sflag:$0x1] =	stream.indirect_vreg.gather [hbm4b:s8+s2], $0x80, v2, vm0, $0xb8;
	[tilespmem:$0x10100] =	vst v63  }
0x2f: {  	s25 =	simm.s32 $0x2900  }
0x30: {  	[tilespmem:s25], [sflag:$0x1] =	stream.indirect_vreg.gather [hbm4b:s9+s2], $0x80, v2, vm0, $0xb8;
	[tilespmem:$0x10100] =	vst v63  }
0x31: {  	s26 =	simm.s32 $0x3100  }
0x32: {  	[tilespmem:s26], [sflag:$0x1] =	stream.indirect_vreg.gather [hbm4b:s10+s2], $0x80, v2, vm0, $0xb8;
	[tilespmem:$0x10100] =	vst v63  }
0x33: {  	s29 =	simm.s32 $0x3900  }
0x34: {  	[tilespmem:s29], [sflag:$0x1] =	stream.indirect_vreg.gather [hbm4b:s13+s2], $0x80, v2, vm0, $0xb8;
	[tilespmem:$0x10100] =	vst v63  }
0x35: {  	v2 =	vld.msk [tilespmem:$0x80], $0xff;
	_ =	sdelay $0x4  }
0x36: {  	v3 =	vshll.u32 v2, $0x4  }
0x37: {  	v2 =	vand.u32 $0x7, v2;
	v3 =	vand.u32 $0xFFFFFF80, v3  }
0x38: {  	v2 =	vor.u32 v2, v3  }
0x39: {  	v2 =	vperm.xlane v2, v0;
	_ =	sdelay $0x1  }
0x3a: {  	v2 =	vadd.s32 v1, v2;
	_ =	sdelay $0x3  }
0x3b: {  	s30 =	simm.s32 $0x8100  }
0x3c: {  	[tilespmem:s30], [sflag:$0x3] =	stream.indirect_vreg.gather [hbm4b:s3+s2], $0x80, v2, vm0, $0xb8;
	[tilespmem:$0x10100] =	vst v63  }
0x3d: {  	s31 =	simm.s32 $0x8900  }
0x3e: {  	[tilespmem:s31], [sflag:$0x3] =	stream.indirect_vreg.gather [hbm4b:s6+s2], $0x80, v2, vm0, $0xb8;
	[tilespmem:$0x10100] =	vst v63  }
0x3f: {  	s11 =	simm.s32 $0x9100  }
0x40: {  	[tilespmem:s11], [sflag:$0x3] =	stream.indirect_vreg.gather [hbm4b:s12+s2], $0x80, v2, vm0, $0xb8;
	[tilespmem:$0x10100] =	vst v63  }
0x41: {  	s25 =	simm.s32 $0x9900  }
0x42: {  	[tilespmem:s25], [sflag:$0x3] =	stream.indirect_vreg.gather [hbm4b:s7+s2], $0x80, v2, vm0, $0xb8;
	[tilespmem:$0x10100] =	vst v63  }
0x43: {  	s26 =	simm.s32 $0xA100  }
0x44: {  	[tilespmem:s26], [sflag:$0x3] =	stream.indirect_vreg.gather [hbm4b:s8+s2], $0x80, v2, vm0, $0xb8;
	[tilespmem:$0x10100] =	vst v63  }
0x45: {  	s29 =	simm.s32 $0xA900  }
0x46: {  	[tilespmem:s29], [sflag:$0x3] =	stream.indirect_vreg.gather [hbm4b:s9+s2], $0x80, v2, vm0, $0xb8;
	[tilespmem:$0x10100] =	vst v63  }
0x47: {  	s30 =	simm.s32 $0xB100  }
0x48: {  	[tilespmem:s30], [sflag:$0x3] =	stream.indirect_vreg.gather [hbm4b:s10+s2], $0x80, v2, vm0, $0xb8;
	[tilespmem:$0x10100] =	vst v63  }
0x49: {  	s31 =	simm.s32 $0xB900  }
0x4a: {  	[tilespmem:s31], [sflag:$0x3] =	stream.indirect_vreg.gather [hbm4b:s13+s2], $0x80, v2, vm0, $0xb8;
	[tilespmem:$0x10100] =	vst v63  }
0x4b: {  	v2 =	vld.msk [tilespmem:$0x8], $0xff;
	_ =	sdelay $0x4  }
0x4c: {  	v3 =	vshll.u32 v2, $0x4  }
0x4d: {  	v2 =	vand.u32 $0x7, v2;
	v3 =	vand.u32 $0xFFFFFF80, v3  }
0x4e: {  	v2 =	vor.u32 v2, v3  }
0x4f: {  	v2 =	vperm.xlane v2, v0;
	_ =	sdelay $0x1  }
0x50: {  	v2 =	vadd.s32 v1, v2;
	_ =	sdelay $0x4  }
0x51: {  	[tilespmem:s18], [sflag:$0x2] =	stream.indirect_vreg.gather [hbm4b:s3+s2], $0x80, v2, vm0, $0xb8;
	[tilespmem:$0x10100] =	vst v63  }
0x52: {  	s11 =	simm.s32 $0x4900  }
0x53: {  	[tilespmem:s11], [sflag:$0x2] =	stream.indirect_vreg.gather [hbm4b:s6+s2], $0x80, v2, vm0, $0xb8;
	[tilespmem:$0x10100] =	vst v63  }
0x54: {  	s25 =	simm.s32 $0x5100  }
0x55: {  	[tilespmem:s25], [sflag:$0x2] =	stream.indirect_vreg.gather [hbm4b:s12+s2], $0x80, v2, vm0, $0xb8;
	[tilespmem:$0x10100] =	vst v63  }
0x56: {  	s26 =	simm.s32 $0x5900  }
0x57: {  	[tilespmem:s26], [sflag:$0x2] =	stream.indirect_vreg.gather [hbm4b:s7+s2], $0x80, v2, vm0, $0xb8;
	[tilespmem:$0x10100] =	vst v63  }
0x58: {  	s29 =	simm.s32 $0x6100  }
0x59: {  	[tilespmem:s29], [sflag:$0x2] =	stream.indirect_vreg.gather [hbm4b:s8+s2], $0x80, v2, vm0, $0xb8;
	[tilespmem:$0x10100] =	vst v63  }
0x5a: {  	s30 =	simm.s32 $0x6900  }
0x5b: {  	[tilespmem:s30], [sflag:$0x2] =	stream.indirect_vreg.gather [hbm4b:s9+s2], $0x80, v2, vm0, $0xb8;
	[tilespmem:$0x10100] =	vst v63  }
0x5c: {  	s31 =	simm.s32 $0x7100  }
0x5d: {  	[tilespmem:s31], [sflag:$0x2] =	stream.indirect_vreg.gather [hbm4b:s10+s2], $0x80, v2, vm0, $0xb8;
	[tilespmem:$0x10100] =	vst v63  }
0x5e: {  	s11 =	simm.s32 $0x7900  }
0x5f: {  	[tilespmem:s11], [sflag:$0x2] =	stream.indirect_vreg.gather [hbm4b:s13+s2], $0x80, v2, vm0, $0xb8;
	[tilespmem:$0x10100] =	vst v63  }
0x60: {  	v2 =	vld.msk [tilespmem:$0x88], $0xff;
	_ =	sdelay $0x4  }
0x61: {  	v3 =	vshll.u32 v2, $0x4  }
0x62: {  	v2 =	vand.u32 $0x7, v2;
	v3 =	vand.u32 $0xFFFFFF80, v3  }
0x63: {  	v2 =	vor.u32 v2, v3  }
0x64: {  	v2 =	vperm.xlane v2, v0;
	_ =	sdelay $0x1  }
0x65: {  	v2 =	vadd.s32 v1, v2;
	_ =	sdelay $0x3  }
0x66: {  	s25 =	simm.s32 $0xC100  }
0x67: {  	[tilespmem:s25], [sflag:$0x4] =	stream.indirect_vreg.gather [hbm4b:s3+s2], $0x80, v2, vm0, $0xb8;
	[tilespmem:$0x10100] =	vst v63  }
0x68: {  	s26 =	simm.s32 $0xC900  }
0x69: {  	[tilespmem:s26], [sflag:$0x4] =	stream.indirect_vreg.gather [hbm4b:s6+s2], $0x80, v2, vm0, $0xb8;
	[tilespmem:$0x10100] =	vst v63  }
0x6a: {  	s29 =	simm.s32 $0xD100  }
0x6b: {  	[tilespmem:s29], [sflag:$0x4] =	stream.indirect_vreg.gather [hbm4b:s12+s2], $0x80, v2, vm0, $0xb8;
	[tilespmem:$0x10100] =	vst v63  }
0x6c: {  	s30 =	simm.s32 $0xD900  }
0x6d: {  	[tilespmem:s30], [sflag:$0x4] =	stream.indirect_vreg.gather [hbm4b:s7+s2], $0x80, v2, vm0, $0xb8;
	[tilespmem:$0x10100] =	vst v63  }
0x6e: {  	_ = 	snop  }
0x6f: {  	[tilespmem:s1], [sflag:$0x4] =	stream.indirect_vreg.gather [hbm4b:s8+s2], $0x80, v2, vm0, $0xb8;
	[tilespmem:$0x10100] =	vst v63  }
0x70: {  	_ = 	snop  }
0x71: {  	[tilespmem:s23], [sflag:$0x4] =	stream.indirect_vreg.gather [hbm4b:s9+s2], $0x80, v2, vm0, $0xb8;
	[tilespmem:$0x10100] =	vst v63  }
0x72: {  	_ = 	snop  }
0x73: {  	[tilespmem:s4], [sflag:$0x4] =	stream.indirect_vreg.gather [hbm4b:s10+s2], $0x80, v2, vm0, $0xb8;
	[tilespmem:$0x10100] =	vst v63  }
0x74: {  	_ = 	snop  }
0x75: {  	[tilespmem:s5], [sflag:$0x4] =	stream.indirect_vreg.gather [hbm4b:s13+s2], $0x80, v2, vm0, $0xb8;
	[tilespmem:$0x10100] =	vst v63  }
0x76: {  	_ =	swait.ge [sflag:s14], $0x4000  }
0x77: {  	[sflag:s14] =	ssyncset.done $0x0  }
0x78: {  	[sflag:s14] =	ssyncadd.s32 $0xFFFFC000  }
0x79: {  	_ =	swait.ge [sflag:s15], $0x4000  }
0x7a: {  	s31 =	sand.u32 $0x70, s2;
	s25 =	sand.u32 $0x3C00, s2;
	[sflag:s15] =	ssyncset.done $0x0  }
0x7b: {  	s11 =	sor.u32 s31, s25;
	[sflag:s15] =	ssyncadd.s32 $0xFFFFC000  }
0x7c: {  	v2 =	vld [tilespmem:s11+$0x8100]  }
0x7d: {  	v3 =	vld [tilespmem:s11+$0x100];
	_ =	sdelay $0x3  }
0x7e: {  	s25 =	simm.s32 $0x80;
	s26 =	simm.s32 $0x10  }
0x7f: {  	s28 =	sand.u32 $0x3C00, s25;
	s26 =	sand.u32 $0x70, s26;
	v2 =	vadd.f32 v2, v3  }
0x80: {  	s28 =	sor.u32 s26, s28;
	s26 =	simm.s32 $0x20  }
.LBB2_2:
0x81: {  	p0 =	sne.s32 s26, $0x7F0;
	v3 =	vld [tilespmem:s28+$0x8100];
	[tilespmem:s11+$0x100] =	vst v2;
	s11 =	smov.u32 s28  }
0x82: {  	v2 =	vld [tilespmem:s11+$0x100];
	_ =	sdelay $0x1  }
.Ltmp0:
0x83: {  	(pc) =	sbr.rel @p0 .LBB2_2-.Ltmp0, $4  }
0x84: {  	_ = 	snop  }
0x85: {  	s25 =	sadd.s32 $0x80, s25  }
0x86: {  	s28 =	sand.u32 $0x70, s26;
	s29 =	sand.u32 $0x3C00, s25;
	v2 =	vadd.f32 v3, v2  }
0x87: {  	s26 =	sadd.s32 $0x10, s26;
	s28 =	sor.u32 s28, s29  }
0x88: {  	v3 =	vld [tilespmem:s28+$0x8100];
	[tilespmem:s11+$0x100] =	vst v2  }
0x89: {  	v2 =	vld [tilespmem:s28+$0x100];
	_ =	sdelay $0x4  }
0x8a: {  	s26 =	simm.s32 $0x0;
	v2 =	vadd.f32 v3, v2  }
0x8b: {  	s25 =	sand.u32 $0x70, s26;
	s11 =	sand.u32 $0x3C00, s26  }
0x8c: {  	s11 =	sor.u32 s11, s25;
	[tilespmem:s28+$0x100] =	vst v2  }
0x8d: {  	v2 =	vld [tilespmem:s11+$0x8180]  }
0x8e: {  	v3 =	vld [tilespmem:s11+$0x180];
	_ =	sdelay $0x3  }
0x8f: {  	s31 =	simm.s32 $0x10;
	s26 =	simm.s32 $0x80  }
0x90: {  	s25 =	sand.u32 $0x70, s31;
	s28 =	sand.u32 $0x3C00, s26;
	v2 =	vadd.f32 v2, v3  }
0x91: {  	s29 =	simm.s32 $0x20;
	s30 =	sor.u32 s28, s25;
	s28 =	smov.u32 s11  }
.LBB2_4:
0x92: {  	p0 =	sne.s32 s29, $0x7F0;
	v3 =	vld [tilespmem:s30+$0x8180];
	[tilespmem:s28+$0x180] =	vst v2;
	s28 =	smov.u32 s30  }
0x93: {  	v2 =	vld [tilespmem:s28+$0x180];
	_ =	sdelay $0x1  }
.Ltmp1:
0x94: {  	(pc) =	sbr.rel @p0 .LBB2_4-.Ltmp1, $4  }
0x95: {  	_ = 	snop  }
0x96: {  	s26 =	sadd.s32 $0x80, s26  }
0x97: {  	s30 =	sand.u32 $0x70, s29;
	s31 =	sand.u32 $0x3C00, s26;
	v2 =	vadd.f32 v3, v2  }
0x98: {  	s29 =	sadd.s32 $0x10, s29;
	s30 =	sor.u32 s31, s30  }
0x99: {  	v3 =	vld [tilespmem:s30+$0x8180];
	[tilespmem:s28+$0x180] =	vst v2  }
0x9a: {  	v2 =	vld [tilespmem:s30+$0x180];
	_ =	sdelay $0x4  }
0x9b: {  	v2 =	vadd.f32 v3, v2;
	_ =	sdelay $0x1  }
0x9c: {  	[tilespmem:s30+$0x180] =	vst v2  }
0x9d: {  	v2 =	vld [tilespmem:s11+$0x8200]  }
0x9e: {  	v3 =	vld [tilespmem:s11+$0x200];
	_ =	sdelay $0x3  }
0x9f: {  	s26 =	simm.s32 $0x80  }
0xa0: {  	s28 =	sand.u32 $0x3C00, s26;
	v2 =	vadd.f32 v2, v3  }
0xa1: {  	s28 =	sor.u32 s28, s25;
	s25 =	simm.s32 $0x20  }
.LBB2_6:
0xa2: {  	p0 =	sne.s32 s25, $0x7F0;
	v3 =	vld [tilespmem:s28+$0x8200];
	[tilespmem:s11+$0x200] =	vst v2;
	s11 =	smov.u32 s28  }
0xa3: {  	v2 =	vld [tilespmem:s11+$0x200];
	_ =	sdelay $0x1  }
.Ltmp2:
0xa4: {  	(pc) =	sbr.rel @p0 .LBB2_6-.Ltmp2, $4  }
0xa5: {  	_ = 	snop  }
0xa6: {  	s26 =	sadd.s32 $0x80, s26  }
0xa7: {  	s28 =	sand.u32 $0x70, s25;
	s29 =	sand.u32 $0x3C00, s26;
	v2 =	vadd.f32 v3, v2  }
0xa8: {  	s25 =	sadd.s32 $0x10, s25;
	s28 =	sor.u32 s29, s28  }
0xa9: {  	v3 =	vld [tilespmem:s28+$0x8200];
	[tilespmem:s11+$0x200] =	vst v2  }
0xaa: {  	v2 =	vld [tilespmem:s28+$0x200];
	_ =	sdelay $0x4  }
0xab: {  	s26 =	simm.s32 $0x0;
	v2 =	vadd.f32 v3, v2  }
0xac: {  	s25 =	sand.u32 $0x70, s26;
	s11 =	sand.u32 $0x3C00, s26  }
0xad: {  	s11 =	sor.u32 s11, s25;
	[tilespmem:s28+$0x200] =	vst v2  }
0xae: {  	v2 =	vld [tilespmem:s11+$0x8280]  }
0xaf: {  	v3 =	vld [tilespmem:s11+$0x280];
	_ =	sdelay $0x3  }
0xb0: {  	s31 =	simm.s32 $0x10;
	s26 =	simm.s32 $0x80  }
0xb1: {  	s25 =	sand.u32 $0x70, s31;
	s28 =	sand.u32 $0x3C00, s26;
	v2 =	vadd.f32 v2, v3  }
0xb2: {  	s29 =	simm.s32 $0x20;
	s30 =	sor.u32 s28, s25;
	s28 =	smov.u32 s11  }
.LBB2_8:
0xb3: {  	p0 =	sne.s32 s29, $0x7F0;
	v3 =	vld [tilespmem:s30+$0x8280];
	[tilespmem:s28+$0x280] =	vst v2;
	s28 =	smov.u32 s30  }
0xb4: {  	v2 =	vld [tilespmem:s28+$0x280];
	_ =	sdelay $0x1  }
.Ltmp3:
0xb5: {  	(pc) =	sbr.rel @p0 .LBB2_8-.Ltmp3, $4  }
0xb6: {  	_ = 	snop  }
0xb7: {  	s26 =	sadd.s32 $0x80, s26  }
0xb8: {  	s30 =	sand.u32 $0x70, s29;
	s31 =	sand.u32 $0x3C00, s26;
	v2 =	vadd.f32 v3, v2  }
0xb9: {  	s29 =	sadd.s32 $0x10, s29;
	s30 =	sor.u32 s31, s30  }
0xba: {  	v3 =	vld [tilespmem:s30+$0x8280];
	[tilespmem:s28+$0x280] =	vst v2  }
0xbb: {  	v2 =	vld [tilespmem:s30+$0x280];
	_ =	sdelay $0x4  }
0xbc: {  	v2 =	vadd.f32 v3, v2;
	_ =	sdelay $0x1  }
0xbd: {  	[tilespmem:s30+$0x280] =	vst v2  }
0xbe: {  	v2 =	vld [tilespmem:s11+$0x8300]  }
0xbf: {  	v3 =	vld [tilespmem:s11+$0x300];
	_ =	sdelay $0x3  }
0xc0: {  	s26 =	simm.s32 $0x80  }
0xc1: {  	s28 =	sand.u32 $0x3C00, s26;
	v2 =	vadd.f32 v2, v3  }
0xc2: {  	s28 =	sor.u32 s28, s25;
	s25 =	simm.s32 $0x20  }
.LBB2_10:
0xc3: {  	p0 =	sne.s32 s25, $0x7F0;
	v3 =	vld [tilespmem:s28+$0x8300];
	[tilespmem:s11+$0x300] =	vst v2;
	s11 =	smov.u32 s28  }
0xc4: {  	v2 =	vld [tilespmem:s11+$0x300];
	_ =	sdelay $0x1  }
.Ltmp4:
0xc5: {  	(pc) =	sbr.rel @p0 .LBB2_10-.Ltmp4, $4  }
0xc6: {  	_ = 	snop  }
0xc7: {  	s26 =	sadd.s32 $0x80, s26  }
0xc8: {  	s28 =	sand.u32 $0x70, s25;
	s29 =	sand.u32 $0x3C00, s26;
	v2 =	vadd.f32 v3, v2  }
0xc9: {  	s25 =	sadd.s32 $0x10, s25;
	s28 =	sor.u32 s29, s28  }
0xca: {  	v3 =	vld [tilespmem:s28+$0x8300];
	[tilespmem:s11+$0x300] =	vst v2  }
0xcb: {  	v2 =	vld [tilespmem:s28+$0x300];
	_ =	sdelay $0x4  }
0xcc: {  	s26 =	simm.s32 $0x0;
	v2 =	vadd.f32 v3, v2  }
0xcd: {  	s25 =	sand.u32 $0x70, s26;
	s11 =	sand.u32 $0x3C00, s26  }
0xce: {  	s11 =	sor.u32 s11, s25;
	[tilespmem:s28+$0x300] =	vst v2  }
0xcf: {  	v2 =	vld [tilespmem:s11+$0x8380]  }
0xd0: {  	v3 =	vld [tilespmem:s11+$0x380];
	_ =	sdelay $0x3  }
0xd1: {  	s31 =	simm.s32 $0x10;
	s26 =	simm.s32 $0x80  }
0xd2: {  	s25 =	sand.u32 $0x70, s31;
	s28 =	sand.u32 $0x3C00, s26;
	v2 =	vadd.f32 v2, v3  }
0xd3: {  	s29 =	simm.s32 $0x20;
	s30 =	sor.u32 s28, s25;
	s28 =	smov.u32 s11  }
.LBB2_12:
0xd4: {  	p0 =	sne.s32 s29, $0x7F0;
	v3 =	vld [tilespmem:s30+$0x8380];
	[tilespmem:s28+$0x380] =	vst v2;
	s28 =	smov.u32 s30  }
0xd5: {  	v2 =	vld [tilespmem:s28+$0x380];
	_ =	sdelay $0x1  }
.Ltmp5:
0xd6: {  	(pc) =	sbr.rel @p0 .LBB2_12-.Ltmp5, $4  }
0xd7: {  	_ = 	snop  }
0xd8: {  	s26 =	sadd.s32 $0x80, s26  }
0xd9: {  	s30 =	sand.u32 $0x70, s29;
	s31 =	sand.u32 $0x3C00, s26;
	v2 =	vadd.f32 v3, v2  }
0xda: {  	s29 =	sadd.s32 $0x10, s29;
	s30 =	sor.u32 s31, s30  }
0xdb: {  	v3 =	vld [tilespmem:s30+$0x8380];
	[tilespmem:s28+$0x380] =	vst v2  }
0xdc: {  	v2 =	vld [tilespmem:s30+$0x380];
	_ =	sdelay $0x4  }
0xdd: {  	v2 =	vadd.f32 v3, v2;
	_ =	sdelay $0x1  }
0xde: {  	[tilespmem:s30+$0x380] =	vst v2  }
0xdf: {  	v2 =	vld [tilespmem:s11+$0x8400]  }
0xe0: {  	v3 =	vld [tilespmem:s11+$0x400];
	_ =	sdelay $0x3  }
0xe1: {  	s26 =	simm.s32 $0x80  }
0xe2: {  	s28 =	sand.u32 $0x3C00, s26;
	v2 =	vadd.f32 v2, v3  }
0xe3: {  	s28 =	sor.u32 s28, s25;
	s25 =	simm.s32 $0x20  }
.LBB2_14:
0xe4: {  	p0 =	sne.s32 s25, $0x7F0;
	v3 =	vld [tilespmem:s28+$0x8400];
	[tilespmem:s11+$0x400] =	vst v2;
	s11 =	smov.u32 s28  }
0xe5: {  	v2 =	vld [tilespmem:s11+$0x400];
	_ =	sdelay $0x1  }
.Ltmp6:
0xe6: {  	(pc) =	sbr.rel @p0 .LBB2_14-.Ltmp6, $4  }
0xe7: {  	_ = 	snop  }
0xe8: {  	s26 =	sadd.s32 $0x80, s26  }
0xe9: {  	s28 =	sand.u32 $0x70, s25;
	s29 =	sand.u32 $0x3C00, s26;
	v2 =	vadd.f32 v3, v2  }
0xea: {  	s25 =	sadd.s32 $0x10, s25;
	s28 =	sor.u32 s29, s28  }
0xeb: {  	v3 =	vld [tilespmem:s28+$0x8400];
	[tilespmem:s11+$0x400] =	vst v2  }
0xec: {  	v2 =	vld [tilespmem:s28+$0x400];
	_ =	sdelay $0x2  }
0xed: {  	s31 =	simm.s32 $0x0  }
0xee: {  	s11 =	sand.u32 $0x7, s31  }
0xef: {  	s11 =	sshll.u32 s11, $0x4;
	v2 =	vadd.f32 v3, v2  }
0xf0: {  	s11 =	sadd.s32 $0x0, s11  }
0xf1: {  	s11 =	sor.u32 $0x380, s11;
	[tilespmem:s28+$0x400] =	vst v2  }
0xf2: {  	v2 =	vld [tilespmem:s11+$0x8100]  }
0xf3: {  	v3 =	vld [tilespmem:s11+$0x100];
	_ =	sdelay $0x1  }
0xf4: {  	s25 =	simm.s32 $0x1  }
0xf5: {  	s26 =	sand.u32 $0x7, s25  }
0xf6: {  	s29 =	sshll.u32 s26, $0x4;
	s26 =	simm.s32 $0x80;
	s28 =	simm.s32 $0x20  }
.LBB2_16:
0xf7: {  	p0 =	sne.s32 s28, $0x7F0;
	s29 =	sadd.s32 s29, s26;
	v3 =	vadd.f32 v2, v3  }
0xf8: {  	s29 =	sor.u32 $0x380, s29  }
0xf9: {  	v2 =	vld [tilespmem:s29+$0x8100];
	[tilespmem:s11+$0x100] =	vst v3;
	s11 =	smov.u32 s29  }
.Ltmp7:
0xfa: {  	v3 =	vld [tilespmem:s11+$0x100];
	(pc) =	sbr.rel @p0 .LBB2_16-.Ltmp7, $4  }
0xfb: {  	_ = 	snop  }
0xfc: {  	s25 =	sadd.s32 $0x1, s25  }
0xfd: {  	s29 =	sand.u32 $0x7, s25  }
0xfe: {  	s28 =	sadd.s32 $0x10, s28;
	s26 =	sadd.s32 $0x80, s26;
	s29 =	sshll.u32 s29, $0x4  }
0xff: {  	s25 =	sadd.s32 s29, s26;
	v2 =	vadd.f32 v2, v3  }
0x100: {  	s25 =	sor.u32 $0x380, s25  }
0x101: {  	v3 =	vld [tilespmem:s25+$0x8100];
	[tilespmem:s11+$0x100] =	vst v2  }
0x102: {  	v2 =	vld [tilespmem:s25+$0x100];
	_ =	sdelay $0x4  }
0x103: {  	v2 =	vadd.f32 v3, v2;
	_ =	sdelay $0x1  }
0x104: {  	s0 =	rddreg [dreg:$0x5];
	[tilespmem:s25+$0x100] =	vst v2;
	s25 =	simm.s32 $0x0  }
0x105: {  	[hbm4b:s0+s25] =	stream.linear.scatter [tilespmem:s24], [sflag:$0x5], $0x4000, $0x38;
	[tilespmem:$0x10100] =	vst v63  }
0x106: {  	_ =	swait.ge [sflag:s16], $0x4000  }
0x107: {  	[sflag:s16] =	ssyncset.done $0x0  }
0x108: {  	[sflag:s16] =	ssyncadd.s32 $0xFFFFC000  }
0x109: {  	v2 =	vld.msk [tilespmem:$0x10], $0xff;
	_ =	sdelay $0x4  }
0x10a: {  	v3 =	vshll.u32 v2, $0x4  }
0x10b: {  	v2 =	vand.u32 $0x7, v2;
	v3 =	vand.u32 $0xFFFFFF80, v3  }
0x10c: {  	v2 =	vor.u32 v2, v3  }
0x10d: {  	v2 =	vperm.xlane v2, v0;
	_ =	sdelay $0x1  }
0x10e: {  	v2 =	vadd.s32 v1, v2;
	_ =	sdelay $0x4  }
0x10f: {  	[tilespmem:s24], [sflag:$0x1] =	stream.indirect_vreg.gather [hbm4b:s3+s25], $0x80, v2, vm0, $0xb8;
	[tilespmem:$0x10100] =	vst v63  }
0x110: {  	s26 =	simm.s32 $0x900  }
0x111: {  	[tilespmem:s26], [sflag:$0x1] =	stream.indirect_vreg.gather [hbm4b:s6+s25], $0x80, v2, vm0, $0xb8;
	[tilespmem:$0x10100] =	vst v63  }
0x112: {  	s11 =	simm.s32 $0x1100  }
0x113: {  	[tilespmem:s11], [sflag:$0x1] =	stream.indirect_vreg.gather [hbm4b:s12+s25], $0x80, v2, vm0, $0xb8;
	[tilespmem:$0x10100] =	vst v63  }
0x114: {  	s26 =	simm.s32 $0x1900  }
0x115: {  	[tilespmem:s26], [sflag:$0x1] =	stream.indirect_vreg.gather [hbm4b:s7+s25], $0x80, v2, vm0, $0xb8;
	[tilespmem:$0x10100] =	vst v63  }
0x116: {  	s11 =	simm.s32 $0x2100  }
0x117: {  	[tilespmem:s11], [sflag:$0x1] =	stream.indirect_vreg.gather [hbm4b:s8+s25], $0x80, v2, vm0, $0xb8;
	[tilespmem:$0x10100] =	vst v63  }
0x118: {  	s26 =	simm.s32 $0x2900  }
0x119: {  	[tilespmem:s26], [sflag:$0x1] =	stream.indirect_vreg.gather [hbm4b:s9+s25], $0x80, v2, vm0, $0xb8;
	[tilespmem:$0x10100] =	vst v63  }
0x11a: {  	s11 =	simm.s32 $0x3100  }
0x11b: {  	[tilespmem:s11], [sflag:$0x1] =	stream.indirect_vreg.gather [hbm4b:s10+s25], $0x80, v2, vm0, $0xb8;
	[tilespmem:$0x10100] =	vst v63  }
0x11c: {  	s26 =	simm.s32 $0x3900  }
0x11d: {  	[tilespmem:s26], [sflag:$0x1] =	stream.indirect_vreg.gather [hbm4b:s13+s25], $0x80, v2, vm0, $0xb8;
	[tilespmem:$0x10100] =	vst v63  }
0x11e: {  	v2 =	vld.msk [tilespmem:$0x90], $0xff;
	_ =	sdelay $0x4  }
0x11f: {  	v3 =	vshll.u32 v2, $0x4  }
0x120: {  	v2 =	vand.u32 $0x7, v2;
	v3 =	vand.u32 $0xFFFFFF80, v3  }
0x121: {  	v2 =	vor.u32 v2, v3  }
0x122: {  	v2 =	vperm.xlane v2, v0;
	_ =	sdelay $0x1  }
0x123: {  	v2 =	vadd.s32 v1, v2;
	_ =	sdelay $0x3  }
0x124: {  	s11 =	simm.s32 $0x8100  }
0x125: {  	[tilespmem:s11], [sflag:$0x3] =	stream.indirect_vreg.gather [hbm4b:s3+s25], $0x80, v2, vm0, $0xb8;
	[tilespmem:$0x10100] =	vst v63  }
0x126: {  	s26 =	simm.s32 $0x8900  }
0x127: {  	[tilespmem:s26], [sflag:$0x3] =	stream.indirect_vreg.gather [hbm4b:s6+s25], $0x80, v2, vm0, $0xb8;
	[tilespmem:$0x10100] =	vst v63  }
0x128: {  	s11 =	simm.s32 $0x9100  }
0x129: {  	[tilespmem:s11], [sflag:$0x3] =	stream.indirect_vreg.gather [hbm4b:s12+s25], $0x80, v2, vm0, $0xb8;
	[tilespmem:$0x10100] =	vst v63  }
0x12a: {  	s26 =	simm.s32 $0x9900  }
0x12b: {  	[tilespmem:s26], [sflag:$0x3] =	stream.indirect_vreg.gather [hbm4b:s7+s25], $0x80, v2, vm0, $0xb8;
	[tilespmem:$0x10100] =	vst v63  }
0x12c: {  	s11 =	simm.s32 $0xA100  }
0x12d: {  	[tilespmem:s11], [sflag:$0x3] =	stream.indirect_vreg.gather [hbm4b:s8+s25], $0x80, v2, vm0, $0xb8;
	[tilespmem:$0x10100] =	vst v63  }
0x12e: {  	s26 =	simm.s32 $0xA900  }
0x12f: {  	[tilespmem:s26], [sflag:$0x3] =	stream.indirect_vreg.gather [hbm4b:s9+s25], $0x80, v2, vm0, $0xb8;
	[tilespmem:$0x10100] =	vst v63  }
0x130: {  	s11 =	simm.s32 $0xB100  }
0x131: {  	[tilespmem:s11], [sflag:$0x3] =	stream.indirect_vreg.gather [hbm4b:s10+s25], $0x80, v2, vm0, $0xb8;
	[tilespmem:$0x10100] =	vst v63  }
0x132: {  	s26 =	simm.s32 $0xB900  }
0x133: {  	[tilespmem:s26], [sflag:$0x3] =	stream.indirect_vreg.gather [hbm4b:s13+s25], $0x80, v2, vm0, $0xb8;
	[tilespmem:$0x10100] =	vst v63  }
0x134: {  	_ =	swait.ge [sflag:s17], $0x4000  }
0x135: {  	[sflag:s17] =	ssyncset.done $0x0  }
0x136: {  	[sflag:s17] =	ssyncadd.s32 $0xFFFFC000  }
0x137: {  	_ =	swait.ge [sflag:s19], $0x4000  }
0x138: {  	s11 =	sand.u32 $0x70, s25;
	s25 =	sand.u32 $0x3C00, s25;
	[sflag:s19] =	ssyncset.done $0x0  }
0x139: {  	s28 =	sor.u32 s11, s25;
	[sflag:s19] =	ssyncadd.s32 $0xFFFFC000  }
0x13a: {  	v2 =	vld [tilespmem:s28+$0xC100]  }
0x13b: {  	v3 =	vld [tilespmem:s28+$0x4100];
	_ =	sdelay $0x3  }
0x13c: {  	s29 =	simm.s32 $0x80;
	s0 =	simm.s32 $0x10  }
0x13d: {  	s30 =	sand.u32 $0x3C00, s29;
	s26 =	sand.u32 $0x70, s0;
	v2 =	vadd.f32 v2, v3  }
0x13e: {  	s31 =	sor.u32 s26, s30;
	s30 =	simm.s32 $0x20  }
.LBB2_18:
0x13f: {  	p0 =	sne.s32 s30, $0x7F0;
	v3 =	vld [tilespmem:s31+$0xC100];
	[tilespmem:s28+$0x4100] =	vst v2;
	s28 =	smov.u32 s31  }
0x140: {  	v2 =	vld [tilespmem:s28+$0x4100];
	_ =	sdelay $0x1  }
.Ltmp8:
0x141: {  	(pc) =	sbr.rel @p0 .LBB2_18-.Ltmp8, $4  }
0x142: {  	_ = 	snop  }
0x143: {  	s29 =	sadd.s32 $0x80, s29  }
0x144: {  	s31 =	sand.u32 $0x70, s30;
	s0 =	sand.u32 $0x3C00, s29;
	v2 =	vadd.f32 v3, v2  }
0x145: {  	s30 =	sadd.s32 $0x10, s30;
	s31 =	sor.u32 s31, s0  }
0x146: {  	v3 =	vld [tilespmem:s31+$0xC100];
	[tilespmem:s28+$0x4100] =	vst v2  }
0x147: {  	v2 =	vld [tilespmem:s31+$0x4100];
	_ =	sdelay $0x4  }
0x148: {  	v2 =	vadd.f32 v3, v2;
	_ =	sdelay $0x1  }
0x149: {  	s11 =	sor.u32 s25, s11;
	[tilespmem:s31+$0x4100] =	vst v2  }
0x14a: {  	v2 =	vld [tilespmem:s11+$0xC180]  }
0x14b: {  	v3 =	vld [tilespmem:s11+$0x4180];
	_ =	sdelay $0x3  }
0x14c: {  	s25 =	simm.s32 $0x80  }
0x14d: {  	s0 =	sand.u32 $0x3C00, s25;
	v2 =	vadd.f32 v2, v3  }
0x14e: {  	s28 =	sor.u32 s0, s26;
	s26 =	simm.s32 $0x20  }
.LBB2_20:
0x14f: {  	p0 =	sne.s32 s26, $0x7F0;
	v3 =	vld [tilespmem:s28+$0xC180];
	[tilespmem:s11+$0x4180] =	vst v2;
	s11 =	smov.u32 s28  }
0x150: {  	v2 =	vld [tilespmem:s11+$0x4180];
	_ =	sdelay $0x1  }
.Ltmp9:
0x151: {  	(pc) =	sbr.rel @p0 .LBB2_20-.Ltmp9, $4  }
0x152: {  	_ = 	snop  }
0x153: {  	s25 =	sadd.s32 $0x80, s25  }
0x154: {  	s0 =	sand.u32 $0x70, s26;
	s28 =	sand.u32 $0x3C00, s25;
	v2 =	vadd.f32 v3, v2  }
0x155: {  	s26 =	sadd.s32 $0x10, s26;
	s28 =	sor.u32 s28, s0  }
0x156: {  	v3 =	vld [tilespmem:s28+$0xC180];
	[tilespmem:s11+$0x4180] =	vst v2  }
0x157: {  	v2 =	vld [tilespmem:s28+$0x4180];
	_ =	sdelay $0x4  }
0x158: {  	s0 =	simm.s32 $0x0;
	v2 =	vadd.f32 v3, v2  }
0x159: {  	s31 =	sand.u32 $0x70, s0;
	s0 =	sand.u32 $0x3C00, s0  }
0x15a: {  	s11 =	sor.u32 s0, s31;
	[tilespmem:s28+$0x4180] =	vst v2  }
0x15b: {  	v2 =	vld [tilespmem:s11+$0xC200]  }
0x15c: {  	v3 =	vld [tilespmem:s11+$0x4200];
	_ =	sdelay $0x3  }
0x15d: {  	s25 =	simm.s32 $0x10;
	s26 =	simm.s32 $0x80  }
0x15e: {  	s25 =	sand.u32 $0x70, s25;
	s31 =	sand.u32 $0x3C00, s26;
	v2 =	vadd.f32 v2, v3  }
0x15f: {  	s29 =	simm.s32 $0x20;
	s30 =	sor.u32 s31, s25;
	s28 =	smov.u32 s11  }
.LBB2_22:
0x160: {  	p0 =	sne.s32 s29, $0x7F0;
	v3 =	vld [tilespmem:s30+$0xC200];
	[tilespmem:s28+$0x4200] =	vst v2;
	s28 =	smov.u32 s30  }
0x161: {  	v2 =	vld [tilespmem:s28+$0x4200];
	_ =	sdelay $0x1  }
.Ltmp10:
0x162: {  	(pc) =	sbr.rel @p0 .LBB2_22-.Ltmp10, $4  }
0x163: {  	_ = 	snop  }
0x164: {  	s26 =	sadd.s32 $0x80, s26  }
0x165: {  	s0 =	sand.u32 $0x70, s29;
	s30 =	sand.u32 $0x3C00, s26;
	v2 =	vadd.f32 v3, v2  }
0x166: {  	s29 =	sadd.s32 $0x10, s29;
	s30 =	sor.u32 s30, s0  }
0x167: {  	v3 =	vld [tilespmem:s30+$0xC200];
	[tilespmem:s28+$0x4200] =	vst v2  }
0x168: {  	v2 =	vld [tilespmem:s30+$0x4200];
	_ =	sdelay $0x4  }
0x169: {  	v2 =	vadd.f32 v3, v2;
	_ =	sdelay $0x1  }
0x16a: {  	[tilespmem:s30+$0x4200] =	vst v2  }
0x16b: {  	v2 =	vld [tilespmem:s11+$0xC280]  }
0x16c: {  	v3 =	vld [tilespmem:s11+$0x4280];
	_ =	sdelay $0x3  }
0x16d: {  	s26 =	simm.s32 $0x80  }
0x16e: {  	s0 =	sand.u32 $0x3C00, s26;
	v2 =	vadd.f32 v2, v3  }
0x16f: {  	s28 =	sor.u32 s0, s25;
	s25 =	simm.s32 $0x20  }
.LBB2_24:
0x170: {  	p0 =	sne.s32 s25, $0x7F0;
	v3 =	vld [tilespmem:s28+$0xC280];
	[tilespmem:s11+$0x4280] =	vst v2;
	s11 =	smov.u32 s28  }
0x171: {  	v2 =	vld [tilespmem:s11+$0x4280];
	_ =	sdelay $0x1  }
.Ltmp11:
0x172: {  	(pc) =	sbr.rel @p0 .LBB2_24-.Ltmp11, $4  }
0x173: {  	_ = 	snop  }
0x174: {  	s26 =	sadd.s32 $0x80, s26  }
0x175: {  	s0 =	sand.u32 $0x70, s25;
	s28 =	sand.u32 $0x3C00, s26;
	v2 =	vadd.f32 v3, v2  }
0x176: {  	s25 =	sadd.s32 $0x10, s25;
	s28 =	sor.u32 s28, s0  }
0x177: {  	v3 =	vld [tilespmem:s28+$0xC280];
	[tilespmem:s11+$0x4280] =	vst v2  }
0x178: {  	v2 =	vld [tilespmem:s28+$0x4280];
	_ =	sdelay $0x4  }
0x179: {  	s0 =	simm.s32 $0x0;
	v2 =	vadd.f32 v3, v2  }
0x17a: {  	s31 =	sand.u32 $0x70, s0;
	s0 =	sand.u32 $0x3C00, s0  }
0x17b: {  	s11 =	sor.u32 s0, s31;
	[tilespmem:s28+$0x4280] =	vst v2  }
0x17c: {  	v2 =	vld [tilespmem:s11+$0xC300]  }
0x17d: {  	v3 =	vld [tilespmem:s11+$0x4300];
	_ =	sdelay $0x3  }
0x17e: {  	s25 =	simm.s32 $0x10;
	s26 =	simm.s32 $0x80  }
0x17f: {  	s25 =	sand.u32 $0x70, s25;
	s31 =	sand.u32 $0x3C00, s26;
	v2 =	vadd.f32 v2, v3  }
0x180: {  	s29 =	simm.s32 $0x20;
	s30 =	sor.u32 s31, s25;
	s28 =	smov.u32 s11  }
.LBB2_26:
0x181: {  	p0 =	sne.s32 s29, $0x7F0;
	v3 =	vld [tilespmem:s30+$0xC300];
	[tilespmem:s28+$0x4300] =	vst v2;
	s28 =	smov.u32 s30  }
0x182: {  	v2 =	vld [tilespmem:s28+$0x4300];
	_ =	sdelay $0x1  }
.Ltmp12:
0x183: {  	(pc) =	sbr.rel @p0 .LBB2_26-.Ltmp12, $4  }
0x184: {  	_ = 	snop  }
0x185: {  	s26 =	sadd.s32 $0x80, s26  }
0x186: {  	s0 =	sand.u32 $0x70, s29;
	s30 =	sand.u32 $0x3C00, s26;
	v2 =	vadd.f32 v3, v2  }
0x187: {  	s29 =	sadd.s32 $0x10, s29;
	s30 =	sor.u32 s30, s0  }
0x188: {  	v3 =	vld [tilespmem:s30+$0xC300];
	[tilespmem:s28+$0x4300] =	vst v2  }
0x189: {  	v2 =	vld [tilespmem:s30+$0x4300];
	_ =	sdelay $0x4  }
0x18a: {  	v2 =	vadd.f32 v3, v2;
	_ =	sdelay $0x1  }
0x18b: {  	[tilespmem:s30+$0x4300] =	vst v2  }
0x18c: {  	v2 =	vld [tilespmem:s11+$0xC380]  }
0x18d: {  	v3 =	vld [tilespmem:s11+$0x4380];
	_ =	sdelay $0x3  }
0x18e: {  	s26 =	simm.s32 $0x80  }
0x18f: {  	s0 =	sand.u32 $0x3C00, s26;
	v2 =	vadd.f32 v2, v3  }
0x190: {  	s28 =	sor.u32 s0, s25;
	s25 =	simm.s32 $0x20  }
.LBB2_28:
0x191: {  	p0 =	sne.s32 s25, $0x7F0;
	v3 =	vld [tilespmem:s28+$0xC380];
	[tilespmem:s11+$0x4380] =	vst v2;
	s11 =	smov.u32 s28  }
0x192: {  	v2 =	vld [tilespmem:s11+$0x4380];
	_ =	sdelay $0x1  }
.Ltmp13:
0x193: {  	(pc) =	sbr.rel @p0 .LBB2_28-.Ltmp13, $4  }
0x194: {  	_ = 	snop  }
0x195: {  	s26 =	sadd.s32 $0x80, s26  }
0x196: {  	s0 =	sand.u32 $0x70, s25;
	s28 =	sand.u32 $0x3C00, s26;
	v2 =	vadd.f32 v3, v2  }
0x197: {  	s25 =	sadd.s32 $0x10, s25;
	s28 =	sor.u32 s28, s0  }
0x198: {  	v3 =	vld [tilespmem:s28+$0xC380];
	[tilespmem:s11+$0x4380] =	vst v2  }
0x199: {  	v2 =	vld [tilespmem:s28+$0x4380];
	_ =	sdelay $0x4  }
0x19a: {  	s11 =	simm.s32 $0x0;
	v2 =	vadd.f32 v3, v2  }
0x19b: {  	s0 =	sand.u32 $0x70, s11;
	s25 =	sand.u32 $0x3C00, s11  }
0x19c: {  	s25 =	sor.u32 s25, s0;
	[tilespmem:s28+$0x4380] =	vst v2  }
0x19d: {  	v2 =	vld [tilespmem:s25+$0xC400]  }
0x19e: {  	v3 =	vld [tilespmem:s25+$0x4400];
	_ =	sdelay $0x3  }
0x19f: {  	s31 =	simm.s32 $0x10;
	s26 =	simm.s32 $0x80  }
0x1a0: {  	s0 =	sand.u32 $0x70, s31;
	s28 =	sand.u32 $0x3C00, s26;
	v2 =	vadd.f32 v2, v3  }
0x1a1: {  	s29 =	sor.u32 s28, s0;
	s28 =	simm.s32 $0x20  }
.LBB2_30:
0x1a2: {  	p0 =	sne.s32 s28, $0x7F0;
	v3 =	vld [tilespmem:s29+$0xC400];
	[tilespmem:s25+$0x4400] =	vst v2;
	s25 =	smov.u32 s29  }
0x1a3: {  	v2 =	vld [tilespmem:s25+$0x4400];
	_ =	sdelay $0x1  }
.Ltmp14:
0x1a4: {  	(pc) =	sbr.rel @p0 .LBB2_30-.Ltmp14, $4  }
0x1a5: {  	_ = 	snop  }
0x1a6: {  	s26 =	sadd.s32 $0x80, s26  }
0x1a7: {  	s0 =	sand.u32 $0x70, s28;
	s29 =	sand.u32 $0x3C00, s26;
	v2 =	vadd.f32 v3, v2  }
0x1a8: {  	s28 =	sadd.s32 $0x10, s28;
	s29 =	sor.u32 s29, s0  }
0x1a9: {  	v3 =	vld [tilespmem:s29+$0xC400];
	[tilespmem:s25+$0x4400] =	vst v2  }
0x1aa: {  	v2 =	vld [tilespmem:s29+$0x4400];
	_ =	sdelay $0x3  }
0x1ab: {  	s0 =	sand.u32 $0x7, s11  }
0x1ac: {  	s0 =	sshll.u32 s0, $0x4;
	v2 =	vadd.f32 v3, v2  }
0x1ad: {  	s0 =	sadd.s32 $0x0, s0  }
0x1ae: {  	s11 =	sor.u32 $0x380, s0;
	[tilespmem:s29+$0x4400] =	vst v2  }
0x1af: {  	v2 =	vld [tilespmem:s11+$0xC100]  }
0x1b0: {  	v3 =	vld [tilespmem:s11+$0x4100];
	_ =	sdelay $0x1  }
0x1b1: {  	s25 =	simm.s32 $0x1  }
0x1b2: {  	s31 =	sand.u32 $0x7, s25  }
0x1b3: {  	s28 =	simm.s32 $0x20;
	s26 =	simm.s32 $0x80;
	s29 =	sshll.u32 s31, $0x4  }
.LBB2_32:
0x1b4: {  	p0 =	sne.s32 s28, $0x7F0;
	s0 =	sadd.s32 s29, s26;
	v3 =	vadd.f32 v2, v3  }
0x1b5: {  	s0 =	sor.u32 $0x380, s0  }
0x1b6: {  	v2 =	vld [tilespmem:s0+$0xC100];
	[tilespmem:s11+$0x4100] =	vst v3;
	s11 =	smov.u32 s0  }
.Ltmp15:
0x1b7: {  	v3 =	vld [tilespmem:s11+$0x4100];
	(pc) =	sbr.rel @p0 .LBB2_32-.Ltmp15, $4  }
0x1b8: {  	_ = 	snop  }
0x1b9: {  	s25 =	sadd.s32 $0x1, s25  }
0x1ba: {  	s0 =	sand.u32 $0x7, s25  }
0x1bb: {  	s28 =	sadd.s32 $0x10, s28;
	s26 =	sadd.s32 $0x80, s26;
	s29 =	sshll.u32 s0, $0x4  }
0x1bc: {  	s0 =	sadd.s32 s29, s26;
	v2 =	vadd.f32 v2, v3  }
0x1bd: {  	s0 =	sor.u32 $0x380, s0  }
0x1be: {  	v3 =	vld [tilespmem:s0+$0xC100];
	[tilespmem:s11+$0x4100] =	vst v2  }
0x1bf: {  	v2 =	vld [tilespmem:s0+$0x4100];
	_ =	sdelay $0x4  }
0x1c0: {  	v2 =	vadd.f32 v3, v2;
	_ =	sdelay $0x1  }
0x1c1: {  	s26 =	rddreg [dreg:$0x6];
	[tilespmem:s0+$0x4100] =	vst v2;
	s0 =	simm.s32 $0x0  }
0x1c2: {  	[hbm4b:s26+s0] =	stream.linear.scatter [tilespmem:s18], [sflag:$0x6], $0x4000, $0x38;
	[tilespmem:$0x10100] =	vst v63  }
0x1c3: {  	_ =	swait.ge [sflag:s20], $0x4000  }
0x1c4: {  	[sflag:s20] =	ssyncset.done $0x0  }
0x1c5: {  	[sflag:s20] =	ssyncadd.s32 $0xFFFFC000  }
0x1c6: {  	v2 =	vld.msk [tilespmem:$0x18], $0xff;
	_ =	sdelay $0x4  }
0x1c7: {  	v3 =	vshll.u32 v2, $0x4  }
0x1c8: {  	v2 =	vand.u32 $0x7, v2;
	v3 =	vand.u32 $0xFFFFFF80, v3  }
0x1c9: {  	v2 =	vor.u32 v2, v3  }
0x1ca: {  	v2 =	vperm.xlane v2, v0;
	_ =	sdelay $0x1  }
0x1cb: {  	v2 =	vadd.s32 v1, v2;
	_ =	sdelay $0x4  }
0x1cc: {  	[tilespmem:s18], [sflag:$0x2] =	stream.indirect_vreg.gather [hbm4b:s3+s0], $0x80, v2, vm0, $0xb8;
	[tilespmem:$0x10100] =	vst v63  }
0x1cd: {  	s25 =	simm.s32 $0x4900  }
0x1ce: {  	[tilespmem:s25], [sflag:$0x2] =	stream.indirect_vreg.gather [hbm4b:s6+s0], $0x80, v2, vm0, $0xb8;
	[tilespmem:$0x10100] =	vst v63  }
0x1cf: {  	s26 =	simm.s32 $0x5100  }
0x1d0: {  	[tilespmem:s26], [sflag:$0x2] =	stream.indirect_vreg.gather [hbm4b:s12+s0], $0x80, v2, vm0, $0xb8;
	[tilespmem:$0x10100] =	vst v63  }
0x1d1: {  	s25 =	simm.s32 $0x5900  }
0x1d2: {  	[tilespmem:s25], [sflag:$0x2] =	stream.indirect_vreg.gather [hbm4b:s7+s0], $0x80, v2, vm0, $0xb8;
	[tilespmem:$0x10100] =	vst v63  }
0x1d3: {  	s26 =	simm.s32 $0x6100  }
0x1d4: {  	[tilespmem:s26], [sflag:$0x2] =	stream.indirect_vreg.gather [hbm4b:s8+s0], $0x80, v2, vm0, $0xb8;
	[tilespmem:$0x10100] =	vst v63  }
0x1d5: {  	s25 =	simm.s32 $0x6900  }
0x1d6: {  	[tilespmem:s25], [sflag:$0x2] =	stream.indirect_vreg.gather [hbm4b:s9+s0], $0x80, v2, vm0, $0xb8;
	[tilespmem:$0x10100] =	vst v63  }
0x1d7: {  	s26 =	simm.s32 $0x7100  }
0x1d8: {  	[tilespmem:s26], [sflag:$0x2] =	stream.indirect_vreg.gather [hbm4b:s10+s0], $0x80, v2, vm0, $0xb8;
	[tilespmem:$0x10100] =	vst v63  }
0x1d9: {  	s25 =	simm.s32 $0x7900  }
0x1da: {  	[tilespmem:s25], [sflag:$0x2] =	stream.indirect_vreg.gather [hbm4b:s13+s0], $0x80, v2, vm0, $0xb8;
	[tilespmem:$0x10100] =	vst v63  }
0x1db: {  	v2 =	vld.msk [tilespmem:$0x98], $0xff;
	_ =	sdelay $0x4  }
0x1dc: {  	v3 =	vshll.u32 v2, $0x4  }
0x1dd: {  	v2 =	vand.u32 $0x7, v2;
	v3 =	vand.u32 $0xFFFFFF80, v3  }
0x1de: {  	v2 =	vor.u32 v2, v3  }
0x1df: {  	v2 =	vperm.xlane v2, v0;
	_ =	sdelay $0x1  }
0x1e0: {  	v2 =	vadd.s32 v1, v2;
	_ =	sdelay $0x3  }
0x1e1: {  	s26 =	simm.s32 $0xC100  }
0x1e2: {  	[tilespmem:s26], [sflag:$0x4] =	stream.indirect_vreg.gather [hbm4b:s3+s0], $0x80, v2, vm0, $0xb8;
	[tilespmem:$0x10100] =	vst v63  }
0x1e3: {  	s25 =	simm.s32 $0xC900  }
0x1e4: {  	[tilespmem:s25], [sflag:$0x4] =	stream.indirect_vreg.gather [hbm4b:s6+s0], $0x80, v2, vm0, $0xb8;
	[tilespmem:$0x10100] =	vst v63  }
0x1e5: {  	s26 =	simm.s32 $0xD100  }
0x1e6: {  	[tilespmem:s26], [sflag:$0x4] =	stream.indirect_vreg.gather [hbm4b:s12+s0], $0x80, v2, vm0, $0xb8;
	[tilespmem:$0x10100] =	vst v63  }
0x1e7: {  	s25 =	simm.s32 $0xD900  }
0x1e8: {  	[tilespmem:s25], [sflag:$0x4] =	stream.indirect_vreg.gather [hbm4b:s7+s0], $0x80, v2, vm0, $0xb8;
	[tilespmem:$0x10100] =	vst v63  }
0x1e9: {  	_ = 	snop  }
0x1ea: {  	[tilespmem:s1], [sflag:$0x4] =	stream.indirect_vreg.gather [hbm4b:s8+s0], $0x80, v2, vm0, $0xb8;
	[tilespmem:$0x10100] =	vst v63  }
0x1eb: {  	_ = 	snop  }
0x1ec: {  	[tilespmem:s23], [sflag:$0x4] =	stream.indirect_vreg.gather [hbm4b:s9+s0], $0x80, v2, vm0, $0xb8;
	[tilespmem:$0x10100] =	vst v63  }
0x1ed: {  	_ = 	snop  }
0x1ee: {  	[tilespmem:s4], [sflag:$0x4] =	stream.indirect_vreg.gather [hbm4b:s10+s0], $0x80, v2, vm0, $0xb8;
	[tilespmem:$0x10100] =	vst v63  }
0x1ef: {  	_ = 	snop  }
0x1f0: {  	[tilespmem:s5], [sflag:$0x4] =	stream.indirect_vreg.gather [hbm4b:s13+s0], $0x80, v2, vm0, $0xb8;
	[tilespmem:$0x10100] =	vst v63  }
0x1f1: {  	_ =	swait.ge [sflag:s14], $0x4000  }
0x1f2: {  	[sflag:s14] =	ssyncset.done $0x0  }
0x1f3: {  	[sflag:s14] =	ssyncadd.s32 $0xFFFFC000  }
0x1f4: {  	_ =	swait.ge [sflag:s15], $0x4000  }
0x1f5: {  	s11 =	sand.u32 $0x70, s0;
	s25 =	sand.u32 $0x3C00, s0;
	[sflag:s15] =	ssyncset.done $0x0  }
0x1f6: {  	s28 =	sor.u32 s11, s25;
	[sflag:s15] =	ssyncadd.s32 $0xFFFFC000  }
0x1f7: {  	v2 =	vld [tilespmem:s28+$0x8100]  }
0x1f8: {  	v3 =	vld [tilespmem:s28+$0x100];
	_ =	sdelay $0x3  }
0x1f9: {  	s29 =	simm.s32 $0x80;
	s26 =	simm.s32 $0x10  }
0x1fa: {  	s26 =	sand.u32 $0x70, s26;
	s0 =	sand.u32 $0x3C00, s29;
	v2 =	vadd.f32 v2, v3  }
0x1fb: {  	s30 =	simm.s32 $0x20;
	s31 =	sor.u32 s26, s0  }
.LBB2_34:
0x1fc: {  	p0 =	sne.s32 s30, $0x7F0;
	v3 =	vld [tilespmem:s31+$0x8100];
	[tilespmem:s28+$0x100] =	vst v2;
	s28 =	smov.u32 s31  }
0x1fd: {  	v2 =	vld [tilespmem:s28+$0x100];
	_ =	sdelay $0x1  }
.Ltmp16:
0x1fe: {  	(pc) =	sbr.rel @p0 .LBB2_34-.Ltmp16, $4  }
0x1ff: {  	_ = 	snop  }
0x200: {  	s29 =	sadd.s32 $0x80, s29  }
0x201: {  	s0 =	sand.u32 $0x70, s30;
	s31 =	sand.u32 $0x3C00, s29;
	v2 =	vadd.f32 v3, v2  }
0x202: {  	s30 =	sadd.s32 $0x10, s30;
	s31 =	sor.u32 s0, s31  }
0x203: {  	v3 =	vld [tilespmem:s31+$0x8100];
	[tilespmem:s28+$0x100] =	vst v2  }
0x204: {  	v2 =	vld [tilespmem:s31+$0x100];
	_ =	sdelay $0x4  }
0x205: {  	v2 =	vadd.f32 v3, v2;
	_ =	sdelay $0x1  }
0x206: {  	s11 =	sor.u32 s25, s11;
	[tilespmem:s31+$0x100] =	vst v2  }
0x207: {  	v2 =	vld [tilespmem:s11+$0x8180]  }
0x208: {  	v3 =	vld [tilespmem:s11+$0x180];
	_ =	sdelay $0x3  }
0x209: {  	s25 =	simm.s32 $0x80  }
0x20a: {  	s0 =	sand.u32 $0x3C00, s25;
	v2 =	vadd.f32 v2, v3  }
0x20b: {  	s28 =	sor.u32 s0, s26;
	s26 =	simm.s32 $0x20  }
.LBB2_36:
0x20c: {  	p0 =	sne.s32 s26, $0x7F0;
	v3 =	vld [tilespmem:s28+$0x8180];
	[tilespmem:s11+$0x180] =	vst v2;
	s11 =	smov.u32 s28  }
0x20d: {  	v2 =	vld [tilespmem:s11+$0x180];
	_ =	sdelay $0x1  }
.Ltmp17:
0x20e: {  	(pc) =	sbr.rel @p0 .LBB2_36-.Ltmp17, $4  }
0x20f: {  	_ = 	snop  }
0x210: {  	s25 =	sadd.s32 $0x80, s25  }
0x211: {  	s0 =	sand.u32 $0x70, s26;
	s28 =	sand.u32 $0x3C00, s25;
	v2 =	vadd.f32 v3, v2  }
0x212: {  	s26 =	sadd.s32 $0x10, s26;
	s28 =	sor.u32 s28, s0  }
0x213: {  	v3 =	vld [tilespmem:s28+$0x8180];
	[tilespmem:s11+$0x180] =	vst v2  }
0x214: {  	v2 =	vld [tilespmem:s28+$0x180];
	_ =	sdelay $0x4  }
0x215: {  	s0 =	simm.s32 $0x0;
	v2 =	vadd.f32 v3, v2  }
0x216: {  	s31 =	sand.u32 $0x70, s0;
	s0 =	sand.u32 $0x3C00, s0  }
0x217: {  	s11 =	sor.u32 s0, s31;
	[tilespmem:s28+$0x180] =	vst v2  }
0x218: {  	v2 =	vld [tilespmem:s11+$0x8200]  }
0x219: {  	v3 =	vld [tilespmem:s11+$0x200];
	_ =	sdelay $0x3  }
0x21a: {  	s25 =	simm.s32 $0x10;
	s26 =	simm.s32 $0x80  }
0x21b: {  	s25 =	sand.u32 $0x70, s25;
	s31 =	sand.u32 $0x3C00, s26;
	v2 =	vadd.f32 v2, v3  }
0x21c: {  	s29 =	simm.s32 $0x20;
	s30 =	sor.u32 s31, s25;
	s28 =	smov.u32 s11  }
.LBB2_38:
0x21d: {  	p0 =	sne.s32 s29, $0x7F0;
	v3 =	vld [tilespmem:s30+$0x8200];
	[tilespmem:s28+$0x200] =	vst v2;
	s28 =	smov.u32 s30  }
0x21e: {  	v2 =	vld [tilespmem:s28+$0x200];
	_ =	sdelay $0x1  }
.Ltmp18:
0x21f: {  	(pc) =	sbr.rel @p0 .LBB2_38-.Ltmp18, $4  }
0x220: {  	_ = 	snop  }
0x221: {  	s26 =	sadd.s32 $0x80, s26  }
0x222: {  	s0 =	sand.u32 $0x70, s29;
	s30 =	sand.u32 $0x3C00, s26;
	v2 =	vadd.f32 v3, v2  }
0x223: {  	s29 =	sadd.s32 $0x10, s29;
	s30 =	sor.u32 s30, s0  }
0x224: {  	v3 =	vld [tilespmem:s30+$0x8200];
	[tilespmem:s28+$0x200] =	vst v2  }
0x225: {  	v2 =	vld [tilespmem:s30+$0x200];
	_ =	sdelay $0x4  }
0x226: {  	v2 =	vadd.f32 v3, v2;
	_ =	sdelay $0x1  }
0x227: {  	[tilespmem:s30+$0x200] =	vst v2  }
0x228: {  	v2 =	vld [tilespmem:s11+$0x8280]  }
0x229: {  	v3 =	vld [tilespmem:s11+$0x280];
	_ =	sdelay $0x3  }
0x22a: {  	s26 =	simm.s32 $0x80  }
0x22b: {  	s0 =	sand.u32 $0x3C00, s26;
	v2 =	vadd.f32 v2, v3  }
0x22c: {  	s28 =	sor.u32 s0, s25;
	s25 =	simm.s32 $0x20  }
.LBB2_40:
0x22d: {  	p0 =	sne.s32 s25, $0x7F0;
	v3 =	vld [tilespmem:s28+$0x8280];
	[tilespmem:s11+$0x280] =	vst v2;
	s11 =	smov.u32 s28  }
0x22e: {  	v2 =	vld [tilespmem:s11+$0x280];
	_ =	sdelay $0x1  }
.Ltmp19:
0x22f: {  	(pc) =	sbr.rel @p0 .LBB2_40-.Ltmp19, $4  }
0x230: {  	_ = 	snop  }
0x231: {  	s26 =	sadd.s32 $0x80, s26  }
0x232: {  	s0 =	sand.u32 $0x70, s25;
	s28 =	sand.u32 $0x3C00, s26;
	v2 =	vadd.f32 v3, v2  }
0x233: {  	s25 =	sadd.s32 $0x10, s25;
	s28 =	sor.u32 s28, s0  }
0x234: {  	v3 =	vld [tilespmem:s28+$0x8280];
	[tilespmem:s11+$0x280] =	vst v2  }
0x235: {  	v2 =	vld [tilespmem:s28+$0x280];
	_ =	sdelay $0x4  }
0x236: {  	s0 =	simm.s32 $0x0;
	v2 =	vadd.f32 v3, v2  }
0x237: {  	s31 =	sand.u32 $0x70, s0;
	s0 =	sand.u32 $0x3C00, s0  }
0x238: {  	s11 =	sor.u32 s0, s31;
	[tilespmem:s28+$0x280] =	vst v2  }
0x239: {  	v2 =	vld [tilespmem:s11+$0x8300]  }
0x23a: {  	v3 =	vld [tilespmem:s11+$0x300];
	_ =	sdelay $0x3  }
0x23b: {  	s25 =	simm.s32 $0x10;
	s26 =	simm.s32 $0x80  }
0x23c: {  	s25 =	sand.u32 $0x70, s25;
	s31 =	sand.u32 $0x3C00, s26;
	v2 =	vadd.f32 v2, v3  }
0x23d: {  	s29 =	simm.s32 $0x20;
	s30 =	sor.u32 s31, s25;
	s28 =	smov.u32 s11  }
.LBB2_42:
0x23e: {  	p0 =	sne.s32 s29, $0x7F0;
	v3 =	vld [tilespmem:s30+$0x8300];
	[tilespmem:s28+$0x300] =	vst v2;
	s28 =	smov.u32 s30  }
0x23f: {  	v2 =	vld [tilespmem:s28+$0x300];
	_ =	sdelay $0x1  }
.Ltmp20:
0x240: {  	(pc) =	sbr.rel @p0 .LBB2_42-.Ltmp20, $4  }
0x241: {  	_ = 	snop  }
0x242: {  	s26 =	sadd.s32 $0x80, s26  }
0x243: {  	s0 =	sand.u32 $0x70, s29;
	s30 =	sand.u32 $0x3C00, s26;
	v2 =	vadd.f32 v3, v2  }
0x244: {  	s29 =	sadd.s32 $0x10, s29;
	s30 =	sor.u32 s30, s0  }
0x245: {  	v3 =	vld [tilespmem:s30+$0x8300];
	[tilespmem:s28+$0x300] =	vst v2  }
0x246: {  	v2 =	vld [tilespmem:s30+$0x300];
	_ =	sdelay $0x4  }
0x247: {  	v2 =	vadd.f32 v3, v2;
	_ =	sdelay $0x1  }
0x248: {  	[tilespmem:s30+$0x300] =	vst v2  }
0x249: {  	v2 =	vld [tilespmem:s11+$0x8380]  }
0x24a: {  	v3 =	vld [tilespmem:s11+$0x380];
	_ =	sdelay $0x3  }
0x24b: {  	s26 =	simm.s32 $0x80  }
0x24c: {  	s0 =	sand.u32 $0x3C00, s26;
	v2 =	vadd.f32 v2, v3  }
0x24d: {  	s28 =	sor.u32 s0, s25;
	s25 =	simm.s32 $0x20  }
.LBB2_44:
0x24e: {  	p0 =	sne.s32 s25, $0x7F0;
	v3 =	vld [tilespmem:s28+$0x8380];
	[tilespmem:s11+$0x380] =	vst v2;
	s11 =	smov.u32 s28  }
0x24f: {  	v2 =	vld [tilespmem:s11+$0x380];
	_ =	sdelay $0x1  }
.Ltmp21:
0x250: {  	(pc) =	sbr.rel @p0 .LBB2_44-.Ltmp21, $4  }
0x251: {  	_ = 	snop  }
0x252: {  	s26 =	sadd.s32 $0x80, s26  }
0x253: {  	s0 =	sand.u32 $0x70, s25;
	s28 =	sand.u32 $0x3C00, s26;
	v2 =	vadd.f32 v3, v2  }
0x254: {  	s25 =	sadd.s32 $0x10, s25;
	s28 =	sor.u32 s28, s0  }
0x255: {  	v3 =	vld [tilespmem:s28+$0x8380];
	[tilespmem:s11+$0x380] =	vst v2  }
0x256: {  	v2 =	vld [tilespmem:s28+$0x380];
	_ =	sdelay $0x4  }
0x257: {  	s11 =	simm.s32 $0x0;
	v2 =	vadd.f32 v3, v2  }
0x258: {  	s0 =	sand.u32 $0x70, s11;
	s25 =	sand.u32 $0x3C00, s11  }
0x259: {  	s25 =	sor.u32 s25, s0;
	[tilespmem:s28+$0x380] =	vst v2  }
0x25a: {  	v2 =	vld [tilespmem:s25+$0x8400]  }
0x25b: {  	v3 =	vld [tilespmem:s25+$0x400];
	_ =	sdelay $0x3  }
0x25c: {  	s31 =	simm.s32 $0x10;
	s26 =	simm.s32 $0x80  }
0x25d: {  	s0 =	sand.u32 $0x70, s31;
	s28 =	sand.u32 $0x3C00, s26;
	v2 =	vadd.f32 v2, v3  }
0x25e: {  	s29 =	sor.u32 s28, s0;
	s28 =	simm.s32 $0x20  }
.LBB2_46:
0x25f: {  	p0 =	sne.s32 s28, $0x7F0;
	v3 =	vld [tilespmem:s29+$0x8400];
	[tilespmem:s25+$0x400] =	vst v2;
	s25 =	smov.u32 s29  }
0x260: {  	v2 =	vld [tilespmem:s25+$0x400];
	_ =	sdelay $0x1  }
.Ltmp22:
0x261: {  	(pc) =	sbr.rel @p0 .LBB2_46-.Ltmp22, $4  }
0x262: {  	_ = 	snop  }
0x263: {  	s26 =	sadd.s32 $0x80, s26  }
0x264: {  	s0 =	sand.u32 $0x70, s28;
	s29 =	sand.u32 $0x3C00, s26;
	v2 =	vadd.f32 v3, v2  }
0x265: {  	s28 =	sadd.s32 $0x10, s28;
	s29 =	sor.u32 s29, s0  }
0x266: {  	v3 =	vld [tilespmem:s29+$0x8400];
	[tilespmem:s25+$0x400] =	vst v2  }
0x267: {  	v2 =	vld [tilespmem:s29+$0x400];
	_ =	sdelay $0x3  }
0x268: {  	s0 =	sand.u32 $0x7, s11  }
0x269: {  	s0 =	sshll.u32 s0, $0x4;
	v2 =	vadd.f32 v3, v2  }
0x26a: {  	s0 =	sadd.s32 $0x0, s0  }
0x26b: {  	s11 =	sor.u32 $0x380, s0;
	[tilespmem:s29+$0x400] =	vst v2  }
0x26c: {  	v2 =	vld [tilespmem:s11+$0x8100]  }
0x26d: {  	v3 =	vld [tilespmem:s11+$0x100];
	_ =	sdelay $0x1  }
0x26e: {  	s25 =	simm.s32 $0x1  }
0x26f: {  	s31 =	sand.u32 $0x7, s25  }
0x270: {  	s28 =	simm.s32 $0x20;
	s26 =	simm.s32 $0x80;
	s29 =	sshll.u32 s31, $0x4  }
.LBB2_48:
0x271: {  	p0 =	sne.s32 s28, $0x7F0;
	s0 =	sadd.s32 s29, s26;
	v3 =	vadd.f32 v2, v3  }
0x272: {  	s0 =	sor.u32 $0x380, s0  }
0x273: {  	v2 =	vld [tilespmem:s0+$0x8100];
	[tilespmem:s11+$0x100] =	vst v3;
	s11 =	smov.u32 s0  }
.Ltmp23:
0x274: {  	v3 =	vld [tilespmem:s11+$0x100];
	(pc) =	sbr.rel @p0 .LBB2_48-.Ltmp23, $4  }
0x275: {  	_ = 	snop  }
0x276: {  	s25 =	sadd.s32 $0x1, s25  }
0x277: {  	s0 =	sand.u32 $0x7, s25  }
0x278: {  	s28 =	sadd.s32 $0x10, s28;
	s26 =	sadd.s32 $0x80, s26;
	s29 =	sshll.u32 s0, $0x4  }
0x279: {  	s0 =	sadd.s32 s29, s26;
	v2 =	vadd.f32 v2, v3  }
0x27a: {  	s0 =	sor.u32 $0x380, s0  }
0x27b: {  	v3 =	vld [tilespmem:s0+$0x8100];
	[tilespmem:s11+$0x100] =	vst v2  }
0x27c: {  	v2 =	vld [tilespmem:s0+$0x100];
	_ =	sdelay $0x4  }
0x27d: {  	v2 =	vadd.f32 v3, v2;
	_ =	sdelay $0x1  }
0x27e: {  	s26 =	rddreg [dreg:$0x7];
	[tilespmem:s0+$0x100] =	vst v2;
	s0 =	simm.s32 $0x0  }
0x27f: {  	[hbm4b:s26+s0] =	stream.linear.scatter [tilespmem:s24], [sflag:$0x5], $0x4000, $0x38;
	[tilespmem:$0x10100] =	vst v63  }
0x280: {  	_ =	swait.ge [sflag:s16], $0x4000  }
0x281: {  	[sflag:s16] =	ssyncset.done $0x0  }
0x282: {  	[sflag:s16] =	ssyncadd.s32 $0xFFFFC000  }
0x283: {  	v2 =	vld.msk [tilespmem:$0x20], $0xff;
	_ =	sdelay $0x4  }
0x284: {  	v3 =	vshll.u32 v2, $0x4  }
0x285: {  	v2 =	vand.u32 $0x7, v2;
	v3 =	vand.u32 $0xFFFFFF80, v3  }
0x286: {  	v2 =	vor.u32 v2, v3  }
0x287: {  	v2 =	vperm.xlane v2, v0;
	_ =	sdelay $0x1  }
0x288: {  	v2 =	vadd.s32 v1, v2;
	_ =	sdelay $0x4  }
0x289: {  	[tilespmem:s24], [sflag:$0x1] =	stream.indirect_vreg.gather [hbm4b:s3+s0], $0x80, v2, vm0, $0xb8;
	[tilespmem:$0x10100] =	vst v63  }
0x28a: {  	s25 =	simm.s32 $0x900  }
0x28b: {  	[tilespmem:s25], [sflag:$0x1] =	stream.indirect_vreg.gather [hbm4b:s6+s0], $0x80, v2, vm0, $0xb8;
	[tilespmem:$0x10100] =	vst v63  }
0x28c: {  	s26 =	simm.s32 $0x1100  }
0x28d: {  	[tilespmem:s26], [sflag:$0x1] =	stream.indirect_vreg.gather [hbm4b:s12+s0], $0x80, v2, vm0, $0xb8;
	[tilespmem:$0x10100] =	vst v63  }
0x28e: {  	s25 =	simm.s32 $0x1900  }
0x28f: {  	[tilespmem:s25], [sflag:$0x1] =	stream.indirect_vreg.gather [hbm4b:s7+s0], $0x80, v2, vm0, $0xb8;
	[tilespmem:$0x10100] =	vst v63  }
0x290: {  	s26 =	simm.s32 $0x2100  }
0x291: {  	[tilespmem:s26], [sflag:$0x1] =	stream.indirect_vreg.gather [hbm4b:s8+s0], $0x80, v2, vm0, $0xb8;
	[tilespmem:$0x10100] =	vst v63  }
0x292: {  	s25 =	simm.s32 $0x2900  }
0x293: {  	[tilespmem:s25], [sflag:$0x1] =	stream.indirect_vreg.gather [hbm4b:s9+s0], $0x80, v2, vm0, $0xb8;
	[tilespmem:$0x10100] =	vst v63  }
0x294: {  	s26 =	simm.s32 $0x3100  }
0x295: {  	[tilespmem:s26], [sflag:$0x1] =	stream.indirect_vreg.gather [hbm4b:s10+s0], $0x80, v2, vm0, $0xb8;
	[tilespmem:$0x10100] =	vst v63  }
0x296: {  	s25 =	simm.s32 $0x3900  }
0x297: {  	[tilespmem:s25], [sflag:$0x1] =	stream.indirect_vreg.gather [hbm4b:s13+s0], $0x80, v2, vm0, $0xb8;
	[tilespmem:$0x10100] =	vst v63  }
0x298: {  	v2 =	vld.msk [tilespmem:$0xA0], $0xff;
	_ =	sdelay $0x4  }
0x299: {  	v3 =	vshll.u32 v2, $0x4  }
0x29a: {  	v2 =	vand.u32 $0x7, v2;
	v3 =	vand.u32 $0xFFFFFF80, v3  }
0x29b: {  	v2 =	vor.u32 v2, v3  }
0x29c: {  	v2 =	vperm.xlane v2, v0;
	_ =	sdelay $0x1  }
0x29d: {  	v2 =	vadd.s32 v1, v2;
	_ =	sdelay $0x3  }
0x29e: {  	s26 =	simm.s32 $0x8100  }
0x29f: {  	[tilespmem:s26], [sflag:$0x3] =	stream.indirect_vreg.gather [hbm4b:s3+s0], $0x80, v2, vm0, $0xb8;
	[tilespmem:$0x10100] =	vst v63  }
0x2a0: {  	s25 =	simm.s32 $0x8900  }
0x2a1: {  	[tilespmem:s25], [sflag:$0x3] =	stream.indirect_vreg.gather [hbm4b:s6+s0], $0x80, v2, vm0, $0xb8;
	[tilespmem:$0x10100] =	vst v63  }
0x2a2: {  	s26 =	simm.s32 $0x9100  }
0x2a3: {  	[tilespmem:s26], [sflag:$0x3] =	stream.indirect_vreg.gather [hbm4b:s12+s0], $0x80, v2, vm0, $0xb8;
	[tilespmem:$0x10100] =	vst v63  }
0x2a4: {  	s25 =	simm.s32 $0x9900  }
0x2a5: {  	[tilespmem:s25], [sflag:$0x3] =	stream.indirect_vreg.gather [hbm4b:s7+s0], $0x80, v2, vm0, $0xb8;
	[tilespmem:$0x10100] =	vst v63  }
0x2a6: {  	s26 =	simm.s32 $0xA100  }
0x2a7: {  	[tilespmem:s26], [sflag:$0x3] =	stream.indirect_vreg.gather [hbm4b:s8+s0], $0x80, v2, vm0, $0xb8;
	[tilespmem:$0x10100] =	vst v63  }
0x2a8: {  	s25 =	simm.s32 $0xA900  }
0x2a9: {  	[tilespmem:s25], [sflag:$0x3] =	stream.indirect_vreg.gather [hbm4b:s9+s0], $0x80, v2, vm0, $0xb8;
	[tilespmem:$0x10100] =	vst v63  }
0x2aa: {  	s26 =	simm.s32 $0xB100  }
0x2ab: {  	[tilespmem:s26], [sflag:$0x3] =	stream.indirect_vreg.gather [hbm4b:s10+s0], $0x80, v2, vm0, $0xb8;
	[tilespmem:$0x10100] =	vst v63  }
0x2ac: {  	s25 =	simm.s32 $0xB900  }
0x2ad: {  	[tilespmem:s25], [sflag:$0x3] =	stream.indirect_vreg.gather [hbm4b:s13+s0], $0x80, v2, vm0, $0xb8;
	[tilespmem:$0x10100] =	vst v63  }
0x2ae: {  	_ =	swait.ge [sflag:s17], $0x4000  }
0x2af: {  	[sflag:s17] =	ssyncset.done $0x0  }
0x2b0: {  	[sflag:s17] =	ssyncadd.s32 $0xFFFFC000  }
0x2b1: {  	_ =	swait.ge [sflag:s19], $0x4000  }
0x2b2: {  	s11 =	sand.u32 $0x70, s0;
	s25 =	sand.u32 $0x3C00, s0;
	[sflag:s19] =	ssyncset.done $0x0  }
0x2b3: {  	s28 =	sor.u32 s11, s25;
	[sflag:s19] =	ssyncadd.s32 $0xFFFFC000  }
0x2b4: {  	v2 =	vld [tilespmem:s28+$0xC100]  }
0x2b5: {  	v3 =	vld [tilespmem:s28+$0x4100];
	_ =	sdelay $0x3  }
0x2b6: {  	s29 =	simm.s32 $0x80;
	s26 =	simm.s32 $0x10  }
0x2b7: {  	s26 =	sand.u32 $0x70, s26;
	s0 =	sand.u32 $0x3C00, s29;
	v2 =	vadd.f32 v2, v3  }
0x2b8: {  	s30 =	simm.s32 $0x20;
	s31 =	sor.u32 s26, s0  }
.LBB2_50:
0x2b9: {  	p0 =	sne.s32 s30, $0x7F0;
	v3 =	vld [tilespmem:s31+$0xC100];
	[tilespmem:s28+$0x4100] =	vst v2;
	s28 =	smov.u32 s31  }
0x2ba: {  	v2 =	vld [tilespmem:s28+$0x4100];
	_ =	sdelay $0x1  }
.Ltmp24:
0x2bb: {  	(pc) =	sbr.rel @p0 .LBB2_50-.Ltmp24, $4  }
0x2bc: {  	_ = 	snop  }
0x2bd: {  	s29 =	sadd.s32 $0x80, s29  }
0x2be: {  	s0 =	sand.u32 $0x70, s30;
	s31 =	sand.u32 $0x3C00, s29;
	v2 =	vadd.f32 v3, v2  }
0x2bf: {  	s30 =	sadd.s32 $0x10, s30;
	s31 =	sor.u32 s0, s31  }
0x2c0: {  	v3 =	vld [tilespmem:s31+$0xC100];
	[tilespmem:s28+$0x4100] =	vst v2  }
0x2c1: {  	v2 =	vld [tilespmem:s31+$0x4100];
	_ =	sdelay $0x4  }
0x2c2: {  	v2 =	vadd.f32 v3, v2;
	_ =	sdelay $0x1  }
0x2c3: {  	s11 =	sor.u32 s25, s11;
	[tilespmem:s31+$0x4100] =	vst v2  }
0x2c4: {  	v2 =	vld [tilespmem:s11+$0xC180]  }
0x2c5: {  	v3 =	vld [tilespmem:s11+$0x4180];
	_ =	sdelay $0x3  }
0x2c6: {  	s25 =	simm.s32 $0x80  }
0x2c7: {  	s0 =	sand.u32 $0x3C00, s25;
	v2 =	vadd.f32 v2, v3  }
0x2c8: {  	s28 =	sor.u32 s0, s26;
	s26 =	simm.s32 $0x20  }
.LBB2_52:
0x2c9: {  	p0 =	sne.s32 s26, $0x7F0;
	v3 =	vld [tilespmem:s28+$0xC180];
	[tilespmem:s11+$0x4180] =	vst v2;
	s11 =	smov.u32 s28  }
0x2ca: {  	v2 =	vld [tilespmem:s11+$0x4180];
	_ =	sdelay $0x1  }
.Ltmp25:
0x2cb: {  	(pc) =	sbr.rel @p0 .LBB2_52-.Ltmp25, $4  }
0x2cc: {  	_ = 	snop  }
0x2cd: {  	s25 =	sadd.s32 $0x80, s25  }
0x2ce: {  	s0 =	sand.u32 $0x70, s26;
	s28 =	sand.u32 $0x3C00, s25;
	v2 =	vadd.f32 v3, v2  }
0x2cf: {  	s26 =	sadd.s32 $0x10, s26;
	s28 =	sor.u32 s28, s0  }
0x2d0: {  	v3 =	vld [tilespmem:s28+$0xC180];
	[tilespmem:s11+$0x4180] =	vst v2  }
0x2d1: {  	v2 =	vld [tilespmem:s28+$0x4180];
	_ =	sdelay $0x4  }
0x2d2: {  	s0 =	simm.s32 $0x0;
	v2 =	vadd.f32 v3, v2  }
0x2d3: {  	s31 =	sand.u32 $0x70, s0;
	s0 =	sand.u32 $0x3C00, s0  }
0x2d4: {  	s11 =	sor.u32 s0, s31;
	[tilespmem:s28+$0x4180] =	vst v2  }
0x2d5: {  	v2 =	vld [tilespmem:s11+$0xC200]  }
0x2d6: {  	v3 =	vld [tilespmem:s11+$0x4200];
	_ =	sdelay $0x3  }
0x2d7: {  	s25 =	simm.s32 $0x10;
	s26 =	simm.s32 $0x80  }
0x2d8: {  	s25 =	sand.u32 $0x70, s25;
	s31 =	sand.u32 $0x3C00, s26;
	v2 =	vadd.f32 v2, v3  }
0x2d9: {  	s29 =	simm.s32 $0x20;
	s30 =	sor.u32 s31, s25;
	s28 =	smov.u32 s11  }
.LBB2_54:
0x2da: {  	p0 =	sne.s32 s29, $0x7F0;
	v3 =	vld [tilespmem:s30+$0xC200];
	[tilespmem:s28+$0x4200] =	vst v2;
	s28 =	smov.u32 s30  }
0x2db: {  	v2 =	vld [tilespmem:s28+$0x4200];
	_ =	sdelay $0x1  }
.Ltmp26:
0x2dc: {  	(pc) =	sbr.rel @p0 .LBB2_54-.Ltmp26, $4  }
0x2dd: {  	_ = 	snop  }
0x2de: {  	s26 =	sadd.s32 $0x80, s26  }
0x2df: {  	s0 =	sand.u32 $0x70, s29;
	s30 =	sand.u32 $0x3C00, s26;
	v2 =	vadd.f32 v3, v2  }
0x2e0: {  	s29 =	sadd.s32 $0x10, s29;
	s30 =	sor.u32 s30, s0  }
0x2e1: {  	v3 =	vld [tilespmem:s30+$0xC200];
	[tilespmem:s28+$0x4200] =	vst v2  }
0x2e2: {  	v2 =	vld [tilespmem:s30+$0x4200];
	_ =	sdelay $0x4  }
0x2e3: {  	v2 =	vadd.f32 v3, v2;
	_ =	sdelay $0x1  }
0x2e4: {  	[tilespmem:s30+$0x4200] =	vst v2  }
0x2e5: {  	v2 =	vld [tilespmem:s11+$0xC280]  }
0x2e6: {  	v3 =	vld [tilespmem:s11+$0x4280];
	_ =	sdelay $0x3  }
0x2e7: {  	s26 =	simm.s32 $0x80  }
0x2e8: {  	s0 =	sand.u32 $0x3C00, s26;
	v2 =	vadd.f32 v2, v3  }
0x2e9: {  	s28 =	sor.u32 s0, s25;
	s25 =	simm.s32 $0x20  }
.LBB2_56:
0x2ea: {  	p0 =	sne.s32 s25, $0x7F0;
	v3 =	vld [tilespmem:s28+$0xC280];
	[tilespmem:s11+$0x4280] =	vst v2;
	s11 =	smov.u32 s28  }
0x2eb: {  	v2 =	vld [tilespmem:s11+$0x4280];
	_ =	sdelay $0x1  }
.Ltmp27:
0x2ec: {  	(pc) =	sbr.rel @p0 .LBB2_56-.Ltmp27, $4  }
0x2ed: {  	_ = 	snop  }
0x2ee: {  	s26 =	sadd.s32 $0x80, s26  }
0x2ef: {  	s0 =	sand.u32 $0x70, s25;
	s28 =	sand.u32 $0x3C00, s26;
	v2 =	vadd.f32 v3, v2  }
0x2f0: {  	s25 =	sadd.s32 $0x10, s25;
	s28 =	sor.u32 s28, s0  }
0x2f1: {  	v3 =	vld [tilespmem:s28+$0xC280];
	[tilespmem:s11+$0x4280] =	vst v2  }
0x2f2: {  	v2 =	vld [tilespmem:s28+$0x4280];
	_ =	sdelay $0x4  }
0x2f3: {  	s0 =	simm.s32 $0x0;
	v2 =	vadd.f32 v3, v2  }
0x2f4: {  	s31 =	sand.u32 $0x70, s0;
	s0 =	sand.u32 $0x3C00, s0  }
0x2f5: {  	s11 =	sor.u32 s0, s31;
	[tilespmem:s28+$0x4280] =	vst v2  }
0x2f6: {  	v2 =	vld [tilespmem:s11+$0xC300]  }
0x2f7: {  	v3 =	vld [tilespmem:s11+$0x4300];
	_ =	sdelay $0x3  }
0x2f8: {  	s25 =	simm.s32 $0x10;
	s26 =	simm.s32 $0x80  }
0x2f9: {  	s25 =	sand.u32 $0x70, s25;
	s31 =	sand.u32 $0x3C00, s26;
	v2 =	vadd.f32 v2, v3  }
0x2fa: {  	s29 =	simm.s32 $0x20;
	s30 =	sor.u32 s31, s25;
	s28 =	smov.u32 s11  }
.LBB2_58:
0x2fb: {  	p0 =	sne.s32 s29, $0x7F0;
	v3 =	vld [tilespmem:s30+$0xC300];
	[tilespmem:s28+$0x4300] =	vst v2;
	s28 =	smov.u32 s30  }
0x2fc: {  	v2 =	vld [tilespmem:s28+$0x4300];
	_ =	sdelay $0x1  }
.Ltmp28:
0x2fd: {  	(pc) =	sbr.rel @p0 .LBB2_58-.Ltmp28, $4  }
0x2fe: {  	_ = 	snop  }
0x2ff: {  	s26 =	sadd.s32 $0x80, s26  }
0x300: {  	s0 =	sand.u32 $0x70, s29;
	s30 =	sand.u32 $0x3C00, s26;
	v2 =	vadd.f32 v3, v2  }
0x301: {  	s29 =	sadd.s32 $0x10, s29;
	s30 =	sor.u32 s30, s0  }
0x302: {  	v3 =	vld [tilespmem:s30+$0xC300];
	[tilespmem:s28+$0x4300] =	vst v2  }
0x303: {  	v2 =	vld [tilespmem:s30+$0x4300];
	_ =	sdelay $0x4  }
0x304: {  	v2 =	vadd.f32 v3, v2;
	_ =	sdelay $0x1  }
0x305: {  	[tilespmem:s30+$0x4300] =	vst v2  }
0x306: {  	v2 =	vld [tilespmem:s11+$0xC380]  }
0x307: {  	v3 =	vld [tilespmem:s11+$0x4380];
	_ =	sdelay $0x3  }
0x308: {  	s26 =	simm.s32 $0x80  }
0x309: {  	s0 =	sand.u32 $0x3C00, s26;
	v2 =	vadd.f32 v2, v3  }
0x30a: {  	s28 =	sor.u32 s0, s25;
	s25 =	simm.s32 $0x20  }
.LBB2_60:
0x30b: {  	p0 =	sne.s32 s25, $0x7F0;
	v3 =	vld [tilespmem:s28+$0xC380];
	[tilespmem:s11+$0x4380] =	vst v2;
	s11 =	smov.u32 s28  }
0x30c: {  	v2 =	vld [tilespmem:s11+$0x4380];
	_ =	sdelay $0x1  }
.Ltmp29:
0x30d: {  	(pc) =	sbr.rel @p0 .LBB2_60-.Ltmp29, $4  }
0x30e: {  	_ = 	snop  }
0x30f: {  	s26 =	sadd.s32 $0x80, s26  }
0x310: {  	s0 =	sand.u32 $0x70, s25;
	s28 =	sand.u32 $0x3C00, s26;
	v2 =	vadd.f32 v3, v2  }
0x311: {  	s25 =	sadd.s32 $0x10, s25;
	s28 =	sor.u32 s28, s0  }
0x312: {  	v3 =	vld [tilespmem:s28+$0xC380];
	[tilespmem:s11+$0x4380] =	vst v2  }
0x313: {  	v2 =	vld [tilespmem:s28+$0x4380];
	_ =	sdelay $0x4  }
0x314: {  	s11 =	simm.s32 $0x0;
	v2 =	vadd.f32 v3, v2  }
0x315: {  	s0 =	sand.u32 $0x70, s11;
	s25 =	sand.u32 $0x3C00, s11  }
0x316: {  	s25 =	sor.u32 s25, s0;
	[tilespmem:s28+$0x4380] =	vst v2  }
0x317: {  	v2 =	vld [tilespmem:s25+$0xC400]  }
0x318: {  	v3 =	vld [tilespmem:s25+$0x4400];
	_ =	sdelay $0x3  }
0x319: {  	s31 =	simm.s32 $0x10;
	s26 =	simm.s32 $0x80  }
0x31a: {  	s0 =	sand.u32 $0x70, s31;
	s28 =	sand.u32 $0x3C00, s26;
	v2 =	vadd.f32 v2, v3  }
0x31b: {  	s29 =	sor.u32 s28, s0;
	s28 =	simm.s32 $0x20  }
.LBB2_62:
0x31c: {  	p0 =	sne.s32 s28, $0x7F0;
	v3 =	vld [tilespmem:s29+$0xC400];
	[tilespmem:s25+$0x4400] =	vst v2;
	s25 =	smov.u32 s29  }
0x31d: {  	v2 =	vld [tilespmem:s25+$0x4400];
	_ =	sdelay $0x1  }
.Ltmp30:
0x31e: {  	(pc) =	sbr.rel @p0 .LBB2_62-.Ltmp30, $4  }
0x31f: {  	_ = 	snop  }
0x320: {  	s26 =	sadd.s32 $0x80, s26  }
0x321: {  	s0 =	sand.u32 $0x70, s28;
	s29 =	sand.u32 $0x3C00, s26;
	v2 =	vadd.f32 v3, v2  }
0x322: {  	s28 =	sadd.s32 $0x10, s28;
	s29 =	sor.u32 s29, s0  }
0x323: {  	v3 =	vld [tilespmem:s29+$0xC400];
	[tilespmem:s25+$0x4400] =	vst v2  }
0x324: {  	v2 =	vld [tilespmem:s29+$0x4400];
	_ =	sdelay $0x3  }
0x325: {  	s0 =	sand.u32 $0x7, s11  }
0x326: {  	s0 =	sshll.u32 s0, $0x4;
	v2 =	vadd.f32 v3, v2  }
0x327: {  	s0 =	sadd.s32 $0x0, s0  }
0x328: {  	s11 =	sor.u32 $0x380, s0;
	[tilespmem:s29+$0x4400] =	vst v2  }
0x329: {  	v2 =	vld [tilespmem:s11+$0xC100]  }
0x32a: {  	v3 =	vld [tilespmem:s11+$0x4100];
	_ =	sdelay $0x1  }
0x32b: {  	s25 =	simm.s32 $0x1  }
0x32c: {  	s31 =	sand.u32 $0x7, s25  }
0x32d: {  	s28 =	simm.s32 $0x20;
	s26 =	simm.s32 $0x80;
	s29 =	sshll.u32 s31, $0x4  }
.LBB2_64:
0x32e: {  	p0 =	sne.s32 s28, $0x7F0;
	s0 =	sadd.s32 s29, s26;
	v3 =	vadd.f32 v2, v3  }
0x32f: {  	s0 =	sor.u32 $0x380, s0  }
0x330: {  	v2 =	vld [tilespmem:s0+$0xC100];
	[tilespmem:s11+$0x4100] =	vst v3;
	s11 =	smov.u32 s0  }
.Ltmp31:
0x331: {  	v3 =	vld [tilespmem:s11+$0x4100];
	(pc) =	sbr.rel @p0 .LBB2_64-.Ltmp31, $4  }
0x332: {  	_ = 	snop  }
0x333: {  	s25 =	sadd.s32 $0x1, s25  }
0x334: {  	s0 =	sand.u32 $0x7, s25  }
0x335: {  	s28 =	sadd.s32 $0x10, s28;
	s26 =	sadd.s32 $0x80, s26;
	s29 =	sshll.u32 s0, $0x4  }
0x336: {  	s0 =	sadd.s32 s29, s26;
	v2 =	vadd.f32 v2, v3  }
0x337: {  	s0 =	sor.u32 $0x380, s0  }
0x338: {  	v3 =	vld [tilespmem:s0+$0xC100];
	[tilespmem:s11+$0x4100] =	vst v2  }
0x339: {  	v2 =	vld [tilespmem:s0+$0x4100];
	_ =	sdelay $0x4  }
0x33a: {  	v2 =	vadd.f32 v3, v2;
	_ =	sdelay $0x1  }
0x33b: {  	s26 =	rddreg [dreg:$0x8];
	[tilespmem:s0+$0x4100] =	vst v2;
	s0 =	simm.s32 $0x0  }
0x33c: {  	[hbm4b:s26+s0] =	stream.linear.scatter [tilespmem:s18], [sflag:$0x6], $0x4000, $0x38;
	[tilespmem:$0x10100] =	vst v63  }
0x33d: {  	_ =	swait.ge [sflag:s20], $0x4000  }
0x33e: {  	[sflag:s20] =	ssyncset.done $0x0  }
0x33f: {  	[sflag:s20] =	ssyncadd.s32 $0xFFFFC000  }
0x340: {  	v2 =	vld.msk [tilespmem:$0x28], $0xff;
	_ =	sdelay $0x4  }
0x341: {  	v3 =	vshll.u32 v2, $0x4  }
0x342: {  	v2 =	vand.u32 $0x7, v2;
	v3 =	vand.u32 $0xFFFFFF80, v3  }
0x343: {  	v2 =	vor.u32 v2, v3  }
0x344: {  	v2 =	vperm.xlane v2, v0;
	_ =	sdelay $0x1  }
0x345: {  	v2 =	vadd.s32 v1, v2;
	_ =	sdelay $0x4  }
0x346: {  	[tilespmem:s18], [sflag:$0x2] =	stream.indirect_vreg.gather [hbm4b:s3+s0], $0x80, v2, vm0, $0xb8;
	[tilespmem:$0x10100] =	vst v63  }
0x347: {  	s25 =	simm.s32 $0x4900  }
0x348: {  	[tilespmem:s25], [sflag:$0x2] =	stream.indirect_vreg.gather [hbm4b:s6+s0], $0x80, v2, vm0, $0xb8;
	[tilespmem:$0x10100] =	vst v63  }
0x349: {  	s26 =	simm.s32 $0x5100  }
0x34a: {  	[tilespmem:s26], [sflag:$0x2] =	stream.indirect_vreg.gather [hbm4b:s12+s0], $0x80, v2, vm0, $0xb8;
	[tilespmem:$0x10100] =	vst v63  }
0x34b: {  	s25 =	simm.s32 $0x5900  }
0x34c: {  	[tilespmem:s25], [sflag:$0x2] =	stream.indirect_vreg.gather [hbm4b:s7+s0], $0x80, v2, vm0, $0xb8;
	[tilespmem:$0x10100] =	vst v63  }
0x34d: {  	s26 =	simm.s32 $0x6100  }
0x34e: {  	[tilespmem:s26], [sflag:$0x2] =	stream.indirect_vreg.gather [hbm4b:s8+s0], $0x80, v2, vm0, $0xb8;
	[tilespmem:$0x10100] =	vst v63  }
0x34f: {  	s25 =	simm.s32 $0x6900  }
0x350: {  	[tilespmem:s25], [sflag:$0x2] =	stream.indirect_vreg.gather [hbm4b:s9+s0], $0x80, v2, vm0, $0xb8;
	[tilespmem:$0x10100] =	vst v63  }
0x351: {  	s26 =	simm.s32 $0x7100  }
0x352: {  	[tilespmem:s26], [sflag:$0x2] =	stream.indirect_vreg.gather [hbm4b:s10+s0], $0x80, v2, vm0, $0xb8;
	[tilespmem:$0x10100] =	vst v63  }
0x353: {  	s25 =	simm.s32 $0x7900  }
0x354: {  	[tilespmem:s25], [sflag:$0x2] =	stream.indirect_vreg.gather [hbm4b:s13+s0], $0x80, v2, vm0, $0xb8;
	[tilespmem:$0x10100] =	vst v63  }
0x355: {  	v2 =	vld.msk [tilespmem:$0xA8], $0xff;
	_ =	sdelay $0x4  }
0x356: {  	v3 =	vshll.u32 v2, $0x4  }
0x357: {  	v2 =	vand.u32 $0x7, v2;
	v3 =	vand.u32 $0xFFFFFF80, v3  }
0x358: {  	v2 =	vor.u32 v2, v3  }
0x359: {  	v2 =	vperm.xlane v2, v0;
	_ =	sdelay $0x1  }
0x35a: {  	v2 =	vadd.s32 v1, v2;
	_ =	sdelay $0x3  }
0x35b: {  	s26 =	simm.s32 $0xC100  }
0x35c: {  	[tilespmem:s26], [sflag:$0x4] =	stream.indirect_vreg.gather [hbm4b:s3+s0], $0x80, v2, vm0, $0xb8;
	[tilespmem:$0x10100] =	vst v63  }
0x35d: {  	s25 =	simm.s32 $0xC900  }
0x35e: {  	[tilespmem:s25], [sflag:$0x4] =	stream.indirect_vreg.gather [hbm4b:s6+s0], $0x80, v2, vm0, $0xb8;
	[tilespmem:$0x10100] =	vst v63  }
0x35f: {  	s26 =	simm.s32 $0xD100  }
0x360: {  	[tilespmem:s26], [sflag:$0x4] =	stream.indirect_vreg.gather [hbm4b:s12+s0], $0x80, v2, vm0, $0xb8;
	[tilespmem:$0x10100] =	vst v63  }
0x361: {  	s25 =	simm.s32 $0xD900  }
0x362: {  	[tilespmem:s25], [sflag:$0x4] =	stream.indirect_vreg.gather [hbm4b:s7+s0], $0x80, v2, vm0, $0xb8;
	[tilespmem:$0x10100] =	vst v63  }
0x363: {  	_ = 	snop  }
0x364: {  	[tilespmem:s1], [sflag:$0x4] =	stream.indirect_vreg.gather [hbm4b:s8+s0], $0x80, v2, vm0, $0xb8;
	[tilespmem:$0x10100] =	vst v63  }
0x365: {  	_ = 	snop  }
0x366: {  	[tilespmem:s23], [sflag:$0x4] =	stream.indirect_vreg.gather [hbm4b:s9+s0], $0x80, v2, vm0, $0xb8;
	[tilespmem:$0x10100] =	vst v63  }
0x367: {  	_ = 	snop  }
0x368: {  	[tilespmem:s4], [sflag:$0x4] =	stream.indirect_vreg.gather [hbm4b:s10+s0], $0x80, v2, vm0, $0xb8;
	[tilespmem:$0x10100] =	vst v63  }
0x369: {  	_ = 	snop  }
0x36a: {  	[tilespmem:s5], [sflag:$0x4] =	stream.indirect_vreg.gather [hbm4b:s13+s0], $0x80, v2, vm0, $0xb8;
	[tilespmem:$0x10100] =	vst v63  }
0x36b: {  	_ =	swait.ge [sflag:s14], $0x4000  }
0x36c: {  	[sflag:s14] =	ssyncset.done $0x0  }
0x36d: {  	[sflag:s14] =	ssyncadd.s32 $0xFFFFC000  }
0x36e: {  	_ =	swait.ge [sflag:s15], $0x4000  }
0x36f: {  	s11 =	sand.u32 $0x70, s0;
	s25 =	sand.u32 $0x3C00, s0;
	[sflag:s15] =	ssyncset.done $0x0  }
0x370: {  	s28 =	sor.u32 s11, s25;
	[sflag:s15] =	ssyncadd.s32 $0xFFFFC000  }
0x371: {  	v2 =	vld [tilespmem:s28+$0x8100]  }
0x372: {  	v3 =	vld [tilespmem:s28+$0x100];
	_ =	sdelay $0x3  }
0x373: {  	s29 =	simm.s32 $0x80;
	s26 =	simm.s32 $0x10  }
0x374: {  	s26 =	sand.u32 $0x70, s26;
	s0 =	sand.u32 $0x3C00, s29;
	v2 =	vadd.f32 v2, v3  }
0x375: {  	s30 =	simm.s32 $0x20;
	s31 =	sor.u32 s26, s0  }
.LBB2_66:
0x376: {  	p0 =	sne.s32 s30, $0x7F0;
	v3 =	vld [tilespmem:s31+$0x8100];
	[tilespmem:s28+$0x100] =	vst v2;
	s28 =	smov.u32 s31  }
0x377: {  	v2 =	vld [tilespmem:s28+$0x100];
	_ =	sdelay $0x1  }
.Ltmp32:
0x378: {  	(pc) =	sbr.rel @p0 .LBB2_66-.Ltmp32, $4  }
0x379: {  	_ = 	snop  }
0x37a: {  	s29 =	sadd.s32 $0x80, s29  }
0x37b: {  	s0 =	sand.u32 $0x70, s30;
	s31 =	sand.u32 $0x3C00, s29;
	v2 =	vadd.f32 v3, v2  }
0x37c: {  	s30 =	sadd.s32 $0x10, s30;
	s31 =	sor.u32 s0, s31  }
0x37d: {  	v3 =	vld [tilespmem:s31+$0x8100];
	[tilespmem:s28+$0x100] =	vst v2  }
0x37e: {  	v2 =	vld [tilespmem:s31+$0x100];
	_ =	sdelay $0x4  }
0x37f: {  	v2 =	vadd.f32 v3, v2;
	_ =	sdelay $0x1  }
0x380: {  	s11 =	sor.u32 s25, s11;
	[tilespmem:s31+$0x100] =	vst v2  }
0x381: {  	v2 =	vld [tilespmem:s11+$0x8180]  }
0x382: {  	v3 =	vld [tilespmem:s11+$0x180];
	_ =	sdelay $0x3  }
0x383: {  	s25 =	simm.s32 $0x80  }
0x384: {  	s0 =	sand.u32 $0x3C00, s25;
	v2 =	vadd.f32 v2, v3  }
0x385: {  	s28 =	sor.u32 s0, s26;
	s26 =	simm.s32 $0x20  }
.LBB2_68:
0x386: {  	p0 =	sne.s32 s26, $0x7F0;
	v3 =	vld [tilespmem:s28+$0x8180];
	[tilespmem:s11+$0x180] =	vst v2;
	s11 =	smov.u32 s28  }
0x387: {  	v2 =	vld [tilespmem:s11+$0x180];
	_ =	sdelay $0x1  }
.Ltmp33:
0x388: {  	(pc) =	sbr.rel @p0 .LBB2_68-.Ltmp33, $4  }
0x389: {  	_ = 	snop  }
0x38a: {  	s25 =	sadd.s32 $0x80, s25  }
0x38b: {  	s0 =	sand.u32 $0x70, s26;
	s28 =	sand.u32 $0x3C00, s25;
	v2 =	vadd.f32 v3, v2  }
0x38c: {  	s26 =	sadd.s32 $0x10, s26;
	s28 =	sor.u32 s28, s0  }
0x38d: {  	v3 =	vld [tilespmem:s28+$0x8180];
	[tilespmem:s11+$0x180] =	vst v2  }
0x38e: {  	v2 =	vld [tilespmem:s28+$0x180];
	_ =	sdelay $0x4  }
0x38f: {  	s0 =	simm.s32 $0x0;
	v2 =	vadd.f32 v3, v2  }
0x390: {  	s31 =	sand.u32 $0x70, s0;
	s0 =	sand.u32 $0x3C00, s0  }
0x391: {  	s11 =	sor.u32 s0, s31;
	[tilespmem:s28+$0x180] =	vst v2  }
0x392: {  	v2 =	vld [tilespmem:s11+$0x8200]  }
0x393: {  	v3 =	vld [tilespmem:s11+$0x200];
	_ =	sdelay $0x3  }
0x394: {  	s25 =	simm.s32 $0x10;
	s26 =	simm.s32 $0x80  }
0x395: {  	s25 =	sand.u32 $0x70, s25;
	s31 =	sand.u32 $0x3C00, s26;
	v2 =	vadd.f32 v2, v3  }
0x396: {  	s29 =	simm.s32 $0x20;
	s30 =	sor.u32 s31, s25;
	s28 =	smov.u32 s11  }
.LBB2_70:
0x397: {  	p0 =	sne.s32 s29, $0x7F0;
	v3 =	vld [tilespmem:s30+$0x8200];
	[tilespmem:s28+$0x200] =	vst v2;
	s28 =	smov.u32 s30  }
0x398: {  	v2 =	vld [tilespmem:s28+$0x200];
	_ =	sdelay $0x1  }
.Ltmp34:
0x399: {  	(pc) =	sbr.rel @p0 .LBB2_70-.Ltmp34, $4  }
0x39a: {  	_ = 	snop  }
0x39b: {  	s26 =	sadd.s32 $0x80, s26  }
0x39c: {  	s0 =	sand.u32 $0x70, s29;
	s30 =	sand.u32 $0x3C00, s26;
	v2 =	vadd.f32 v3, v2  }
0x39d: {  	s29 =	sadd.s32 $0x10, s29;
	s30 =	sor.u32 s30, s0  }
0x39e: {  	v3 =	vld [tilespmem:s30+$0x8200];
	[tilespmem:s28+$0x200] =	vst v2  }
0x39f: {  	v2 =	vld [tilespmem:s30+$0x200];
	_ =	sdelay $0x4  }
0x3a0: {  	v2 =	vadd.f32 v3, v2;
	_ =	sdelay $0x1  }
0x3a1: {  	[tilespmem:s30+$0x200] =	vst v2  }
0x3a2: {  	v2 =	vld [tilespmem:s11+$0x8280]  }
0x3a3: {  	v3 =	vld [tilespmem:s11+$0x280];
	_ =	sdelay $0x3  }
0x3a4: {  	s26 =	simm.s32 $0x80  }
0x3a5: {  	s0 =	sand.u32 $0x3C00, s26;
	v2 =	vadd.f32 v2, v3  }
0x3a6: {  	s28 =	sor.u32 s0, s25;
	s25 =	simm.s32 $0x20  }
.LBB2_72:
0x3a7: {  	p0 =	sne.s32 s25, $0x7F0;
	v3 =	vld [tilespmem:s28+$0x8280];
	[tilespmem:s11+$0x280] =	vst v2;
	s11 =	smov.u32 s28  }
0x3a8: {  	v2 =	vld [tilespmem:s11+$0x280];
	_ =	sdelay $0x1  }
.Ltmp35:
0x3a9: {  	(pc) =	sbr.rel @p0 .LBB2_72-.Ltmp35, $4  }
0x3aa: {  	_ = 	snop  }
0x3ab: {  	s26 =	sadd.s32 $0x80, s26  }
0x3ac: {  	s0 =	sand.u32 $0x70, s25;
	s28 =	sand.u32 $0x3C00, s26;
	v2 =	vadd.f32 v3, v2  }
0x3ad: {  	s25 =	sadd.s32 $0x10, s25;
	s28 =	sor.u32 s28, s0  }
0x3ae: {  	v3 =	vld [tilespmem:s28+$0x8280];
	[tilespmem:s11+$0x280] =	vst v2  }
0x3af: {  	v2 =	vld [tilespmem:s28+$0x280];
	_ =	sdelay $0x4  }
0x3b0: {  	s0 =	simm.s32 $0x0;
	v2 =	vadd.f32 v3, v2  }
0x3b1: {  	s31 =	sand.u32 $0x70, s0;
	s0 =	sand.u32 $0x3C00, s0  }
0x3b2: {  	s11 =	sor.u32 s0, s31;
	[tilespmem:s28+$0x280] =	vst v2  }
0x3b3: {  	v2 =	vld [tilespmem:s11+$0x8300]  }
0x3b4: {  	v3 =	vld [tilespmem:s11+$0x300];
	_ =	sdelay $0x3  }
0x3b5: {  	s25 =	simm.s32 $0x10;
	s26 =	simm.s32 $0x80  }
0x3b6: {  	s25 =	sand.u32 $0x70, s25;
	s31 =	sand.u32 $0x3C00, s26;
	v2 =	vadd.f32 v2, v3  }
0x3b7: {  	s29 =	simm.s32 $0x20;
	s30 =	sor.u32 s31, s25;
	s28 =	smov.u32 s11  }
.LBB2_74:
0x3b8: {  	p0 =	sne.s32 s29, $0x7F0;
	v3 =	vld [tilespmem:s30+$0x8300];
	[tilespmem:s28+$0x300] =	vst v2;
	s28 =	smov.u32 s30  }
0x3b9: {  	v2 =	vld [tilespmem:s28+$0x300];
	_ =	sdelay $0x1  }
.Ltmp36:
0x3ba: {  	(pc) =	sbr.rel @p0 .LBB2_74-.Ltmp36, $4  }
0x3bb: {  	_ = 	snop  }
0x3bc: {  	s26 =	sadd.s32 $0x80, s26  }
0x3bd: {  	s0 =	sand.u32 $0x70, s29;
	s30 =	sand.u32 $0x3C00, s26;
	v2 =	vadd.f32 v3, v2  }
0x3be: {  	s29 =	sadd.s32 $0x10, s29;
	s30 =	sor.u32 s30, s0  }
0x3bf: {  	v3 =	vld [tilespmem:s30+$0x8300];
	[tilespmem:s28+$0x300] =	vst v2  }
0x3c0: {  	v2 =	vld [tilespmem:s30+$0x300];
	_ =	sdelay $0x4  }
0x3c1: {  	v2 =	vadd.f32 v3, v2;
	_ =	sdelay $0x1  }
0x3c2: {  	[tilespmem:s30+$0x300] =	vst v2  }
0x3c3: {  	v2 =	vld [tilespmem:s11+$0x8380]  }
0x3c4: {  	v3 =	vld [tilespmem:s11+$0x380];
	_ =	sdelay $0x3  }
0x3c5: {  	s26 =	simm.s32 $0x80  }
0x3c6: {  	s0 =	sand.u32 $0x3C00, s26;
	v2 =	vadd.f32 v2, v3  }
0x3c7: {  	s28 =	sor.u32 s0, s25;
	s25 =	simm.s32 $0x20  }
.LBB2_76:
0x3c8: {  	p0 =	sne.s32 s25, $0x7F0;
	v3 =	vld [tilespmem:s28+$0x8380];
	[tilespmem:s11+$0x380] =	vst v2;
	s11 =	smov.u32 s28  }
0x3c9: {  	v2 =	vld [tilespmem:s11+$0x380];
	_ =	sdelay $0x1  }
.Ltmp37:
0x3ca: {  	(pc) =	sbr.rel @p0 .LBB2_76-.Ltmp37, $4  }
0x3cb: {  	_ = 	snop  }
0x3cc: {  	s26 =	sadd.s32 $0x80, s26  }
0x3cd: {  	s0 =	sand.u32 $0x70, s25;
	s28 =	sand.u32 $0x3C00, s26;
	v2 =	vadd.f32 v3, v2  }
0x3ce: {  	s25 =	sadd.s32 $0x10, s25;
	s28 =	sor.u32 s28, s0  }
0x3cf: {  	v3 =	vld [tilespmem:s28+$0x8380];
	[tilespmem:s11+$0x380] =	vst v2  }
0x3d0: {  	v2 =	vld [tilespmem:s28+$0x380];
	_ =	sdelay $0x4  }
0x3d1: {  	s11 =	simm.s32 $0x0;
	v2 =	vadd.f32 v3, v2  }
0x3d2: {  	s0 =	sand.u32 $0x70, s11;
	s25 =	sand.u32 $0x3C00, s11  }
0x3d3: {  	s25 =	sor.u32 s25, s0;
	[tilespmem:s28+$0x380] =	vst v2  }
0x3d4: {  	v2 =	vld [tilespmem:s25+$0x8400]  }
0x3d5: {  	v3 =	vld [tilespmem:s25+$0x400];
	_ =	sdelay $0x3  }
0x3d6: {  	s31 =	simm.s32 $0x10;
	s26 =	simm.s32 $0x80  }
0x3d7: {  	s0 =	sand.u32 $0x70, s31;
	s28 =	sand.u32 $0x3C00, s26;
	v2 =	vadd.f32 v2, v3  }
0x3d8: {  	s29 =	sor.u32 s28, s0;
	s28 =	simm.s32 $0x20  }
.LBB2_78:
0x3d9: {  	p0 =	sne.s32 s28, $0x7F0;
	v3 =	vld [tilespmem:s29+$0x8400];
	[tilespmem:s25+$0x400] =	vst v2;
	s25 =	smov.u32 s29  }
0x3da: {  	v2 =	vld [tilespmem:s25+$0x400];
	_ =	sdelay $0x1  }
.Ltmp38:
0x3db: {  	(pc) =	sbr.rel @p0 .LBB2_78-.Ltmp38, $4  }
0x3dc: {  	_ = 	snop  }
0x3dd: {  	s26 =	sadd.s32 $0x80, s26  }
0x3de: {  	s0 =	sand.u32 $0x70, s28;
	s29 =	sand.u32 $0x3C00, s26;
	v2 =	vadd.f32 v3, v2  }
0x3df: {  	s28 =	sadd.s32 $0x10, s28;
	s29 =	sor.u32 s29, s0  }
0x3e0: {  	v3 =	vld [tilespmem:s29+$0x8400];
	[tilespmem:s25+$0x400] =	vst v2  }
0x3e1: {  	v2 =	vld [tilespmem:s29+$0x400];
	_ =	sdelay $0x3  }
0x3e2: {  	s0 =	sand.u32 $0x7, s11  }
0x3e3: {  	s0 =	sshll.u32 s0, $0x4;
	v2 =	vadd.f32 v3, v2  }
0x3e4: {  	s0 =	sadd.s32 $0x0, s0  }
0x3e5: {  	s11 =	sor.u32 $0x380, s0;
	[tilespmem:s29+$0x400] =	vst v2  }
0x3e6: {  	v2 =	vld [tilespmem:s11+$0x8100]  }
0x3e7: {  	v3 =	vld [tilespmem:s11+$0x100];
	_ =	sdelay $0x1  }
0x3e8: {  	s25 =	simm.s32 $0x1  }
0x3e9: {  	s31 =	sand.u32 $0x7, s25  }
0x3ea: {  	s28 =	simm.s32 $0x20;
	s26 =	simm.s32 $0x80;
	s29 =	sshll.u32 s31, $0x4  }
.LBB2_80:
0x3eb: {  	p0 =	sne.s32 s28, $0x7F0;
	s0 =	sadd.s32 s29, s26;
	v3 =	vadd.f32 v2, v3  }
0x3ec: {  	s0 =	sor.u32 $0x380, s0  }
0x3ed: {  	v2 =	vld [tilespmem:s0+$0x8100];
	[tilespmem:s11+$0x100] =	vst v3;
	s11 =	smov.u32 s0  }
.Ltmp39:
0x3ee: {  	v3 =	vld [tilespmem:s11+$0x100];
	(pc) =	sbr.rel @p0 .LBB2_80-.Ltmp39, $4  }
0x3ef: {  	_ = 	snop  }
0x3f0: {  	s25 =	sadd.s32 $0x1, s25  }
0x3f1: {  	s0 =	sand.u32 $0x7, s25  }
0x3f2: {  	s28 =	sadd.s32 $0x10, s28;
	s26 =	sadd.s32 $0x80, s26;
	s29 =	sshll.u32 s0, $0x4  }
0x3f3: {  	s0 =	sadd.s32 s29, s26;
	v2 =	vadd.f32 v2, v3  }
0x3f4: {  	s0 =	sor.u32 $0x380, s0  }
0x3f5: {  	v3 =	vld [tilespmem:s0+$0x8100];
	[tilespmem:s11+$0x100] =	vst v2  }
0x3f6: {  	v2 =	vld [tilespmem:s0+$0x100];
	_ =	sdelay $0x4  }
0x3f7: {  	v2 =	vadd.f32 v3, v2;
	_ =	sdelay $0x1  }
0x3f8: {  	s26 =	rddreg [dreg:$0x9];
	[tilespmem:s0+$0x100] =	vst v2;
	s0 =	simm.s32 $0x0  }
0x3f9: {  	[hbm4b:s26+s0] =	stream.linear.scatter [tilespmem:s24], [sflag:$0x5], $0x4000, $0x38;
	[tilespmem:$0x10100] =	vst v63  }
0x3fa: {  	_ =	swait.ge [sflag:s16], $0x4000  }
0x3fb: {  	[sflag:s16] =	ssyncset.done $0x0  }
0x3fc: {  	[sflag:s16] =	ssyncadd.s32 $0xFFFFC000  }
0x3fd: {  	v2 =	vld.msk [tilespmem:$0x30], $0xff;
	_ =	sdelay $0x4  }
0x3fe: {  	v3 =	vshll.u32 v2, $0x4  }
0x3ff: {  	v2 =	vand.u32 $0x7, v2;
	v3 =	vand.u32 $0xFFFFFF80, v3  }
0x400: {  	v2 =	vor.u32 v2, v3  }
0x401: {  	v2 =	vperm.xlane v2, v0;
	_ =	sdelay $0x1  }
0x402: {  	v2 =	vadd.s32 v1, v2;
	_ =	sdelay $0x4  }
0x403: {  	[tilespmem:s24], [sflag:$0x1] =	stream.indirect_vreg.gather [hbm4b:s3+s0], $0x80, v2, vm0, $0xb8;
	[tilespmem:$0x10100] =	vst v63  }
0x404: {  	s25 =	simm.s32 $0x900  }
0x405: {  	[tilespmem:s25], [sflag:$0x1] =	stream.indirect_vreg.gather [hbm4b:s6+s0], $0x80, v2, vm0, $0xb8;
	[tilespmem:$0x10100] =	vst v63  }
0x406: {  	s26 =	simm.s32 $0x1100  }
0x407: {  	[tilespmem:s26], [sflag:$0x1] =	stream.indirect_vreg.gather [hbm4b:s12+s0], $0x80, v2, vm0, $0xb8;
	[tilespmem:$0x10100] =	vst v63  }
0x408: {  	s25 =	simm.s32 $0x1900  }
0x409: {  	[tilespmem:s25], [sflag:$0x1] =	stream.indirect_vreg.gather [hbm4b:s7+s0], $0x80, v2, vm0, $0xb8;
	[tilespmem:$0x10100] =	vst v63  }
0x40a: {  	s26 =	simm.s32 $0x2100  }
0x40b: {  	[tilespmem:s26], [sflag:$0x1] =	stream.indirect_vreg.gather [hbm4b:s8+s0], $0x80, v2, vm0, $0xb8;
	[tilespmem:$0x10100] =	vst v63  }
0x40c: {  	s25 =	simm.s32 $0x2900  }
0x40d: {  	[tilespmem:s25], [sflag:$0x1] =	stream.indirect_vreg.gather [hbm4b:s9+s0], $0x80, v2, vm0, $0xb8;
	[tilespmem:$0x10100] =	vst v63  }
0x40e: {  	s26 =	simm.s32 $0x3100  }
0x40f: {  	[tilespmem:s26], [sflag:$0x1] =	stream.indirect_vreg.gather [hbm4b:s10+s0], $0x80, v2, vm0, $0xb8;
	[tilespmem:$0x10100] =	vst v63  }
0x410: {  	s25 =	simm.s32 $0x3900  }
0x411: {  	[tilespmem:s25], [sflag:$0x1] =	stream.indirect_vreg.gather [hbm4b:s13+s0], $0x80, v2, vm0, $0xb8;
	[tilespmem:$0x10100] =	vst v63  }
0x412: {  	v2 =	vld.msk [tilespmem:$0xB0], $0xff;
	_ =	sdelay $0x4  }
0x413: {  	v3 =	vshll.u32 v2, $0x4  }
0x414: {  	v2 =	vand.u32 $0x7, v2;
	v3 =	vand.u32 $0xFFFFFF80, v3  }
0x415: {  	v2 =	vor.u32 v2, v3  }
0x416: {  	v2 =	vperm.xlane v2, v0;
	_ =	sdelay $0x1  }
0x417: {  	v2 =	vadd.s32 v1, v2;
	_ =	sdelay $0x3  }
0x418: {  	s26 =	simm.s32 $0x8100  }
0x419: {  	[tilespmem:s26], [sflag:$0x3] =	stream.indirect_vreg.gather [hbm4b:s3+s0], $0x80, v2, vm0, $0xb8;
	[tilespmem:$0x10100] =	vst v63  }
0x41a: {  	s25 =	simm.s32 $0x8900  }
0x41b: {  	[tilespmem:s25], [sflag:$0x3] =	stream.indirect_vreg.gather [hbm4b:s6+s0], $0x80, v2, vm0, $0xb8;
	[tilespmem:$0x10100] =	vst v63  }
0x41c: {  	s26 =	simm.s32 $0x9100  }
0x41d: {  	[tilespmem:s26], [sflag:$0x3] =	stream.indirect_vreg.gather [hbm4b:s12+s0], $0x80, v2, vm0, $0xb8;
	[tilespmem:$0x10100] =	vst v63  }
0x41e: {  	s25 =	simm.s32 $0x9900  }
0x41f: {  	[tilespmem:s25], [sflag:$0x3] =	stream.indirect_vreg.gather [hbm4b:s7+s0], $0x80, v2, vm0, $0xb8;
	[tilespmem:$0x10100] =	vst v63  }
0x420: {  	s26 =	simm.s32 $0xA100  }
0x421: {  	[tilespmem:s26], [sflag:$0x3] =	stream.indirect_vreg.gather [hbm4b:s8+s0], $0x80, v2, vm0, $0xb8;
	[tilespmem:$0x10100] =	vst v63  }
0x422: {  	s25 =	simm.s32 $0xA900  }
0x423: {  	[tilespmem:s25], [sflag:$0x3] =	stream.indirect_vreg.gather [hbm4b:s9+s0], $0x80, v2, vm0, $0xb8;
	[tilespmem:$0x10100] =	vst v63  }
0x424: {  	s26 =	simm.s32 $0xB100  }
0x425: {  	[tilespmem:s26], [sflag:$0x3] =	stream.indirect_vreg.gather [hbm4b:s10+s0], $0x80, v2, vm0, $0xb8;
	[tilespmem:$0x10100] =	vst v63  }
0x426: {  	s25 =	simm.s32 $0xB900  }
0x427: {  	[tilespmem:s25], [sflag:$0x3] =	stream.indirect_vreg.gather [hbm4b:s13+s0], $0x80, v2, vm0, $0xb8;
	[tilespmem:$0x10100] =	vst v63  }
0x428: {  	_ =	swait.ge [sflag:s17], $0x4000  }
0x429: {  	[sflag:s17] =	ssyncset.done $0x0  }
0x42a: {  	[sflag:s17] =	ssyncadd.s32 $0xFFFFC000  }
0x42b: {  	_ =	swait.ge [sflag:s19], $0x4000  }
0x42c: {  	s11 =	sand.u32 $0x70, s0;
	s25 =	sand.u32 $0x3C00, s0;
	[sflag:s19] =	ssyncset.done $0x0  }
0x42d: {  	s28 =	sor.u32 s11, s25;
	[sflag:s19] =	ssyncadd.s32 $0xFFFFC000  }
0x42e: {  	v2 =	vld [tilespmem:s28+$0xC100]  }
0x42f: {  	v3 =	vld [tilespmem:s28+$0x4100];
	_ =	sdelay $0x3  }
0x430: {  	s29 =	simm.s32 $0x80;
	s26 =	simm.s32 $0x10  }
0x431: {  	s26 =	sand.u32 $0x70, s26;
	s0 =	sand.u32 $0x3C00, s29;
	v2 =	vadd.f32 v2, v3  }
0x432: {  	s30 =	simm.s32 $0x20;
	s31 =	sor.u32 s26, s0  }
.LBB2_82:
0x433: {  	p0 =	sne.s32 s30, $0x7F0;
	v3 =	vld [tilespmem:s31+$0xC100];
	[tilespmem:s28+$0x4100] =	vst v2;
	s28 =	smov.u32 s31  }
0x434: {  	v2 =	vld [tilespmem:s28+$0x4100];
	_ =	sdelay $0x1  }
.Ltmp40:
0x435: {  	(pc) =	sbr.rel @p0 .LBB2_82-.Ltmp40, $4  }
0x436: {  	_ = 	snop  }
0x437: {  	s29 =	sadd.s32 $0x80, s29  }
0x438: {  	s0 =	sand.u32 $0x70, s30;
	s31 =	sand.u32 $0x3C00, s29;
	v2 =	vadd.f32 v3, v2  }
0x439: {  	s30 =	sadd.s32 $0x10, s30;
	s31 =	sor.u32 s0, s31  }
0x43a: {  	v3 =	vld [tilespmem:s31+$0xC100];
	[tilespmem:s28+$0x4100] =	vst v2  }
0x43b: {  	v2 =	vld [tilespmem:s31+$0x4100];
	_ =	sdelay $0x4  }
0x43c: {  	v2 =	vadd.f32 v3, v2;
	_ =	sdelay $0x1  }
0x43d: {  	s11 =	sor.u32 s25, s11;
	[tilespmem:s31+$0x4100] =	vst v2  }
0x43e: {  	v2 =	vld [tilespmem:s11+$0xC180]  }
0x43f: {  	v3 =	vld [tilespmem:s11+$0x4180];
	_ =	sdelay $0x3  }
0x440: {  	s25 =	simm.s32 $0x80  }
0x441: {  	s0 =	sand.u32 $0x3C00, s25;
	v2 =	vadd.f32 v2, v3  }
0x442: {  	s28 =	sor.u32 s0, s26;
	s26 =	simm.s32 $0x20  }
.LBB2_84:
0x443: {  	p0 =	sne.s32 s26, $0x7F0;
	v3 =	vld [tilespmem:s28+$0xC180];
	[tilespmem:s11+$0x4180] =	vst v2;
	s11 =	smov.u32 s28  }
0x444: {  	v2 =	vld [tilespmem:s11+$0x4180];
	_ =	sdelay $0x1  }
.Ltmp41:
0x445: {  	(pc) =	sbr.rel @p0 .LBB2_84-.Ltmp41, $4  }
0x446: {  	_ = 	snop  }
0x447: {  	s25 =	sadd.s32 $0x80, s25  }
0x448: {  	s0 =	sand.u32 $0x70, s26;
	s28 =	sand.u32 $0x3C00, s25;
	v2 =	vadd.f32 v3, v2  }
0x449: {  	s26 =	sadd.s32 $0x10, s26;
	s28 =	sor.u32 s28, s0  }
0x44a: {  	v3 =	vld [tilespmem:s28+$0xC180];
	[tilespmem:s11+$0x4180] =	vst v2  }
0x44b: {  	v2 =	vld [tilespmem:s28+$0x4180];
	_ =	sdelay $0x4  }
0x44c: {  	s0 =	simm.s32 $0x0;
	v2 =	vadd.f32 v3, v2  }
0x44d: {  	s31 =	sand.u32 $0x70, s0;
	s0 =	sand.u32 $0x3C00, s0  }
0x44e: {  	s11 =	sor.u32 s0, s31;
	[tilespmem:s28+$0x4180] =	vst v2  }
0x44f: {  	v2 =	vld [tilespmem:s11+$0xC200]  }
0x450: {  	v3 =	vld [tilespmem:s11+$0x4200];
	_ =	sdelay $0x3  }
0x451: {  	s25 =	simm.s32 $0x10;
	s26 =	simm.s32 $0x80  }
0x452: {  	s25 =	sand.u32 $0x70, s25;
	s31 =	sand.u32 $0x3C00, s26;
	v2 =	vadd.f32 v2, v3  }
0x453: {  	s29 =	simm.s32 $0x20;
	s30 =	sor.u32 s31, s25;
	s28 =	smov.u32 s11  }
.LBB2_86:
0x454: {  	p0 =	sne.s32 s29, $0x7F0;
	v3 =	vld [tilespmem:s30+$0xC200];
	[tilespmem:s28+$0x4200] =	vst v2;
	s28 =	smov.u32 s30  }
0x455: {  	v2 =	vld [tilespmem:s28+$0x4200];
	_ =	sdelay $0x1  }
.Ltmp42:
0x456: {  	(pc) =	sbr.rel @p0 .LBB2_86-.Ltmp42, $4  }
0x457: {  	_ = 	snop  }
0x458: {  	s26 =	sadd.s32 $0x80, s26  }
0x459: {  	s0 =	sand.u32 $0x70, s29;
	s30 =	sand.u32 $0x3C00, s26;
	v2 =	vadd.f32 v3, v2  }
0x45a: {  	s29 =	sadd.s32 $0x10, s29;
	s30 =	sor.u32 s30, s0  }
0x45b: {  	v3 =	vld [tilespmem:s30+$0xC200];
	[tilespmem:s28+$0x4200] =	vst v2  }
0x45c: {  	v2 =	vld [tilespmem:s30+$0x4200];
	_ =	sdelay $0x4  }
0x45d: {  	v2 =	vadd.f32 v3, v2;
	_ =	sdelay $0x1  }
0x45e: {  	[tilespmem:s30+$0x4200] =	vst v2  }
0x45f: {  	v2 =	vld [tilespmem:s11+$0xC280]  }
0x460: {  	v3 =	vld [tilespmem:s11+$0x4280];
	_ =	sdelay $0x3  }
0x461: {  	s26 =	simm.s32 $0x80  }
0x462: {  	s0 =	sand.u32 $0x3C00, s26;
	v2 =	vadd.f32 v2, v3  }
0x463: {  	s28 =	sor.u32 s0, s25;
	s25 =	simm.s32 $0x20  }
.LBB2_88:
0x464: {  	p0 =	sne.s32 s25, $0x7F0;
	v3 =	vld [tilespmem:s28+$0xC280];
	[tilespmem:s11+$0x4280] =	vst v2;
	s11 =	smov.u32 s28  }
0x465: {  	v2 =	vld [tilespmem:s11+$0x4280];
	_ =	sdelay $0x1  }
.Ltmp43:
0x466: {  	(pc) =	sbr.rel @p0 .LBB2_88-.Ltmp43, $4  }
0x467: {  	_ = 	snop  }
0x468: {  	s26 =	sadd.s32 $0x80, s26  }
0x469: {  	s0 =	sand.u32 $0x70, s25;
	s28 =	sand.u32 $0x3C00, s26;
	v2 =	vadd.f32 v3, v2  }
0x46a: {  	s25 =	sadd.s32 $0x10, s25;
	s28 =	sor.u32 s28, s0  }
0x46b: {  	v3 =	vld [tilespmem:s28+$0xC280];
	[tilespmem:s11+$0x4280] =	vst v2  }
0x46c: {  	v2 =	vld [tilespmem:s28+$0x4280];
	_ =	sdelay $0x4  }
0x46d: {  	s0 =	simm.s32 $0x0;
	v2 =	vadd.f32 v3, v2  }
0x46e: {  	s31 =	sand.u32 $0x70, s0;
	s0 =	sand.u32 $0x3C00, s0  }
0x46f: {  	s11 =	sor.u32 s0, s31;
	[tilespmem:s28+$0x4280] =	vst v2  }
0x470: {  	v2 =	vld [tilespmem:s11+$0xC300]  }
0x471: {  	v3 =	vld [tilespmem:s11+$0x4300];
	_ =	sdelay $0x3  }
0x472: {  	s25 =	simm.s32 $0x10;
	s26 =	simm.s32 $0x80  }
0x473: {  	s25 =	sand.u32 $0x70, s25;
	s31 =	sand.u32 $0x3C00, s26;
	v2 =	vadd.f32 v2, v3  }
0x474: {  	s29 =	simm.s32 $0x20;
	s30 =	sor.u32 s31, s25;
	s28 =	smov.u32 s11  }
.LBB2_90:
0x475: {  	p0 =	sne.s32 s29, $0x7F0;
	v3 =	vld [tilespmem:s30+$0xC300];
	[tilespmem:s28+$0x4300] =	vst v2;
	s28 =	smov.u32 s30  }
0x476: {  	v2 =	vld [tilespmem:s28+$0x4300];
	_ =	sdelay $0x1  }
.Ltmp44:
0x477: {  	(pc) =	sbr.rel @p0 .LBB2_90-.Ltmp44, $4  }
0x478: {  	_ = 	snop  }
0x479: {  	s26 =	sadd.s32 $0x80, s26  }
0x47a: {  	s0 =	sand.u32 $0x70, s29;
	s30 =	sand.u32 $0x3C00, s26;
	v2 =	vadd.f32 v3, v2  }
0x47b: {  	s29 =	sadd.s32 $0x10, s29;
	s30 =	sor.u32 s30, s0  }
0x47c: {  	v3 =	vld [tilespmem:s30+$0xC300];
	[tilespmem:s28+$0x4300] =	vst v2  }
0x47d: {  	v2 =	vld [tilespmem:s30+$0x4300];
	_ =	sdelay $0x4  }
0x47e: {  	v2 =	vadd.f32 v3, v2;
	_ =	sdelay $0x1  }
0x47f: {  	[tilespmem:s30+$0x4300] =	vst v2  }
0x480: {  	v2 =	vld [tilespmem:s11+$0xC380]  }
0x481: {  	v3 =	vld [tilespmem:s11+$0x4380];
	_ =	sdelay $0x3  }
0x482: {  	s26 =	simm.s32 $0x80  }
0x483: {  	s0 =	sand.u32 $0x3C00, s26;
	v2 =	vadd.f32 v2, v3  }
0x484: {  	s28 =	sor.u32 s0, s25;
	s25 =	simm.s32 $0x20  }
.LBB2_92:
0x485: {  	p0 =	sne.s32 s25, $0x7F0;
	v3 =	vld [tilespmem:s28+$0xC380];
	[tilespmem:s11+$0x4380] =	vst v2;
	s11 =	smov.u32 s28  }
0x486: {  	v2 =	vld [tilespmem:s11+$0x4380];
	_ =	sdelay $0x1  }
.Ltmp45:
0x487: {  	(pc) =	sbr.rel @p0 .LBB2_92-.Ltmp45, $4  }
0x488: {  	_ = 	snop  }
0x489: {  	s26 =	sadd.s32 $0x80, s26  }
0x48a: {  	s0 =	sand.u32 $0x70, s25;
	s28 =	sand.u32 $0x3C00, s26;
	v2 =	vadd.f32 v3, v2  }
0x48b: {  	s25 =	sadd.s32 $0x10, s25;
	s28 =	sor.u32 s28, s0  }
0x48c: {  	v3 =	vld [tilespmem:s28+$0xC380];
	[tilespmem:s11+$0x4380] =	vst v2  }
0x48d: {  	v2 =	vld [tilespmem:s28+$0x4380];
	_ =	sdelay $0x4  }
0x48e: {  	s11 =	simm.s32 $0x0;
	v2 =	vadd.f32 v3, v2  }
0x48f: {  	s0 =	sand.u32 $0x70, s11;
	s25 =	sand.u32 $0x3C00, s11  }
0x490: {  	s25 =	sor.u32 s25, s0;
	[tilespmem:s28+$0x4380] =	vst v2  }
0x491: {  	v2 =	vld [tilespmem:s25+$0xC400]  }
0x492: {  	v3 =	vld [tilespmem:s25+$0x4400];
	_ =	sdelay $0x3  }
0x493: {  	s31 =	simm.s32 $0x10;
	s26 =	simm.s32 $0x80  }
0x494: {  	s0 =	sand.u32 $0x70, s31;
	s28 =	sand.u32 $0x3C00, s26;
	v2 =	vadd.f32 v2, v3  }
0x495: {  	s29 =	sor.u32 s28, s0;
	s28 =	simm.s32 $0x20  }
.LBB2_94:
0x496: {  	p0 =	sne.s32 s28, $0x7F0;
	v3 =	vld [tilespmem:s29+$0xC400];
	[tilespmem:s25+$0x4400] =	vst v2;
	s25 =	smov.u32 s29  }
0x497: {  	v2 =	vld [tilespmem:s25+$0x4400];
	_ =	sdelay $0x1  }
.Ltmp46:
0x498: {  	(pc) =	sbr.rel @p0 .LBB2_94-.Ltmp46, $4  }
0x499: {  	_ = 	snop  }
0x49a: {  	s26 =	sadd.s32 $0x80, s26  }
0x49b: {  	s0 =	sand.u32 $0x70, s28;
	s29 =	sand.u32 $0x3C00, s26;
	v2 =	vadd.f32 v3, v2  }
0x49c: {  	s28 =	sadd.s32 $0x10, s28;
	s29 =	sor.u32 s29, s0  }
0x49d: {  	v3 =	vld [tilespmem:s29+$0xC400];
	[tilespmem:s25+$0x4400] =	vst v2  }
0x49e: {  	v2 =	vld [tilespmem:s29+$0x4400];
	_ =	sdelay $0x3  }
0x49f: {  	s0 =	sand.u32 $0x7, s11  }
0x4a0: {  	s0 =	sshll.u32 s0, $0x4;
	v2 =	vadd.f32 v3, v2  }
0x4a1: {  	s0 =	sadd.s32 $0x0, s0  }
0x4a2: {  	s11 =	sor.u32 $0x380, s0;
	[tilespmem:s29+$0x4400] =	vst v2  }
0x4a3: {  	v2 =	vld [tilespmem:s11+$0xC100]  }
0x4a4: {  	v3 =	vld [tilespmem:s11+$0x4100];
	_ =	sdelay $0x1  }
0x4a5: {  	s25 =	simm.s32 $0x1  }
0x4a6: {  	s31 =	sand.u32 $0x7, s25  }
0x4a7: {  	s28 =	simm.s32 $0x20;
	s26 =	simm.s32 $0x80;
	s29 =	sshll.u32 s31, $0x4  }
.LBB2_96:
0x4a8: {  	p0 =	sne.s32 s28, $0x7F0;
	s0 =	sadd.s32 s29, s26;
	v3 =	vadd.f32 v2, v3  }
0x4a9: {  	s0 =	sor.u32 $0x380, s0  }
0x4aa: {  	v2 =	vld [tilespmem:s0+$0xC100];
	[tilespmem:s11+$0x4100] =	vst v3;
	s11 =	smov.u32 s0  }
.Ltmp47:
0x4ab: {  	v3 =	vld [tilespmem:s11+$0x4100];
	(pc) =	sbr.rel @p0 .LBB2_96-.Ltmp47, $4  }
0x4ac: {  	_ = 	snop  }
0x4ad: {  	s25 =	sadd.s32 $0x1, s25  }
0x4ae: {  	s0 =	sand.u32 $0x7, s25  }
0x4af: {  	s28 =	sadd.s32 $0x10, s28;
	s26 =	sadd.s32 $0x80, s26;
	s29 =	sshll.u32 s0, $0x4  }
0x4b0: {  	s0 =	sadd.s32 s29, s26;
	v2 =	vadd.f32 v2, v3  }
0x4b1: {  	s0 =	sor.u32 $0x380, s0  }
0x4b2: {  	v3 =	vld [tilespmem:s0+$0xC100];
	[tilespmem:s11+$0x4100] =	vst v2  }
0x4b3: {  	v2 =	vld [tilespmem:s0+$0x4100];
	_ =	sdelay $0x4  }
0x4b4: {  	v2 =	vadd.f32 v3, v2;
	_ =	sdelay $0x1  }
0x4b5: {  	s26 =	rddreg [dreg:$0xa];
	[tilespmem:s0+$0x4100] =	vst v2;
	s0 =	simm.s32 $0x0  }
0x4b6: {  	[hbm4b:s26+s0] =	stream.linear.scatter [tilespmem:s18], [sflag:$0x6], $0x4000, $0x38;
	[tilespmem:$0x10100] =	vst v63  }
0x4b7: {  	_ =	swait.ge [sflag:s20], $0x4000  }
0x4b8: {  	[sflag:s20] =	ssyncset.done $0x0  }
0x4b9: {  	[sflag:s20] =	ssyncadd.s32 $0xFFFFC000  }
0x4ba: {  	v2 =	vld.msk [tilespmem:$0x38], $0xff;
	_ =	sdelay $0x4  }
0x4bb: {  	v3 =	vshll.u32 v2, $0x4  }
0x4bc: {  	v2 =	vand.u32 $0x7, v2;
	v3 =	vand.u32 $0xFFFFFF80, v3  }
0x4bd: {  	v2 =	vor.u32 v2, v3  }
0x4be: {  	v2 =	vperm.xlane v2, v0;
	_ =	sdelay $0x1  }
0x4bf: {  	v2 =	vadd.s32 v1, v2;
	_ =	sdelay $0x4  }
0x4c0: {  	[tilespmem:s18], [sflag:$0x2] =	stream.indirect_vreg.gather [hbm4b:s3+s0], $0x80, v2, vm0, $0xb8;
	[tilespmem:$0x10100] =	vst v63  }
0x4c1: {  	s25 =	simm.s32 $0x4900  }
0x4c2: {  	[tilespmem:s25], [sflag:$0x2] =	stream.indirect_vreg.gather [hbm4b:s6+s0], $0x80, v2, vm0, $0xb8;
	[tilespmem:$0x10100] =	vst v63  }
0x4c3: {  	s26 =	simm.s32 $0x5100  }
0x4c4: {  	[tilespmem:s26], [sflag:$0x2] =	stream.indirect_vreg.gather [hbm4b:s12+s0], $0x80, v2, vm0, $0xb8;
	[tilespmem:$0x10100] =	vst v63  }
0x4c5: {  	s25 =	simm.s32 $0x5900  }
0x4c6: {  	[tilespmem:s25], [sflag:$0x2] =	stream.indirect_vreg.gather [hbm4b:s7+s0], $0x80, v2, vm0, $0xb8;
	[tilespmem:$0x10100] =	vst v63  }
0x4c7: {  	s26 =	simm.s32 $0x6100  }
0x4c8: {  	[tilespmem:s26], [sflag:$0x2] =	stream.indirect_vreg.gather [hbm4b:s8+s0], $0x80, v2, vm0, $0xb8;
	[tilespmem:$0x10100] =	vst v63  }
0x4c9: {  	s25 =	simm.s32 $0x6900  }
0x4ca: {  	[tilespmem:s25], [sflag:$0x2] =	stream.indirect_vreg.gather [hbm4b:s9+s0], $0x80, v2, vm0, $0xb8;
	[tilespmem:$0x10100] =	vst v63  }
0x4cb: {  	s26 =	simm.s32 $0x7100  }
0x4cc: {  	[tilespmem:s26], [sflag:$0x2] =	stream.indirect_vreg.gather [hbm4b:s10+s0], $0x80, v2, vm0, $0xb8;
	[tilespmem:$0x10100] =	vst v63  }
0x4cd: {  	s25 =	simm.s32 $0x7900  }
0x4ce: {  	[tilespmem:s25], [sflag:$0x2] =	stream.indirect_vreg.gather [hbm4b:s13+s0], $0x80, v2, vm0, $0xb8;
	[tilespmem:$0x10100] =	vst v63  }
0x4cf: {  	v2 =	vld.msk [tilespmem:$0xB8], $0xff;
	_ =	sdelay $0x4  }
0x4d0: {  	v3 =	vshll.u32 v2, $0x4  }
0x4d1: {  	v2 =	vand.u32 $0x7, v2;
	v3 =	vand.u32 $0xFFFFFF80, v3  }
0x4d2: {  	v2 =	vor.u32 v2, v3  }
0x4d3: {  	v2 =	vperm.xlane v2, v0;
	_ =	sdelay $0x1  }
0x4d4: {  	v2 =	vadd.s32 v1, v2;
	_ =	sdelay $0x3  }
0x4d5: {  	s26 =	simm.s32 $0xC100  }
0x4d6: {  	[tilespmem:s26], [sflag:$0x4] =	stream.indirect_vreg.gather [hbm4b:s3+s0], $0x80, v2, vm0, $0xb8;
	[tilespmem:$0x10100] =	vst v63  }
0x4d7: {  	s25 =	simm.s32 $0xC900  }
0x4d8: {  	[tilespmem:s25], [sflag:$0x4] =	stream.indirect_vreg.gather [hbm4b:s6+s0], $0x80, v2, vm0, $0xb8;
	[tilespmem:$0x10100] =	vst v63  }
0x4d9: {  	s26 =	simm.s32 $0xD100  }
0x4da: {  	[tilespmem:s26], [sflag:$0x4] =	stream.indirect_vreg.gather [hbm4b:s12+s0], $0x80, v2, vm0, $0xb8;
	[tilespmem:$0x10100] =	vst v63  }
0x4db: {  	s25 =	simm.s32 $0xD900  }
0x4dc: {  	[tilespmem:s25], [sflag:$0x4] =	stream.indirect_vreg.gather [hbm4b:s7+s0], $0x80, v2, vm0, $0xb8;
	[tilespmem:$0x10100] =	vst v63  }
0x4dd: {  	_ = 	snop  }
0x4de: {  	[tilespmem:s1], [sflag:$0x4] =	stream.indirect_vreg.gather [hbm4b:s8+s0], $0x80, v2, vm0, $0xb8;
	[tilespmem:$0x10100] =	vst v63  }
0x4df: {  	_ = 	snop  }
0x4e0: {  	[tilespmem:s23], [sflag:$0x4] =	stream.indirect_vreg.gather [hbm4b:s9+s0], $0x80, v2, vm0, $0xb8;
	[tilespmem:$0x10100] =	vst v63  }
0x4e1: {  	_ = 	snop  }
0x4e2: {  	[tilespmem:s4], [sflag:$0x4] =	stream.indirect_vreg.gather [hbm4b:s10+s0], $0x80, v2, vm0, $0xb8;
	[tilespmem:$0x10100] =	vst v63  }
0x4e3: {  	_ = 	snop  }
0x4e4: {  	[tilespmem:s5], [sflag:$0x4] =	stream.indirect_vreg.gather [hbm4b:s13+s0], $0x80, v2, vm0, $0xb8;
	[tilespmem:$0x10100] =	vst v63  }
0x4e5: {  	_ =	swait.ge [sflag:s14], $0x4000  }
0x4e6: {  	[sflag:s14] =	ssyncset.done $0x0  }
0x4e7: {  	[sflag:s14] =	ssyncadd.s32 $0xFFFFC000  }
0x4e8: {  	_ =	swait.ge [sflag:s15], $0x4000  }
0x4e9: {  	s11 =	sand.u32 $0x70, s0;
	s25 =	sand.u32 $0x3C00, s0;
	[sflag:s15] =	ssyncset.done $0x0  }
0x4ea: {  	s28 =	sor.u32 s11, s25;
	[sflag:s15] =	ssyncadd.s32 $0xFFFFC000  }
0x4eb: {  	v2 =	vld [tilespmem:s28+$0x8100]  }
0x4ec: {  	v3 =	vld [tilespmem:s28+$0x100];
	_ =	sdelay $0x3  }
0x4ed: {  	s29 =	simm.s32 $0x80;
	s26 =	simm.s32 $0x10  }
0x4ee: {  	s26 =	sand.u32 $0x70, s26;
	s0 =	sand.u32 $0x3C00, s29;
	v2 =	vadd.f32 v2, v3  }
0x4ef: {  	s30 =	simm.s32 $0x20;
	s31 =	sor.u32 s26, s0  }
.LBB2_98:
0x4f0: {  	p0 =	sne.s32 s30, $0x7F0;
	v3 =	vld [tilespmem:s31+$0x8100];
	[tilespmem:s28+$0x100] =	vst v2;
	s28 =	smov.u32 s31  }
0x4f1: {  	v2 =	vld [tilespmem:s28+$0x100];
	_ =	sdelay $0x1  }
.Ltmp48:
0x4f2: {  	(pc) =	sbr.rel @p0 .LBB2_98-.Ltmp48, $4  }
0x4f3: {  	_ = 	snop  }
0x4f4: {  	s29 =	sadd.s32 $0x80, s29  }
0x4f5: {  	s0 =	sand.u32 $0x70, s30;
	s31 =	sand.u32 $0x3C00, s29;
	v2 =	vadd.f32 v3, v2  }
0x4f6: {  	s30 =	sadd.s32 $0x10, s30;
	s31 =	sor.u32 s0, s31  }
0x4f7: {  	v3 =	vld [tilespmem:s31+$0x8100];
	[tilespmem:s28+$0x100] =	vst v2  }
0x4f8: {  	v2 =	vld [tilespmem:s31+$0x100];
	_ =	sdelay $0x4  }
0x4f9: {  	v2 =	vadd.f32 v3, v2;
	_ =	sdelay $0x1  }
0x4fa: {  	s11 =	sor.u32 s25, s11;
	[tilespmem:s31+$0x100] =	vst v2  }
0x4fb: {  	v2 =	vld [tilespmem:s11+$0x8180]  }
0x4fc: {  	v3 =	vld [tilespmem:s11+$0x180];
	_ =	sdelay $0x3  }
0x4fd: {  	s25 =	simm.s32 $0x80  }
0x4fe: {  	s0 =	sand.u32 $0x3C00, s25;
	v2 =	vadd.f32 v2, v3  }
0x4ff: {  	s28 =	sor.u32 s0, s26;
	s26 =	simm.s32 $0x20  }
.LBB2_100:
0x500: {  	p0 =	sne.s32 s26, $0x7F0;
	v3 =	vld [tilespmem:s28+$0x8180];
	[tilespmem:s11+$0x180] =	vst v2;
	s11 =	smov.u32 s28  }
0x501: {  	v2 =	vld [tilespmem:s11+$0x180];
	_ =	sdelay $0x1  }
.Ltmp49:
0x502: {  	(pc) =	sbr.rel @p0 .LBB2_100-.Ltmp49, $4  }
0x503: {  	_ = 	snop  }
0x504: {  	s25 =	sadd.s32 $0x80, s25  }
0x505: {  	s0 =	sand.u32 $0x70, s26;
	s28 =	sand.u32 $0x3C00, s25;
	v2 =	vadd.f32 v3, v2  }
0x506: {  	s26 =	sadd.s32 $0x10, s26;
	s28 =	sor.u32 s28, s0  }
0x507: {  	v3 =	vld [tilespmem:s28+$0x8180];
	[tilespmem:s11+$0x180] =	vst v2  }
0x508: {  	v2 =	vld [tilespmem:s28+$0x180];
	_ =	sdelay $0x4  }
0x509: {  	s0 =	simm.s32 $0x0;
	v2 =	vadd.f32 v3, v2  }
0x50a: {  	s31 =	sand.u32 $0x70, s0;
	s0 =	sand.u32 $0x3C00, s0  }
0x50b: {  	s11 =	sor.u32 s0, s31;
	[tilespmem:s28+$0x180] =	vst v2  }
0x50c: {  	v2 =	vld [tilespmem:s11+$0x8200]  }
0x50d: {  	v3 =	vld [tilespmem:s11+$0x200];
	_ =	sdelay $0x3  }
0x50e: {  	s25 =	simm.s32 $0x10;
	s26 =	simm.s32 $0x80  }
0x50f: {  	s25 =	sand.u32 $0x70, s25;
	s31 =	sand.u32 $0x3C00, s26;
	v2 =	vadd.f32 v2, v3  }
0x510: {  	s29 =	simm.s32 $0x20;
	s30 =	sor.u32 s31, s25;
	s28 =	smov.u32 s11  }
.LBB2_102:
0x511: {  	p0 =	sne.s32 s29, $0x7F0;
	v3 =	vld [tilespmem:s30+$0x8200];
	[tilespmem:s28+$0x200] =	vst v2;
	s28 =	smov.u32 s30  }
0x512: {  	v2 =	vld [tilespmem:s28+$0x200];
	_ =	sdelay $0x1  }
.Ltmp50:
0x513: {  	(pc) =	sbr.rel @p0 .LBB2_102-.Ltmp50, $4  }
0x514: {  	_ = 	snop  }
0x515: {  	s26 =	sadd.s32 $0x80, s26  }
0x516: {  	s0 =	sand.u32 $0x70, s29;
	s30 =	sand.u32 $0x3C00, s26;
	v2 =	vadd.f32 v3, v2  }
0x517: {  	s29 =	sadd.s32 $0x10, s29;
	s30 =	sor.u32 s30, s0  }
0x518: {  	v3 =	vld [tilespmem:s30+$0x8200];
	[tilespmem:s28+$0x200] =	vst v2  }
0x519: {  	v2 =	vld [tilespmem:s30+$0x200];
	_ =	sdelay $0x4  }
0x51a: {  	v2 =	vadd.f32 v3, v2;
	_ =	sdelay $0x1  }
0x51b: {  	[tilespmem:s30+$0x200] =	vst v2  }
0x51c: {  	v2 =	vld [tilespmem:s11+$0x8280]  }
0x51d: {  	v3 =	vld [tilespmem:s11+$0x280];
	_ =	sdelay $0x3  }
0x51e: {  	s26 =	simm.s32 $0x80  }
0x51f: {  	s0 =	sand.u32 $0x3C00, s26;
	v2 =	vadd.f32 v2, v3  }
0x520: {  	s28 =	sor.u32 s0, s25;
	s25 =	simm.s32 $0x20  }
.LBB2_104:
0x521: {  	p0 =	sne.s32 s25, $0x7F0;
	v3 =	vld [tilespmem:s28+$0x8280];
	[tilespmem:s11+$0x280] =	vst v2;
	s11 =	smov.u32 s28  }
0x522: {  	v2 =	vld [tilespmem:s11+$0x280];
	_ =	sdelay $0x1  }
.Ltmp51:
0x523: {  	(pc) =	sbr.rel @p0 .LBB2_104-.Ltmp51, $4  }
0x524: {  	_ = 	snop  }
0x525: {  	s26 =	sadd.s32 $0x80, s26  }
0x526: {  	s0 =	sand.u32 $0x70, s25;
	s28 =	sand.u32 $0x3C00, s26;
	v2 =	vadd.f32 v3, v2  }
0x527: {  	s25 =	sadd.s32 $0x10, s25;
	s28 =	sor.u32 s28, s0  }
0x528: {  	v3 =	vld [tilespmem:s28+$0x8280];
	[tilespmem:s11+$0x280] =	vst v2  }
0x529: {  	v2 =	vld [tilespmem:s28+$0x280];
	_ =	sdelay $0x4  }
0x52a: {  	s0 =	simm.s32 $0x0;
	v2 =	vadd.f32 v3, v2  }
0x52b: {  	s31 =	sand.u32 $0x70, s0;
	s0 =	sand.u32 $0x3C00, s0  }
0x52c: {  	s11 =	sor.u32 s0, s31;
	[tilespmem:s28+$0x280] =	vst v2  }
0x52d: {  	v2 =	vld [tilespmem:s11+$0x8300]  }
0x52e: {  	v3 =	vld [tilespmem:s11+$0x300];
	_ =	sdelay $0x3  }
0x52f: {  	s25 =	simm.s32 $0x10;
	s26 =	simm.s32 $0x80  }
0x530: {  	s25 =	sand.u32 $0x70, s25;
	s31 =	sand.u32 $0x3C00, s26;
	v2 =	vadd.f32 v2, v3  }
0x531: {  	s29 =	simm.s32 $0x20;
	s30 =	sor.u32 s31, s25;
	s28 =	smov.u32 s11  }
.LBB2_106:
0x532: {  	p0 =	sne.s32 s29, $0x7F0;
	v3 =	vld [tilespmem:s30+$0x8300];
	[tilespmem:s28+$0x300] =	vst v2;
	s28 =	smov.u32 s30  }
0x533: {  	v2 =	vld [tilespmem:s28+$0x300];
	_ =	sdelay $0x1  }
.Ltmp52:
0x534: {  	(pc) =	sbr.rel @p0 .LBB2_106-.Ltmp52, $4  }
0x535: {  	_ = 	snop  }
0x536: {  	s26 =	sadd.s32 $0x80, s26  }
0x537: {  	s0 =	sand.u32 $0x70, s29;
	s30 =	sand.u32 $0x3C00, s26;
	v2 =	vadd.f32 v3, v2  }
0x538: {  	s29 =	sadd.s32 $0x10, s29;
	s30 =	sor.u32 s30, s0  }
0x539: {  	v3 =	vld [tilespmem:s30+$0x8300];
	[tilespmem:s28+$0x300] =	vst v2  }
0x53a: {  	v2 =	vld [tilespmem:s30+$0x300];
	_ =	sdelay $0x4  }
0x53b: {  	v2 =	vadd.f32 v3, v2;
	_ =	sdelay $0x1  }
0x53c: {  	[tilespmem:s30+$0x300] =	vst v2  }
0x53d: {  	v2 =	vld [tilespmem:s11+$0x8380]  }
0x53e: {  	v3 =	vld [tilespmem:s11+$0x380];
	_ =	sdelay $0x3  }
0x53f: {  	s26 =	simm.s32 $0x80  }
0x540: {  	s0 =	sand.u32 $0x3C00, s26;
	v2 =	vadd.f32 v2, v3  }
0x541: {  	s28 =	sor.u32 s0, s25;
	s25 =	simm.s32 $0x20  }
.LBB2_108:
0x542: {  	p0 =	sne.s32 s25, $0x7F0;
	v3 =	vld [tilespmem:s28+$0x8380];
	[tilespmem:s11+$0x380] =	vst v2;
	s11 =	smov.u32 s28  }
0x543: {  	v2 =	vld [tilespmem:s11+$0x380];
	_ =	sdelay $0x1  }
.Ltmp53:
0x544: {  	(pc) =	sbr.rel @p0 .LBB2_108-.Ltmp53, $4  }
0x545: {  	_ = 	snop  }
0x546: {  	s26 =	sadd.s32 $0x80, s26  }
0x547: {  	s0 =	sand.u32 $0x70, s25;
	s28 =	sand.u32 $0x3C00, s26;
	v2 =	vadd.f32 v3, v2  }
0x548: {  	s25 =	sadd.s32 $0x10, s25;
	s28 =	sor.u32 s28, s0  }
0x549: {  	v3 =	vld [tilespmem:s28+$0x8380];
	[tilespmem:s11+$0x380] =	vst v2  }
0x54a: {  	v2 =	vld [tilespmem:s28+$0x380];
	_ =	sdelay $0x4  }
0x54b: {  	s11 =	simm.s32 $0x0;
	v2 =	vadd.f32 v3, v2  }
0x54c: {  	s0 =	sand.u32 $0x70, s11;
	s25 =	sand.u32 $0x3C00, s11  }
0x54d: {  	s25 =	sor.u32 s25, s0;
	[tilespmem:s28+$0x380] =	vst v2  }
0x54e: {  	v2 =	vld [tilespmem:s25+$0x8400]  }
0x54f: {  	v3 =	vld [tilespmem:s25+$0x400];
	_ =	sdelay $0x3  }
0x550: {  	s31 =	simm.s32 $0x10;
	s26 =	simm.s32 $0x80  }
0x551: {  	s0 =	sand.u32 $0x70, s31;
	s28 =	sand.u32 $0x3C00, s26;
	v2 =	vadd.f32 v2, v3  }
0x552: {  	s29 =	sor.u32 s28, s0;
	s28 =	simm.s32 $0x20  }
.LBB2_110:
0x553: {  	p0 =	sne.s32 s28, $0x7F0;
	v3 =	vld [tilespmem:s29+$0x8400];
	[tilespmem:s25+$0x400] =	vst v2;
	s25 =	smov.u32 s29  }
0x554: {  	v2 =	vld [tilespmem:s25+$0x400];
	_ =	sdelay $0x1  }
.Ltmp54:
0x555: {  	(pc) =	sbr.rel @p0 .LBB2_110-.Ltmp54, $4  }
0x556: {  	_ = 	snop  }
0x557: {  	s26 =	sadd.s32 $0x80, s26  }
0x558: {  	s0 =	sand.u32 $0x70, s28;
	s29 =	sand.u32 $0x3C00, s26;
	v2 =	vadd.f32 v3, v2  }
0x559: {  	s28 =	sadd.s32 $0x10, s28;
	s29 =	sor.u32 s29, s0  }
0x55a: {  	v3 =	vld [tilespmem:s29+$0x8400];
	[tilespmem:s25+$0x400] =	vst v2  }
0x55b: {  	v2 =	vld [tilespmem:s29+$0x400];
	_ =	sdelay $0x3  }
0x55c: {  	s0 =	sand.u32 $0x7, s11  }
0x55d: {  	s0 =	sshll.u32 s0, $0x4;
	v2 =	vadd.f32 v3, v2  }
0x55e: {  	s0 =	sadd.s32 $0x0, s0  }
0x55f: {  	s11 =	sor.u32 $0x380, s0;
	[tilespmem:s29+$0x400] =	vst v2  }
0x560: {  	v2 =	vld [tilespmem:s11+$0x8100]  }
0x561: {  	v3 =	vld [tilespmem:s11+$0x100];
	_ =	sdelay $0x1  }
0x562: {  	s25 =	simm.s32 $0x1  }
0x563: {  	s31 =	sand.u32 $0x7, s25  }
0x564: {  	s28 =	simm.s32 $0x20;
	s26 =	simm.s32 $0x80;
	s29 =	sshll.u32 s31, $0x4  }
.LBB2_112:
0x565: {  	p0 =	sne.s32 s28, $0x7F0;
	s0 =	sadd.s32 s29, s26;
	v3 =	vadd.f32 v2, v3  }
0x566: {  	s0 =	sor.u32 $0x380, s0  }
0x567: {  	v2 =	vld [tilespmem:s0+$0x8100];
	[tilespmem:s11+$0x100] =	vst v3;
	s11 =	smov.u32 s0  }
.Ltmp55:
0x568: {  	v3 =	vld [tilespmem:s11+$0x100];
	(pc) =	sbr.rel @p0 .LBB2_112-.Ltmp55, $4  }
0x569: {  	_ = 	snop  }
0x56a: {  	s25 =	sadd.s32 $0x1, s25  }
0x56b: {  	s0 =	sand.u32 $0x7, s25  }
0x56c: {  	s28 =	sadd.s32 $0x10, s28;
	s26 =	sadd.s32 $0x80, s26;
	s29 =	sshll.u32 s0, $0x4  }
0x56d: {  	s0 =	sadd.s32 s29, s26;
	v2 =	vadd.f32 v2, v3  }
0x56e: {  	s0 =	sor.u32 $0x380, s0  }
0x56f: {  	v3 =	vld [tilespmem:s0+$0x8100];
	[tilespmem:s11+$0x100] =	vst v2  }
0x570: {  	v2 =	vld [tilespmem:s0+$0x100];
	_ =	sdelay $0x4  }
0x571: {  	v2 =	vadd.f32 v3, v2;
	_ =	sdelay $0x1  }
0x572: {  	s26 =	simm.s32 $0x0;
	s25 =	rddreg [dreg:$0xb];
	[tilespmem:s0+$0x100] =	vst v2  }
0x573: {  	[hbm4b:s25+s26] =	stream.linear.scatter [tilespmem:s24], [sflag:$0x5], $0x4000, $0x38;
	[tilespmem:$0x10100] =	vst v63  }
0x574: {  	_ =	swait.ge [sflag:s17], $0x4000  }
0x575: {  	[sflag:s17] =	ssyncset.done $0x0  }
0x576: {  	[sflag:s17] =	ssyncadd.s32 $0xFFFFC000  }
0x577: {  	_ =	swait.ge [sflag:s19], $0x4000  }
0x578: {  	s11 =	sand.u32 $0x70, s26;
	s25 =	sand.u32 $0x3C00, s26;
	[sflag:s19] =	ssyncset.done $0x0  }
0x579: {  	s28 =	sor.u32 s11, s25;
	[sflag:s19] =	ssyncadd.s32 $0xFFFFC000  }
0x57a: {  	v2 =	vld [tilespmem:s28+$0xC100]  }
0x57b: {  	v3 =	vld [tilespmem:s28+$0x4100];
	_ =	sdelay $0x3  }
0x57c: {  	s29 =	simm.s32 $0x80;
	s26 =	simm.s32 $0x10  }
0x57d: {  	s0 =	sand.u32 $0x3C00, s29;
	s26 =	sand.u32 $0x70, s26;
	v2 =	vadd.f32 v2, v3  }
0x57e: {  	s30 =	simm.s32 $0x20;
	s31 =	sor.u32 s26, s0  }
.LBB2_114:
0x57f: {  	p0 =	sne.s32 s30, $0x7F0;
	v3 =	vld [tilespmem:s31+$0xC100];
	[tilespmem:s28+$0x4100] =	vst v2;
	s28 =	smov.u32 s31  }
0x580: {  	v2 =	vld [tilespmem:s28+$0x4100];
	_ =	sdelay $0x1  }
.Ltmp56:
0x581: {  	(pc) =	sbr.rel @p0 .LBB2_114-.Ltmp56, $4  }
0x582: {  	_ = 	snop  }
0x583: {  	s29 =	sadd.s32 $0x80, s29  }
0x584: {  	s0 =	sand.u32 $0x70, s30;
	s31 =	sand.u32 $0x3C00, s29;
	v2 =	vadd.f32 v3, v2  }
0x585: {  	s30 =	sadd.s32 $0x10, s30;
	s31 =	sor.u32 s0, s31  }
0x586: {  	v3 =	vld [tilespmem:s31+$0xC100];
	[tilespmem:s28+$0x4100] =	vst v2  }
0x587: {  	v2 =	vld [tilespmem:s31+$0x4100];
	_ =	sdelay $0x4  }
0x588: {  	v2 =	vadd.f32 v3, v2;
	_ =	sdelay $0x1  }
0x589: {  	s11 =	sor.u32 s25, s11;
	[tilespmem:s31+$0x4100] =	vst v2  }
0x58a: {  	v2 =	vld [tilespmem:s11+$0xC180]  }
0x58b: {  	v3 =	vld [tilespmem:s11+$0x4180];
	_ =	sdelay $0x3  }
0x58c: {  	s25 =	simm.s32 $0x80  }
0x58d: {  	s0 =	sand.u32 $0x3C00, s25;
	v2 =	vadd.f32 v2, v3  }
0x58e: {  	s28 =	sor.u32 s0, s26;
	s26 =	simm.s32 $0x20  }
.LBB2_116:
0x58f: {  	p0 =	sne.s32 s26, $0x7F0;
	v3 =	vld [tilespmem:s28+$0xC180];
	[tilespmem:s11+$0x4180] =	vst v2;
	s11 =	smov.u32 s28  }
0x590: {  	v2 =	vld [tilespmem:s11+$0x4180];
	_ =	sdelay $0x1  }
.Ltmp57:
0x591: {  	(pc) =	sbr.rel @p0 .LBB2_116-.Ltmp57, $4  }
0x592: {  	_ = 	snop  }
0x593: {  	s25 =	sadd.s32 $0x80, s25  }
0x594: {  	s0 =	sand.u32 $0x70, s26;
	s28 =	sand.u32 $0x3C00, s25;
	v2 =	vadd.f32 v3, v2  }
0x595: {  	s26 =	sadd.s32 $0x10, s26;
	s28 =	sor.u32 s28, s0  }
0x596: {  	v3 =	vld [tilespmem:s28+$0xC180];
	[tilespmem:s11+$0x4180] =	vst v2  }
0x597: {  	v2 =	vld [tilespmem:s28+$0x4180];
	_ =	sdelay $0x4  }
0x598: {  	s0 =	simm.s32 $0x0;
	v2 =	vadd.f32 v3, v2  }
0x599: {  	s31 =	sand.u32 $0x70, s0;
	s0 =	sand.u32 $0x3C00, s0  }
0x59a: {  	s11 =	sor.u32 s0, s31;
	[tilespmem:s28+$0x4180] =	vst v2  }
0x59b: {  	v2 =	vld [tilespmem:s11+$0xC200]  }
0x59c: {  	v3 =	vld [tilespmem:s11+$0x4200];
	_ =	sdelay $0x3  }
0x59d: {  	s25 =	simm.s32 $0x10;
	s26 =	simm.s32 $0x80  }
0x59e: {  	s25 =	sand.u32 $0x70, s25;
	s31 =	sand.u32 $0x3C00, s26;
	v2 =	vadd.f32 v2, v3  }
0x59f: {  	s29 =	simm.s32 $0x20;
	s30 =	sor.u32 s31, s25;
	s28 =	smov.u32 s11  }
.LBB2_118:
0x5a0: {  	p0 =	sne.s32 s29, $0x7F0;
	v3 =	vld [tilespmem:s30+$0xC200];
	[tilespmem:s28+$0x4200] =	vst v2;
	s28 =	smov.u32 s30  }
0x5a1: {  	v2 =	vld [tilespmem:s28+$0x4200];
	_ =	sdelay $0x1  }
.Ltmp58:
0x5a2: {  	(pc) =	sbr.rel @p0 .LBB2_118-.Ltmp58, $4  }
0x5a3: {  	_ = 	snop  }
0x5a4: {  	s26 =	sadd.s32 $0x80, s26  }
0x5a5: {  	s0 =	sand.u32 $0x70, s29;
	s30 =	sand.u32 $0x3C00, s26;
	v2 =	vadd.f32 v3, v2  }
0x5a6: {  	s29 =	sadd.s32 $0x10, s29;
	s30 =	sor.u32 s30, s0  }
0x5a7: {  	v3 =	vld [tilespmem:s30+$0xC200];
	[tilespmem:s28+$0x4200] =	vst v2  }
0x5a8: {  	v2 =	vld [tilespmem:s30+$0x4200];
	_ =	sdelay $0x4  }
0x5a9: {  	v2 =	vadd.f32 v3, v2;
	_ =	sdelay $0x1  }
0x5aa: {  	[tilespmem:s30+$0x4200] =	vst v2  }
0x5ab: {  	v2 =	vld [tilespmem:s11+$0xC280]  }
0x5ac: {  	v3 =	vld [tilespmem:s11+$0x4280];
	_ =	sdelay $0x3  }
0x5ad: {  	s26 =	simm.s32 $0x80  }
0x5ae: {  	s0 =	sand.u32 $0x3C00, s26;
	v2 =	vadd.f32 v2, v3  }
0x5af: {  	s28 =	sor.u32 s0, s25;
	s25 =	simm.s32 $0x20  }
.LBB2_120:
0x5b0: {  	p0 =	sne.s32 s25, $0x7F0;
	v3 =	vld [tilespmem:s28+$0xC280];
	[tilespmem:s11+$0x4280] =	vst v2;
	s11 =	smov.u32 s28  }
0x5b1: {  	v2 =	vld [tilespmem:s11+$0x4280];
	_ =	sdelay $0x1  }
.Ltmp59:
0x5b2: {  	(pc) =	sbr.rel @p0 .LBB2_120-.Ltmp59, $4  }
0x5b3: {  	_ = 	snop  }
0x5b4: {  	s26 =	sadd.s32 $0x80, s26  }
0x5b5: {  	s0 =	sand.u32 $0x70, s25;
	s28 =	sand.u32 $0x3C00, s26;
	v2 =	vadd.f32 v3, v2  }
0x5b6: {  	s25 =	sadd.s32 $0x10, s25;
	s28 =	sor.u32 s28, s0  }
0x5b7: {  	v3 =	vld [tilespmem:s28+$0xC280];
	[tilespmem:s11+$0x4280] =	vst v2  }
0x5b8: {  	v2 =	vld [tilespmem:s28+$0x4280];
	_ =	sdelay $0x4  }
0x5b9: {  	s0 =	simm.s32 $0x0;
	v2 =	vadd.f32 v3, v2  }
0x5ba: {  	s31 =	sand.u32 $0x70, s0;
	s0 =	sand.u32 $0x3C00, s0  }
0x5bb: {  	s11 =	sor.u32 s0, s31;
	[tilespmem:s28+$0x4280] =	vst v2  }
0x5bc: {  	v2 =	vld [tilespmem:s11+$0xC300]  }
0x5bd: {  	v3 =	vld [tilespmem:s11+$0x4300];
	_ =	sdelay $0x3  }
0x5be: {  	s25 =	simm.s32 $0x10;
	s26 =	simm.s32 $0x80  }
0x5bf: {  	s25 =	sand.u32 $0x70, s25;
	s31 =	sand.u32 $0x3C00, s26;
	v2 =	vadd.f32 v2, v3  }
0x5c0: {  	s29 =	simm.s32 $0x20;
	s30 =	sor.u32 s31, s25;
	s28 =	smov.u32 s11  }
.LBB2_122:
0x5c1: {  	p0 =	sne.s32 s29, $0x7F0;
	v3 =	vld [tilespmem:s30+$0xC300];
	[tilespmem:s28+$0x4300] =	vst v2;
	s28 =	smov.u32 s30  }
0x5c2: {  	v2 =	vld [tilespmem:s28+$0x4300];
	_ =	sdelay $0x1  }
.Ltmp60:
0x5c3: {  	(pc) =	sbr.rel @p0 .LBB2_122-.Ltmp60, $4  }
0x5c4: {  	_ = 	snop  }
0x5c5: {  	s26 =	sadd.s32 $0x80, s26  }
0x5c6: {  	s0 =	sand.u32 $0x70, s29;
	s30 =	sand.u32 $0x3C00, s26;
	v2 =	vadd.f32 v3, v2  }
0x5c7: {  	s29 =	sadd.s32 $0x10, s29;
	s30 =	sor.u32 s30, s0  }
0x5c8: {  	v3 =	vld [tilespmem:s30+$0xC300];
	[tilespmem:s28+$0x4300] =	vst v2  }
0x5c9: {  	v2 =	vld [tilespmem:s30+$0x4300];
	_ =	sdelay $0x4  }
0x5ca: {  	v2 =	vadd.f32 v3, v2;
	_ =	sdelay $0x1  }
0x5cb: {  	[tilespmem:s30+$0x4300] =	vst v2  }
0x5cc: {  	v2 =	vld [tilespmem:s11+$0xC380]  }
0x5cd: {  	v3 =	vld [tilespmem:s11+$0x4380];
	_ =	sdelay $0x3  }
0x5ce: {  	s26 =	simm.s32 $0x80  }
0x5cf: {  	s0 =	sand.u32 $0x3C00, s26;
	v2 =	vadd.f32 v2, v3  }
0x5d0: {  	s28 =	sor.u32 s0, s25;
	s25 =	simm.s32 $0x20  }
.LBB2_124:
0x5d1: {  	p0 =	sne.s32 s25, $0x7F0;
	v3 =	vld [tilespmem:s28+$0xC380];
	[tilespmem:s11+$0x4380] =	vst v2;
	s11 =	smov.u32 s28  }
0x5d2: {  	v2 =	vld [tilespmem:s11+$0x4380];
	_ =	sdelay $0x1  }
.Ltmp61:
0x5d3: {  	(pc) =	sbr.rel @p0 .LBB2_124-.Ltmp61, $4  }
0x5d4: {  	_ = 	snop  }
0x5d5: {  	s26 =	sadd.s32 $0x80, s26  }
0x5d6: {  	s0 =	sand.u32 $0x70, s25;
	s28 =	sand.u32 $0x3C00, s26;
	v2 =	vadd.f32 v3, v2  }
0x5d7: {  	s25 =	sadd.s32 $0x10, s25;
	s28 =	sor.u32 s28, s0  }
0x5d8: {  	v3 =	vld [tilespmem:s28+$0xC380];
	[tilespmem:s11+$0x4380] =	vst v2  }
0x5d9: {  	v2 =	vld [tilespmem:s28+$0x4380];
	_ =	sdelay $0x4  }
0x5da: {  	s11 =	simm.s32 $0x0;
	v2 =	vadd.f32 v3, v2  }
0x5db: {  	s0 =	sand.u32 $0x70, s11;
	s25 =	sand.u32 $0x3C00, s11  }
0x5dc: {  	s25 =	sor.u32 s25, s0;
	[tilespmem:s28+$0x4380] =	vst v2  }
0x5dd: {  	v2 =	vld [tilespmem:s25+$0xC400]  }
0x5de: {  	v3 =	vld [tilespmem:s25+$0x4400];
	_ =	sdelay $0x3  }
0x5df: {  	s31 =	simm.s32 $0x10;
	s26 =	simm.s32 $0x80  }
0x5e0: {  	s0 =	sand.u32 $0x70, s31;
	s28 =	sand.u32 $0x3C00, s26;
	v2 =	vadd.f32 v2, v3  }
0x5e1: {  	s29 =	sor.u32 s28, s0;
	s28 =	simm.s32 $0x20  }
.LBB2_126:
0x5e2: {  	p0 =	sne.s32 s28, $0x7F0;
	v3 =	vld [tilespmem:s29+$0xC400];
	[tilespmem:s25+$0x4400] =	vst v2;
	s25 =	smov.u32 s29  }
0x5e3: {  	v2 =	vld [tilespmem:s25+$0x4400];
	_ =	sdelay $0x1  }
.Ltmp62:
0x5e4: {  	(pc) =	sbr.rel @p0 .LBB2_126-.Ltmp62, $4  }
0x5e5: {  	_ = 	snop  }
0x5e6: {  	s26 =	sadd.s32 $0x80, s26  }
0x5e7: {  	s0 =	sand.u32 $0x70, s28;
	s29 =	sand.u32 $0x3C00, s26;
	v2 =	vadd.f32 v3, v2  }
0x5e8: {  	s28 =	sadd.s32 $0x10, s28;
	s29 =	sor.u32 s29, s0  }
0x5e9: {  	v3 =	vld [tilespmem:s29+$0xC400];
	[tilespmem:s25+$0x4400] =	vst v2  }
0x5ea: {  	v2 =	vld [tilespmem:s29+$0x4400];
	_ =	sdelay $0x3  }
0x5eb: {  	s0 =	sand.u32 $0x7, s11  }
0x5ec: {  	s0 =	sshll.u32 s0, $0x4;
	v2 =	vadd.f32 v3, v2  }
0x5ed: {  	s0 =	sadd.s32 $0x0, s0  }
0x5ee: {  	s11 =	sor.u32 $0x380, s0;
	[tilespmem:s29+$0x4400] =	vst v2  }
0x5ef: {  	v2 =	vld [tilespmem:s11+$0xC100]  }
0x5f0: {  	v3 =	vld [tilespmem:s11+$0x4100];
	_ =	sdelay $0x1  }
0x5f1: {  	s25 =	simm.s32 $0x1  }
0x5f2: {  	s31 =	sand.u32 $0x7, s25  }
0x5f3: {  	s28 =	simm.s32 $0x20;
	s26 =	simm.s32 $0x80;
	s29 =	sshll.u32 s31, $0x4  }
.LBB2_128:
0x5f4: {  	p0 =	sne.s32 s28, $0x7F0;
	s0 =	sadd.s32 s29, s26;
	v3 =	vadd.f32 v2, v3  }
0x5f5: {  	s0 =	sor.u32 $0x380, s0  }
0x5f6: {  	v2 =	vld [tilespmem:s0+$0xC100];
	[tilespmem:s11+$0x4100] =	vst v3;
	s11 =	smov.u32 s0  }
.Ltmp63:
0x5f7: {  	v3 =	vld [tilespmem:s11+$0x4100];
	(pc) =	sbr.rel @p0 .LBB2_128-.Ltmp63, $4  }
0x5f8: {  	_ = 	snop  }
0x5f9: {  	s25 =	sadd.s32 $0x1, s25  }
0x5fa: {  	s0 =	sand.u32 $0x7, s25  }
0x5fb: {  	s28 =	sadd.s32 $0x10, s28;
	s26 =	sadd.s32 $0x80, s26;
	s29 =	sshll.u32 s0, $0x4  }
0x5fc: {  	s0 =	sadd.s32 s29, s26;
	v2 =	vadd.f32 v2, v3  }
0x5fd: {  	s0 =	sor.u32 $0x380, s0  }
0x5fe: {  	v3 =	vld [tilespmem:s0+$0xC100];
	[tilespmem:s11+$0x4100] =	vst v2  }
0x5ff: {  	v2 =	vld [tilespmem:s0+$0x4100];
	_ =	sdelay $0x4  }
0x600: {  	v2 =	vadd.f32 v3, v2;
	_ =	sdelay $0x1  }
0x601: {  	s30 =	rddreg [dreg:$0xc];
	[tilespmem:s0+$0x4100] =	vst v2  }
0x602: {  	[hbm4b:s30+s2] =	stream.linear.scatter [tilespmem:s18], [sflag:$0x6], $0x4000, $0x38;
	[tilespmem:$0x10100] =	vst v63  }
0x603: {  	_ =	swait.ge [sflag:s16], $0x4000  }
0x604: {  	[sflag:s16] =	ssyncset.done $0x0  }
0x605: {  	[sflag:s16] =	ssyncadd.s32 $0xFFFFC000  }
0x606: {  	_ =	swait.ge [sflag:s20], $0x4000  }
0x607: {  	s21 =	sadd.s32 $0x1, s21;
	s31 =	rddreg [dreg:$0xd]  }
0x608: {  	p0 =	sne.s32 s21, s31  }
.Ltmp64:
0x609: {  	_ = 	snop;
	(pc) =	sbr.rel @p0 .LBB2_1-.Ltmp64, $3  }
0x60a: {  	_ =	sdelay $0x1  }
0x60b: {  	[sflag:s20] =	ssyncset.done $0x0  }
0x60c: {  	[sflag:s20] =	ssyncadd.s32 $0xFFFFC000  }
0x60d: {  	_ =	sfence.sel $0x180000  }
0x60e: {  	[bflag:$0x0] =	sbarrier.arrive $0xFFFF  }
0x60f: {  	_ =	strace $0x9000004A  }
0x610: {  	s0 =	stileid.u32;
	[bflag:$0x2] =	sbarrier.arrive $0xFFFF  }
0x611: {  	p0 =	sne.s32 s0, $0x0;
	s0 =	rddreg [dreg:$0x2]  }
0x612: {  	s0 =	sadd.s32 @!p0 $0x100000, s0  }
0x613: {  	[sflag:s0] =	ssyncadd.tile.s32 @!p0 $0x1;
	_ =	shalt  }
.Lfunc_end2:
_tile_overlayer_lowered:
.L_overlay_start_2:
0x614: {  	(tag) =	ssettag $0x2  }
0x615: {  	s0 =	rddreg [dreg:$0x0];
	s2 =	stileid.u32  }
0x616: {  	s1 =	rddreg [dreg:$0x1];
	p0 =	sne.s32 s2, $0x0  }
0x617: {  	s3 =	rddreg [dreg:$0x2];
	[bflag:$0x3] =	sbarrier.arrive $0xFFFF;
	s2 =	simm.s32 @!p0 $0x1C07  }
0x618: {  	[timem:s3], [sflag:s2] =	dma.local @!p0 [hbm:s0], s1  }
0x619: {  	s0 =	simm.s32 @!p0 $0x7  }
0x61a: {  	_ =	swait.ge @!p0 [sflag:s0], s1  }
0x61b: {  	s1 =	ssub.s32 @!p0 $0x0, s1;
	[sflag:s0] =	ssyncset.done @!p0 $0x0  }
0x61c: {  	[sflag:s0] =	ssyncadd.s32 @!p0 s1  }
0x61d: {  	[bflag:$0x3] =	sbarrier.arrive $0xFFFF  }
0x61e: {  	_ =	shalt  }

</sc_bundles>
